<compile_context>
chip_gen: v7x
topology: tpu7x:2x2x1
jax: 0.10.2.dev20260603
libtpu: 0.0.44.dev20260713+nightly
codegen_flags: <defaults>
</compile_context>

<pallas_src>
import functools

import jax
import jax.numpy as jnp
from jax import lax
from jax.experimental import pallas as pl
from jax.experimental.pallas import tpu as pltpu
from jax.experimental.pallas import tpu_sc as plsc

N = 10000
F = 128
E = 320000
K = 128

NC = 2
NS = 16
NW = NC * NS
EPW = E // NW
EB = 2000
NPAD = 10240
STRIPE = NPAD // NS
LANES = 16

_mesh = plsc.VectorSubcoreMesh(
    core_axis_name="c", subcore_axis_name="s", num_cores=NC, num_subcores=NS)


@functools.partial(
    pl.kernel,
    out_type=(
        jax.ShapeDtypeStruct((NC, NPAD), jnp.float32),
        jax.ShapeDtypeStruct((NC, NPAD), jnp.float32),
    ),
    mesh=_mesh,
    compiler_params=pltpu.CompilerParams(needs_layout_passes=False),
    scratch_types=[
        pltpu.VMEM((NPAD,), jnp.float32),
        pltpu.VMEM((NPAD,), jnp.float32),
        pltpu.VMEM((EB,), jnp.int32),
        pltpu.VMEM((EB,), jnp.float32),
        pltpu.VMEM((NS, STRIPE), jnp.float32),
        pltpu.VMEM((STRIPE,), jnp.float32),
        pltpu.VMEM_SHARED((NS, NPAD), jnp.float32),
        pltpu.VMEM_SHARED((NS, NPAD), jnp.float32),
    ],
)
def _deg_kernel(cols_hbm, ew_hbm, degw_hbm, degc_hbm,
                dw, dc, colb, ewb, redin, redout, sh_w, sh_c):
    cid = lax.axis_index("c")
    sid = lax.axis_index("s")
    wid = sid * NC + cid

    zeros16 = jnp.zeros((LANES,), jnp.float32)
    ones16 = jnp.ones((LANES,), jnp.float32)

    ZUN = 8

    def _init(i, _):
        for u in range(ZUN):
            dw[pl.ds((i * ZUN + u) * LANES, LANES)] = zeros16
            dc[pl.ds((i * ZUN + u) * LANES, LANES)] = zeros16
        return _
    lax.fori_loop(0, NPAD // (LANES * ZUN), _init, 0)

    base = wid * EPW
    UN = 5

    def _block(b, _):
        pltpu.sync_copy(cols_hbm.at[pl.ds(base + b * EB, EB)], colb)
        pltpu.sync_copy(ew_hbm.at[pl.ds(base + b * EB, EB)], ewb)

        def _vec(j, _):
            for u in range(UN):
                o = (j * UN + u) * LANES
                c16 = colb[pl.ds(o, LANES)]
                w16 = ewb[pl.ds(o, LANES)]
                plsc.addupdate_scatter(dw, [c16], w16)
                plsc.addupdate_scatter(dc, [c16], ones16)
            return _
        lax.fori_loop(0, EB // (LANES * UN), _vec, 0)
        return _
    lax.fori_loop(0, EPW // EB, _block, 0)

    pltpu.sync_copy(dw, sh_w.at[sid])
    pltpu.sync_copy(dc, sh_c.at[sid])
    plsc.subcore_barrier()

    off = sid * STRIPE
    for sh, out_hbm in ((sh_w, degw_hbm), (sh_c, degc_hbm)):
        pltpu.sync_copy(sh.at[:, pl.ds(off, STRIPE)], redin)

        def _red(i, _):
            acc = zeros16
            for t in range(NS):
                acc = acc + redin[t, pl.ds(i * LANES, LANES)]
            redout[pl.ds(i * LANES, LANES)] = acc
            return _
        lax.fori_loop(0, STRIPE // LANES, _red, 0)
        pltpu.sync_copy(redout, out_hbm.at[cid, pl.ds(off, STRIPE)])


def _degrees_sc(cols, ew):
    dw_parts, dc_parts = _deg_kernel(cols, ew)
    degw = dw_parts.sum(0)[:N]
    degc = dc_parts.sum(0)[:N]
    return degw, degc


def _make_agg(feats, weighted):
    FN = N * feats
    FNPAD = NPAD * feats
    scratch = [
        pltpu.VMEM((FN,), jnp.float32),
        pltpu.VMEM((FNPAD,), jnp.float32),
        pltpu.VMEM((EB,), jnp.int32),
        pltpu.VMEM((EB,), jnp.int32),
        pltpu.VMEM((EB,), jnp.float32),
    ]

    def body(rows_hbm, cols_hbm, ew_hbm, tab_hbm, out_hbm,
             tab, acc, rowb, colb, ewb):
        cid = lax.axis_index("c")
        sid = lax.axis_index("s")
        wid = sid * NC + cid

        zeros16 = jnp.zeros((LANES,), jnp.float32)
        ZUN = 8

        def _init(i, _):
            for u in range(ZUN):
                acc[pl.ds((i * ZUN + u) * LANES, LANES)] = zeros16
            return _
        lax.fori_loop(0, FNPAD // (LANES * ZUN), _init, 0)
        pltpu.sync_copy(tab_hbm, tab)

        base = wid * EPW
        UN = 5

        def _block(b, _):
            pltpu.sync_copy(rows_hbm.at[pl.ds(base + b * EB, EB)], rowb)
            pltpu.sync_copy(cols_hbm.at[pl.ds(base + b * EB, EB)], colb)
            if weighted:
                pltpu.sync_copy(ew_hbm.at[pl.ds(base + b * EB, EB)], ewb)

            def _vec(j, _):
                for u in range(UN):
                    o = (j * UN + u) * LANES
                    r16 = rowb[pl.ds(o, LANES)] * feats
                    c16 = colb[pl.ds(o, LANES)] * feats
                    if weighted:
                        w16 = ewb[pl.ds(o, LANES)]
                    for f in range(feats):
                        v = plsc.load_gather(tab, [r16 + f])
                        if weighted:
                            v = v * w16
                        plsc.addupdate_scatter(acc, [c16 + f], v)
                return _
            lax.fori_loop(0, EB // (LANES * UN), _vec, 0)
            return _
        lax.fori_loop(0, EPW // EB, _block, 0)

        def _drain(i, _):
            for u in range(ZUN):
                plsc.addupdate(acc.at[pl.ds((i * ZUN + u) * LANES, LANES)],
                               zeros16)
            return _
        lax.fori_loop(0, FNPAD // (LANES * ZUN), _drain, 0)

        pltpu.sync_copy(acc, out_hbm.at[wid])

    def body_unweighted(rows_hbm, cols_hbm, tab_hbm, out_hbm,
                        tab, acc, rowb, colb, ewb):
        return body(rows_hbm, cols_hbm, None, tab_hbm, out_hbm,
                    tab, acc, rowb, colb, ewb)

    return functools.partial(
        pl.kernel,
        out_type=jax.ShapeDtypeStruct((NW, FNPAD), jnp.float32),
        mesh=_mesh,
        compiler_params=pltpu.CompilerParams(needs_layout_passes=False),
        scratch_types=scratch,
    )(body if weighted else body_unweighted)


_agg4 = _make_agg(4, False)
_agg2 = _make_agg(2, False)

FPT = F // NW
EBL = 8000


@functools.partial(
    pl.kernel,
    out_type=jax.ShapeDtypeStruct((F * N,), jnp.float32),
    mesh=_mesh,
    compiler_params=pltpu.CompilerParams(needs_layout_passes=False),
    scratch_types=[
        pltpu.VMEM((FPT * N,), jnp.float32),
        pltpu.VMEM((FPT * N,), jnp.float32),
        pltpu.VMEM((EBL,), jnp.int32),
        pltpu.VMEM((EBL,), jnp.int32),
        pltpu.VMEM((EBL,), jnp.float32),
    ],
)
def _agg128(rows_hbm, cols_hbm, ew_hbm, tabT_hbm, out_hbm,
            tab, acc, rowb, colb, ewb):
    cid = lax.axis_index("c")
    sid = lax.axis_index("s")
    wid = sid * NC + cid

    zeros16 = jnp.zeros((LANES,), jnp.float32)
    ZUN = 8

    def _init(i, _):
        for u in range(ZUN):
            acc[pl.ds((i * ZUN + u) * LANES, LANES)] = zeros16
        return _
    NFULL = FPT * N // (LANES * ZUN)
    lax.fori_loop(0, NFULL, _init, 0)
    for o in range(NFULL * LANES * ZUN, FPT * N, LANES):
        acc[pl.ds(o, LANES)] = zeros16
    pltpu.sync_copy(tabT_hbm.at[pl.ds(wid * FPT * N, FPT * N)], tab)

    UN = 10

    def _block(b, _):
        pltpu.sync_copy(rows_hbm.at[pl.ds(b * EBL, EBL)], rowb)
        pltpu.sync_copy(cols_hbm.at[pl.ds(b * EBL, EBL)], colb)
        pltpu.sync_copy(ew_hbm.at[pl.ds(b * EBL, EBL)], ewb)

        def _vec(j, _):
            for u in range(UN):
                o = (j * UN + u) * LANES
                r16 = rowb[pl.ds(o, LANES)]
                c16 = colb[pl.ds(o, LANES)]
                w16 = ewb[pl.ds(o, LANES)]
                for f in range(FPT):
                    v = plsc.load_gather(tab, [r16 + f * N])
                    plsc.addupdate_scatter(acc, [c16 + f * N], v * w16)
            return _
        lax.fori_loop(0, EBL // (LANES * UN), _vec, 0)
        return _
    lax.fori_loop(0, E // EBL, _block, 0)

    pltpu.sync_copy(acc, out_hbm.at[pl.ds(wid * FPT * N, FPT * N)])


def _agg(fn, feats, row, col, tab, ew=None):
    args = (row, col) + ((ew,) if ew is not None else ()) + (tab.reshape(-1),)
    parts = fn(*args)
    return parts.sum(0)[:N * feats].reshape(N, feats)


def _gcn_agg(h, col, row, norm, num_nodes):
    return jnp.zeros((num_nodes, h.shape[1]), h.dtype).at[col].add(norm[:, None] * h[row])


def kernel(x, edge_index, edge_weight, p, W0, W_ih, W_hh, b_ih, b_hh, W1, b1, W2, b2, W3, b3, Wl, bl):
    num_nodes = x.shape[0]
    row = edge_index[0]
    col = edge_index[1]

    degw_e, degc_e = _degrees_sc(col, edge_weight)
    deg1 = degw_e + 2.0
    deg2 = degc_e + 1.0
    dinv1 = jax.lax.rsqrt(deg1)
    dinv2 = jax.lax.rsqrt(deg2)

    s = jnp.tanh((x @ p) / jnp.linalg.norm(p))
    vals, perm = jax.lax.top_k(s, K)
    X_t = x[perm] * vals[:, None]
    Gi = X_t @ W_ih.T + b_ih
    Gh = W0 @ W_hh.T + b_hh
    r = jax.nn.sigmoid(Gi[:, :F] + Gh[:, :F])
    z = jax.nn.sigmoid(Gi[:, F:2 * F] + Gh[:, F:2 * F])
    n = jnp.tanh(Gi[:, 2 * F:] + r * Gh[:, 2 * F:])
    Wnew = (1.0 - z) * n + z * W0

    d1 = dinv1[:, None]
    d2 = dinv2[:, None]

    hp = (x @ Wnew) * d1
    accT = _agg128(row, col, edge_weight, hp.T.reshape(-1))
    h1 = d1 * (accT.reshape(F, N).T + 2.0 * hp)

    g2 = h1 @ W1
    y2 = g2 * d2
    a2 = d2 * (_agg(_agg4, 4, row, col, y2) + y2)
    h2 = jnp.tanh(a2 + b1)

    y3 = (h2 @ W2) * d2
    a3 = d2 * (_agg(_agg4, 4, row, col, y3) + y3)
    h3 = jnp.tanh(a3 + b2)

    y4 = (h3 @ W3) * d2
    a4 = d2 * (_agg(_agg2, 2, row, col, y4) + y4)
    h4 = a4 + b3
    out = jnp.tanh(h4)
    pred = h4 @ Wl + bl
    return (pred, out)

# --- scband reference (transcript-rebuilt; emitter-appended) ---
"""Pipeline reference for scband-recurrent-gcn1-39427799777334 (READ-ONLY COPY).

The authoritative reference and input builder live on the scoring server;
editing this copy changes nothing except your own understanding.
"""

import jax, jax.numpy as jnp
import numpy as np

N = 10000
F = 128
E = 320000
K = 128  # TopKPooling ratio = node_features/node_count -> k = ceil(128/10000 * 10000) = 128


def setup_inputs(seed: int = 0):
    key = jax.random.key(seed)
    ks = jax.random.split(key, 12)
    sc = lambda fan_in: 1.0 / np.sqrt(fan_in)
    inp = {}
    inp["x"] = jax.random.normal(ks[0], (N, F), dtype=jnp.float32)
    inp["edge_index"] = jax.random.randint(ks[1], (2, E), 0, N, dtype=jnp.int32)
    inp["edge_weight"] = jax.random.uniform(ks[2], (E,), dtype=jnp.float32)
    # EvolveGCNH params: TopKPooling score vector p, initial GCN weight W0 (GRU hidden), GRU weights
    inp["p"] = jax.random.normal(ks[3], (F,), dtype=jnp.float32) * sc(F)
    inp["W0"] = jax.random.normal(ks[4], (F, F), dtype=jnp.float32) * sc(F)
    inp["W_ih"] = jax.random.normal(ks[5], (3 * F, F), dtype=jnp.float32) * sc(F)
    inp["W_hh"] = jax.random.normal(ks[6], (3 * F, F), dtype=jnp.float32) * sc(F)
    inp["b_ih"] = jnp.zeros((3 * F,), dtype=jnp.float32)
    inp["b_hh"] = jnp.zeros((3 * F,), dtype=jnp.float32)
    # GCNConv stack + final linear
    inp["W1"] = jax.random.normal(ks[7], (F, 4), dtype=jnp.float32) * sc(F)
    inp["b1"] = jnp.zeros((4,), dtype=jnp.float32)
    inp["W2"] = jax.random.normal(ks[8], (4, 4), dtype=jnp.float32) * sc(4)
    inp["b2"] = jnp.zeros((4,), dtype=jnp.float32)
    inp["W3"] = jax.random.normal(ks[9], (4, 2), dtype=jnp.float32) * sc(4)
    inp["b3"] = jnp.zeros((2,), dtype=jnp.float32)
    inp["Wl"] = jax.random.normal(ks[10], (2, 1), dtype=jnp.float32) * sc(2)
    inp["bl"] = jnp.zeros((1,), dtype=jnp.float32)
    return inp


def _gcn_norm(edge_index, edge_weight, num_nodes, improved):
    fill = 2.0 if improved else 1.0
    row = edge_index[0]
    col = edge_index[1]
    if edge_weight is None:
        edge_weight = jnp.ones((edge_index.shape[1],), dtype=jnp.float32)
    loop = jnp.arange(num_nodes, dtype=edge_index.dtype)
    row = jnp.concatenate([row, loop])
    col = jnp.concatenate([col, loop])
    ew = jnp.concatenate([edge_weight, jnp.full((num_nodes,), fill, dtype=jnp.float32)])
    deg = jnp.zeros((num_nodes,), jnp.float32).at[col].add(ew)
    dinv = jnp.where(deg > 0, 1.0 / jnp.sqrt(deg), 0.0)
    norm = dinv[row] * ew * dinv[col]
    return row, col, norm


def _gcn(x, W, b, edge_index, edge_weight, num_nodes, improved=False):
    row, col, norm = _gcn_norm(edge_index, edge_weight, num_nodes, improved)
    h = x @ W
    out = jnp.zeros((num_nodes, h.shape[1]), h.dtype).at[col].add(norm[:, None] * h[row])
    if b is not None:
        out = out + b
    return out


def _evolve(x, edge_index, edge_weight, p, W0, W_ih, W_hh, b_ih, b_hh):
    # TopKPooling: score = tanh((x @ p) / ||p||); keep top-K nodes, gate by score
    s = jnp.tanh((x @ p) / jnp.linalg.norm(p))
    vals, perm = jax.lax.top_k(s, K)
    X_t = x[perm] * vals[:, None]  # [K, F], K == F
    # single-step GRU: input X_t (batch=F), hidden W0 (rows of evolving weight)
    Gi = X_t @ W_ih.T + b_ih
    Gh = W0 @ W_hh.T + b_hh
    r = jax.nn.sigmoid(Gi[:, :F] + Gh[:, :F])
    z = jax.nn.sigmoid(Gi[:, F:2 * F] + Gh[:, F:2 * F])
    n = jnp.tanh(Gi[:, 2 * F:] + r * Gh[:, 2 * F:])
    Wnew = (1.0 - z) * n + z * W0
    # GCNConv_Fixed_W with evolved weight (improved normalization, no bias)
    return _gcn(x, Wnew, None, edge_index, edge_weight, x.shape[0], improved=True)


def reference(x, edge_index, edge_weight, p, W0, W_ih, W_hh, b_ih, b_hh, W1, b1, W2, b2, W3, b3, Wl, bl):
    num_nodes = x.shape[0]
    h = _evolve(x, edge_index, edge_weight, p, W0, W_ih, W_hh, b_ih, b_hh)
    h = jnp.tanh(_gcn(h, W1, b1, edge_index, None, num_nodes))
    h = jnp.tanh(_gcn(h, W2, b2, edge_index, None, num_nodes))
    # F.dropout(p=0.5) is identity in eval mode
    h3 = _gcn(h, W3, b3, edge_index, None, num_nodes)
    out = jnp.tanh(h3)
    pred = h3 @ Wl + bl
    return (pred, out)

if __name__ == "__main__":
    import jax
    _d = setup_inputs()
    print(jax.jit(kernel)(*tuple(_d.values())))

</pallas_src>

<mosaic_0001>
#map = affine_map<(d0, d1) -> (0)>
#map1 = affine_map<(d0, d1) -> (0, 0)>
module attributes {stable_mosaic.version = 14 : i64} {
  func.func @_deg_kernel(%arg0: i32, %arg1: i32, %arg2: memref<320000xi32, #tpu.memory_space<hbm>>, %arg3: memref<320000xf32, #tpu.memory_space<hbm>>, %arg4: memref<2x10240xf32, #tpu.memory_space<hbm>>, %arg5: memref<2x10240xf32, #tpu.memory_space<hbm>>, %arg6: memref<10240xf32, #tpu.memory_space<vmem>>, %arg7: memref<10240xf32, #tpu.memory_space<vmem>>, %arg8: memref<2000xi32, #tpu.memory_space<vmem>>, %arg9: memref<2000xf32, #tpu.memory_space<vmem>>, %arg10: memref<16x640xf32, #tpu.memory_space<vmem>>, %arg11: memref<640xf32, #tpu.memory_space<vmem>>, %arg12: memref<16x10240xf32, #tpu.memory_space<vmem_shared>>, %arg13: memref<16x10240xf32, #tpu.memory_space<vmem_shared>>) attributes {dimension_semantics = [#tpu.dimension_semantics<core_parallel>, #tpu.dimension_semantics<subcore_parallel>], iteration_bounds = array<i64: 2, 16>, scalar_prefetch = 0 : i64, scratch_operands = 8 : i64, tpu.core_type = #tpu.core_type<sc_vector_subcore>, window_params = [{transform_indices = #map}, {transform_indices = #map}, {transform_indices = #map1}, {transform_indices = #map1}]} {
    %mul3A = arith.constant 2 : i32
    %mul3A_0 = arith.muli %arg1, %mul3A : i32
    %add3A = arith.addi %mul3A_0, %arg0 : i32
    %broadcast_in_dim3A = arith.constant 0.000000e+00 : f32
    %broadcast_in_dim3A_1 = vector.broadcast %broadcast_in_dim3A : f32 to vector<16xf32>
    %broadcast_in_dim3A_2 = arith.constant 1.000000e+00 : f32
    %broadcast_in_dim3A_3 = vector.broadcast %broadcast_in_dim3A_2 : f32 to vector<16xf32>
    %scan3A = arith.constant 0 : i32
    %scan3A_4 = arith.constant 0 : i32
    %scan3A_5 = arith.constant 80 : i32
    %scan3A_6 = arith.addi %scan3A_4, %scan3A_5 : i32
    %scan3A_7 = arith.constant 1 : i32
    scf.for %scan3A_31 = %scan3A_4 to %scan3A_6 step %scan3A_7  : i32 {
      %mul3A_32 = arith.constant 8 : i32
      %mul3A_33 = arith.muli %scan3A_31, %mul3A_32 : i32
      %add3A_34 = arith.constant 0 : i32
      %add3A_35 = arith.addi %mul3A_33, %add3A_34 : i32
      %mul3A_36 = arith.constant 16 : i32
      %mul3A_37 = arith.muli %add3A_35, %mul3A_36 : i32
      %swap3A = arith.index_cast %mul3A_37 : i32 to index
      %swap3A_38 = tpu.vector_load %arg6[%swap3A] {strides = array<i32>} : memref<10240xf32, #tpu.memory_space<vmem>>, vector<16xf32>,
      tpu.vector_store %arg6[%swap3A], %broadcast_in_dim3A_1 {strides = array<i32>} : memref<10240xf32, #tpu.memory_space<vmem>>, vector<16xf32>,
      %mul3A_39 = arith.constant 8 : i32
      %mul3A_40 = arith.muli %scan3A_31, %mul3A_39 : i32
      %add3A_41 = arith.constant 0 : i32
      %add3A_42 = arith.addi %mul3A_40, %add3A_41 : i32
      %mul3A_43 = arith.constant 16 : i32
      %mul3A_44 = arith.muli %add3A_42, %mul3A_43 : i32
      %swap3A_45 = arith.index_cast %mul3A_44 : i32 to index
      %swap3A_46 = tpu.vector_load %arg7[%swap3A_45] {strides = array<i32>} : memref<10240xf32, #tpu.memory_space<vmem>>, vector<16xf32>,
      tpu.vector_store %arg7[%swap3A_45], %broadcast_in_dim3A_1 {strides = array<i32>} : memref<10240xf32, #tpu.memory_space<vmem>>, vector<16xf32>,
      %mul3A_47 = arith.constant 8 : i32
      %mul3A_48 = arith.muli %scan3A_31, %mul3A_47 : i32
      %add3A_49 = arith.constant 1 : i32
      %add3A_50 = arith.addi %mul3A_48, %add3A_49 : i32
      %mul3A_51 = arith.constant 16 : i32
      %mul3A_52 = arith.muli %add3A_50, %mul3A_51 : i32
      %swap3A_53 = arith.index_cast %mul3A_52 : i32 to index
      %swap3A_54 = tpu.vector_load %arg6[%swap3A_53] {strides = array<i32>} : memref<10240xf32, #tpu.memory_space<vmem>>, vector<16xf32>,
      tpu.vector_store %arg6[%swap3A_53], %broadcast_in_dim3A_1 {strides = array<i32>} : memref<10240xf32, #tpu.memory_space<vmem>>, vector<16xf32>,
      %mul3A_55 = arith.constant 8 : i32
      %mul3A_56 = arith.muli %scan3A_31, %mul3A_55 : i32
      %add3A_57 = arith.constant 1 : i32
      %add3A_58 = arith.addi %mul3A_56, %add3A_57 : i32
      %mul3A_59 = arith.constant 16 : i32
      %mul3A_60 = arith.muli %add3A_58, %mul3A_59 : i32
      %swap3A_61 = arith.index_cast %mul3A_60 : i32 to index
      %swap3A_62 = tpu.vector_load %arg7[%swap3A_61] {strides = array<i32>} : memref<10240xf32, #tpu.memory_space<vmem>>, vector<16xf32>,
      tpu.vector_store %arg7[%swap3A_61], %broadcast_in_dim3A_1 {strides = array<i32>} : memref<10240xf32, #tpu.memory_space<vmem>>, vector<16xf32>,
      %mul3A_63 = arith.constant 8 : i32
      %mul3A_64 = arith.muli %scan3A_31, %mul3A_63 : i32
      %add3A_65 = arith.constant 2 : i32
      %add3A_66 = arith.addi %mul3A_64, %add3A_65 : i32
      %mul3A_67 = arith.constant 16 : i32
      %mul3A_68 = arith.muli %add3A_66, %mul3A_67 : i32
      %swap3A_69 = arith.index_cast %mul3A_68 : i32 to index
      %swap3A_70 = tpu.vector_load %arg6[%swap3A_69] {strides = array<i32>} : memref<10240xf32, #tpu.memory_space<vmem>>, vector<16xf32>,
      tpu.vector_store %arg6[%swap3A_69], %broadcast_in_dim3A_1 {strides = array<i32>} : memref<10240xf32, #tpu.memory_space<vmem>>, vector<16xf32>,
      %mul3A_71 = arith.constant 8 : i32
      %mul3A_72 = arith.muli %scan3A_31, %mul3A_71 : i32
      %add3A_73 = arith.constant 2 : i32
      %add3A_74 = arith.addi %mul3A_72, %add3A_73 : i32
      %mul3A_75 = arith.constant 16 : i32
      %mul3A_76 = arith.muli %add3A_74, %mul3A_75 : i32
      %swap3A_77 = arith.index_cast %mul3A_76 : i32 to index
      %swap3A_78 = tpu.vector_load %arg7[%swap3A_77] {strides = array<i32>} : memref<10240xf32, #tpu.memory_space<vmem>>, vector<16xf32>,
      tpu.vector_store %arg7[%swap3A_77], %broadcast_in_dim3A_1 {strides = array<i32>} : memref<10240xf32, #tpu.memory_space<vmem>>, vector<16xf32>,
      %mul3A_79 = arith.constant 8 : i32
      %mul3A_80 = arith.muli %scan3A_31, %mul3A_79 : i32
      %add3A_81 = arith.constant 3 : i32
      %add3A_82 = arith.addi %mul3A_80, %add3A_81 : i32
      %mul3A_83 = arith.constant 16 : i32
      %mul3A_84 = arith.muli %add3A_82, %mul3A_83 : i32
      %swap3A_85 = arith.index_cast %mul3A_84 : i32 to index
      %swap3A_86 = tpu.vector_load %arg6[%swap3A_85] {strides = array<i32>} : memref<10240xf32, #tpu.memory_space<vmem>>, vector<16xf32>,
      tpu.vector_store %arg6[%swap3A_85], %broadcast_in_dim3A_1 {strides = array<i32>} : memref<10240xf32, #tpu.memory_space<vmem>>, vector<16xf32>,
      %mul3A_87 = arith.constant 8 : i32
      %mul3A_88 = arith.muli %scan3A_31, %mul3A_87 : i32
      %add3A_89 = arith.constant 3 : i32
      %add3A_90 = arith.addi %mul3A_88, %add3A_89 : i32
      %mul3A_91 = arith.constant 16 : i32
      %mul3A_92 = arith.muli %add3A_90, %mul3A_91 : i32
      %swap3A_93 = arith.index_cast %mul3A_92 : i32 to index
      %swap3A_94 = tpu.vector_load %arg7[%swap3A_93] {strides = array<i32>} : memref<10240xf32, #tpu.memory_space<vmem>>, vector<16xf32>,
      tpu.vector_store %arg7[%swap3A_93], %broadcast_in_dim3A_1 {strides = array<i32>} : memref<10240xf32, #tpu.memory_space<vmem>>, vector<16xf32>,
      %mul3A_95 = arith.constant 8 : i32
      %mul3A_96 = arith.muli %scan3A_31, %mul3A_95 : i32
      %add3A_97 = arith.constant 4 : i32
      %add3A_98 = arith.addi %mul3A_96, %add3A_97 : i32
      %mul3A_99 = arith.constant 16 : i32
      %mul3A_100 = arith.muli %add3A_98, %mul3A_99 : i32
      %swap3A_101 = arith.index_cast %mul3A_100 : i32 to index
      %swap3A_102 = tpu.vector_load %arg6[%swap3A_101] {strides = array<i32>} : memref<10240xf32, #tpu.memory_space<vmem>>, vector<16xf32>,
      tpu.vector_store %arg6[%swap3A_101], %broadcast_in_dim3A_1 {strides = array<i32>} : memref<10240xf32, #tpu.memory_space<vmem>>, vector<16xf32>,
      %mul3A_103 = arith.constant 8 : i32
      %mul3A_104 = arith.muli %scan3A_31, %mul3A_103 : i32
      %add3A_105 = arith.constant 4 : i32
      %add3A_106 = arith.addi %mul3A_104, %add3A_105 : i32
      %mul3A_107 = arith.constant 16 : i32
      %mul3A_108 = arith.muli %add3A_106, %mul3A_107 : i32
      %swap3A_109 = arith.index_cast %mul3A_108 : i32 to index
      %swap3A_110 = tpu.vector_load %arg7[%swap3A_109] {strides = array<i32>} : memref<10240xf32, #tpu.memory_space<vmem>>, vector<16xf32>,
      tpu.vector_store %arg7[%swap3A_109], %broadcast_in_dim3A_1 {strides = array<i32>} : memref<10240xf32, #tpu.memory_space<vmem>>, vector<16xf32>,
      %mul3A_111 = arith.constant 8 : i32
      %mul3A_112 = arith.muli %scan3A_31, %mul3A_111 : i32
      %add3A_113 = arith.constant 5 : i32
      %add3A_114 = arith.addi %mul3A_112, %add3A_113 : i32
      %mul3A_115 = arith.constant 16 : i32
      %mul3A_116 = arith.muli %add3A_114, %mul3A_115 : i32
      %swap3A_117 = arith.index_cast %mul3A_116 : i32 to index
      %swap3A_118 = tpu.vector_load %arg6[%swap3A_117] {strides = array<i32>} : memref<10240xf32, #tpu.memory_space<vmem>>, vector<16xf32>,
      tpu.vector_store %arg6[%swap3A_117], %broadcast_in_dim3A_1 {strides = array<i32>} : memref<10240xf32, #tpu.memory_space<vmem>>, vector<16xf32>,
      %mul3A_119 = arith.constant 8 : i32
      %mul3A_120 = arith.muli %scan3A_31, %mul3A_119 : i32
      %add3A_121 = arith.constant 5 : i32
      %add3A_122 = arith.addi %mul3A_120, %add3A_121 : i32
      %mul3A_123 = arith.constant 16 : i32
      %mul3A_124 = arith.muli %add3A_122, %mul3A_123 : i32
      %swap3A_125 = arith.index_cast %mul3A_124 : i32 to index
      %swap3A_126 = tpu.vector_load %arg7[%swap3A_125] {strides = array<i32>} : memref<10240xf32, #tpu.memory_space<vmem>>, vector<16xf32>,
      tpu.vector_store %arg7[%swap3A_125], %broadcast_in_dim3A_1 {strides = array<i32>} : memref<10240xf32, #tpu.memory_space<vmem>>, vector<16xf32>,
      %mul3A_127 = arith.constant 8 : i32
      %mul3A_128 = arith.muli %scan3A_31, %mul3A_127 : i32
      %add3A_129 = arith.constant 6 : i32
      %add3A_130 = arith.addi %mul3A_128, %add3A_129 : i32
      %mul3A_131 = arith.constant 16 : i32
      %mul3A_132 = arith.muli %add3A_130, %mul3A_131 : i32
      %swap3A_133 = arith.index_cast %mul3A_132 : i32 to index
      %swap3A_134 = tpu.vector_load %arg6[%swap3A_133] {strides = array<i32>} : memref<10240xf32, #tpu.memory_space<vmem>>, vector<16xf32>,
      tpu.vector_store %arg6[%swap3A_133], %broadcast_in_dim3A_1 {strides = array<i32>} : memref<10240xf32, #tpu.memory_space<vmem>>, vector<16xf32>,
      %mul3A_135 = arith.constant 8 : i32
      %mul3A_136 = arith.muli %scan3A_31, %mul3A_135 : i32
      %add3A_137 = arith.constant 6 : i32
      %add3A_138 = arith.addi %mul3A_136, %add3A_137 : i32
      %mul3A_139 = arith.constant 16 : i32
      %mul3A_140 = arith.muli %add3A_138, %mul3A_139 : i32
      %swap3A_141 = arith.index_cast %mul3A_140 : i32 to index
      %swap3A_142 = tpu.vector_load %arg7[%swap3A_141] {strides = array<i32>} : memref<10240xf32, #tpu.memory_space<vmem>>, vector<16xf32>,
      tpu.vector_store %arg7[%swap3A_141], %broadcast_in_dim3A_1 {strides = array<i32>} : memref<10240xf32, #tpu.memory_space<vmem>>, vector<16xf32>,
      %mul3A_143 = arith.constant 8 : i32
      %mul3A_144 = arith.muli %scan3A_31, %mul3A_143 : i32
      %add3A_145 = arith.constant 7 : i32
      %add3A_146 = arith.addi %mul3A_144, %add3A_145 : i32
      %mul3A_147 = arith.constant 16 : i32
      %mul3A_148 = arith.muli %add3A_146, %mul3A_147 : i32
      %swap3A_149 = arith.index_cast %mul3A_148 : i32 to index
      %swap3A_150 = tpu.vector_load %arg6[%swap3A_149] {strides = array<i32>} : memref<10240xf32, #tpu.memory_space<vmem>>, vector<16xf32>,
      tpu.vector_store %arg6[%swap3A_149], %broadcast_in_dim3A_1 {strides = array<i32>} : memref<10240xf32, #tpu.memory_space<vmem>>, vector<16xf32>,
      %mul3A_151 = arith.constant 8 : i32
      %mul3A_152 = arith.muli %scan3A_31, %mul3A_151 : i32
      %add3A_153 = arith.constant 7 : i32
      %add3A_154 = arith.addi %mul3A_152, %add3A_153 : i32
      %mul3A_155 = arith.constant 16 : i32
      %mul3A_156 = arith.muli %add3A_154, %mul3A_155 : i32
      %swap3A_157 = arith.index_cast %mul3A_156 : i32 to index
      %swap3A_158 = tpu.vector_load %arg7[%swap3A_157] {strides = array<i32>} : memref<10240xf32, #tpu.memory_space<vmem>>, vector<16xf32>,
      tpu.vector_store %arg7[%swap3A_157], %broadcast_in_dim3A_1 {strides = array<i32>} : memref<10240xf32, #tpu.memory_space<vmem>>, vector<16xf32>,
    }
    %scan3A_8 = arith.constant 80 : i32
    %mul3A_9 = arith.constant 10000 : i32
    %mul3A_10 = arith.muli %add3A, %mul3A_9 : i32
    %scan3A_11 = arith.constant 0 : i32
    %scan3A_12 = arith.constant 0 : i32
    %scan3A_13 = arith.constant 5 : i32
    %scan3A_14 = arith.addi %scan3A_12, %scan3A_13 : i32
    %scan3A_15 = arith.constant 1 : i32
    scf.for %scan3A_31 = %scan3A_12 to %scan3A_14 step %scan3A_15  : i32 {
      %mul3A_32 = arith.constant 2000 : i32
      %mul3A_33 = arith.muli %scan3A_31, %mul3A_32 : i32
      %add3A_34 = arith.addi %mul3A_10, %mul3A_33 : i32
      "tpu.region"() ({
        %run_scoped3A = tpu.sem_alloc : memref<!tpu.dma_semaphore, #tpu.memory_space<semaphore_mem>>
        %dma_start3A = tpu.memref_slice %arg2[%add3A_34] : memref<320000xi32, #tpu.memory_space<hbm>> -> memref<2000xi32, #tpu.memory_space<hbm>>
        %dma_start3A_44 = tpu.memref_slice %arg2[%add3A_34] : memref<320000xi32, #tpu.memory_space<hbm>> -> memref<2000xi32, #tpu.memory_space<hbm>>
        tpu.enqueue_dma source(%dma_start3A_44 : memref<2000xi32, #tpu.memory_space<hbm>>) target(%arg8 : memref<2000xi32, #tpu.memory_space<vmem>>) target_semaphore(%run_scoped3A : memref<!tpu.dma_semaphore, #tpu.memory_space<semaphore_mem>>)
        %dma_wait3A = tpu.memref_slice %arg2[%add3A_34] : memref<320000xi32, #tpu.memory_space<hbm>> -> memref<2000xi32, #tpu.memory_space<hbm>>
        %dma_wait3A_45 = tpu.memref_slice %arg2[%add3A_34] : memref<320000xi32, #tpu.memory_space<hbm>> -> memref<2000xi32, #tpu.memory_space<hbm>>
        tpu.wait_dma2 semaphore(%run_scoped3A : memref<!tpu.dma_semaphore, #tpu.memory_space<semaphore_mem>>) src(%dma_wait3A_45 : memref<2000xi32, #tpu.memory_space<hbm>>) dst(%arg8 : memref<2000xi32, #tpu.memory_space<vmem>>)
        tpu.yield
      }) : () -> ()
      %mul3A_35 = arith.constant 2000 : i32
      %mul3A_36 = arith.muli %scan3A_31, %mul3A_35 : i32
      %add3A_37 = arith.addi %mul3A_10, %mul3A_36 : i32
      "tpu.region"() ({
        %run_scoped3A = tpu.sem_alloc : memref<!tpu.dma_semaphore, #tpu.memory_space<semaphore_mem>>
        %dma_start3A = tpu.memref_slice %arg3[%add3A_37] : memref<320000xf32, #tpu.memory_space<hbm>> -> memref<2000xf32, #tpu.memory_space<hbm>>
        %dma_start3A_44 = tpu.memref_slice %arg3[%add3A_37] : memref<320000xf32, #tpu.memory_space<hbm>> -> memref<2000xf32, #tpu.memory_space<hbm>>
        tpu.enqueue_dma source(%dma_start3A_44 : memref<2000xf32, #tpu.memory_space<hbm>>) target(%arg9 : memref<2000xf32, #tpu.memory_space<vmem>>) target_semaphore(%run_scoped3A : memref<!tpu.dma_semaphore, #tpu.memory_space<semaphore_mem>>)
        %dma_wait3A = tpu.memref_slice %arg3[%add3A_37] : memref<320000xf32, #tpu.memory_space<hbm>> -> memref<2000xf32, #tpu.memory_space<hbm>>
        %dma_wait3A_45 = tpu.memref_slice %arg3[%add3A_37] : memref<320000xf32, #tpu.memory_space<hbm>> -> memref<2000xf32, #tpu.memory_space<hbm>>
        tpu.wait_dma2 semaphore(%run_scoped3A : memref<!tpu.dma_semaphore, #tpu.memory_space<semaphore_mem>>) src(%dma_wait3A_45 : memref<2000xf32, #tpu.memory_space<hbm>>) dst(%arg9 : memref<2000xf32, #tpu.memory_space<vmem>>)
        tpu.yield
      }) : () -> ()
      %scan3A_38 = arith.constant 0 : i32
      %scan3A_39 = arith.constant 0 : i32
      %scan3A_40 = arith.constant 25 : i32
      %scan3A_41 = arith.addi %scan3A_39, %scan3A_40 : i32
      %scan3A_42 = arith.constant 1 : i32
      scf.for %scan3A_44 = %scan3A_39 to %scan3A_41 step %scan3A_42  : i32 {
        %mul3A_45 = arith.constant 5 : i32
        %mul3A_46 = arith.muli %scan3A_44, %mul3A_45 : i32
        %add3A_47 = arith.constant 0 : i32
        %add3A_48 = arith.addi %mul3A_46, %add3A_47 : i32
        %mul3A_49 = arith.constant 16 : i32
        %mul3A_50 = arith.muli %add3A_48, %mul3A_49 : i32
        %get3A = arith.index_cast %mul3A_50 : i32 to index
        %get3A_51 = tpu.vector_load %arg8[%get3A] {strides = array<i32>} : memref<2000xi32, #tpu.memory_space<vmem>>, vector<16xi32>,
        %get3A_52 = arith.index_cast %mul3A_50 : i32 to index
        %get3A_53 = tpu.vector_load %arg9[%get3A_52] {strides = array<i32>} : memref<2000xf32, #tpu.memory_space<vmem>>, vector<16xf32>,
        tpu.vector_store_idx %arg6[%get3A_51], %get3A_53 {add = true} : memref<10240xf32, #tpu.memory_space<vmem>>[vector<16xi32>], vector<16xf32>,
        tpu.vector_store_idx %arg7[%get3A_51], %broadcast_in_dim3A_3 {add = true} : memref<10240xf32, #tpu.memory_space<vmem>>[vector<16xi32>], vector<16xf32>,
        %mul3A_54 = arith.constant 5 : i32
        %mul3A_55 = arith.muli %scan3A_44, %mul3A_54 : i32
        %add3A_56 = arith.constant 1 : i32
        %add3A_57 = arith.addi %mul3A_55, %add3A_56 : i32
        %mul3A_58 = arith.constant 16 : i32
        %mul3A_59 = arith.muli %add3A_57, %mul3A_58 : i32
        %get3A_60 = arith.index_cast %mul3A_59 : i32 to index
        %get3A_61 = tpu.vector_load %arg8[%get3A_60] {strides = array<i32>} : memref<2000xi32, #tpu.memory_space<vmem>>, vector<16xi32>,
        %get3A_62 = arith.index_cast %mul3A_59 : i32 to index
        %get3A_63 = tpu.vector_load %arg9[%get3A_62] {strides = array<i32>} : memref<2000xf32, #tpu.memory_space<vmem>>, vector<16xf32>,
        tpu.vector_store_idx %arg6[%get3A_61], %get3A_63 {add = true} : memref<10240xf32, #tpu.memory_space<vmem>>[vector<16xi32>], vector<16xf32>,
        tpu.vector_store_idx %arg7[%get3A_61], %broadcast_in_dim3A_3 {add = true} : memref<10240xf32, #tpu.memory_space<vmem>>[vector<16xi32>], vector<16xf32>,
        %mul3A_64 = arith.constant 5 : i32
        %mul3A_65 = arith.muli %scan3A_44, %mul3A_64 : i32
        %add3A_66 = arith.constant 2 : i32
        %add3A_67 = arith.addi %mul3A_65, %add3A_66 : i32
        %mul3A_68 = arith.constant 16 : i32
        %mul3A_69 = arith.muli %add3A_67, %mul3A_68 : i32
        %get3A_70 = arith.index_cast %mul3A_69 : i32 to index
        %get3A_71 = tpu.vector_load %arg8[%get3A_70] {strides = array<i32>} : memref<2000xi32, #tpu.memory_space<vmem>>, vector<16xi32>,
        %get3A_72 = arith.index_cast %mul3A_69 : i32 to index
        %get3A_73 = tpu.vector_load %arg9[%get3A_72] {strides = array<i32>} : memref<2000xf32, #tpu.memory_space<vmem>>, vector<16xf32>,
        tpu.vector_store_idx %arg6[%get3A_71], %get3A_73 {add = true} : memref<10240xf32, #tpu.memory_space<vmem>>[vector<16xi32>], vector<16xf32>,
        tpu.vector_store_idx %arg7[%get3A_71], %broadcast_in_dim3A_3 {add = true} : memref<10240xf32, #tpu.memory_space<vmem>>[vector<16xi32>], vector<16xf32>,
        %mul3A_74 = arith.constant 5 : i32
        %mul3A_75 = arith.muli %scan3A_44, %mul3A_74 : i32
        %add3A_76 = arith.constant 3 : i32
        %add3A_77 = arith.addi %mul3A_75, %add3A_76 : i32
        %mul3A_78 = arith.constant 16 : i32
        %mul3A_79 = arith.muli %add3A_77, %mul3A_78 : i32
        %get3A_80 = arith.index_cast %mul3A_79 : i32 to index
        %get3A_81 = tpu.vector_load %arg8[%get3A_80] {strides = array<i32>} : memref<2000xi32, #tpu.memory_space<vmem>>, vector<16xi32>,
        %get3A_82 = arith.index_cast %mul3A_79 : i32 to index
        %get3A_83 = tpu.vector_load %arg9[%get3A_82] {strides = array<i32>} : memref<2000xf32, #tpu.memory_space<vmem>>, vector<16xf32>,
        tpu.vector_store_idx %arg6[%get3A_81], %get3A_83 {add = true} : memref<10240xf32, #tpu.memory_space<vmem>>[vector<16xi32>], vector<16xf32>,
        tpu.vector_store_idx %arg7[%get3A_81], %broadcast_in_dim3A_3 {add = true} : memref<10240xf32, #tpu.memory_space<vmem>>[vector<16xi32>], vector<16xf32>,
        %mul3A_84 = arith.constant 5 : i32
        %mul3A_85 = arith.muli %scan3A_44, %mul3A_84 : i32
        %add3A_86 = arith.constant 4 : i32
        %add3A_87 = arith.addi %mul3A_85, %add3A_86 : i32
        %mul3A_88 = arith.constant 16 : i32
        %mul3A_89 = arith.muli %add3A_87, %mul3A_88 : i32
        %get3A_90 = arith.index_cast %mul3A_89 : i32 to index
        %get3A_91 = tpu.vector_load %arg8[%get3A_90] {strides = array<i32>} : memref<2000xi32, #tpu.memory_space<vmem>>, vector<16xi32>,
        %get3A_92 = arith.index_cast %mul3A_89 : i32 to index
        %get3A_93 = tpu.vector_load %arg9[%get3A_92] {strides = array<i32>} : memref<2000xf32, #tpu.memory_space<vmem>>, vector<16xf32>,
        tpu.vector_store_idx %arg6[%get3A_91], %get3A_93 {add = true} : memref<10240xf32, #tpu.memory_space<vmem>>[vector<16xi32>], vector<16xf32>,
        tpu.vector_store_idx %arg7[%get3A_91], %broadcast_in_dim3A_3 {add = true} : memref<10240xf32, #tpu.memory_space<vmem>>[vector<16xi32>], vector<16xf32>,
      }
      %scan3A_43 = arith.constant 25 : i32
    }
    %scan3A_16 = arith.constant 5 : i32
    "tpu.region"() ({
      %run_scoped3A = tpu.sem_alloc : memref<!tpu.dma_semaphore, #tpu.memory_space<semaphore_mem>>
      %dma_start3A = arith.constant 0 : i32
      %dma_start3A_31 = tpu.memref_slice %arg12[%arg1, %dma_start3A] : memref<16x10240xf32, #tpu.memory_space<vmem_shared>> -> memref<1x10240xf32, #tpu.memory_space<vmem_shared>>
      %dma_start3A_32 = tpu.memref_squeeze %dma_start3A_31 : memref<1x10240xf32, #tpu.memory_space<vmem_shared>> -> memref<10240xf32, #tpu.memory_space<vmem_shared>>
      %dma_start3A_33 = arith.constant 0 : i32
      %dma_start3A_34 = tpu.memref_slice %arg12[%arg1, %dma_start3A_33] : memref<16x10240xf32, #tpu.memory_space<vmem_shared>> -> memref<1x10240xf32, #tpu.memory_space<vmem_shared>>
      %dma_start3A_35 = tpu.memref_squeeze %dma_start3A_34 : memref<1x10240xf32, #tpu.memory_space<vmem_shared>> -> memref<10240xf32, #tpu.memory_space<vmem_shared>>
      tpu.enqueue_dma source(%arg6 : memref<10240xf32, #tpu.memory_space<vmem>>) target(%dma_start3A_35 : memref<10240xf32, #tpu.memory_space<vmem_shared>>) target_semaphore(%run_scoped3A : memref<!tpu.dma_semaphore, #tpu.memory_space<semaphore_mem>>)
      %dma_wait3A = arith.constant 0 : i32
      %dma_wait3A_36 = tpu.memref_slice %arg12[%arg1, %dma_wait3A] : memref<16x10240xf32, #tpu.memory_space<vmem_shared>> -> memref<1x10240xf32, #tpu.memory_space<vmem_shared>>
      %dma_wait3A_37 = tpu.memref_squeeze %dma_wait3A_36 : memref<1x10240xf32, #tpu.memory_space<vmem_shared>> -> memref<10240xf32, #tpu.memory_space<vmem_shared>>
      %dma_wait3A_38 = arith.constant 0 : i32
      %dma_wait3A_39 = tpu.memref_slice %arg12[%arg1, %dma_wait3A_38] : memref<16x10240xf32, #tpu.memory_space<vmem_shared>> -> memref<1x10240xf32, #tpu.memory_space<vmem_shared>>
      %dma_wait3A_40 = tpu.memref_squeeze %dma_wait3A_39 : memref<1x10240xf32, #tpu.memory_space<vmem_shared>> -> memref<10240xf32, #tpu.memory_space<vmem_shared>>
      tpu.wait_dma2 semaphore(%run_scoped3A : memref<!tpu.dma_semaphore, #tpu.memory_space<semaphore_mem>>) src(%arg6 : memref<10240xf32, #tpu.memory_space<vmem>>) dst(%dma_wait3A_40 : memref<10240xf32, #tpu.memory_space<vmem_shared>>)
      tpu.yield
    }) : () -> ()
    "tpu.region"() ({
      %run_scoped3A = tpu.sem_alloc : memref<!tpu.dma_semaphore, #tpu.memory_space<semaphore_mem>>
      %dma_start3A = arith.constant 0 : i32
      %dma_start3A_31 = tpu.memref_slice %arg13[%arg1, %dma_start3A] : memref<16x10240xf32, #tpu.memory_space<vmem_shared>> -> memref<1x10240xf32, #tpu.memory_space<vmem_shared>>
      %dma_start3A_32 = tpu.memref_squeeze %dma_start3A_31 : memref<1x10240xf32, #tpu.memory_space<vmem_shared>> -> memref<10240xf32, #tpu.memory_space<vmem_shared>>
      %dma_start3A_33 = arith.constant 0 : i32
      %dma_start3A_34 = tpu.memref_slice %arg13[%arg1, %dma_start3A_33] : memref<16x10240xf32, #tpu.memory_space<vmem_shared>> -> memref<1x10240xf32, #tpu.memory_space<vmem_shared>>
      %dma_start3A_35 = tpu.memref_squeeze %dma_start3A_34 : memref<1x10240xf32, #tpu.memory_space<vmem_shared>> -> memref<10240xf32, #tpu.memory_space<vmem_shared>>
      tpu.enqueue_dma source(%arg7 : memref<10240xf32, #tpu.memory_space<vmem>>) target(%dma_start3A_35 : memref<10240xf32, #tpu.memory_space<vmem_shared>>) target_semaphore(%run_scoped3A : memref<!tpu.dma_semaphore, #tpu.memory_space<semaphore_mem>>)
      %dma_wait3A = arith.constant 0 : i32
      %dma_wait3A_36 = tpu.memref_slice %arg13[%arg1, %dma_wait3A] : memref<16x10240xf32, #tpu.memory_space<vmem_shared>> -> memref<1x10240xf32, #tpu.memory_space<vmem_shared>>
      %dma_wait3A_37 = tpu.memref_squeeze %dma_wait3A_36 : memref<1x10240xf32, #tpu.memory_space<vmem_shared>> -> memref<10240xf32, #tpu.memory_space<vmem_shared>>
      %dma_wait3A_38 = arith.constant 0 : i32
      %dma_wait3A_39 = tpu.memref_slice %arg13[%arg1, %dma_wait3A_38] : memref<16x10240xf32, #tpu.memory_space<vmem_shared>> -> memref<1x10240xf32, #tpu.memory_space<vmem_shared>>
      %dma_wait3A_40 = tpu.memref_squeeze %dma_wait3A_39 : memref<1x10240xf32, #tpu.memory_space<vmem_shared>> -> memref<10240xf32, #tpu.memory_space<vmem_shared>>
      tpu.wait_dma2 semaphore(%run_scoped3A : memref<!tpu.dma_semaphore, #tpu.memory_space<semaphore_mem>>) src(%arg7 : memref<10240xf32, #tpu.memory_space<vmem>>) dst(%dma_wait3A_40 : memref<10240xf32, #tpu.memory_space<vmem_shared>>)
      tpu.yield
    }) : () -> ()
    %barrier3A = arith.constant 0 : index
    tpu.barrier barrier_id(%barrier3A)
    %mul3A_17 = arith.constant 640 : i32
    %mul3A_18 = arith.muli %arg1, %mul3A_17 : i32
    "tpu.region"() ({
      %run_scoped3A = tpu.sem_alloc : memref<!tpu.dma_semaphore, #tpu.memory_space<semaphore_mem>>
      %dma_start3A = arith.constant 0 : i32
      %dma_start3A_31 = tpu.memref_slice %arg12[%dma_start3A, %mul3A_18] : memref<16x10240xf32, #tpu.memory_space<vmem_shared>> -> memref<16x640xf32, #tpu.memory_space<vmem_shared>>
      %dma_start3A_32 = arith.constant 0 : i32
      %dma_start3A_33 = tpu.memref_slice %arg12[%dma_start3A_32, %mul3A_18] : memref<16x10240xf32, #tpu.memory_space<vmem_shared>> -> memref<16x640xf32, #tpu.memory_space<vmem_shared>>
      tpu.enqueue_dma source(%dma_start3A_33 : memref<16x640xf32, #tpu.memory_space<vmem_shared>>) target(%arg10 : memref<16x640xf32, #tpu.memory_space<vmem>>) target_semaphore(%run_scoped3A : memref<!tpu.dma_semaphore, #tpu.memory_space<semaphore_mem>>)
      %dma_wait3A = arith.constant 0 : i32
      %dma_wait3A_34 = tpu.memref_slice %arg12[%dma_wait3A, %mul3A_18] : memref<16x10240xf32, #tpu.memory_space<vmem_shared>> -> memref<16x640xf32, #tpu.memory_space<vmem_shared>>
      %dma_wait3A_35 = arith.constant 0 : i32
      %dma_wait3A_36 = tpu.memref_slice %arg12[%dma_wait3A_35, %mul3A_18] : memref<16x10240xf32, #tpu.memory_space<vmem_shared>> -> memref<16x640xf32, #tpu.memory_space<vmem_shared>>
      tpu.wait_dma2 semaphore(%run_scoped3A : memref<!tpu.dma_semaphore, #tpu.memory_space<semaphore_mem>>) src(%dma_wait3A_36 : memref<16x640xf32, #tpu.memory_space<vmem_shared>>) dst(%arg10 : memref<16x640xf32, #tpu.memory_space<vmem>>)
      tpu.yield
    }) : () -> ()
    %scan3A_19 = arith.constant 0 : i32
    %scan3A_20 = arith.constant 0 : i32
    %scan3A_21 = arith.constant 40 : i32
    %scan3A_22 = arith.addi %scan3A_20, %scan3A_21 : i32
    %scan3A_23 = arith.constant 1 : i32
    scf.for %scan3A_31 = %scan3A_20 to %scan3A_22 step %scan3A_23  : i32 {
      %mul3A_32 = arith.constant 16 : i32
      %mul3A_33 = arith.muli %scan3A_31, %mul3A_32 : i32
      %get3A = arith.constant 0 : i32
      %get3A_34 = arith.index_cast %get3A : i32 to index
      %get3A_35 = arith.index_cast %mul3A_33 : i32 to index
      %get3A_36 = tpu.vector_load %arg10[%get3A_34, %get3A_35] {strides = array<i32>} : memref<16x640xf32, #tpu.memory_space<vmem>>, vector<16xf32>,
      %add3A_37 = arith.addf %broadcast_in_dim3A_1, %get3A_36 : vector<16xf32>
      %mul3A_38 = arith.constant 16 : i32
      %mul3A_39 = arith.muli %scan3A_31, %mul3A_38 : i32
      %get3A_40 = arith.constant 1 : i32
      %get3A_41 = arith.index_cast %get3A_40 : i32 to index
      %get3A_42 = arith.index_cast %mul3A_39 : i32 to index
      %get3A_43 = tpu.vector_load %arg10[%get3A_41, %get3A_42] {strides = array<i32>} : memref<16x640xf32, #tpu.memory_space<vmem>>, vector<16xf32>,
      %add3A_44 = arith.addf %add3A_37, %get3A_43 : vector<16xf32>
      %mul3A_45 = arith.constant 16 : i32
      %mul3A_46 = arith.muli %scan3A_31, %mul3A_45 : i32
      %get3A_47 = arith.constant 2 : i32
      %get3A_48 = arith.index_cast %get3A_47 : i32 to index
      %get3A_49 = arith.index_cast %mul3A_46 : i32 to index
      %get3A_50 = tpu.vector_load %arg10[%get3A_48, %get3A_49] {strides = array<i32>} : memref<16x640xf32, #tpu.memory_space<vmem>>, vector<16xf32>,
      %add3A_51 = arith.addf %add3A_44, %get3A_50 : vector<16xf32>
      %mul3A_52 = arith.constant 16 : i32
      %mul3A_53 = arith.muli %scan3A_31, %mul3A_52 : i32
      %get3A_54 = arith.constant 3 : i32
      %get3A_55 = arith.index_cast %get3A_54 : i32 to index
      %get3A_56 = arith.index_cast %mul3A_53 : i32 to index
      %get3A_57 = tpu.vector_load %arg10[%get3A_55, %get3A_56] {strides = array<i32>} : memref<16x640xf32, #tpu.memory_space<vmem>>, vector<16xf32>,
      %add3A_58 = arith.addf %add3A_51, %get3A_57 : vector<16xf32>
      %mul3A_59 = arith.constant 16 : i32
      %mul3A_60 = arith.muli %scan3A_31, %mul3A_59 : i32
      %get3A_61 = arith.constant 4 : i32
      %get3A_62 = arith.index_cast %get3A_61 : i32 to index
      %get3A_63 = arith.index_cast %mul3A_60 : i32 to index
      %get3A_64 = tpu.vector_load %arg10[%get3A_62, %get3A_63] {strides = array<i32>} : memref<16x640xf32, #tpu.memory_space<vmem>>, vector<16xf32>,
      %add3A_65 = arith.addf %add3A_58, %get3A_64 : vector<16xf32>
      %mul3A_66 = arith.constant 16 : i32
      %mul3A_67 = arith.muli %scan3A_31, %mul3A_66 : i32
      %get3A_68 = arith.constant 5 : i32
      %get3A_69 = arith.index_cast %get3A_68 : i32 to index
      %get3A_70 = arith.index_cast %mul3A_67 : i32 to index
      %get3A_71 = tpu.vector_load %arg10[%get3A_69, %get3A_70] {strides = array<i32>} : memref<16x640xf32, #tpu.memory_space<vmem>>, vector<16xf32>,
      %add3A_72 = arith.addf %add3A_65, %get3A_71 : vector<16xf32>
      %mul3A_73 = arith.constant 16 : i32
      %mul3A_74 = arith.muli %scan3A_31, %mul3A_73 : i32
      %get3A_75 = arith.constant 6 : i32
      %get3A_76 = arith.index_cast %get3A_75 : i32 to index
      %get3A_77 = arith.index_cast %mul3A_74 : i32 to index
      %get3A_78 = tpu.vector_load %arg10[%get3A_76, %get3A_77] {strides = array<i32>} : memref<16x640xf32, #tpu.memory_space<vmem>>, vector<16xf32>,
      %add3A_79 = arith.addf %add3A_72, %get3A_78 : vector<16xf32>
      %mul3A_80 = arith.constant 16 : i32
      %mul3A_81 = arith.muli %scan3A_31, %mul3A_80 : i32
      %get3A_82 = arith.constant 7 : i32
      %get3A_83 = arith.index_cast %get3A_82 : i32 to index
      %get3A_84 = arith.index_cast %mul3A_81 : i32 to index
      %get3A_85 = tpu.vector_load %arg10[%get3A_83, %get3A_84] {strides = array<i32>} : memref<16x640xf32, #tpu.memory_space<vmem>>, vector<16xf32>,
      %add3A_86 = arith.addf %add3A_79, %get3A_85 : vector<16xf32>
      %mul3A_87 = arith.constant 16 : i32
      %mul3A_88 = arith.muli %scan3A_31, %mul3A_87 : i32
      %get3A_89 = arith.constant 8 : i32
      %get3A_90 = arith.index_cast %get3A_89 : i32 to index
      %get3A_91 = arith.index_cast %mul3A_88 : i32 to index
      %get3A_92 = tpu.vector_load %arg10[%get3A_90, %get3A_91] {strides = array<i32>} : memref<16x640xf32, #tpu.memory_space<vmem>>, vector<16xf32>,
      %add3A_93 = arith.addf %add3A_86, %get3A_92 : vector<16xf32>
      %mul3A_94 = arith.constant 16 : i32
      %mul3A_95 = arith.muli %scan3A_31, %mul3A_94 : i32
      %get3A_96 = arith.constant 9 : i32
      %get3A_97 = arith.index_cast %get3A_96 : i32 to index
      %get3A_98 = arith.index_cast %mul3A_95 : i32 to index
      %get3A_99 = tpu.vector_load %arg10[%get3A_97, %get3A_98] {strides = array<i32>} : memref<16x640xf32, #tpu.memory_space<vmem>>, vector<16xf32>,
      %add3A_100 = arith.addf %add3A_93, %get3A_99 : vector<16xf32>
      %mul3A_101 = arith.constant 16 : i32
      %mul3A_102 = arith.muli %scan3A_31, %mul3A_101 : i32
      %get3A_103 = arith.constant 10 : i32
      %get3A_104 = arith.index_cast %get3A_103 : i32 to index
      %get3A_105 = arith.index_cast %mul3A_102 : i32 to index
      %get3A_106 = tpu.vector_load %arg10[%get3A_104, %get3A_105] {strides = array<i32>} : memref<16x640xf32, #tpu.memory_space<vmem>>, vector<16xf32>,
      %add3A_107 = arith.addf %add3A_100, %get3A_106 : vector<16xf32>
      %mul3A_108 = arith.constant 16 : i32
      %mul3A_109 = arith.muli %scan3A_31, %mul3A_108 : i32
      %get3A_110 = arith.constant 11 : i32
      %get3A_111 = arith.index_cast %get3A_110 : i32 to index
      %get3A_112 = arith.index_cast %mul3A_109 : i32 to index
      %get3A_113 = tpu.vector_load %arg10[%get3A_111, %get3A_112] {strides = array<i32>} : memref<16x640xf32, #tpu.memory_space<vmem>>, vector<16xf32>,
      %add3A_114 = arith.addf %add3A_107, %get3A_113 : vector<16xf32>
      %mul3A_115 = arith.constant 16 : i32
      %mul3A_116 = arith.muli %scan3A_31, %mul3A_115 : i32
      %get3A_117 = arith.constant 12 : i32
      %get3A_118 = arith.index_cast %get3A_117 : i32 to index
      %get3A_119 = arith.index_cast %mul3A_116 : i32 to index
      %get3A_120 = tpu.vector_load %arg10[%get3A_118, %get3A_119] {strides = array<i32>} : memref<16x640xf32, #tpu.memory_space<vmem>>, vector<16xf32>,
      %add3A_121 = arith.addf %add3A_114, %get3A_120 : vector<16xf32>
      %mul3A_122 = arith.constant 16 : i32
      %mul3A_123 = arith.muli %scan3A_31, %mul3A_122 : i32
      %get3A_124 = arith.constant 13 : i32
      %get3A_125 = arith.index_cast %get3A_124 : i32 to index
      %get3A_126 = arith.index_cast %mul3A_123 : i32 to index
      %get3A_127 = tpu.vector_load %arg10[%get3A_125, %get3A_126] {strides = array<i32>} : memref<16x640xf32, #tpu.memory_space<vmem>>, vector<16xf32>,
      %add3A_128 = arith.addf %add3A_121, %get3A_127 : vector<16xf32>
      %mul3A_129 = arith.constant 16 : i32
      %mul3A_130 = arith.muli %scan3A_31, %mul3A_129 : i32
      %get3A_131 = arith.constant 14 : i32
      %get3A_132 = arith.index_cast %get3A_131 : i32 to index
      %get3A_133 = arith.index_cast %mul3A_130 : i32 to index
      %get3A_134 = tpu.vector_load %arg10[%get3A_132, %get3A_133] {strides = array<i32>} : memref<16x640xf32, #tpu.memory_space<vmem>>, vector<16xf32>,
      %add3A_135 = arith.addf %add3A_128, %get3A_134 : vector<16xf32>
      %mul3A_136 = arith.constant 16 : i32
      %mul3A_137 = arith.muli %scan3A_31, %mul3A_136 : i32
      %get3A_138 = arith.constant 15 : i32
      %get3A_139 = arith.index_cast %get3A_138 : i32 to index
      %get3A_140 = arith.index_cast %mul3A_137 : i32 to index
      %get3A_141 = tpu.vector_load %arg10[%get3A_139, %get3A_140] {strides = array<i32>} : memref<16x640xf32, #tpu.memory_space<vmem>>, vector<16xf32>,
      %add3A_142 = arith.addf %add3A_135, %get3A_141 : vector<16xf32>
      %mul3A_143 = arith.constant 16 : i32
      %mul3A_144 = arith.muli %scan3A_31, %mul3A_143 : i32
      %swap3A = arith.index_cast %mul3A_144 : i32 to index
      %swap3A_145 = tpu.vector_load %arg11[%swap3A] {strides = array<i32>} : memref<640xf32, #tpu.memory_space<vmem>>, vector<16xf32>,
      tpu.vector_store %arg11[%swap3A], %add3A_142 {strides = array<i32>} : memref<640xf32, #tpu.memory_space<vmem>>, vector<16xf32>,
    }
    %scan3A_24 = arith.constant 40 : i32
    "tpu.region"() ({
      %run_scoped3A = tpu.sem_alloc : memref<!tpu.dma_semaphore, #tpu.memory_space<semaphore_mem>>
      %dma_start3A = tpu.memref_slice %arg4[%arg0, %mul3A_18] : memref<2x10240xf32, #tpu.memory_space<hbm>> -> memref<1x640xf32, #tpu.memory_space<hbm>>
      %dma_start3A_31 = tpu.memref_squeeze %dma_start3A : memref<1x640xf32, #tpu.memory_space<hbm>> -> memref<640xf32, #tpu.memory_space<hbm>>
      %dma_start3A_32 = tpu.memref_slice %arg4[%arg0, %mul3A_18] : memref<2x10240xf32, #tpu.memory_space<hbm>> -> memref<1x640xf32, #tpu.memory_space<hbm>>
      %dma_start3A_33 = tpu.memref_squeeze %dma_start3A_32 : memref<1x640xf32, #tpu.memory_space<hbm>> -> memref<640xf32, #tpu.memory_space<hbm>>
      tpu.enqueue_dma source(%arg11 : memref<640xf32, #tpu.memory_space<vmem>>) target(%dma_start3A_33 : memref<640xf32, #tpu.memory_space<hbm>>) target_semaphore(%run_scoped3A : memref<!tpu.dma_semaphore, #tpu.memory_space<semaphore_mem>>)
      %dma_wait3A = tpu.memref_slice %arg4[%arg0, %mul3A_18] : memref<2x10240xf32, #tpu.memory_space<hbm>> -> memref<1x640xf32, #tpu.memory_space<hbm>>
      %dma_wait3A_34 = tpu.memref_squeeze %dma_wait3A : memref<1x640xf32, #tpu.memory_space<hbm>> -> memref<640xf32, #tpu.memory_space<hbm>>
      %dma_wait3A_35 = tpu.memref_slice %arg4[%arg0, %mul3A_18] : memref<2x10240xf32, #tpu.memory_space<hbm>> -> memref<1x640xf32, #tpu.memory_space<hbm>>
      %dma_wait3A_36 = tpu.memref_squeeze %dma_wait3A_35 : memref<1x640xf32, #tpu.memory_space<hbm>> -> memref<640xf32, #tpu.memory_space<hbm>>
      tpu.wait_dma2 semaphore(%run_scoped3A : memref<!tpu.dma_semaphore, #tpu.memory_space<semaphore_mem>>) src(%arg11 : memref<640xf32, #tpu.memory_space<vmem>>) dst(%dma_wait3A_36 : memref<640xf32, #tpu.memory_space<hbm>>)
      tpu.yield
    }) : () -> ()
    "tpu.region"() ({
      %run_scoped3A = tpu.sem_alloc : memref<!tpu.dma_semaphore, #tpu.memory_space<semaphore_mem>>
      %dma_start3A = arith.constant 0 : i32
      %dma_start3A_31 = tpu.memref_slice %arg13[%dma_start3A, %mul3A_18] : memref<16x10240xf32, #tpu.memory_space<vmem_shared>> -> memref<16x640xf32, #tpu.memory_space<vmem_shared>>
      %dma_start3A_32 = arith.constant 0 : i32
      %dma_start3A_33 = tpu.memref_slice %arg13[%dma_start3A_32, %mul3A_18] : memref<16x10240xf32, #tpu.memory_space<vmem_shared>> -> memref<16x640xf32, #tpu.memory_space<vmem_shared>>
      tpu.enqueue_dma source(%dma_start3A_33 : memref<16x640xf32, #tpu.memory_space<vmem_shared>>) target(%arg10 : memref<16x640xf32, #tpu.memory_space<vmem>>) target_semaphore(%run_scoped3A : memref<!tpu.dma_semaphore, #tpu.memory_space<semaphore_mem>>)
      %dma_wait3A = arith.constant 0 : i32
      %dma_wait3A_34 = tpu.memref_slice %arg13[%dma_wait3A, %mul3A_18] : memref<16x10240xf32, #tpu.memory_space<vmem_shared>> -> memref<16x640xf32, #tpu.memory_space<vmem_shared>>
      %dma_wait3A_35 = arith.constant 0 : i32
      %dma_wait3A_36 = tpu.memref_slice %arg13[%dma_wait3A_35, %mul3A_18] : memref<16x10240xf32, #tpu.memory_space<vmem_shared>> -> memref<16x640xf32, #tpu.memory_space<vmem_shared>>
      tpu.wait_dma2 semaphore(%run_scoped3A : memref<!tpu.dma_semaphore, #tpu.memory_space<semaphore_mem>>) src(%dma_wait3A_36 : memref<16x640xf32, #tpu.memory_space<vmem_shared>>) dst(%arg10 : memref<16x640xf32, #tpu.memory_space<vmem>>)
      tpu.yield
    }) : () -> ()
    %scan3A_25 = arith.constant 0 : i32
    %scan3A_26 = arith.constant 0 : i32
    %scan3A_27 = arith.constant 40 : i32
    %scan3A_28 = arith.addi %scan3A_26, %scan3A_27 : i32
    %scan3A_29 = arith.constant 1 : i32
    scf.for %scan3A_31 = %scan3A_26 to %scan3A_28 step %scan3A_29  : i32 {
      %mul3A_32 = arith.constant 16 : i32
      %mul3A_33 = arith.muli %scan3A_31, %mul3A_32 : i32
      %get3A = arith.constant 0 : i32
      %get3A_34 = arith.index_cast %get3A : i32 to index
      %get3A_35 = arith.index_cast %mul3A_33 : i32 to index
      %get3A_36 = tpu.vector_load %arg10[%get3A_34, %get3A_35] {strides = array<i32>} : memref<16x640xf32, #tpu.memory_space<vmem>>, vector<16xf32>,
      %add3A_37 = arith.addf %broadcast_in_dim3A_1, %get3A_36 : vector<16xf32>
      %mul3A_38 = arith.constant 16 : i32
      %mul3A_39 = arith.muli %scan3A_31, %mul3A_38 : i32
      %get3A_40 = arith.constant 1 : i32
      %get3A_41 = arith.index_cast %get3A_40 : i32 to index
      %get3A_42 = arith.index_cast %mul3A_39 : i32 to index
      %get3A_43 = tpu.vector_load %arg10[%get3A_41, %get3A_42] {strides = array<i32>} : memref<16x640xf32, #tpu.memory_space<vmem>>, vector<16xf32>,
      %add3A_44 = arith.addf %add3A_37, %get3A_43 : vector<16xf32>
      %mul3A_45 = arith.constant 16 : i32
      %mul3A_46 = arith.muli %scan3A_31, %mul3A_45 : i32
      %get3A_47 = arith.constant 2 : i32
      %get3A_48 = arith.index_cast %get3A_47 : i32 to index
      %get3A_49 = arith.index_cast %mul3A_46 : i32 to index
      %get3A_50 = tpu.vector_load %arg10[%get3A_48, %get3A_49] {strides = array<i32>} : memref<16x640xf32, #tpu.memory_space<vmem>>, vector<16xf32>,
      %add3A_51 = arith.addf %add3A_44, %get3A_50 : vector<16xf32>
      %mul3A_52 = arith.constant 16 : i32
      %mul3A_53 = arith.muli %scan3A_31, %mul3A_52 : i32
      %get3A_54 = arith.constant 3 : i32
      %get3A_55 = arith.index_cast %get3A_54 : i32 to index
      %get3A_56 = arith.index_cast %mul3A_53 : i32 to index
      %get3A_57 = tpu.vector_load %arg10[%get3A_55, %get3A_56] {strides = array<i32>} : memref<16x640xf32, #tpu.memory_space<vmem>>, vector<16xf32>,
      %add3A_58 = arith.addf %add3A_51, %get3A_57 : vector<16xf32>
      %mul3A_59 = arith.constant 16 : i32
      %mul3A_60 = arith.muli %scan3A_31, %mul3A_59 : i32
      %get3A_61 = arith.constant 4 : i32
      %get3A_62 = arith.index_cast %get3A_61 : i32 to index
      %get3A_63 = arith.index_cast %mul3A_60 : i32 to index
      %get3A_64 = tpu.vector_load %arg10[%get3A_62, %get3A_63] {strides = array<i32>} : memref<16x640xf32, #tpu.memory_space<vmem>>, vector<16xf32>,
      %add3A_65 = arith.addf %add3A_58, %get3A_64 : vector<16xf32>
      %mul3A_66 = arith.constant 16 : i32
      %mul3A_67 = arith.muli %scan3A_31, %mul3A_66 : i32
      %get3A_68 = arith.constant 5 : i32
      %get3A_69 = arith.index_cast %get3A_68 : i32 to index
      %get3A_70 = arith.index_cast %mul3A_67 : i32 to index
      %get3A_71 = tpu.vector_load %arg10[%get3A_69, %get3A_70] {strides = array<i32>} : memref<16x640xf32, #tpu.memory_space<vmem>>, vector<16xf32>,
      %add3A_72 = arith.addf %add3A_65, %get3A_71 : vector<16xf32>
      %mul3A_73 = arith.constant 16 : i32
      %mul3A_74 = arith.muli %scan3A_31, %mul3A_73 : i32
      %get3A_75 = arith.constant 6 : i32
      %get3A_76 = arith.index_cast %get3A_75 : i32 to index
      %get3A_77 = arith.index_cast %mul3A_74 : i32 to index
      %get3A_78 = tpu.vector_load %arg10[%get3A_76, %get3A_77] {strides = array<i32>} : memref<16x640xf32, #tpu.memory_space<vmem>>, vector<16xf32>,
      %add3A_79 = arith.addf %add3A_72, %get3A_78 : vector<16xf32>
      %mul3A_80 = arith.constant 16 : i32
      %mul3A_81 = arith.muli %scan3A_31, %mul3A_80 : i32
      %get3A_82 = arith.constant 7 : i32
      %get3A_83 = arith.index_cast %get3A_82 : i32 to index
      %get3A_84 = arith.index_cast %mul3A_81 : i32 to index
      %get3A_85 = tpu.vector_load %arg10[%get3A_83, %get3A_84] {strides = array<i32>} : memref<16x640xf32, #tpu.memory_space<vmem>>, vector<16xf32>,
      %add3A_86 = arith.addf %add3A_79, %get3A_85 : vector<16xf32>
      %mul3A_87 = arith.constant 16 : i32
      %mul3A_88 = arith.muli %scan3A_31, %mul3A_87 : i32
      %get3A_89 = arith.constant 8 : i32
      %get3A_90 = arith.index_cast %get3A_89 : i32 to index
      %get3A_91 = arith.index_cast %mul3A_88 : i32 to index
      %get3A_92 = tpu.vector_load %arg10[%get3A_90, %get3A_91] {strides = array<i32>} : memref<16x640xf32, #tpu.memory_space<vmem>>, vector<16xf32>,
      %add3A_93 = arith.addf %add3A_86, %get3A_92 : vector<16xf32>
      %mul3A_94 = arith.constant 16 : i32
      %mul3A_95 = arith.muli %scan3A_31, %mul3A_94 : i32
      %get3A_96 = arith.constant 9 : i32
      %get3A_97 = arith.index_cast %get3A_96 : i32 to index
      %get3A_98 = arith.index_cast %mul3A_95 : i32 to index
      %get3A_99 = tpu.vector_load %arg10[%get3A_97, %get3A_98] {strides = array<i32>} : memref<16x640xf32, #tpu.memory_space<vmem>>, vector<16xf32>,
      %add3A_100 = arith.addf %add3A_93, %get3A_99 : vector<16xf32>
      %mul3A_101 = arith.constant 16 : i32
      %mul3A_102 = arith.muli %scan3A_31, %mul3A_101 : i32
      %get3A_103 = arith.constant 10 : i32
      %get3A_104 = arith.index_cast %get3A_103 : i32 to index
      %get3A_105 = arith.index_cast %mul3A_102 : i32 to index
      %get3A_106 = tpu.vector_load %arg10[%get3A_104, %get3A_105] {strides = array<i32>} : memref<16x640xf32, #tpu.memory_space<vmem>>, vector<16xf32>,
      %add3A_107 = arith.addf %add3A_100, %get3A_106 : vector<16xf32>
      %mul3A_108 = arith.constant 16 : i32
      %mul3A_109 = arith.muli %scan3A_31, %mul3A_108 : i32
      %get3A_110 = arith.constant 11 : i32
      %get3A_111 = arith.index_cast %get3A_110 : i32 to index
      %get3A_112 = arith.index_cast %mul3A_109 : i32 to index
      %get3A_113 = tpu.vector_load %arg10[%get3A_111, %get3A_112] {strides = array<i32>} : memref<16x640xf32, #tpu.memory_space<vmem>>, vector<16xf32>,
      %add3A_114 = arith.addf %add3A_107, %get3A_113 : vector<16xf32>
      %mul3A_115 = arith.constant 16 : i32
      %mul3A_116 = arith.muli %scan3A_31, %mul3A_115 : i32
      %get3A_117 = arith.constant 12 : i32
      %get3A_118 = arith.index_cast %get3A_117 : i32 to index
      %get3A_119 = arith.index_cast %mul3A_116 : i32 to index
      %get3A_120 = tpu.vector_load %arg10[%get3A_118, %get3A_119] {strides = array<i32>} : memref<16x640xf32, #tpu.memory_space<vmem>>, vector<16xf32>,
      %add3A_121 = arith.addf %add3A_114, %get3A_120 : vector<16xf32>
      %mul3A_122 = arith.constant 16 : i32
      %mul3A_123 = arith.muli %scan3A_31, %mul3A_122 : i32
      %get3A_124 = arith.constant 13 : i32
      %get3A_125 = arith.index_cast %get3A_124 : i32 to index
      %get3A_126 = arith.index_cast %mul3A_123 : i32 to index
      %get3A_127 = tpu.vector_load %arg10[%get3A_125, %get3A_126] {strides = array<i32>} : memref<16x640xf32, #tpu.memory_space<vmem>>, vector<16xf32>,
      %add3A_128 = arith.addf %add3A_121, %get3A_127 : vector<16xf32>
      %mul3A_129 = arith.constant 16 : i32
      %mul3A_130 = arith.muli %scan3A_31, %mul3A_129 : i32
      %get3A_131 = arith.constant 14 : i32
      %get3A_132 = arith.index_cast %get3A_131 : i32 to index
      %get3A_133 = arith.index_cast %mul3A_130 : i32 to index
      %get3A_134 = tpu.vector_load %arg10[%get3A_132, %get3A_133] {strides = array<i32>} : memref<16x640xf32, #tpu.memory_space<vmem>>, vector<16xf32>,
      %add3A_135 = arith.addf %add3A_128, %get3A_134 : vector<16xf32>
      %mul3A_136 = arith.constant 16 : i32
      %mul3A_137 = arith.muli %scan3A_31, %mul3A_136 : i32
      %get3A_138 = arith.constant 15 : i32
      %get3A_139 = arith.index_cast %get3A_138 : i32 to index
      %get3A_140 = arith.index_cast %mul3A_137 : i32 to index
      %get3A_141 = tpu.vector_load %arg10[%get3A_139, %get3A_140] {strides = array<i32>} : memref<16x640xf32, #tpu.memory_space<vmem>>, vector<16xf32>,
      %add3A_142 = arith.addf %add3A_135, %get3A_141 : vector<16xf32>
      %mul3A_143 = arith.constant 16 : i32
      %mul3A_144 = arith.muli %scan3A_31, %mul3A_143 : i32
      %swap3A = arith.index_cast %mul3A_144 : i32 to index
      %swap3A_145 = tpu.vector_load %arg11[%swap3A] {strides = array<i32>} : memref<640xf32, #tpu.memory_space<vmem>>, vector<16xf32>,
      tpu.vector_store %arg11[%swap3A], %add3A_142 {strides = array<i32>} : memref<640xf32, #tpu.memory_space<vmem>>, vector<16xf32>,
    }
    %scan3A_30 = arith.constant 40 : i32
    "tpu.region"() ({
      %run_scoped3A = tpu.sem_alloc : memref<!tpu.dma_semaphore, #tpu.memory_space<semaphore_mem>>
      %dma_start3A = tpu.memref_slice %arg5[%arg0, %mul3A_18] : memref<2x10240xf32, #tpu.memory_space<hbm>> -> memref<1x640xf32, #tpu.memory_space<hbm>>
      %dma_start3A_31 = tpu.memref_squeeze %dma_start3A : memref<1x640xf32, #tpu.memory_space<hbm>> -> memref<640xf32, #tpu.memory_space<hbm>>
      %dma_start3A_32 = tpu.memref_slice %arg5[%arg0, %mul3A_18] : memref<2x10240xf32, #tpu.memory_space<hbm>> -> memref<1x640xf32, #tpu.memory_space<hbm>>
      %dma_start3A_33 = tpu.memref_squeeze %dma_start3A_32 : memref<1x640xf32, #tpu.memory_space<hbm>> -> memref<640xf32, #tpu.memory_space<hbm>>
      tpu.enqueue_dma source(%arg11 : memref<640xf32, #tpu.memory_space<vmem>>) target(%dma_start3A_33 : memref<640xf32, #tpu.memory_space<hbm>>) target_semaphore(%run_scoped3A : memref<!tpu.dma_semaphore, #tpu.memory_space<semaphore_mem>>)
      %dma_wait3A = tpu.memref_slice %arg5[%arg0, %mul3A_18] : memref<2x10240xf32, #tpu.memory_space<hbm>> -> memref<1x640xf32, #tpu.memory_space<hbm>>
      %dma_wait3A_34 = tpu.memref_squeeze %dma_wait3A : memref<1x640xf32, #tpu.memory_space<hbm>> -> memref<640xf32, #tpu.memory_space<hbm>>
      %dma_wait3A_35 = tpu.memref_slice %arg5[%arg0, %mul3A_18] : memref<2x10240xf32, #tpu.memory_space<hbm>> -> memref<1x640xf32, #tpu.memory_space<hbm>>
      %dma_wait3A_36 = tpu.memref_squeeze %dma_wait3A_35 : memref<1x640xf32, #tpu.memory_space<hbm>> -> memref<640xf32, #tpu.memory_space<hbm>>
      tpu.wait_dma2 semaphore(%run_scoped3A : memref<!tpu.dma_semaphore, #tpu.memory_space<semaphore_mem>>) src(%arg11 : memref<640xf32, #tpu.memory_space<vmem>>) dst(%dma_wait3A_36 : memref<640xf32, #tpu.memory_space<hbm>>)
      tpu.yield
    }) : () -> ()
    return
  }
}

#map = affine_map<(d0, d1) -> (0)>
#map1 = affine_map<(d0, d1) -> (0, 0)>
module attributes {stable_mosaic.version = 14 : i64} {
  func.func @body_unweighted(%arg0: i32, %arg1: i32, %arg2: memref<320000xi32, #tpu.memory_space<hbm>>, %arg3: memref<320000xi32, #tpu.memory_space<hbm>>, %arg4: memref<40000xf32, #tpu.memory_space<hbm>>, %arg5: memref<32x40960xf32, #tpu.memory_space<hbm>>, %arg6: memref<40000xf32, #tpu.memory_space<vmem>>, %arg7: memref<40960xf32, #tpu.memory_space<vmem>>, %arg8: memref<2000xi32, #tpu.memory_space<vmem>>, %arg9: memref<2000xi32, #tpu.memory_space<vmem>>, %arg10: memref<2000xf32, #tpu.memory_space<vmem>>) attributes {dimension_semantics = [#tpu.dimension_semantics<core_parallel>, #tpu.dimension_semantics<subcore_parallel>], iteration_bounds = array<i64: 2, 16>, scalar_prefetch = 0 : i64, scratch_operands = 5 : i64, tpu.core_type = #tpu.core_type<sc_vector_subcore>, window_params = [{transform_indices = #map}, {transform_indices = #map}, {transform_indices = #map}, {transform_indices = #map1}]} {
    %mul3A = arith.constant 2 : i32
    %mul3A_0 = arith.muli %arg1, %mul3A : i32
    %add3A = arith.addi %mul3A_0, %arg0 : i32
    %broadcast_in_dim3A = arith.constant 0.000000e+00 : f32
    %broadcast_in_dim3A_1 = vector.broadcast %broadcast_in_dim3A : f32 to vector<16xf32>
    %scan3A = arith.constant 0 : i32
    %scan3A_2 = arith.constant 0 : i32
    %scan3A_3 = arith.constant 320 : i32
    %scan3A_4 = arith.addi %scan3A_2, %scan3A_3 : i32
    %scan3A_5 = arith.constant 1 : i32
    scf.for %scan3A_21 = %scan3A_2 to %scan3A_4 step %scan3A_5  : i32 {
      %mul3A_22 = arith.constant 8 : i32
      %mul3A_23 = arith.muli %scan3A_21, %mul3A_22 : i32
      %add3A_24 = arith.constant 0 : i32
      %add3A_25 = arith.addi %mul3A_23, %add3A_24 : i32
      %mul3A_26 = arith.constant 16 : i32
      %mul3A_27 = arith.muli %add3A_25, %mul3A_26 : i32
      %swap3A = arith.index_cast %mul3A_27 : i32 to index
      %swap3A_28 = tpu.vector_load %arg7[%swap3A] {strides = array<i32>} : memref<40960xf32, #tpu.memory_space<vmem>>, vector<16xf32>,
      tpu.vector_store %arg7[%swap3A], %broadcast_in_dim3A_1 {strides = array<i32>} : memref<40960xf32, #tpu.memory_space<vmem>>, vector<16xf32>,
      %mul3A_29 = arith.constant 8 : i32
      %mul3A_30 = arith.muli %scan3A_21, %mul3A_29 : i32
      %add3A_31 = arith.constant 1 : i32
      %add3A_32 = arith.addi %mul3A_30, %add3A_31 : i32
      %mul3A_33 = arith.constant 16 : i32
      %mul3A_34 = arith.muli %add3A_32, %mul3A_33 : i32
      %swap3A_35 = arith.index_cast %mul3A_34 : i32 to index
      %swap3A_36 = tpu.vector_load %arg7[%swap3A_35] {strides = array<i32>} : memref<40960xf32, #tpu.memory_space<vmem>>, vector<16xf32>,
      tpu.vector_store %arg7[%swap3A_35], %broadcast_in_dim3A_1 {strides = array<i32>} : memref<40960xf32, #tpu.memory_space<vmem>>, vector<16xf32>,
      %mul3A_37 = arith.constant 8 : i32
      %mul3A_38 = arith.muli %scan3A_21, %mul3A_37 : i32
      %add3A_39 = arith.constant 2 : i32
      %add3A_40 = arith.addi %mul3A_38, %add3A_39 : i32
      %mul3A_41 = arith.constant 16 : i32
      %mul3A_42 = arith.muli %add3A_40, %mul3A_41 : i32
      %swap3A_43 = arith.index_cast %mul3A_42 : i32 to index
      %swap3A_44 = tpu.vector_load %arg7[%swap3A_43] {strides = array<i32>} : memref<40960xf32, #tpu.memory_space<vmem>>, vector<16xf32>,
      tpu.vector_store %arg7[%swap3A_43], %broadcast_in_dim3A_1 {strides = array<i32>} : memref<40960xf32, #tpu.memory_space<vmem>>, vector<16xf32>,
      %mul3A_45 = arith.constant 8 : i32
      %mul3A_46 = arith.muli %scan3A_21, %mul3A_45 : i32
      %add3A_47 = arith.constant 3 : i32
      %add3A_48 = arith.addi %mul3A_46, %add3A_47 : i32
      %mul3A_49 = arith.constant 16 : i32
      %mul3A_50 = arith.muli %add3A_48, %mul3A_49 : i32
      %swap3A_51 = arith.index_cast %mul3A_50 : i32 to index
      %swap3A_52 = tpu.vector_load %arg7[%swap3A_51] {strides = array<i32>} : memref<40960xf32, #tpu.memory_space<vmem>>, vector<16xf32>,
      tpu.vector_store %arg7[%swap3A_51], %broadcast_in_dim3A_1 {strides = array<i32>} : memref<40960xf32, #tpu.memory_space<vmem>>, vector<16xf32>,
      %mul3A_53 = arith.constant 8 : i32
      %mul3A_54 = arith.muli %scan3A_21, %mul3A_53 : i32
      %add3A_55 = arith.constant 4 : i32
      %add3A_56 = arith.addi %mul3A_54, %add3A_55 : i32
      %mul3A_57 = arith.constant 16 : i32
      %mul3A_58 = arith.muli %add3A_56, %mul3A_57 : i32
      %swap3A_59 = arith.index_cast %mul3A_58 : i32 to index
      %swap3A_60 = tpu.vector_load %arg7[%swap3A_59] {strides = array<i32>} : memref<40960xf32, #tpu.memory_space<vmem>>, vector<16xf32>,
      tpu.vector_store %arg7[%swap3A_59], %broadcast_in_dim3A_1 {strides = array<i32>} : memref<40960xf32, #tpu.memory_space<vmem>>, vector<16xf32>,
      %mul3A_61 = arith.constant 8 : i32
      %mul3A_62 = arith.muli %scan3A_21, %mul3A_61 : i32
      %add3A_63 = arith.constant 5 : i32
      %add3A_64 = arith.addi %mul3A_62, %add3A_63 : i32
      %mul3A_65 = arith.constant 16 : i32
      %mul3A_66 = arith.muli %add3A_64, %mul3A_65 : i32
      %swap3A_67 = arith.index_cast %mul3A_66 : i32 to index
      %swap3A_68 = tpu.vector_load %arg7[%swap3A_67] {strides = array<i32>} : memref<40960xf32, #tpu.memory_space<vmem>>, vector<16xf32>,
      tpu.vector_store %arg7[%swap3A_67], %broadcast_in_dim3A_1 {strides = array<i32>} : memref<40960xf32, #tpu.memory_space<vmem>>, vector<16xf32>,
      %mul3A_69 = arith.constant 8 : i32
      %mul3A_70 = arith.muli %scan3A_21, %mul3A_69 : i32
      %add3A_71 = arith.constant 6 : i32
      %add3A_72 = arith.addi %mul3A_70, %add3A_71 : i32
      %mul3A_73 = arith.constant 16 : i32
      %mul3A_74 = arith.muli %add3A_72, %mul3A_73 : i32
      %swap3A_75 = arith.index_cast %mul3A_74 : i32 to index
      %swap3A_76 = tpu.vector_load %arg7[%swap3A_75] {strides = array<i32>} : memref<40960xf32, #tpu.memory_space<vmem>>, vector<16xf32>,
      tpu.vector_store %arg7[%swap3A_75], %broadcast_in_dim3A_1 {strides = array<i32>} : memref<40960xf32, #tpu.memory_space<vmem>>, vector<16xf32>,
      %mul3A_77 = arith.constant 8 : i32
      %mul3A_78 = arith.muli %scan3A_21, %mul3A_77 : i32
      %add3A_79 = arith.constant 7 : i32
      %add3A_80 = arith.addi %mul3A_78, %add3A_79 : i32
      %mul3A_81 = arith.constant 16 : i32
      %mul3A_82 = arith.muli %add3A_80, %mul3A_81 : i32
      %swap3A_83 = arith.index_cast %mul3A_82 : i32 to index
      %swap3A_84 = tpu.vector_load %arg7[%swap3A_83] {strides = array<i32>} : memref<40960xf32, #tpu.memory_space<vmem>>, vector<16xf32>,
      tpu.vector_store %arg7[%swap3A_83], %broadcast_in_dim3A_1 {strides = array<i32>} : memref<40960xf32, #tpu.memory_space<vmem>>, vector<16xf32>,
    }
    %scan3A_6 = arith.constant 320 : i32
    "tpu.region"() ({
      %run_scoped3A = tpu.sem_alloc : memref<!tpu.dma_semaphore, #tpu.memory_space<semaphore_mem>>
      tpu.enqueue_dma source(%arg4 : memref<40000xf32, #tpu.memory_space<hbm>>) target(%arg6 : memref<40000xf32, #tpu.memory_space<vmem>>) target_semaphore(%run_scoped3A : memref<!tpu.dma_semaphore, #tpu.memory_space<semaphore_mem>>)
      tpu.wait_dma2 semaphore(%run_scoped3A : memref<!tpu.dma_semaphore, #tpu.memory_space<semaphore_mem>>) src(%arg4 : memref<40000xf32, #tpu.memory_space<hbm>>) dst(%arg6 : memref<40000xf32, #tpu.memory_space<vmem>>)
      tpu.yield
    }) : () -> ()
    %mul3A_7 = arith.constant 10000 : i32
    %mul3A_8 = arith.muli %add3A, %mul3A_7 : i32
    %scan3A_9 = arith.constant 0 : i32
    %scan3A_10 = arith.constant 0 : i32
    %scan3A_11 = arith.constant 5 : i32
    %scan3A_12 = arith.addi %scan3A_10, %scan3A_11 : i32
    %scan3A_13 = arith.constant 1 : i32
    scf.for %scan3A_21 = %scan3A_10 to %scan3A_12 step %scan3A_13  : i32 {
      %mul3A_22 = arith.constant 2000 : i32
      %mul3A_23 = arith.muli %scan3A_21, %mul3A_22 : i32
      %add3A_24 = arith.addi %mul3A_8, %mul3A_23 : i32
      "tpu.region"() ({
        %run_scoped3A = tpu.sem_alloc : memref<!tpu.dma_semaphore, #tpu.memory_space<semaphore_mem>>
        %dma_start3A = tpu.memref_slice %arg2[%add3A_24] : memref<320000xi32, #tpu.memory_space<hbm>> -> memref<2000xi32, #tpu.memory_space<hbm>>
        %dma_start3A_34 = tpu.memref_slice %arg2[%add3A_24] : memref<320000xi32, #tpu.memory_space<hbm>> -> memref<2000xi32, #tpu.memory_space<hbm>>
        tpu.enqueue_dma source(%dma_start3A_34 : memref<2000xi32, #tpu.memory_space<hbm>>) target(%arg8 : memref<2000xi32, #tpu.memory_space<vmem>>) target_semaphore(%run_scoped3A : memref<!tpu.dma_semaphore, #tpu.memory_space<semaphore_mem>>)
        %dma_wait3A = tpu.memref_slice %arg2[%add3A_24] : memref<320000xi32, #tpu.memory_space<hbm>> -> memref<2000xi32, #tpu.memory_space<hbm>>
        %dma_wait3A_35 = tpu.memref_slice %arg2[%add3A_24] : memref<320000xi32, #tpu.memory_space<hbm>> -> memref<2000xi32, #tpu.memory_space<hbm>>
        tpu.wait_dma2 semaphore(%run_scoped3A : memref<!tpu.dma_semaphore, #tpu.memory_space<semaphore_mem>>) src(%dma_wait3A_35 : memref<2000xi32, #tpu.memory_space<hbm>>) dst(%arg8 : memref<2000xi32, #tpu.memory_space<vmem>>)
        tpu.yield
      }) : () -> ()
      %mul3A_25 = arith.constant 2000 : i32
      %mul3A_26 = arith.muli %scan3A_21, %mul3A_25 : i32
      %add3A_27 = arith.addi %mul3A_8, %mul3A_26 : i32
      "tpu.region"() ({
        %run_scoped3A = tpu.sem_alloc : memref<!tpu.dma_semaphore, #tpu.memory_space<semaphore_mem>>
        %dma_start3A = tpu.memref_slice %arg3[%add3A_27] : memref<320000xi32, #tpu.memory_space<hbm>> -> memref<2000xi32, #tpu.memory_space<hbm>>
        %dma_start3A_34 = tpu.memref_slice %arg3[%add3A_27] : memref<320000xi32, #tpu.memory_space<hbm>> -> memref<2000xi32, #tpu.memory_space<hbm>>
        tpu.enqueue_dma source(%dma_start3A_34 : memref<2000xi32, #tpu.memory_space<hbm>>) target(%arg9 : memref<2000xi32, #tpu.memory_space<vmem>>) target_semaphore(%run_scoped3A : memref<!tpu.dma_semaphore, #tpu.memory_space<semaphore_mem>>)
        %dma_wait3A = tpu.memref_slice %arg3[%add3A_27] : memref<320000xi32, #tpu.memory_space<hbm>> -> memref<2000xi32, #tpu.memory_space<hbm>>
        %dma_wait3A_35 = tpu.memref_slice %arg3[%add3A_27] : memref<320000xi32, #tpu.memory_space<hbm>> -> memref<2000xi32, #tpu.memory_space<hbm>>
        tpu.wait_dma2 semaphore(%run_scoped3A : memref<!tpu.dma_semaphore, #tpu.memory_space<semaphore_mem>>) src(%dma_wait3A_35 : memref<2000xi32, #tpu.memory_space<hbm>>) dst(%arg9 : memref<2000xi32, #tpu.memory_space<vmem>>)
        tpu.yield
      }) : () -> ()
      %scan3A_28 = arith.constant 0 : i32
      %scan3A_29 = arith.constant 0 : i32
      %scan3A_30 = arith.constant 25 : i32
      %scan3A_31 = arith.addi %scan3A_29, %scan3A_30 : i32
      %scan3A_32 = arith.constant 1 : i32
      scf.for %scan3A_34 = %scan3A_29 to %scan3A_31 step %scan3A_32  : i32 {
        %mul3A_35 = arith.constant 5 : i32
        %mul3A_36 = arith.muli %scan3A_34, %mul3A_35 : i32
        %add3A_37 = arith.constant 0 : i32
        %add3A_38 = arith.addi %mul3A_36, %add3A_37 : i32
        %mul3A_39 = arith.constant 16 : i32
        %mul3A_40 = arith.muli %add3A_38, %mul3A_39 : i32
        %get3A = arith.index_cast %mul3A_40 : i32 to index
        %get3A_41 = tpu.vector_load %arg8[%get3A] {strides = array<i32>} : memref<2000xi32, #tpu.memory_space<vmem>>, vector<16xi32>,
        %mul3A_42 = arith.constant 4 : i32
        %mul3A_43 = vector.broadcast %mul3A_42 : i32 to vector<16xi32>
        %mul3A_44 = arith.muli %get3A_41, %mul3A_43 : vector<16xi32>
        %get3A_45 = arith.index_cast %mul3A_40 : i32 to index
        %get3A_46 = tpu.vector_load %arg9[%get3A_45] {strides = array<i32>} : memref<2000xi32, #tpu.memory_space<vmem>>, vector<16xi32>,
        %mul3A_47 = arith.constant 4 : i32
        %mul3A_48 = vector.broadcast %mul3A_47 : i32 to vector<16xi32>
        %mul3A_49 = arith.muli %get3A_46, %mul3A_48 : vector<16xi32>
        %add3A_50 = arith.constant 0 : i32
        %add3A_51 = vector.broadcast %add3A_50 : i32 to vector<16xi32>
        %add3A_52 = arith.addi %mul3A_44, %add3A_51 : vector<16xi32>
        %gather3A = tpu.vector_load_idx %arg6[%add3A_52] : memref<40000xf32, #tpu.memory_space<vmem>>[vector<16xi32>], vector<16xf32>,
        %add3A_53 = arith.constant 0 : i32
        %add3A_54 = vector.broadcast %add3A_53 : i32 to vector<16xi32>
        %add3A_55 = arith.addi %mul3A_49, %add3A_54 : vector<16xi32>
        tpu.vector_store_idx %arg7[%add3A_55], %gather3A {add = true} : memref<40960xf32, #tpu.memory_space<vmem>>[vector<16xi32>], vector<16xf32>,
        %add3A_56 = arith.constant 1 : i32
        %add3A_57 = vector.broadcast %add3A_56 : i32 to vector<16xi32>
        %add3A_58 = arith.addi %mul3A_44, %add3A_57 : vector<16xi32>
        %gather3A_59 = tpu.vector_load_idx %arg6[%add3A_58] : memref<40000xf32, #tpu.memory_space<vmem>>[vector<16xi32>], vector<16xf32>,
        %add3A_60 = arith.constant 1 : i32
        %add3A_61 = vector.broadcast %add3A_60 : i32 to vector<16xi32>
        %add3A_62 = arith.addi %mul3A_49, %add3A_61 : vector<16xi32>
        tpu.vector_store_idx %arg7[%add3A_62], %gather3A_59 {add = true} : memref<40960xf32, #tpu.memory_space<vmem>>[vector<16xi32>], vector<16xf32>,
        %add3A_63 = arith.constant 2 : i32
        %add3A_64 = vector.broadcast %add3A_63 : i32 to vector<16xi32>
        %add3A_65 = arith.addi %mul3A_44, %add3A_64 : vector<16xi32>
        %gather3A_66 = tpu.vector_load_idx %arg6[%add3A_65] : memref<40000xf32, #tpu.memory_space<vmem>>[vector<16xi32>], vector<16xf32>,
        %add3A_67 = arith.constant 2 : i32
        %add3A_68 = vector.broadcast %add3A_67 : i32 to vector<16xi32>
        %add3A_69 = arith.addi %mul3A_49, %add3A_68 : vector<16xi32>
        tpu.vector_store_idx %arg7[%add3A_69], %gather3A_66 {add = true} : memref<40960xf32, #tpu.memory_space<vmem>>[vector<16xi32>], vector<16xf32>,
        %add3A_70 = arith.constant 3 : i32
        %add3A_71 = vector.broadcast %add3A_70 : i32 to vector<16xi32>
        %add3A_72 = arith.addi %mul3A_44, %add3A_71 : vector<16xi32>
        %gather3A_73 = tpu.vector_load_idx %arg6[%add3A_72] : memref<40000xf32, #tpu.memory_space<vmem>>[vector<16xi32>], vector<16xf32>,
        %add3A_74 = arith.constant 3 : i32
        %add3A_75 = vector.broadcast %add3A_74 : i32 to vector<16xi32>
        %add3A_76 = arith.addi %mul3A_49, %add3A_75 : vector<16xi32>
        tpu.vector_store_idx %arg7[%add3A_76], %gather3A_73 {add = true} : memref<40960xf32, #tpu.memory_space<vmem>>[vector<16xi32>], vector<16xf32>,
        %mul3A_77 = arith.constant 5 : i32
        %mul3A_78 = arith.muli %scan3A_34, %mul3A_77 : i32
        %add3A_79 = arith.constant 1 : i32
        %add3A_80 = arith.addi %mul3A_78, %add3A_79 : i32
        %mul3A_81 = arith.constant 16 : i32
        %mul3A_82 = arith.muli %add3A_80, %mul3A_81 : i32
        %get3A_83 = arith.index_cast %mul3A_82 : i32 to index
        %get3A_84 = tpu.vector_load %arg8[%get3A_83] {strides = array<i32>} : memref<2000xi32, #tpu.memory_space<vmem>>, vector<16xi32>,
        %mul3A_85 = arith.constant 4 : i32
        %mul3A_86 = vector.broadcast %mul3A_85 : i32 to vector<16xi32>
        %mul3A_87 = arith.muli %get3A_84, %mul3A_86 : vector<16xi32>
        %get3A_88 = arith.index_cast %mul3A_82 : i32 to index
        %get3A_89 = tpu.vector_load %arg9[%get3A_88] {strides = array<i32>} : memref<2000xi32, #tpu.memory_space<vmem>>, vector<16xi32>,
        %mul3A_90 = arith.constant 4 : i32
        %mul3A_91 = vector.broadcast %mul3A_90 : i32 to vector<16xi32>
        %mul3A_92 = arith.muli %get3A_89, %mul3A_91 : vector<16xi32>
        %add3A_93 = arith.constant 0 : i32
        %add3A_94 = vector.broadcast %add3A_93 : i32 to vector<16xi32>
        %add3A_95 = arith.addi %mul3A_87, %add3A_94 : vector<16xi32>
        %gather3A_96 = tpu.vector_load_idx %arg6[%add3A_95] : memref<40000xf32, #tpu.memory_space<vmem>>[vector<16xi32>], vector<16xf32>,
        %add3A_97 = arith.constant 0 : i32
        %add3A_98 = vector.broadcast %add3A_97 : i32 to vector<16xi32>
        %add3A_99 = arith.addi %mul3A_92, %add3A_98 : vector<16xi32>
        tpu.vector_store_idx %arg7[%add3A_99], %gather3A_96 {add = true} : memref<40960xf32, #tpu.memory_space<vmem>>[vector<16xi32>], vector<16xf32>,
        %add3A_100 = arith.constant 1 : i32
        %add3A_101 = vector.broadcast %add3A_100 : i32 to vector<16xi32>
        %add3A_102 = arith.addi %mul3A_87, %add3A_101 : vector<16xi32>
        %gather3A_103 = tpu.vector_load_idx %arg6[%add3A_102] : memref<40000xf32, #tpu.memory_space<vmem>>[vector<16xi32>], vector<16xf32>,
        %add3A_104 = arith.constant 1 : i32
        %add3A_105 = vector.broadcast %add3A_104 : i32 to vector<16xi32>
        %add3A_106 = arith.addi %mul3A_92, %add3A_105 : vector<16xi32>
        tpu.vector_store_idx %arg7[%add3A_106], %gather3A_103 {add = true} : memref<40960xf32, #tpu.memory_space<vmem>>[vector<16xi32>], vector<16xf32>,
        %add3A_107 = arith.constant 2 : i32
        %add3A_108 = vector.broadcast %add3A_107 : i32 to vector<16xi32>
        %add3A_109 = arith.addi %mul3A_87, %add3A_108 : vector<16xi32>
        %gather3A_110 = tpu.vector_load_idx %arg6[%add3A_109] : memref<40000xf32, #tpu.memory_space<vmem>>[vector<16xi32>], vector<16xf32>,
        %add3A_111 = arith.constant 2 : i32
        %add3A_112 = vector.broadcast %add3A_111 : i32 to vector<16xi32>
        %add3A_113 = arith.addi %mul3A_92, %add3A_112 : vector<16xi32>
        tpu.vector_store_idx %arg7[%add3A_113], %gather3A_110 {add = true} : memref<40960xf32, #tpu.memory_space<vmem>>[vector<16xi32>], vector<16xf32>,
        %add3A_114 = arith.constant 3 : i32
        %add3A_115 = vector.broadcast %add3A_114 : i32 to vector<16xi32>
        %add3A_116 = arith.addi %mul3A_87, %add3A_115 : vector<16xi32>
        %gather3A_117 = tpu.vector_load_idx %arg6[%add3A_116] : memref<40000xf32, #tpu.memory_space<vmem>>[vector<16xi32>], vector<16xf32>,
        %add3A_118 = arith.constant 3 : i32
        %add3A_119 = vector.broadcast %add3A_118 : i32 to vector<16xi32>
        %add3A_120 = arith.addi %mul3A_92, %add3A_119 : vector<16xi32>
        tpu.vector_store_idx %arg7[%add3A_120], %gather3A_117 {add = true} : memref<40960xf32, #tpu.memory_space<vmem>>[vector<16xi32>], vector<16xf32>,
        %mul3A_121 = arith.constant 5 : i32
        %mul3A_122 = arith.muli %scan3A_34, %mul3A_121 : i32
        %add3A_123 = arith.constant 2 : i32
        %add3A_124 = arith.addi %mul3A_122, %add3A_123 : i32
        %mul3A_125 = arith.constant 16 : i32
        %mul3A_126 = arith.muli %add3A_124, %mul3A_125 : i32
        %get3A_127 = arith.index_cast %mul3A_126 : i32 to index
        %get3A_128 = tpu.vector_load %arg8[%get3A_127] {strides = array<i32>} : memref<2000xi32, #tpu.memory_space<vmem>>, vector<16xi32>,
        %mul3A_129 = arith.constant 4 : i32
        %mul3A_130 = vector.broadcast %mul3A_129 : i32 to vector<16xi32>
        %mul3A_131 = arith.muli %get3A_128, %mul3A_130 : vector<16xi32>
        %get3A_132 = arith.index_cast %mul3A_126 : i32 to index
        %get3A_133 = tpu.vector_load %arg9[%get3A_132] {strides = array<i32>} : memref<2000xi32, #tpu.memory_space<vmem>>, vector<16xi32>,
        %mul3A_134 = arith.constant 4 : i32
        %mul3A_135 = vector.broadcast %mul3A_134 : i32 to vector<16xi32>
        %mul3A_136 = arith.muli %get3A_133, %mul3A_135 : vector<16xi32>
        %add3A_137 = arith.constant 0 : i32
        %add3A_138 = vector.broadcast %add3A_137 : i32 to vector<16xi32>
        %add3A_139 = arith.addi %mul3A_131, %add3A_138 : vector<16xi32>
        %gather3A_140 = tpu.vector_load_idx %arg6[%add3A_139] : memref<40000xf32, #tpu.memory_space<vmem>>[vector<16xi32>], vector<16xf32>,
        %add3A_141 = arith.constant 0 : i32
        %add3A_142 = vector.broadcast %add3A_141 : i32 to vector<16xi32>
        %add3A_143 = arith.addi %mul3A_136, %add3A_142 : vector<16xi32>
        tpu.vector_store_idx %arg7[%add3A_143], %gather3A_140 {add = true} : memref<40960xf32, #tpu.memory_space<vmem>>[vector<16xi32>], vector<16xf32>,
        %add3A_144 = arith.constant 1 : i32
        %add3A_145 = vector.broadcast %add3A_144 : i32 to vector<16xi32>
        %add3A_146 = arith.addi %mul3A_131, %add3A_145 : vector<16xi32>
        %gather3A_147 = tpu.vector_load_idx %arg6[%add3A_146] : memref<40000xf32, #tpu.memory_space<vmem>>[vector<16xi32>], vector<16xf32>,
        %add3A_148 = arith.constant 1 : i32
        %add3A_149 = vector.broadcast %add3A_148 : i32 to vector<16xi32>
        %add3A_150 = arith.addi %mul3A_136, %add3A_149 : vector<16xi32>
        tpu.vector_store_idx %arg7[%add3A_150], %gather3A_147 {add = true} : memref<40960xf32, #tpu.memory_space<vmem>>[vector<16xi32>], vector<16xf32>,
        %add3A_151 = arith.constant 2 : i32
        %add3A_152 = vector.broadcast %add3A_151 : i32 to vector<16xi32>
        %add3A_153 = arith.addi %mul3A_131, %add3A_152 : vector<16xi32>
        %gather3A_154 = tpu.vector_load_idx %arg6[%add3A_153] : memref<40000xf32, #tpu.memory_space<vmem>>[vector<16xi32>], vector<16xf32>,
        %add3A_155 = arith.constant 2 : i32
        %add3A_156 = vector.broadcast %add3A_155 : i32 to vector<16xi32>
        %add3A_157 = arith.addi %mul3A_136, %add3A_156 : vector<16xi32>
        tpu.vector_store_idx %arg7[%add3A_157], %gather3A_154 {add = true} : memref<40960xf32, #tpu.memory_space<vmem>>[vector<16xi32>], vector<16xf32>,
        %add3A_158 = arith.constant 3 : i32
        %add3A_159 = vector.broadcast %add3A_158 : i32 to vector<16xi32>
        %add3A_160 = arith.addi %mul3A_131, %add3A_159 : vector<16xi32>
        %gather3A_161 = tpu.vector_load_idx %arg6[%add3A_160] : memref<40000xf32, #tpu.memory_space<vmem>>[vector<16xi32>], vector<16xf32>,
        %add3A_162 = arith.constant 3 : i32
        %add3A_163 = vector.broadcast %add3A_162 : i32 to vector<16xi32>
        %add3A_164 = arith.addi %mul3A_136, %add3A_163 : vector<16xi32>
        tpu.vector_store_idx %arg7[%add3A_164], %gather3A_161 {add = true} : memref<40960xf32, #tpu.memory_space<vmem>>[vector<16xi32>], vector<16xf32>,
        %mul3A_165 = arith.constant 5 : i32
        %mul3A_166 = arith.muli %scan3A_34, %mul3A_165 : i32
        %add3A_167 = arith.constant 3 : i32
        %add3A_168 = arith.addi %mul3A_166, %add3A_167 : i32
        %mul3A_169 = arith.constant 16 : i32
        %mul3A_170 = arith.muli %add3A_168, %mul3A_169 : i32
        %get3A_171 = arith.index_cast %mul3A_170 : i32 to index
        %get3A_172 = tpu.vector_load %arg8[%get3A_171] {strides = array<i32>} : memref<2000xi32, #tpu.memory_space<vmem>>, vector<16xi32>,
        %mul3A_173 = arith.constant 4 : i32
        %mul3A_174 = vector.broadcast %mul3A_173 : i32 to vector<16xi32>
        %mul3A_175 = arith.muli %get3A_172, %mul3A_174 : vector<16xi32>
        %get3A_176 = arith.index_cast %mul3A_170 : i32 to index
        %get3A_177 = tpu.vector_load %arg9[%get3A_176] {strides = array<i32>} : memref<2000xi32, #tpu.memory_space<vmem>>, vector<16xi32>,
        %mul3A_178 = arith.constant 4 : i32
        %mul3A_179 = vector.broadcast %mul3A_178 : i32 to vector<16xi32>
        %mul3A_180 = arith.muli %get3A_177, %mul3A_179 : vector<16xi32>
        %add3A_181 = arith.constant 0 : i32
        %add3A_182 = vector.broadcast %add3A_181 : i32 to vector<16xi32>
        %add3A_183 = arith.addi %mul3A_175, %add3A_182 : vector<16xi32>
        %gather3A_184 = tpu.vector_load_idx %arg6[%add3A_183] : memref<40000xf32, #tpu.memory_space<vmem>>[vector<16xi32>], vector<16xf32>,
        %add3A_185 = arith.constant 0 : i32
        %add3A_186 = vector.broadcast %add3A_185 : i32 to vector<16xi32>
        %add3A_187 = arith.addi %mul3A_180, %add3A_186 : vector<16xi32>
        tpu.vector_store_idx %arg7[%add3A_187], %gather3A_184 {add = true} : memref<40960xf32, #tpu.memory_space<vmem>>[vector<16xi32>], vector<16xf32>,
        %add3A_188 = arith.constant 1 : i32
        %add3A_189 = vector.broadcast %add3A_188 : i32 to vector<16xi32>
        %add3A_190 = arith.addi %mul3A_175, %add3A_189 : vector<16xi32>
        %gather3A_191 = tpu.vector_load_idx %arg6[%add3A_190] : memref<40000xf32, #tpu.memory_space<vmem>>[vector<16xi32>], vector<16xf32>,
        %add3A_192 = arith.constant 1 : i32
        %add3A_193 = vector.broadcast %add3A_192 : i32 to vector<16xi32>
        %add3A_194 = arith.addi %mul3A_180, %add3A_193 : vector<16xi32>
        tpu.vector_store_idx %arg7[%add3A_194], %gather3A_191 {add = true} : memref<40960xf32, #tpu.memory_space<vmem>>[vector<16xi32>], vector<16xf32>,
        %add3A_195 = arith.constant 2 : i32
        %add3A_196 = vector.broadcast %add3A_195 : i32 to vector<16xi32>
        %add3A_197 = arith.addi %mul3A_175, %add3A_196 : vector<16xi32>
        %gather3A_198 = tpu.vector_load_idx %arg6[%add3A_197] : memref<40000xf32, #tpu.memory_space<vmem>>[vector<16xi32>], vector<16xf32>,
        %add3A_199 = arith.constant 2 : i32
        %add3A_200 = vector.broadcast %add3A_199 : i32 to vector<16xi32>
        %add3A_201 = arith.addi %mul3A_180, %add3A_200 : vector<16xi32>
        tpu.vector_store_idx %arg7[%add3A_201], %gather3A_198 {add = true} : memref<40960xf32, #tpu.memory_space<vmem>>[vector<16xi32>], vector<16xf32>,
        %add3A_202 = arith.constant 3 : i32
        %add3A_203 = vector.broadcast %add3A_202 : i32 to vector<16xi32>
        %add3A_204 = arith.addi %mul3A_175, %add3A_203 : vector<16xi32>
        %gather3A_205 = tpu.vector_load_idx %arg6[%add3A_204] : memref<40000xf32, #tpu.memory_space<vmem>>[vector<16xi32>], vector<16xf32>,
        %add3A_206 = arith.constant 3 : i32
        %add3A_207 = vector.broadcast %add3A_206 : i32 to vector<16xi32>
        %add3A_208 = arith.addi %mul3A_180, %add3A_207 : vector<16xi32>
        tpu.vector_store_idx %arg7[%add3A_208], %gather3A_205 {add = true} : memref<40960xf32, #tpu.memory_space<vmem>>[vector<16xi32>], vector<16xf32>,
        %mul3A_209 = arith.constant 5 : i32
        %mul3A_210 = arith.muli %scan3A_34, %mul3A_209 : i32
        %add3A_211 = arith.constant 4 : i32
        %add3A_212 = arith.addi %mul3A_210, %add3A_211 : i32
        %mul3A_213 = arith.constant 16 : i32
        %mul3A_214 = arith.muli %add3A_212, %mul3A_213 : i32
        %get3A_215 = arith.index_cast %mul3A_214 : i32 to index
        %get3A_216 = tpu.vector_load %arg8[%get3A_215] {strides = array<i32>} : memref<2000xi32, #tpu.memory_space<vmem>>, vector<16xi32>,
        %mul3A_217 = arith.constant 4 : i32
        %mul3A_218 = vector.broadcast %mul3A_217 : i32 to vector<16xi32>
        %mul3A_219 = arith.muli %get3A_216, %mul3A_218 : vector<16xi32>
        %get3A_220 = arith.index_cast %mul3A_214 : i32 to index
        %get3A_221 = tpu.vector_load %arg9[%get3A_220] {strides = array<i32>} : memref<2000xi32, #tpu.memory_space<vmem>>, vector<16xi32>,
        %mul3A_222 = arith.constant 4 : i32
        %mul3A_223 = vector.broadcast %mul3A_222 : i32 to vector<16xi32>
        %mul3A_224 = arith.muli %get3A_221, %mul3A_223 : vector<16xi32>
        %add3A_225 = arith.constant 0 : i32
        %add3A_226 = vector.broadcast %add3A_225 : i32 to vector<16xi32>
        %add3A_227 = arith.addi %mul3A_219, %add3A_226 : vector<16xi32>
        %gather3A_228 = tpu.vector_load_idx %arg6[%add3A_227] : memref<40000xf32, #tpu.memory_space<vmem>>[vector<16xi32>], vector<16xf32>,
        %add3A_229 = arith.constant 0 : i32
        %add3A_230 = vector.broadcast %add3A_229 : i32 to vector<16xi32>
        %add3A_231 = arith.addi %mul3A_224, %add3A_230 : vector<16xi32>
        tpu.vector_store_idx %arg7[%add3A_231], %gather3A_228 {add = true} : memref<40960xf32, #tpu.memory_space<vmem>>[vector<16xi32>], vector<16xf32>,
        %add3A_232 = arith.constant 1 : i32
        %add3A_233 = vector.broadcast %add3A_232 : i32 to vector<16xi32>
        %add3A_234 = arith.addi %mul3A_219, %add3A_233 : vector<16xi32>
        %gather3A_235 = tpu.vector_load_idx %arg6[%add3A_234] : memref<40000xf32, #tpu.memory_space<vmem>>[vector<16xi32>], vector<16xf32>,
        %add3A_236 = arith.constant 1 : i32
        %add3A_237 = vector.broadcast %add3A_236 : i32 to vector<16xi32>
        %add3A_238 = arith.addi %mul3A_224, %add3A_237 : vector<16xi32>
        tpu.vector_store_idx %arg7[%add3A_238], %gather3A_235 {add = true} : memref<40960xf32, #tpu.memory_space<vmem>>[vector<16xi32>], vector<16xf32>,
        %add3A_239 = arith.constant 2 : i32
        %add3A_240 = vector.broadcast %add3A_239 : i32 to vector<16xi32>
        %add3A_241 = arith.addi %mul3A_219, %add3A_240 : vector<16xi32>
        %gather3A_242 = tpu.vector_load_idx %arg6[%add3A_241] : memref<40000xf32, #tpu.memory_space<vmem>>[vector<16xi32>], vector<16xf32>,
        %add3A_243 = arith.constant 2 : i32
        %add3A_244 = vector.broadcast %add3A_243 : i32 to vector<16xi32>
        %add3A_245 = arith.addi %mul3A_224, %add3A_244 : vector<16xi32>
        tpu.vector_store_idx %arg7[%add3A_245], %gather3A_242 {add = true} : memref<40960xf32, #tpu.memory_space<vmem>>[vector<16xi32>], vector<16xf32>,
        %add3A_246 = arith.constant 3 : i32
        %add3A_247 = vector.broadcast %add3A_246 : i32 to vector<16xi32>
        %add3A_248 = arith.addi %mul3A_219, %add3A_247 : vector<16xi32>
        %gather3A_249 = tpu.vector_load_idx %arg6[%add3A_248] : memref<40000xf32, #tpu.memory_space<vmem>>[vector<16xi32>], vector<16xf32>,
        %add3A_250 = arith.constant 3 : i32
        %add3A_251 = vector.broadcast %add3A_250 : i32 to vector<16xi32>
        %add3A_252 = arith.addi %mul3A_224, %add3A_251 : vector<16xi32>
        tpu.vector_store_idx %arg7[%add3A_252], %gather3A_249 {add = true} : memref<40960xf32, #tpu.memory_space<vmem>>[vector<16xi32>], vector<16xf32>,
      }
      %scan3A_33 = arith.constant 25 : i32
    }
    %scan3A_14 = arith.constant 5 : i32
    %scan3A_15 = arith.constant 0 : i32
    %scan3A_16 = arith.constant 0 : i32
    %scan3A_17 = arith.constant 320 : i32
    %scan3A_18 = arith.addi %scan3A_16, %scan3A_17 : i32
    %scan3A_19 = arith.constant 1 : i32
    scf.for %scan3A_21 = %scan3A_16 to %scan3A_18 step %scan3A_19  : i32 {
      %mul3A_22 = arith.constant 8 : i32
      %mul3A_23 = arith.muli %scan3A_21, %mul3A_22 : i32
      %add3A_24 = arith.constant 0 : i32
      %add3A_25 = arith.addi %mul3A_23, %add3A_24 : i32
      %mul3A_26 = arith.constant 16 : i32
      %mul3A_27 = arith.muli %add3A_25, %mul3A_26 : i32
      %swap3A = arith.index_cast %mul3A_27 : i32 to index
      %swap3A_28 = tpu.vector_load %arg7[%swap3A] {strides = array<i32>} : memref<40960xf32, #tpu.memory_space<vmem>>, vector<16xf32>,
      tpu.vector_store %arg7[%swap3A], %broadcast_in_dim3A_1 {add = true, strides = array<i32>} : memref<40960xf32, #tpu.memory_space<vmem>>, vector<16xf32>,
      %mul3A_29 = arith.constant 8 : i32
      %mul3A_30 = arith.muli %scan3A_21, %mul3A_29 : i32
      %add3A_31 = arith.constant 1 : i32
      %add3A_32 = arith.addi %mul3A_30, %add3A_31 : i32
      %mul3A_33 = arith.constant 16 : i32
      %mul3A_34 = arith.muli %add3A_32, %mul3A_33 : i32
      %swap3A_35 = arith.index_cast %mul3A_34 : i32 to index
      %swap3A_36 = tpu.vector_load %arg7[%swap3A_35] {strides = array<i32>} : memref<40960xf32, #tpu.memory_space<vmem>>, vector<16xf32>,
      tpu.vector_store %arg7[%swap3A_35], %broadcast_in_dim3A_1 {add = true, strides = array<i32>} : memref<40960xf32, #tpu.memory_space<vmem>>, vector<16xf32>,
      %mul3A_37 = arith.constant 8 : i32
      %mul3A_38 = arith.muli %scan3A_21, %mul3A_37 : i32
      %add3A_39 = arith.constant 2 : i32
      %add3A_40 = arith.addi %mul3A_38, %add3A_39 : i32
      %mul3A_41 = arith.constant 16 : i32
      %mul3A_42 = arith.muli %add3A_40, %mul3A_41 : i32
      %swap3A_43 = arith.index_cast %mul3A_42 : i32 to index
      %swap3A_44 = tpu.vector_load %arg7[%swap3A_43] {strides = array<i32>} : memref<40960xf32, #tpu.memory_space<vmem>>, vector<16xf32>,
      tpu.vector_store %arg7[%swap3A_43], %broadcast_in_dim3A_1 {add = true, strides = array<i32>} : memref<40960xf32, #tpu.memory_space<vmem>>, vector<16xf32>,
      %mul3A_45 = arith.constant 8 : i32
      %mul3A_46 = arith.muli %scan3A_21, %mul3A_45 : i32
      %add3A_47 = arith.constant 3 : i32
      %add3A_48 = arith.addi %mul3A_46, %add3A_47 : i32
      %mul3A_49 = arith.constant 16 : i32
      %mul3A_50 = arith.muli %add3A_48, %mul3A_49 : i32
      %swap3A_51 = arith.index_cast %mul3A_50 : i32 to index
      %swap3A_52 = tpu.vector_load %arg7[%swap3A_51] {strides = array<i32>} : memref<40960xf32, #tpu.memory_space<vmem>>, vector<16xf32>,
      tpu.vector_store %arg7[%swap3A_51], %broadcast_in_dim3A_1 {add = true, strides = array<i32>} : memref<40960xf32, #tpu.memory_space<vmem>>, vector<16xf32>,
      %mul3A_53 = arith.constant 8 : i32
      %mul3A_54 = arith.muli %scan3A_21, %mul3A_53 : i32
      %add3A_55 = arith.constant 4 : i32
      %add3A_56 = arith.addi %mul3A_54, %add3A_55 : i32
      %mul3A_57 = arith.constant 16 : i32
      %mul3A_58 = arith.muli %add3A_56, %mul3A_57 : i32
      %swap3A_59 = arith.index_cast %mul3A_58 : i32 to index
      %swap3A_60 = tpu.vector_load %arg7[%swap3A_59] {strides = array<i32>} : memref<40960xf32, #tpu.memory_space<vmem>>, vector<16xf32>,
      tpu.vector_store %arg7[%swap3A_59], %broadcast_in_dim3A_1 {add = true, strides = array<i32>} : memref<40960xf32, #tpu.memory_space<vmem>>, vector<16xf32>,
      %mul3A_61 = arith.constant 8 : i32
      %mul3A_62 = arith.muli %scan3A_21, %mul3A_61 : i32
      %add3A_63 = arith.constant 5 : i32
      %add3A_64 = arith.addi %mul3A_62, %add3A_63 : i32
      %mul3A_65 = arith.constant 16 : i32
      %mul3A_66 = arith.muli %add3A_64, %mul3A_65 : i32
      %swap3A_67 = arith.index_cast %mul3A_66 : i32 to index
      %swap3A_68 = tpu.vector_load %arg7[%swap3A_67] {strides = array<i32>} : memref<40960xf32, #tpu.memory_space<vmem>>, vector<16xf32>,
      tpu.vector_store %arg7[%swap3A_67], %broadcast_in_dim3A_1 {add = true, strides = array<i32>} : memref<40960xf32, #tpu.memory_space<vmem>>, vector<16xf32>,
      %mul3A_69 = arith.constant 8 : i32
      %mul3A_70 = arith.muli %scan3A_21, %mul3A_69 : i32
      %add3A_71 = arith.constant 6 : i32
      %add3A_72 = arith.addi %mul3A_70, %add3A_71 : i32
      %mul3A_73 = arith.constant 16 : i32
      %mul3A_74 = arith.muli %add3A_72, %mul3A_73 : i32
      %swap3A_75 = arith.index_cast %mul3A_74 : i32 to index
      %swap3A_76 = tpu.vector_load %arg7[%swap3A_75] {strides = array<i32>} : memref<40960xf32, #tpu.memory_space<vmem>>, vector<16xf32>,
      tpu.vector_store %arg7[%swap3A_75], %broadcast_in_dim3A_1 {add = true, strides = array<i32>} : memref<40960xf32, #tpu.memory_space<vmem>>, vector<16xf32>,
      %mul3A_77 = arith.constant 8 : i32
      %mul3A_78 = arith.muli %scan3A_21, %mul3A_77 : i32
      %add3A_79 = arith.constant 7 : i32
      %add3A_80 = arith.addi %mul3A_78, %add3A_79 : i32
      %mul3A_81 = arith.constant 16 : i32
      %mul3A_82 = arith.muli %add3A_80, %mul3A_81 : i32
      %swap3A_83 = arith.index_cast %mul3A_82 : i32 to index
      %swap3A_84 = tpu.vector_load %arg7[%swap3A_83] {strides = array<i32>} : memref<40960xf32, #tpu.memory_space<vmem>>, vector<16xf32>,
      tpu.vector_store %arg7[%swap3A_83], %broadcast_in_dim3A_1 {add = true, strides = array<i32>} : memref<40960xf32, #tpu.memory_space<vmem>>, vector<16xf32>,
    }
    %scan3A_20 = arith.constant 320 : i32
    "tpu.region"() ({
      %run_scoped3A = tpu.sem_alloc : memref<!tpu.dma_semaphore, #tpu.memory_space<semaphore_mem>>
      %dma_start3A = arith.constant 0 : i32
      %dma_start3A_21 = tpu.memref_slice %arg5[%add3A, %dma_start3A] : memref<32x40960xf32, #tpu.memory_space<hbm>> -> memref<1x40960xf32, #tpu.memory_space<hbm>>
      %dma_start3A_22 = tpu.memref_squeeze %dma_start3A_21 : memref<1x40960xf32, #tpu.memory_space<hbm>> -> memref<40960xf32, #tpu.memory_space<hbm>>
      %dma_start3A_23 = arith.constant 0 : i32
      %dma_start3A_24 = tpu.memref_slice %arg5[%add3A, %dma_start3A_23] : memref<32x40960xf32, #tpu.memory_space<hbm>> -> memref<1x40960xf32, #tpu.memory_space<hbm>>
      %dma_start3A_25 = tpu.memref_squeeze %dma_start3A_24 : memref<1x40960xf32, #tpu.memory_space<hbm>> -> memref<40960xf32, #tpu.memory_space<hbm>>
      tpu.enqueue_dma source(%arg7 : memref<40960xf32, #tpu.memory_space<vmem>>) target(%dma_start3A_25 : memref<40960xf32, #tpu.memory_space<hbm>>) target_semaphore(%run_scoped3A : memref<!tpu.dma_semaphore, #tpu.memory_space<semaphore_mem>>)
      %dma_wait3A = arith.constant 0 : i32
      %dma_wait3A_26 = tpu.memref_slice %arg5[%add3A, %dma_wait3A] : memref<32x40960xf32, #tpu.memory_space<hbm>> -> memref<1x40960xf32, #tpu.memory_space<hbm>>
      %dma_wait3A_27 = tpu.memref_squeeze %dma_wait3A_26 : memref<1x40960xf32, #tpu.memory_space<hbm>> -> memref<40960xf32, #tpu.memory_space<hbm>>
      %dma_wait3A_28 = arith.constant 0 : i32
      %dma_wait3A_29 = tpu.memref_slice %arg5[%add3A, %dma_wait3A_28] : memref<32x40960xf32, #tpu.memory_space<hbm>> -> memref<1x40960xf32, #tpu.memory_space<hbm>>
      %dma_wait3A_30 = tpu.memref_squeeze %dma_wait3A_29 : memref<1x40960xf32, #tpu.memory_space<hbm>> -> memref<40960xf32, #tpu.memory_space<hbm>>
      tpu.wait_dma2 semaphore(%run_scoped3A : memref<!tpu.dma_semaphore, #tpu.memory_space<semaphore_mem>>) src(%arg7 : memref<40960xf32, #tpu.memory_space<vmem>>) dst(%dma_wait3A_30 : memref<40960xf32, #tpu.memory_space<hbm>>)
      tpu.yield
    }) : () -> ()
    return
  }
}

#map = affine_map<(d0, d1) -> (0)>
#map1 = affine_map<(d0, d1) -> (0, 0)>
module attributes {stable_mosaic.version = 14 : i64} {
  func.func @body_unweighted(%arg0: i32, %arg1: i32, %arg2: memref<320000xi32, #tpu.memory_space<hbm>>, %arg3: memref<320000xi32, #tpu.memory_space<hbm>>, %arg4: memref<40000xf32, #tpu.memory_space<hbm>>, %arg5: memref<32x40960xf32, #tpu.memory_space<hbm>>, %arg6: memref<40000xf32, #tpu.memory_space<vmem>>, %arg7: memref<40960xf32, #tpu.memory_space<vmem>>, %arg8: memref<2000xi32, #tpu.memory_space<vmem>>, %arg9: memref<2000xi32, #tpu.memory_space<vmem>>, %arg10: memref<2000xf32, #tpu.memory_space<vmem>>) attributes {dimension_semantics = [#tpu.dimension_semantics<core_parallel>, #tpu.dimension_semantics<subcore_parallel>], iteration_bounds = array<i64: 2, 16>, scalar_prefetch = 0 : i64, scratch_operands = 5 : i64, tpu.core_type = #tpu.core_type<sc_vector_subcore>, window_params = [{transform_indices = #map}, {transform_indices = #map}, {transform_indices = #map}, {transform_indices = #map1}]} {
    %mul3A = arith.constant 2 : i32
    %mul3A_0 = arith.muli %arg1, %mul3A : i32
    %add3A = arith.addi %mul3A_0, %arg0 : i32
    %broadcast_in_dim3A = arith.constant 0.000000e+00 : f32
    %broadcast_in_dim3A_1 = vector.broadcast %broadcast_in_dim3A : f32 to vector<16xf32>
    %scan3A = arith.constant 0 : i32
    %scan3A_2 = arith.constant 0 : i32
    %scan3A_3 = arith.constant 320 : i32
    %scan3A_4 = arith.addi %scan3A_2, %scan3A_3 : i32
    %scan3A_5 = arith.constant 1 : i32
    scf.for %scan3A_21 = %scan3A_2 to %scan3A_4 step %scan3A_5  : i32 {
      %mul3A_22 = arith.constant 8 : i32
      %mul3A_23 = arith.muli %scan3A_21, %mul3A_22 : i32
      %add3A_24 = arith.constant 0 : i32
      %add3A_25 = arith.addi %mul3A_23, %add3A_24 : i32
      %mul3A_26 = arith.constant 16 : i32
      %mul3A_27 = arith.muli %add3A_25, %mul3A_26 : i32
      %swap3A = arith.index_cast %mul3A_27 : i32 to index
      %swap3A_28 = tpu.vector_load %arg7[%swap3A] {strides = array<i32>} : memref<40960xf32, #tpu.memory_space<vmem>>, vector<16xf32>,
      tpu.vector_store %arg7[%swap3A], %broadcast_in_dim3A_1 {strides = array<i32>} : memref<40960xf32, #tpu.memory_space<vmem>>, vector<16xf32>,
      %mul3A_29 = arith.constant 8 : i32
      %mul3A_30 = arith.muli %scan3A_21, %mul3A_29 : i32
      %add3A_31 = arith.constant 1 : i32
      %add3A_32 = arith.addi %mul3A_30, %add3A_31 : i32
      %mul3A_33 = arith.constant 16 : i32
      %mul3A_34 = arith.muli %add3A_32, %mul3A_33 : i32
      %swap3A_35 = arith.index_cast %mul3A_34 : i32 to index
      %swap3A_36 = tpu.vector_load %arg7[%swap3A_35] {strides = array<i32>} : memref<40960xf32, #tpu.memory_space<vmem>>, vector<16xf32>,
      tpu.vector_store %arg7[%swap3A_35], %broadcast_in_dim3A_1 {strides = array<i32>} : memref<40960xf32, #tpu.memory_space<vmem>>, vector<16xf32>,
      %mul3A_37 = arith.constant 8 : i32
      %mul3A_38 = arith.muli %scan3A_21, %mul3A_37 : i32
      %add3A_39 = arith.constant 2 : i32
      %add3A_40 = arith.addi %mul3A_38, %add3A_39 : i32
      %mul3A_41 = arith.constant 16 : i32
      %mul3A_42 = arith.muli %add3A_40, %mul3A_41 : i32
      %swap3A_43 = arith.index_cast %mul3A_42 : i32 to index
      %swap3A_44 = tpu.vector_load %arg7[%swap3A_43] {strides = array<i32>} : memref<40960xf32, #tpu.memory_space<vmem>>, vector<16xf32>,
      tpu.vector_store %arg7[%swap3A_43], %broadcast_in_dim3A_1 {strides = array<i32>} : memref<40960xf32, #tpu.memory_space<vmem>>, vector<16xf32>,
      %mul3A_45 = arith.constant 8 : i32
      %mul3A_46 = arith.muli %scan3A_21, %mul3A_45 : i32
      %add3A_47 = arith.constant 3 : i32
      %add3A_48 = arith.addi %mul3A_46, %add3A_47 : i32
      %mul3A_49 = arith.constant 16 : i32
      %mul3A_50 = arith.muli %add3A_48, %mul3A_49 : i32
      %swap3A_51 = arith.index_cast %mul3A_50 : i32 to index
      %swap3A_52 = tpu.vector_load %arg7[%swap3A_51] {strides = array<i32>} : memref<40960xf32, #tpu.memory_space<vmem>>, vector<16xf32>,
      tpu.vector_store %arg7[%swap3A_51], %broadcast_in_dim3A_1 {strides = array<i32>} : memref<40960xf32, #tpu.memory_space<vmem>>, vector<16xf32>,
      %mul3A_53 = arith.constant 8 : i32
      %mul3A_54 = arith.muli %scan3A_21, %mul3A_53 : i32
      %add3A_55 = arith.constant 4 : i32
      %add3A_56 = arith.addi %mul3A_54, %add3A_55 : i32
      %mul3A_57 = arith.constant 16 : i32
      %mul3A_58 = arith.muli %add3A_56, %mul3A_57 : i32
      %swap3A_59 = arith.index_cast %mul3A_58 : i32 to index
      %swap3A_60 = tpu.vector_load %arg7[%swap3A_59] {strides = array<i32>} : memref<40960xf32, #tpu.memory_space<vmem>>, vector<16xf32>,
      tpu.vector_store %arg7[%swap3A_59], %broadcast_in_dim3A_1 {strides = array<i32>} : memref<40960xf32, #tpu.memory_space<vmem>>, vector<16xf32>,
      %mul3A_61 = arith.constant 8 : i32
      %mul3A_62 = arith.muli %scan3A_21, %mul3A_61 : i32
      %add3A_63 = arith.constant 5 : i32
      %add3A_64 = arith.addi %mul3A_62, %add3A_63 : i32
      %mul3A_65 = arith.constant 16 : i32
      %mul3A_66 = arith.muli %add3A_64, %mul3A_65 : i32
      %swap3A_67 = arith.index_cast %mul3A_66 : i32 to index
      %swap3A_68 = tpu.vector_load %arg7[%swap3A_67] {strides = array<i32>} : memref<40960xf32, #tpu.memory_space<vmem>>, vector<16xf32>,
      tpu.vector_store %arg7[%swap3A_67], %broadcast_in_dim3A_1 {strides = array<i32>} : memref<40960xf32, #tpu.memory_space<vmem>>, vector<16xf32>,
      %mul3A_69 = arith.constant 8 : i32
      %mul3A_70 = arith.muli %scan3A_21, %mul3A_69 : i32
      %add3A_71 = arith.constant 6 : i32
      %add3A_72 = arith.addi %mul3A_70, %add3A_71 : i32
      %mul3A_73 = arith.constant 16 : i32
      %mul3A_74 = arith.muli %add3A_72, %mul3A_73 : i32
      %swap3A_75 = arith.index_cast %mul3A_74 : i32 to index
      %swap3A_76 = tpu.vector_load %arg7[%swap3A_75] {strides = array<i32>} : memref<40960xf32, #tpu.memory_space<vmem>>, vector<16xf32>,
      tpu.vector_store %arg7[%swap3A_75], %broadcast_in_dim3A_1 {strides = array<i32>} : memref<40960xf32, #tpu.memory_space<vmem>>, vector<16xf32>,
      %mul3A_77 = arith.constant 8 : i32
      %mul3A_78 = arith.muli %scan3A_21, %mul3A_77 : i32
      %add3A_79 = arith.constant 7 : i32
      %add3A_80 = arith.addi %mul3A_78, %add3A_79 : i32
      %mul3A_81 = arith.constant 16 : i32
      %mul3A_82 = arith.muli %add3A_80, %mul3A_81 : i32
      %swap3A_83 = arith.index_cast %mul3A_82 : i32 to index
      %swap3A_84 = tpu.vector_load %arg7[%swap3A_83] {strides = array<i32>} : memref<40960xf32, #tpu.memory_space<vmem>>, vector<16xf32>,
      tpu.vector_store %arg7[%swap3A_83], %broadcast_in_dim3A_1 {strides = array<i32>} : memref<40960xf32, #tpu.memory_space<vmem>>, vector<16xf32>,
    }
    %scan3A_6 = arith.constant 320 : i32
    "tpu.region"() ({
      %run_scoped3A = tpu.sem_alloc : memref<!tpu.dma_semaphore, #tpu.memory_space<semaphore_mem>>
      tpu.enqueue_dma source(%arg4 : memref<40000xf32, #tpu.memory_space<hbm>>) target(%arg6 : memref<40000xf32, #tpu.memory_space<vmem>>) target_semaphore(%run_scoped3A : memref<!tpu.dma_semaphore, #tpu.memory_space<semaphore_mem>>)
      tpu.wait_dma2 semaphore(%run_scoped3A : memref<!tpu.dma_semaphore, #tpu.memory_space<semaphore_mem>>) src(%arg4 : memref<40000xf32, #tpu.memory_space<hbm>>) dst(%arg6 : memref<40000xf32, #tpu.memory_space<vmem>>)
      tpu.yield
    }) : () -> ()
    %mul3A_7 = arith.constant 10000 : i32
    %mul3A_8 = arith.muli %add3A, %mul3A_7 : i32
    %scan3A_9 = arith.constant 0 : i32
    %scan3A_10 = arith.constant 0 : i32
    %scan3A_11 = arith.constant 5 : i32
    %scan3A_12 = arith.addi %scan3A_10, %scan3A_11 : i32
    %scan3A_13 = arith.constant 1 : i32
    scf.for %scan3A_21 = %scan3A_10 to %scan3A_12 step %scan3A_13  : i32 {
      %mul3A_22 = arith.constant 2000 : i32
      %mul3A_23 = arith.muli %scan3A_21, %mul3A_22 : i32
      %add3A_24 = arith.addi %mul3A_8, %mul3A_23 : i32
      "tpu.region"() ({
        %run_scoped3A = tpu.sem_alloc : memref<!tpu.dma_semaphore, #tpu.memory_space<semaphore_mem>>
        %dma_start3A = tpu.memref_slice %arg2[%add3A_24] : memref<320000xi32, #tpu.memory_space<hbm>> -> memref<2000xi32, #tpu.memory_space<hbm>>
        %dma_start3A_34 = tpu.memref_slice %arg2[%add3A_24] : memref<320000xi32, #tpu.memory_space<hbm>> -> memref<2000xi32, #tpu.memory_space<hbm>>
        tpu.enqueue_dma source(%dma_start3A_34 : memref<2000xi32, #tpu.memory_space<hbm>>) target(%arg8 : memref<2000xi32, #tpu.memory_space<vmem>>) target_semaphore(%run_scoped3A : memref<!tpu.dma_semaphore, #tpu.memory_space<semaphore_mem>>)
        %dma_wait3A = tpu.memref_slice %arg2[%add3A_24] : memref<320000xi32, #tpu.memory_space<hbm>> -> memref<2000xi32, #tpu.memory_space<hbm>>
        %dma_wait3A_35 = tpu.memref_slice %arg2[%add3A_24] : memref<320000xi32, #tpu.memory_space<hbm>> -> memref<2000xi32, #tpu.memory_space<hbm>>
        tpu.wait_dma2 semaphore(%run_scoped3A : memref<!tpu.dma_semaphore, #tpu.memory_space<semaphore_mem>>) src(%dma_wait3A_35 : memref<2000xi32, #tpu.memory_space<hbm>>) dst(%arg8 : memref<2000xi32, #tpu.memory_space<vmem>>)
        tpu.yield
      }) : () -> ()
      %mul3A_25 = arith.constant 2000 : i32
      %mul3A_26 = arith.muli %scan3A_21, %mul3A_25 : i32
      %add3A_27 = arith.addi %mul3A_8, %mul3A_26 : i32
      "tpu.region"() ({
        %run_scoped3A = tpu.sem_alloc : memref<!tpu.dma_semaphore, #tpu.memory_space<semaphore_mem>>
        %dma_start3A = tpu.memref_slice %arg3[%add3A_27] : memref<320000xi32, #tpu.memory_space<hbm>> -> memref<2000xi32, #tpu.memory_space<hbm>>
        %dma_start3A_34 = tpu.memref_slice %arg3[%add3A_27] : memref<320000xi32, #tpu.memory_space<hbm>> -> memref<2000xi32, #tpu.memory_space<hbm>>
        tpu.enqueue_dma source(%dma_start3A_34 : memref<2000xi32, #tpu.memory_space<hbm>>) target(%arg9 : memref<2000xi32, #tpu.memory_space<vmem>>) target_semaphore(%run_scoped3A : memref<!tpu.dma_semaphore, #tpu.memory_space<semaphore_mem>>)
        %dma_wait3A = tpu.memref_slice %arg3[%add3A_27] : memref<320000xi32, #tpu.memory_space<hbm>> -> memref<2000xi32, #tpu.memory_space<hbm>>
        %dma_wait3A_35 = tpu.memref_slice %arg3[%add3A_27] : memref<320000xi32, #tpu.memory_space<hbm>> -> memref<2000xi32, #tpu.memory_space<hbm>>
        tpu.wait_dma2 semaphore(%run_scoped3A : memref<!tpu.dma_semaphore, #tpu.memory_space<semaphore_mem>>) src(%dma_wait3A_35 : memref<2000xi32, #tpu.memory_space<hbm>>) dst(%arg9 : memref<2000xi32, #tpu.memory_space<vmem>>)
        tpu.yield
      }) : () -> ()
      %scan3A_28 = arith.constant 0 : i32
      %scan3A_29 = arith.constant 0 : i32
      %scan3A_30 = arith.constant 25 : i32
      %scan3A_31 = arith.addi %scan3A_29, %scan3A_30 : i32
      %scan3A_32 = arith.constant 1 : i32
      scf.for %scan3A_34 = %scan3A_29 to %scan3A_31 step %scan3A_32  : i32 {
        %mul3A_35 = arith.constant 5 : i32
        %mul3A_36 = arith.muli %scan3A_34, %mul3A_35 : i32
        %add3A_37 = arith.constant 0 : i32
        %add3A_38 = arith.addi %mul3A_36, %add3A_37 : i32
        %mul3A_39 = arith.constant 16 : i32
        %mul3A_40 = arith.muli %add3A_38, %mul3A_39 : i32
        %get3A = arith.index_cast %mul3A_40 : i32 to index
        %get3A_41 = tpu.vector_load %arg8[%get3A] {strides = array<i32>} : memref<2000xi32, #tpu.memory_space<vmem>>, vector<16xi32>,
        %mul3A_42 = arith.constant 4 : i32
        %mul3A_43 = vector.broadcast %mul3A_42 : i32 to vector<16xi32>
        %mul3A_44 = arith.muli %get3A_41, %mul3A_43 : vector<16xi32>
        %get3A_45 = arith.index_cast %mul3A_40 : i32 to index
        %get3A_46 = tpu.vector_load %arg9[%get3A_45] {strides = array<i32>} : memref<2000xi32, #tpu.memory_space<vmem>>, vector<16xi32>,
        %mul3A_47 = arith.constant 4 : i32
        %mul3A_48 = vector.broadcast %mul3A_47 : i32 to vector<16xi32>
        %mul3A_49 = arith.muli %get3A_46, %mul3A_48 : vector<16xi32>
        %add3A_50 = arith.constant 0 : i32
        %add3A_51 = vector.broadcast %add3A_50 : i32 to vector<16xi32>
        %add3A_52 = arith.addi %mul3A_44, %add3A_51 : vector<16xi32>
        %gather3A = tpu.vector_load_idx %arg6[%add3A_52] : memref<40000xf32, #tpu.memory_space<vmem>>[vector<16xi32>], vector<16xf32>,
        %add3A_53 = arith.constant 0 : i32
        %add3A_54 = vector.broadcast %add3A_53 : i32 to vector<16xi32>
        %add3A_55 = arith.addi %mul3A_49, %add3A_54 : vector<16xi32>
        tpu.vector_store_idx %arg7[%add3A_55], %gather3A {add = true} : memref<40960xf32, #tpu.memory_space<vmem>>[vector<16xi32>], vector<16xf32>,
        %add3A_56 = arith.constant 1 : i32
        %add3A_57 = vector.broadcast %add3A_56 : i32 to vector<16xi32>
        %add3A_58 = arith.addi %mul3A_44, %add3A_57 : vector<16xi32>
        %gather3A_59 = tpu.vector_load_idx %arg6[%add3A_58] : memref<40000xf32, #tpu.memory_space<vmem>>[vector<16xi32>], vector<16xf32>,
        %add3A_60 = arith.constant 1 : i32
        %add3A_61 = vector.broadcast %add3A_60 : i32 to vector<16xi32>
        %add3A_62 = arith.addi %mul3A_49, %add3A_61 : vector<16xi32>
        tpu.vector_store_idx %arg7[%add3A_62], %gather3A_59 {add = true} : memref<40960xf32, #tpu.memory_space<vmem>>[vector<16xi32>], vector<16xf32>,
        %add3A_63 = arith.constant 2 : i32
        %add3A_64 = vector.broadcast %add3A_63 : i32 to vector<16xi32>
        %add3A_65 = arith.addi %mul3A_44, %add3A_64 : vector<16xi32>
        %gather3A_66 = tpu.vector_load_idx %arg6[%add3A_65] : memref<40000xf32, #tpu.memory_space<vmem>>[vector<16xi32>], vector<16xf32>,
        %add3A_67 = arith.constant 2 : i32
        %add3A_68 = vector.broadcast %add3A_67 : i32 to vector<16xi32>
        %add3A_69 = arith.addi %mul3A_49, %add3A_68 : vector<16xi32>
        tpu.vector_store_idx %arg7[%add3A_69], %gather3A_66 {add = true} : memref<40960xf32, #tpu.memory_space<vmem>>[vector<16xi32>], vector<16xf32>,
        %add3A_70 = arith.constant 3 : i32
        %add3A_71 = vector.broadcast %add3A_70 : i32 to vector<16xi32>
        %add3A_72 = arith.addi %mul3A_44, %add3A_71 : vector<16xi32>
        %gather3A_73 = tpu.vector_load_idx %arg6[%add3A_72] : memref<40000xf32, #tpu.memory_space<vmem>>[vector<16xi32>], vector<16xf32>,
        %add3A_74 = arith.constant 3 : i32
        %add3A_75 = vector.broadcast %add3A_74 : i32 to vector<16xi32>
        %add3A_76 = arith.addi %mul3A_49, %add3A_75 : vector<16xi32>
        tpu.vector_store_idx %arg7[%add3A_76], %gather3A_73 {add = true} : memref<40960xf32, #tpu.memory_space<vmem>>[vector<16xi32>], vector<16xf32>,
        %mul3A_77 = arith.constant 5 : i32
        %mul3A_78 = arith.muli %scan3A_34, %mul3A_77 : i32
        %add3A_79 = arith.constant 1 : i32
        %add3A_80 = arith.addi %mul3A_78, %add3A_79 : i32
        %mul3A_81 = arith.constant 16 : i32
        %mul3A_82 = arith.muli %add3A_80, %mul3A_81 : i32
        %get3A_83 = arith.index_cast %mul3A_82 : i32 to index
        %get3A_84 = tpu.vector_load %arg8[%get3A_83] {strides = array<i32>} : memref<2000xi32, #tpu.memory_space<vmem>>, vector<16xi32>,
        %mul3A_85 = arith.constant 4 : i32
        %mul3A_86 = vector.broadcast %mul3A_85 : i32 to vector<16xi32>
        %mul3A_87 = arith.muli %get3A_84, %mul3A_86 : vector<16xi32>
        %get3A_88 = arith.index_cast %mul3A_82 : i32 to index
        %get3A_89 = tpu.vector_load %arg9[%get3A_88] {strides = array<i32>} : memref<2000xi32, #tpu.memory_space<vmem>>, vector<16xi32>,
        %mul3A_90 = arith.constant 4 : i32
        %mul3A_91 = vector.broadcast %mul3A_90 : i32 to vector<16xi32>
        %mul3A_92 = arith.muli %get3A_89, %mul3A_91 : vector<16xi32>
        %add3A_93 = arith.constant 0 : i32
        %add3A_94 = vector.broadcast %add3A_93 : i32 to vector<16xi32>
        %add3A_95 = arith.addi %mul3A_87, %add3A_94 : vector<16xi32>
        %gather3A_96 = tpu.vector_load_idx %arg6[%add3A_95] : memref<40000xf32, #tpu.memory_space<vmem>>[vector<16xi32>], vector<16xf32>,
        %add3A_97 = arith.constant 0 : i32
        %add3A_98 = vector.broadcast %add3A_97 : i32 to vector<16xi32>
        %add3A_99 = arith.addi %mul3A_92, %add3A_98 : vector<16xi32>
        tpu.vector_store_idx %arg7[%add3A_99], %gather3A_96 {add = true} : memref<40960xf32, #tpu.memory_space<vmem>>[vector<16xi32>], vector<16xf32>,
        %add3A_100 = arith.constant 1 : i32
        %add3A_101 = vector.broadcast %add3A_100 : i32 to vector<16xi32>
        %add3A_102 = arith.addi %mul3A_87, %add3A_101 : vector<16xi32>
        %gather3A_103 = tpu.vector_load_idx %arg6[%add3A_102] : memref<40000xf32, #tpu.memory_space<vmem>>[vector<16xi32>], vector<16xf32>,
        %add3A_104 = arith.constant 1 : i32
        %add3A_105 = vector.broadcast %add3A_104 : i32 to vector<16xi32>
        %add3A_106 = arith.addi %mul3A_92, %add3A_105 : vector<16xi32>
        tpu.vector_store_idx %arg7[%add3A_106], %gather3A_103 {add = true} : memref<40960xf32, #tpu.memory_space<vmem>>[vector<16xi32>], vector<16xf32>,
        %add3A_107 = arith.constant 2 : i32
        %add3A_108 = vector.broadcast %add3A_107 : i32 to vector<16xi32>
        %add3A_109 = arith.addi %mul3A_87, %add3A_108 : vector<16xi32>
        %gather3A_110 = tpu.vector_load_idx %arg6[%add3A_109] : memref<40000xf32, #tpu.memory_space<vmem>>[vector<16xi32>], vector<16xf32>,
        %add3A_111 = arith.constant 2 : i32
        %add3A_112 = vector.broadcast %add3A_111 : i32 to vector<16xi32>
        %add3A_113 = arith.addi %mul3A_92, %add3A_112 : vector<16xi32>
        tpu.vector_store_idx %arg7[%add3A_113], %gather3A_110 {add = true} : memref<40960xf32, #tpu.memory_space<vmem>>[vector<16xi32>], vector<16xf32>,
        %add3A_114 = arith.constant 3 : i32
        %add3A_115 = vector.broadcast %add3A_114 : i32 to vector<16xi32>
        %add3A_116 = arith.addi %mul3A_87, %add3A_115 : vector<16xi32>
        %gather3A_117 = tpu.vector_load_idx %arg6[%add3A_116] : memref<40000xf32, #tpu.memory_space<vmem>>[vector<16xi32>], vector<16xf32>,
        %add3A_118 = arith.constant 3 : i32
        %add3A_119 = vector.broadcast %add3A_118 : i32 to vector<16xi32>
        %add3A_120 = arith.addi %mul3A_92, %add3A_119 : vector<16xi32>
        tpu.vector_store_idx %arg7[%add3A_120], %gather3A_117 {add = true} : memref<40960xf32, #tpu.memory_space<vmem>>[vector<16xi32>], vector<16xf32>,
        %mul3A_121 = arith.constant 5 : i32
        %mul3A_122 = arith.muli %scan3A_34, %mul3A_121 : i32
        %add3A_123 = arith.constant 2 : i32
        %add3A_124 = arith.addi %mul3A_122, %add3A_123 : i32
        %mul3A_125 = arith.constant 16 : i32
        %mul3A_126 = arith.muli %add3A_124, %mul3A_125 : i32
        %get3A_127 = arith.index_cast %mul3A_126 : i32 to index
        %get3A_128 = tpu.vector_load %arg8[%get3A_127] {strides = array<i32>} : memref<2000xi32, #tpu.memory_space<vmem>>, vector<16xi32>,
        %mul3A_129 = arith.constant 4 : i32
        %mul3A_130 = vector.broadcast %mul3A_129 : i32 to vector<16xi32>
        %mul3A_131 = arith.muli %get3A_128, %mul3A_130 : vector<16xi32>
        %get3A_132 = arith.index_cast %mul3A_126 : i32 to index
        %get3A_133 = tpu.vector_load %arg9[%get3A_132] {strides = array<i32>} : memref<2000xi32, #tpu.memory_space<vmem>>, vector<16xi32>,
        %mul3A_134 = arith.constant 4 : i32
        %mul3A_135 = vector.broadcast %mul3A_134 : i32 to vector<16xi32>
        %mul3A_136 = arith.muli %get3A_133, %mul3A_135 : vector<16xi32>
        %add3A_137 = arith.constant 0 : i32
        %add3A_138 = vector.broadcast %add3A_137 : i32 to vector<16xi32>
        %add3A_139 = arith.addi %mul3A_131, %add3A_138 : vector<16xi32>
        %gather3A_140 = tpu.vector_load_idx %arg6[%add3A_139] : memref<40000xf32, #tpu.memory_space<vmem>>[vector<16xi32>], vector<16xf32>,
        %add3A_141 = arith.constant 0 : i32
        %add3A_142 = vector.broadcast %add3A_141 : i32 to vector<16xi32>
        %add3A_143 = arith.addi %mul3A_136, %add3A_142 : vector<16xi32>
        tpu.vector_store_idx %arg7[%add3A_143], %gather3A_140 {add = true} : memref<40960xf32, #tpu.memory_space<vmem>>[vector<16xi32>], vector<16xf32>,
        %add3A_144 = arith.constant 1 : i32
        %add3A_145 = vector.broadcast %add3A_144 : i32 to vector<16xi32>
        %add3A_146 = arith.addi %mul3A_131, %add3A_145 : vector<16xi32>
        %gather3A_147 = tpu.vector_load_idx %arg6[%add3A_146] : memref<40000xf32, #tpu.memory_space<vmem>>[vector<16xi32>], vector<16xf32>,
        %add3A_148 = arith.constant 1 : i32
        %add3A_149 = vector.broadcast %add3A_148 : i32 to vector<16xi32>
        %add3A_150 = arith.addi %mul3A_136, %add3A_149 : vector<16xi32>
        tpu.vector_store_idx %arg7[%add3A_150], %gather3A_147 {add = true} : memref<40960xf32, #tpu.memory_space<vmem>>[vector<16xi32>], vector<16xf32>,
        %add3A_151 = arith.constant 2 : i32
        %add3A_152 = vector.broadcast %add3A_151 : i32 to vector<16xi32>
        %add3A_153 = arith.addi %mul3A_131, %add3A_152 : vector<16xi32>
        %gather3A_154 = tpu.vector_load_idx %arg6[%add3A_153] : memref<40000xf32, #tpu.memory_space<vmem>>[vector<16xi32>], vector<16xf32>,
        %add3A_155 = arith.constant 2 : i32
        %add3A_156 = vector.broadcast %add3A_155 : i32 to vector<16xi32>
        %add3A_157 = arith.addi %mul3A_136, %add3A_156 : vector<16xi32>
        tpu.vector_store_idx %arg7[%add3A_157], %gather3A_154 {add = true} : memref<40960xf32, #tpu.memory_space<vmem>>[vector<16xi32>], vector<16xf32>,
        %add3A_158 = arith.constant 3 : i32
        %add3A_159 = vector.broadcast %add3A_158 : i32 to vector<16xi32>
        %add3A_160 = arith.addi %mul3A_131, %add3A_159 : vector<16xi32>
        %gather3A_161 = tpu.vector_load_idx %arg6[%add3A_160] : memref<40000xf32, #tpu.memory_space<vmem>>[vector<16xi32>], vector<16xf32>,
        %add3A_162 = arith.constant 3 : i32
        %add3A_163 = vector.broadcast %add3A_162 : i32 to vector<16xi32>
        %add3A_164 = arith.addi %mul3A_136, %add3A_163 : vector<16xi32>
        tpu.vector_store_idx %arg7[%add3A_164], %gather3A_161 {add = true} : memref<40960xf32, #tpu.memory_space<vmem>>[vector<16xi32>], vector<16xf32>,
        %mul3A_165 = arith.constant 5 : i32
        %mul3A_166 = arith.muli %scan3A_34, %mul3A_165 : i32
        %add3A_167 = arith.constant 3 : i32
        %add3A_168 = arith.addi %mul3A_166, %add3A_167 : i32
        %mul3A_169 = arith.constant 16 : i32
        %mul3A_170 = arith.muli %add3A_168, %mul3A_169 : i32
        %get3A_171 = arith.index_cast %mul3A_170 : i32 to index
        %get3A_172 = tpu.vector_load %arg8[%get3A_171] {strides = array<i32>} : memref<2000xi32, #tpu.memory_space<vmem>>, vector<16xi32>,
        %mul3A_173 = arith.constant 4 : i32
        %mul3A_174 = vector.broadcast %mul3A_173 : i32 to vector<16xi32>
        %mul3A_175 = arith.muli %get3A_172, %mul3A_174 : vector<16xi32>
        %get3A_176 = arith.index_cast %mul3A_170 : i32 to index
        %get3A_177 = tpu.vector_load %arg9[%get3A_176] {strides = array<i32>} : memref<2000xi32, #tpu.memory_space<vmem>>, vector<16xi32>,
        %mul3A_178 = arith.constant 4 : i32
        %mul3A_179 = vector.broadcast %mul3A_178 : i32 to vector<16xi32>
        %mul3A_180 = arith.muli %get3A_177, %mul3A_179 : vector<16xi32>
        %add3A_181 = arith.constant 0 : i32
        %add3A_182 = vector.broadcast %add3A_181 : i32 to vector<16xi32>
        %add3A_183 = arith.addi %mul3A_175, %add3A_182 : vector<16xi32>
        %gather3A_184 = tpu.vector_load_idx %arg6[%add3A_183] : memref<40000xf32, #tpu.memory_space<vmem>>[vector<16xi32>], vector<16xf32>,
        %add3A_185 = arith.constant 0 : i32
        %add3A_186 = vector.broadcast %add3A_185 : i32 to vector<16xi32>
        %add3A_187 = arith.addi %mul3A_180, %add3A_186 : vector<16xi32>
        tpu.vector_store_idx %arg7[%add3A_187], %gather3A_184 {add = true} : memref<40960xf32, #tpu.memory_space<vmem>>[vector<16xi32>], vector<16xf32>,
        %add3A_188 = arith.constant 1 : i32
        %add3A_189 = vector.broadcast %add3A_188 : i32 to vector<16xi32>
        %add3A_190 = arith.addi %mul3A_175, %add3A_189 : vector<16xi32>
        %gather3A_191 = tpu.vector_load_idx %arg6[%add3A_190] : memref<40000xf32, #tpu.memory_space<vmem>>[vector<16xi32>], vector<16xf32>,
        %add3A_192 = arith.constant 1 : i32
        %add3A_193 = vector.broadcast %add3A_192 : i32 to vector<16xi32>
        %add3A_194 = arith.addi %mul3A_180, %add3A_193 : vector<16xi32>
        tpu.vector_store_idx %arg7[%add3A_194], %gather3A_191 {add = true} : memref<40960xf32, #tpu.memory_space<vmem>>[vector<16xi32>], vector<16xf32>,
        %add3A_195 = arith.constant 2 : i32
        %add3A_196 = vector.broadcast %add3A_195 : i32 to vector<16xi32>
        %add3A_197 = arith.addi %mul3A_175, %add3A_196 : vector<16xi32>
        %gather3A_198 = tpu.vector_load_idx %arg6[%add3A_197] : memref<40000xf32, #tpu.memory_space<vmem>>[vector<16xi32>], vector<16xf32>,
        %add3A_199 = arith.constant 2 : i32
        %add3A_200 = vector.broadcast %add3A_199 : i32 to vector<16xi32>
        %add3A_201 = arith.addi %mul3A_180, %add3A_200 : vector<16xi32>
        tpu.vector_store_idx %arg7[%add3A_201], %gather3A_198 {add = true} : memref<40960xf32, #tpu.memory_space<vmem>>[vector<16xi32>], vector<16xf32>,
        %add3A_202 = arith.constant 3 : i32
        %add3A_203 = vector.broadcast %add3A_202 : i32 to vector<16xi32>
        %add3A_204 = arith.addi %mul3A_175, %add3A_203 : vector<16xi32>
        %gather3A_205 = tpu.vector_load_idx %arg6[%add3A_204] : memref<40000xf32, #tpu.memory_space<vmem>>[vector<16xi32>], vector<16xf32>,
        %add3A_206 = arith.constant 3 : i32
        %add3A_207 = vector.broadcast %add3A_206 : i32 to vector<16xi32>
        %add3A_208 = arith.addi %mul3A_180, %add3A_207 : vector<16xi32>
        tpu.vector_store_idx %arg7[%add3A_208], %gather3A_205 {add = true} : memref<40960xf32, #tpu.memory_space<vmem>>[vector<16xi32>], vector<16xf32>,
        %mul3A_209 = arith.constant 5 : i32
        %mul3A_210 = arith.muli %scan3A_34, %mul3A_209 : i32
        %add3A_211 = arith.constant 4 : i32
        %add3A_212 = arith.addi %mul3A_210, %add3A_211 : i32
        %mul3A_213 = arith.constant 16 : i32
        %mul3A_214 = arith.muli %add3A_212, %mul3A_213 : i32
        %get3A_215 = arith.index_cast %mul3A_214 : i32 to index
        %get3A_216 = tpu.vector_load %arg8[%get3A_215] {strides = array<i32>} : memref<2000xi32, #tpu.memory_space<vmem>>, vector<16xi32>,
        %mul3A_217 = arith.constant 4 : i32
        %mul3A_218 = vector.broadcast %mul3A_217 : i32 to vector<16xi32>
        %mul3A_219 = arith.muli %get3A_216, %mul3A_218 : vector<16xi32>
        %get3A_220 = arith.index_cast %mul3A_214 : i32 to index
        %get3A_221 = tpu.vector_load %arg9[%get3A_220] {strides = array<i32>} : memref<2000xi32, #tpu.memory_space<vmem>>, vector<16xi32>,
        %mul3A_222 = arith.constant 4 : i32
        %mul3A_223 = vector.broadcast %mul3A_222 : i32 to vector<16xi32>
        %mul3A_224 = arith.muli %get3A_221, %mul3A_223 : vector<16xi32>
        %add3A_225 = arith.constant 0 : i32
        %add3A_226 = vector.broadcast %add3A_225 : i32 to vector<16xi32>
        %add3A_227 = arith.addi %mul3A_219, %add3A_226 : vector<16xi32>
        %gather3A_228 = tpu.vector_load_idx %arg6[%add3A_227] : memref<40000xf32, #tpu.memory_space<vmem>>[vector<16xi32>], vector<16xf32>,
        %add3A_229 = arith.constant 0 : i32
        %add3A_230 = vector.broadcast %add3A_229 : i32 to vector<16xi32>
        %add3A_231 = arith.addi %mul3A_224, %add3A_230 : vector<16xi32>
        tpu.vector_store_idx %arg7[%add3A_231], %gather3A_228 {add = true} : memref<40960xf32, #tpu.memory_space<vmem>>[vector<16xi32>], vector<16xf32>,
        %add3A_232 = arith.constant 1 : i32
        %add3A_233 = vector.broadcast %add3A_232 : i32 to vector<16xi32>
        %add3A_234 = arith.addi %mul3A_219, %add3A_233 : vector<16xi32>
        %gather3A_235 = tpu.vector_load_idx %arg6[%add3A_234] : memref<40000xf32, #tpu.memory_space<vmem>>[vector<16xi32>], vector<16xf32>,
        %add3A_236 = arith.constant 1 : i32
        %add3A_237 = vector.broadcast %add3A_236 : i32 to vector<16xi32>
        %add3A_238 = arith.addi %mul3A_224, %add3A_237 : vector<16xi32>
        tpu.vector_store_idx %arg7[%add3A_238], %gather3A_235 {add = true} : memref<40960xf32, #tpu.memory_space<vmem>>[vector<16xi32>], vector<16xf32>,
        %add3A_239 = arith.constant 2 : i32
        %add3A_240 = vector.broadcast %add3A_239 : i32 to vector<16xi32>
        %add3A_241 = arith.addi %mul3A_219, %add3A_240 : vector<16xi32>
        %gather3A_242 = tpu.vector_load_idx %arg6[%add3A_241] : memref<40000xf32, #tpu.memory_space<vmem>>[vector<16xi32>], vector<16xf32>,
        %add3A_243 = arith.constant 2 : i32
        %add3A_244 = vector.broadcast %add3A_243 : i32 to vector<16xi32>
        %add3A_245 = arith.addi %mul3A_224, %add3A_244 : vector<16xi32>
        tpu.vector_store_idx %arg7[%add3A_245], %gather3A_242 {add = true} : memref<40960xf32, #tpu.memory_space<vmem>>[vector<16xi32>], vector<16xf32>,
        %add3A_246 = arith.constant 3 : i32
        %add3A_247 = vector.broadcast %add3A_246 : i32 to vector<16xi32>
        %add3A_248 = arith.addi %mul3A_219, %add3A_247 : vector<16xi32>
        %gather3A_249 = tpu.vector_load_idx %arg6[%add3A_248] : memref<40000xf32, #tpu.memory_space<vmem>>[vector<16xi32>], vector<16xf32>,
        %add3A_250 = arith.constant 3 : i32
        %add3A_251 = vector.broadcast %add3A_250 : i32 to vector<16xi32>
        %add3A_252 = arith.addi %mul3A_224, %add3A_251 : vector<16xi32>
        tpu.vector_store_idx %arg7[%add3A_252], %gather3A_249 {add = true} : memref<40960xf32, #tpu.memory_space<vmem>>[vector<16xi32>], vector<16xf32>,
      }
      %scan3A_33 = arith.constant 25 : i32
    }
    %scan3A_14 = arith.constant 5 : i32
    %scan3A_15 = arith.constant 0 : i32
    %scan3A_16 = arith.constant 0 : i32
    %scan3A_17 = arith.constant 320 : i32
    %scan3A_18 = arith.addi %scan3A_16, %scan3A_17 : i32
    %scan3A_19 = arith.constant 1 : i32
    scf.for %scan3A_21 = %scan3A_16 to %scan3A_18 step %scan3A_19  : i32 {
      %mul3A_22 = arith.constant 8 : i32
      %mul3A_23 = arith.muli %scan3A_21, %mul3A_22 : i32
      %add3A_24 = arith.constant 0 : i32
      %add3A_25 = arith.addi %mul3A_23, %add3A_24 : i32
      %mul3A_26 = arith.constant 16 : i32
      %mul3A_27 = arith.muli %add3A_25, %mul3A_26 : i32
      %swap3A = arith.index_cast %mul3A_27 : i32 to index
      %swap3A_28 = tpu.vector_load %arg7[%swap3A] {strides = array<i32>} : memref<40960xf32, #tpu.memory_space<vmem>>, vector<16xf32>,
      tpu.vector_store %arg7[%swap3A], %broadcast_in_dim3A_1 {add = true, strides = array<i32>} : memref<40960xf32, #tpu.memory_space<vmem>>, vector<16xf32>,
      %mul3A_29 = arith.constant 8 : i32
      %mul3A_30 = arith.muli %scan3A_21, %mul3A_29 : i32
      %add3A_31 = arith.constant 1 : i32
      %add3A_32 = arith.addi %mul3A_30, %add3A_31 : i32
      %mul3A_33 = arith.constant 16 : i32
      %mul3A_34 = arith.muli %add3A_32, %mul3A_33 : i32
      %swap3A_35 = arith.index_cast %mul3A_34 : i32 to index
      %swap3A_36 = tpu.vector_load %arg7[%swap3A_35] {strides = array<i32>} : memref<40960xf32, #tpu.memory_space<vmem>>, vector<16xf32>,
      tpu.vector_store %arg7[%swap3A_35], %broadcast_in_dim3A_1 {add = true, strides = array<i32>} : memref<40960xf32, #tpu.memory_space<vmem>>, vector<16xf32>,
      %mul3A_37 = arith.constant 8 : i32
      %mul3A_38 = arith.muli %scan3A_21, %mul3A_37 : i32
      %add3A_39 = arith.constant 2 : i32
      %add3A_40 = arith.addi %mul3A_38, %add3A_39 : i32
      %mul3A_41 = arith.constant 16 : i32
      %mul3A_42 = arith.muli %add3A_40, %mul3A_41 : i32
      %swap3A_43 = arith.index_cast %mul3A_42 : i32 to index
      %swap3A_44 = tpu.vector_load %arg7[%swap3A_43] {strides = array<i32>} : memref<40960xf32, #tpu.memory_space<vmem>>, vector<16xf32>,
      tpu.vector_store %arg7[%swap3A_43], %broadcast_in_dim3A_1 {add = true, strides = array<i32>} : memref<40960xf32, #tpu.memory_space<vmem>>, vector<16xf32>,
      %mul3A_45 = arith.constant 8 : i32
      %mul3A_46 = arith.muli %scan3A_21, %mul3A_45 : i32
      %add3A_47 = arith.constant 3 : i32
      %add3A_48 = arith.addi %mul3A_46, %add3A_47 : i32
      %mul3A_49 = arith.constant 16 : i32
      %mul3A_50 = arith.muli %add3A_48, %mul3A_49 : i32
      %swap3A_51 = arith.index_cast %mul3A_50 : i32 to index
      %swap3A_52 = tpu.vector_load %arg7[%swap3A_51] {strides = array<i32>} : memref<40960xf32, #tpu.memory_space<vmem>>, vector<16xf32>,
      tpu.vector_store %arg7[%swap3A_51], %broadcast_in_dim3A_1 {add = true, strides = array<i32>} : memref<40960xf32, #tpu.memory_space<vmem>>, vector<16xf32>,
      %mul3A_53 = arith.constant 8 : i32
      %mul3A_54 = arith.muli %scan3A_21, %mul3A_53 : i32
      %add3A_55 = arith.constant 4 : i32
      %add3A_56 = arith.addi %mul3A_54, %add3A_55 : i32
      %mul3A_57 = arith.constant 16 : i32
      %mul3A_58 = arith.muli %add3A_56, %mul3A_57 : i32
      %swap3A_59 = arith.index_cast %mul3A_58 : i32 to index
      %swap3A_60 = tpu.vector_load %arg7[%swap3A_59] {strides = array<i32>} : memref<40960xf32, #tpu.memory_space<vmem>>, vector<16xf32>,
      tpu.vector_store %arg7[%swap3A_59], %broadcast_in_dim3A_1 {add = true, strides = array<i32>} : memref<40960xf32, #tpu.memory_space<vmem>>, vector<16xf32>,
      %mul3A_61 = arith.constant 8 : i32
      %mul3A_62 = arith.muli %scan3A_21, %mul3A_61 : i32
      %add3A_63 = arith.constant 5 : i32
      %add3A_64 = arith.addi %mul3A_62, %add3A_63 : i32
      %mul3A_65 = arith.constant 16 : i32
      %mul3A_66 = arith.muli %add3A_64, %mul3A_65 : i32
      %swap3A_67 = arith.index_cast %mul3A_66 : i32 to index
      %swap3A_68 = tpu.vector_load %arg7[%swap3A_67] {strides = array<i32>} : memref<40960xf32, #tpu.memory_space<vmem>>, vector<16xf32>,
      tpu.vector_store %arg7[%swap3A_67], %broadcast_in_dim3A_1 {add = true, strides = array<i32>} : memref<40960xf32, #tpu.memory_space<vmem>>, vector<16xf32>,
      %mul3A_69 = arith.constant 8 : i32
      %mul3A_70 = arith.muli %scan3A_21, %mul3A_69 : i32
      %add3A_71 = arith.constant 6 : i32
      %add3A_72 = arith.addi %mul3A_70, %add3A_71 : i32
      %mul3A_73 = arith.constant 16 : i32
      %mul3A_74 = arith.muli %add3A_72, %mul3A_73 : i32
      %swap3A_75 = arith.index_cast %mul3A_74 : i32 to index
      %swap3A_76 = tpu.vector_load %arg7[%swap3A_75] {strides = array<i32>} : memref<40960xf32, #tpu.memory_space<vmem>>, vector<16xf32>,
      tpu.vector_store %arg7[%swap3A_75], %broadcast_in_dim3A_1 {add = true, strides = array<i32>} : memref<40960xf32, #tpu.memory_space<vmem>>, vector<16xf32>,
      %mul3A_77 = arith.constant 8 : i32
      %mul3A_78 = arith.muli %scan3A_21, %mul3A_77 : i32
      %add3A_79 = arith.constant 7 : i32
      %add3A_80 = arith.addi %mul3A_78, %add3A_79 : i32
      %mul3A_81 = arith.constant 16 : i32
      %mul3A_82 = arith.muli %add3A_80, %mul3A_81 : i32
      %swap3A_83 = arith.index_cast %mul3A_82 : i32 to index
      %swap3A_84 = tpu.vector_load %arg7[%swap3A_83] {strides = array<i32>} : memref<40960xf32, #tpu.memory_space<vmem>>, vector<16xf32>,
      tpu.vector_store %arg7[%swap3A_83], %broadcast_in_dim3A_1 {add = true, strides = array<i32>} : memref<40960xf32, #tpu.memory_space<vmem>>, vector<16xf32>,
    }
    %scan3A_20 = arith.constant 320 : i32
    "tpu.region"() ({
      %run_scoped3A = tpu.sem_alloc : memref<!tpu.dma_semaphore, #tpu.memory_space<semaphore_mem>>
      %dma_start3A = arith.constant 0 : i32
      %dma_start3A_21 = tpu.memref_slice %arg5[%add3A, %dma_start3A] : memref<32x40960xf32, #tpu.memory_space<hbm>> -> memref<1x40960xf32, #tpu.memory_space<hbm>>
      %dma_start3A_22 = tpu.memref_squeeze %dma_start3A_21 : memref<1x40960xf32, #tpu.memory_space<hbm>> -> memref<40960xf32, #tpu.memory_space<hbm>>
      %dma_start3A_23 = arith.constant 0 : i32
      %dma_start3A_24 = tpu.memref_slice %arg5[%add3A, %dma_start3A_23] : memref<32x40960xf32, #tpu.memory_space<hbm>> -> memref<1x40960xf32, #tpu.memory_space<hbm>>
      %dma_start3A_25 = tpu.memref_squeeze %dma_start3A_24 : memref<1x40960xf32, #tpu.memory_space<hbm>> -> memref<40960xf32, #tpu.memory_space<hbm>>
      tpu.enqueue_dma source(%arg7 : memref<40960xf32, #tpu.memory_space<vmem>>) target(%dma_start3A_25 : memref<40960xf32, #tpu.memory_space<hbm>>) target_semaphore(%run_scoped3A : memref<!tpu.dma_semaphore, #tpu.memory_space<semaphore_mem>>)
      %dma_wait3A = arith.constant 0 : i32
      %dma_wait3A_26 = tpu.memref_slice %arg5[%add3A, %dma_wait3A] : memref<32x40960xf32, #tpu.memory_space<hbm>> -> memref<1x40960xf32, #tpu.memory_space<hbm>>
      %dma_wait3A_27 = tpu.memref_squeeze %dma_wait3A_26 : memref<1x40960xf32, #tpu.memory_space<hbm>> -> memref<40960xf32, #tpu.memory_space<hbm>>
      %dma_wait3A_28 = arith.constant 0 : i32
      %dma_wait3A_29 = tpu.memref_slice %arg5[%add3A, %dma_wait3A_28] : memref<32x40960xf32, #tpu.memory_space<hbm>> -> memref<1x40960xf32, #tpu.memory_space<hbm>>
      %dma_wait3A_30 = tpu.memref_squeeze %dma_wait3A_29 : memref<1x40960xf32, #tpu.memory_space<hbm>> -> memref<40960xf32, #tpu.memory_space<hbm>>
      tpu.wait_dma2 semaphore(%run_scoped3A : memref<!tpu.dma_semaphore, #tpu.memory_space<semaphore_mem>>) src(%arg7 : memref<40960xf32, #tpu.memory_space<vmem>>) dst(%dma_wait3A_30 : memref<40960xf32, #tpu.memory_space<hbm>>)
      tpu.yield
    }) : () -> ()
    return
  }
}

#map = affine_map<(d0, d1) -> (0)>
module attributes {stable_mosaic.version = 14 : i64} {
  func.func @_agg128(%arg0: i32, %arg1: i32, %arg2: memref<320000xi32, #tpu.memory_space<hbm>>, %arg3: memref<320000xi32, #tpu.memory_space<hbm>>, %arg4: memref<320000xf32, #tpu.memory_space<hbm>>, %arg5: memref<1280000xf32, #tpu.memory_space<hbm>>, %arg6: memref<1280000xf32, #tpu.memory_space<hbm>>, %arg7: memref<40000xf32, #tpu.memory_space<vmem>>, %arg8: memref<40000xf32, #tpu.memory_space<vmem>>, %arg9: memref<8000xi32, #tpu.memory_space<vmem>>, %arg10: memref<8000xi32, #tpu.memory_space<vmem>>, %arg11: memref<8000xf32, #tpu.memory_space<vmem>>) attributes {dimension_semantics = [#tpu.dimension_semantics<core_parallel>, #tpu.dimension_semantics<subcore_parallel>], iteration_bounds = array<i64: 2, 16>, scalar_prefetch = 0 : i64, scratch_operands = 5 : i64, tpu.core_type = #tpu.core_type<sc_vector_subcore>, window_params = [{transform_indices = #map}, {transform_indices = #map}, {transform_indices = #map}, {transform_indices = #map}, {transform_indices = #map}]} {
    %mul3A = arith.constant 2 : i32
    %mul3A_0 = arith.muli %arg1, %mul3A : i32
    %add3A = arith.addi %mul3A_0, %arg0 : i32
    %broadcast_in_dim3A = arith.constant 0.000000e+00 : f32
    %broadcast_in_dim3A_1 = vector.broadcast %broadcast_in_dim3A : f32 to vector<16xf32>
    %scan3A = arith.constant 0 : i32
    %scan3A_2 = arith.constant 0 : i32
    %scan3A_3 = arith.constant 312 : i32
    %scan3A_4 = arith.addi %scan3A_2, %scan3A_3 : i32
    %scan3A_5 = arith.constant 1 : i32
    scf.for %scan3A_28 = %scan3A_2 to %scan3A_4 step %scan3A_5  : i32 {
      %mul3A_29 = arith.constant 8 : i32
      %mul3A_30 = arith.muli %scan3A_28, %mul3A_29 : i32
      %add3A_31 = arith.constant 0 : i32
      %add3A_32 = arith.addi %mul3A_30, %add3A_31 : i32
      %mul3A_33 = arith.constant 16 : i32
      %mul3A_34 = arith.muli %add3A_32, %mul3A_33 : i32
      %swap3A_35 = arith.index_cast %mul3A_34 : i32 to index
      %swap3A_36 = tpu.vector_load %arg8[%swap3A_35] {strides = array<i32>} : memref<40000xf32, #tpu.memory_space<vmem>>, vector<16xf32>,
      tpu.vector_store %arg8[%swap3A_35], %broadcast_in_dim3A_1 {strides = array<i32>} : memref<40000xf32, #tpu.memory_space<vmem>>, vector<16xf32>,
      %mul3A_37 = arith.constant 8 : i32
      %mul3A_38 = arith.muli %scan3A_28, %mul3A_37 : i32
      %add3A_39 = arith.constant 1 : i32
      %add3A_40 = arith.addi %mul3A_38, %add3A_39 : i32
      %mul3A_41 = arith.constant 16 : i32
      %mul3A_42 = arith.muli %add3A_40, %mul3A_41 : i32
      %swap3A_43 = arith.index_cast %mul3A_42 : i32 to index
      %swap3A_44 = tpu.vector_load %arg8[%swap3A_43] {strides = array<i32>} : memref<40000xf32, #tpu.memory_space<vmem>>, vector<16xf32>,
      tpu.vector_store %arg8[%swap3A_43], %broadcast_in_dim3A_1 {strides = array<i32>} : memref<40000xf32, #tpu.memory_space<vmem>>, vector<16xf32>,
      %mul3A_45 = arith.constant 8 : i32
      %mul3A_46 = arith.muli %scan3A_28, %mul3A_45 : i32
      %add3A_47 = arith.constant 2 : i32
      %add3A_48 = arith.addi %mul3A_46, %add3A_47 : i32
      %mul3A_49 = arith.constant 16 : i32
      %mul3A_50 = arith.muli %add3A_48, %mul3A_49 : i32
      %swap3A_51 = arith.index_cast %mul3A_50 : i32 to index
      %swap3A_52 = tpu.vector_load %arg8[%swap3A_51] {strides = array<i32>} : memref<40000xf32, #tpu.memory_space<vmem>>, vector<16xf32>,
      tpu.vector_store %arg8[%swap3A_51], %broadcast_in_dim3A_1 {strides = array<i32>} : memref<40000xf32, #tpu.memory_space<vmem>>, vector<16xf32>,
      %mul3A_53 = arith.constant 8 : i32
      %mul3A_54 = arith.muli %scan3A_28, %mul3A_53 : i32
      %add3A_55 = arith.constant 3 : i32
      %add3A_56 = arith.addi %mul3A_54, %add3A_55 : i32
      %mul3A_57 = arith.constant 16 : i32
      %mul3A_58 = arith.muli %add3A_56, %mul3A_57 : i32
      %swap3A_59 = arith.index_cast %mul3A_58 : i32 to index
      %swap3A_60 = tpu.vector_load %arg8[%swap3A_59] {strides = array<i32>} : memref<40000xf32, #tpu.memory_space<vmem>>, vector<16xf32>,
      tpu.vector_store %arg8[%swap3A_59], %broadcast_in_dim3A_1 {strides = array<i32>} : memref<40000xf32, #tpu.memory_space<vmem>>, vector<16xf32>,
      %mul3A_61 = arith.constant 8 : i32
      %mul3A_62 = arith.muli %scan3A_28, %mul3A_61 : i32
      %add3A_63 = arith.constant 4 : i32
      %add3A_64 = arith.addi %mul3A_62, %add3A_63 : i32
      %mul3A_65 = arith.constant 16 : i32
      %mul3A_66 = arith.muli %add3A_64, %mul3A_65 : i32
      %swap3A_67 = arith.index_cast %mul3A_66 : i32 to index
      %swap3A_68 = tpu.vector_load %arg8[%swap3A_67] {strides = array<i32>} : memref<40000xf32, #tpu.memory_space<vmem>>, vector<16xf32>,
      tpu.vector_store %arg8[%swap3A_67], %broadcast_in_dim3A_1 {strides = array<i32>} : memref<40000xf32, #tpu.memory_space<vmem>>, vector<16xf32>,
      %mul3A_69 = arith.constant 8 : i32
      %mul3A_70 = arith.muli %scan3A_28, %mul3A_69 : i32
      %add3A_71 = arith.constant 5 : i32
      %add3A_72 = arith.addi %mul3A_70, %add3A_71 : i32
      %mul3A_73 = arith.constant 16 : i32
      %mul3A_74 = arith.muli %add3A_72, %mul3A_73 : i32
      %swap3A_75 = arith.index_cast %mul3A_74 : i32 to index
      %swap3A_76 = tpu.vector_load %arg8[%swap3A_75] {strides = array<i32>} : memref<40000xf32, #tpu.memory_space<vmem>>, vector<16xf32>,
      tpu.vector_store %arg8[%swap3A_75], %broadcast_in_dim3A_1 {strides = array<i32>} : memref<40000xf32, #tpu.memory_space<vmem>>, vector<16xf32>,
      %mul3A_77 = arith.constant 8 : i32
      %mul3A_78 = arith.muli %scan3A_28, %mul3A_77 : i32
      %add3A_79 = arith.constant 6 : i32
      %add3A_80 = arith.addi %mul3A_78, %add3A_79 : i32
      %mul3A_81 = arith.constant 16 : i32
      %mul3A_82 = arith.muli %add3A_80, %mul3A_81 : i32
      %swap3A_83 = arith.index_cast %mul3A_82 : i32 to index
      %swap3A_84 = tpu.vector_load %arg8[%swap3A_83] {strides = array<i32>} : memref<40000xf32, #tpu.memory_space<vmem>>, vector<16xf32>,
      tpu.vector_store %arg8[%swap3A_83], %broadcast_in_dim3A_1 {strides = array<i32>} : memref<40000xf32, #tpu.memory_space<vmem>>, vector<16xf32>,
      %mul3A_85 = arith.constant 8 : i32
      %mul3A_86 = arith.muli %scan3A_28, %mul3A_85 : i32
      %add3A_87 = arith.constant 7 : i32
      %add3A_88 = arith.addi %mul3A_86, %add3A_87 : i32
      %mul3A_89 = arith.constant 16 : i32
      %mul3A_90 = arith.muli %add3A_88, %mul3A_89 : i32
      %swap3A_91 = arith.index_cast %mul3A_90 : i32 to index
      %swap3A_92 = tpu.vector_load %arg8[%swap3A_91] {strides = array<i32>} : memref<40000xf32, #tpu.memory_space<vmem>>, vector<16xf32>,
      tpu.vector_store %arg8[%swap3A_91], %broadcast_in_dim3A_1 {strides = array<i32>} : memref<40000xf32, #tpu.memory_space<vmem>>, vector<16xf32>,
    }
    %scan3A_6 = arith.constant 312 : i32
    %swap3A = arith.constant 39936 : index
    %swap3A_7 = tpu.vector_load %arg8[%swap3A] {strides = array<i32>} : memref<40000xf32, #tpu.memory_space<vmem>>, vector<16xf32>,
    tpu.vector_store %arg8[%swap3A], %broadcast_in_dim3A_1 {strides = array<i32>} : memref<40000xf32, #tpu.memory_space<vmem>>, vector<16xf32>,
    %swap3A_8 = arith.constant 39952 : index
    %swap3A_9 = tpu.vector_load %arg8[%swap3A_8] {strides = array<i32>} : memref<40000xf32, #tpu.memory_space<vmem>>, vector<16xf32>,
    tpu.vector_store %arg8[%swap3A_8], %broadcast_in_dim3A_1 {strides = array<i32>} : memref<40000xf32, #tpu.memory_space<vmem>>, vector<16xf32>,
    %swap3A_10 = arith.constant 39968 : index
    %swap3A_11 = tpu.vector_load %arg8[%swap3A_10] {strides = array<i32>} : memref<40000xf32, #tpu.memory_space<vmem>>, vector<16xf32>,
    tpu.vector_store %arg8[%swap3A_10], %broadcast_in_dim3A_1 {strides = array<i32>} : memref<40000xf32, #tpu.memory_space<vmem>>, vector<16xf32>,
    %swap3A_12 = arith.constant 39984 : index
    %swap3A_13 = tpu.vector_load %arg8[%swap3A_12] {strides = array<i32>} : memref<40000xf32, #tpu.memory_space<vmem>>, vector<16xf32>,
    tpu.vector_store %arg8[%swap3A_12], %broadcast_in_dim3A_1 {strides = array<i32>} : memref<40000xf32, #tpu.memory_space<vmem>>, vector<16xf32>,
    %mul3A_14 = arith.constant 4 : i32
    %mul3A_15 = arith.muli %add3A, %mul3A_14 : i32
    %mul3A_16 = arith.constant 10000 : i32
    %mul3A_17 = arith.muli %mul3A_15, %mul3A_16 : i32
    "tpu.region"() ({
      %run_scoped3A = tpu.sem_alloc : memref<!tpu.dma_semaphore, #tpu.memory_space<semaphore_mem>>
      %dma_start3A = tpu.memref_slice %arg5[%mul3A_17] : memref<1280000xf32, #tpu.memory_space<hbm>> -> memref<40000xf32, #tpu.memory_space<hbm>>
      %dma_start3A_28 = tpu.memref_slice %arg5[%mul3A_17] : memref<1280000xf32, #tpu.memory_space<hbm>> -> memref<40000xf32, #tpu.memory_space<hbm>>
      tpu.enqueue_dma source(%dma_start3A_28 : memref<40000xf32, #tpu.memory_space<hbm>>) target(%arg7 : memref<40000xf32, #tpu.memory_space<vmem>>) target_semaphore(%run_scoped3A : memref<!tpu.dma_semaphore, #tpu.memory_space<semaphore_mem>>)
      %dma_wait3A = tpu.memref_slice %arg5[%mul3A_17] : memref<1280000xf32, #tpu.memory_space<hbm>> -> memref<40000xf32, #tpu.memory_space<hbm>>
      %dma_wait3A_29 = tpu.memref_slice %arg5[%mul3A_17] : memref<1280000xf32, #tpu.memory_space<hbm>> -> memref<40000xf32, #tpu.memory_space<hbm>>
      tpu.wait_dma2 semaphore(%run_scoped3A : memref<!tpu.dma_semaphore, #tpu.memory_space<semaphore_mem>>) src(%dma_wait3A_29 : memref<40000xf32, #tpu.memory_space<hbm>>) dst(%arg7 : memref<40000xf32, #tpu.memory_space<vmem>>)
      tpu.yield
    }) : () -> ()
    %scan3A_18 = arith.constant 0 : i32
    %scan3A_19 = arith.constant 0 : i32
    %scan3A_20 = arith.constant 40 : i32
    %scan3A_21 = arith.addi %scan3A_19, %scan3A_20 : i32
    %scan3A_22 = arith.constant 1 : i32
    scf.for %scan3A_28 = %scan3A_19 to %scan3A_21 step %scan3A_22  : i32 {
      %mul3A_29 = arith.constant 8000 : i32
      %mul3A_30 = arith.muli %scan3A_28, %mul3A_29 : i32
      "tpu.region"() ({
        %run_scoped3A = tpu.sem_alloc : memref<!tpu.dma_semaphore, #tpu.memory_space<semaphore_mem>>
        %dma_start3A = tpu.memref_slice %arg2[%mul3A_30] : memref<320000xi32, #tpu.memory_space<hbm>> -> memref<8000xi32, #tpu.memory_space<hbm>>
        %dma_start3A_41 = tpu.memref_slice %arg2[%mul3A_30] : memref<320000xi32, #tpu.memory_space<hbm>> -> memref<8000xi32, #tpu.memory_space<hbm>>
        tpu.enqueue_dma source(%dma_start3A_41 : memref<8000xi32, #tpu.memory_space<hbm>>) target(%arg9 : memref<8000xi32, #tpu.memory_space<vmem>>) target_semaphore(%run_scoped3A : memref<!tpu.dma_semaphore, #tpu.memory_space<semaphore_mem>>)
        %dma_wait3A = tpu.memref_slice %arg2[%mul3A_30] : memref<320000xi32, #tpu.memory_space<hbm>> -> memref<8000xi32, #tpu.memory_space<hbm>>
        %dma_wait3A_42 = tpu.memref_slice %arg2[%mul3A_30] : memref<320000xi32, #tpu.memory_space<hbm>> -> memref<8000xi32, #tpu.memory_space<hbm>>
        tpu.wait_dma2 semaphore(%run_scoped3A : memref<!tpu.dma_semaphore, #tpu.memory_space<semaphore_mem>>) src(%dma_wait3A_42 : memref<8000xi32, #tpu.memory_space<hbm>>) dst(%arg9 : memref<8000xi32, #tpu.memory_space<vmem>>)
        tpu.yield
      }) : () -> ()
      %mul3A_31 = arith.constant 8000 : i32
      %mul3A_32 = arith.muli %scan3A_28, %mul3A_31 : i32
      "tpu.region"() ({
        %run_scoped3A = tpu.sem_alloc : memref<!tpu.dma_semaphore, #tpu.memory_space<semaphore_mem>>
        %dma_start3A = tpu.memref_slice %arg3[%mul3A_32] : memref<320000xi32, #tpu.memory_space<hbm>> -> memref<8000xi32, #tpu.memory_space<hbm>>
        %dma_start3A_41 = tpu.memref_slice %arg3[%mul3A_32] : memref<320000xi32, #tpu.memory_space<hbm>> -> memref<8000xi32, #tpu.memory_space<hbm>>
        tpu.enqueue_dma source(%dma_start3A_41 : memref<8000xi32, #tpu.memory_space<hbm>>) target(%arg10 : memref<8000xi32, #tpu.memory_space<vmem>>) target_semaphore(%run_scoped3A : memref<!tpu.dma_semaphore, #tpu.memory_space<semaphore_mem>>)
        %dma_wait3A = tpu.memref_slice %arg3[%mul3A_32] : memref<320000xi32, #tpu.memory_space<hbm>> -> memref<8000xi32, #tpu.memory_space<hbm>>
        %dma_wait3A_42 = tpu.memref_slice %arg3[%mul3A_32] : memref<320000xi32, #tpu.memory_space<hbm>> -> memref<8000xi32, #tpu.memory_space<hbm>>
        tpu.wait_dma2 semaphore(%run_scoped3A : memref<!tpu.dma_semaphore, #tpu.memory_space<semaphore_mem>>) src(%dma_wait3A_42 : memref<8000xi32, #tpu.memory_space<hbm>>) dst(%arg10 : memref<8000xi32, #tpu.memory_space<vmem>>)
        tpu.yield
      }) : () -> ()
      %mul3A_33 = arith.constant 8000 : i32
      %mul3A_34 = arith.muli %scan3A_28, %mul3A_33 : i32
      "tpu.region"() ({
        %run_scoped3A = tpu.sem_alloc : memref<!tpu.dma_semaphore, #tpu.memory_space<semaphore_mem>>
        %dma_start3A = tpu.memref_slice %arg4[%mul3A_34] : memref<320000xf32, #tpu.memory_space<hbm>> -> memref<8000xf32, #tpu.memory_space<hbm>>
        %dma_start3A_41 = tpu.memref_slice %arg4[%mul3A_34] : memref<320000xf32, #tpu.memory_space<hbm>> -> memref<8000xf32, #tpu.memory_space<hbm>>
        tpu.enqueue_dma source(%dma_start3A_41 : memref<8000xf32, #tpu.memory_space<hbm>>) target(%arg11 : memref<8000xf32, #tpu.memory_space<vmem>>) target_semaphore(%run_scoped3A : memref<!tpu.dma_semaphore, #tpu.memory_space<semaphore_mem>>)
        %dma_wait3A = tpu.memref_slice %arg4[%mul3A_34] : memref<320000xf32, #tpu.memory_space<hbm>> -> memref<8000xf32, #tpu.memory_space<hbm>>
        %dma_wait3A_42 = tpu.memref_slice %arg4[%mul3A_34] : memref<320000xf32, #tpu.memory_space<hbm>> -> memref<8000xf32, #tpu.memory_space<hbm>>
        tpu.wait_dma2 semaphore(%run_scoped3A : memref<!tpu.dma_semaphore, #tpu.memory_space<semaphore_mem>>) src(%dma_wait3A_42 : memref<8000xf32, #tpu.memory_space<hbm>>) dst(%arg11 : memref<8000xf32, #tpu.memory_space<vmem>>)
        tpu.yield
      }) : () -> ()
      %scan3A_35 = arith.constant 0 : i32
      %scan3A_36 = arith.constant 0 : i32
      %scan3A_37 = arith.constant 50 : i32
      %scan3A_38 = arith.addi %scan3A_36, %scan3A_37 : i32
      %scan3A_39 = arith.constant 1 : i32
      scf.for %scan3A_41 = %scan3A_36 to %scan3A_38 step %scan3A_39  : i32 {
        %mul3A_42 = arith.constant 10 : i32
        %mul3A_43 = arith.muli %scan3A_41, %mul3A_42 : i32
        %add3A_44 = arith.constant 0 : i32
        %add3A_45 = arith.addi %mul3A_43, %add3A_44 : i32
        %mul3A_46 = arith.constant 16 : i32
        %mul3A_47 = arith.muli %add3A_45, %mul3A_46 : i32
        %get3A = arith.index_cast %mul3A_47 : i32 to index
        %get3A_48 = tpu.vector_load %arg9[%get3A] {strides = array<i32>} : memref<8000xi32, #tpu.memory_space<vmem>>, vector<16xi32>,
        %get3A_49 = arith.index_cast %mul3A_47 : i32 to index
        %get3A_50 = tpu.vector_load %arg10[%get3A_49] {strides = array<i32>} : memref<8000xi32, #tpu.memory_space<vmem>>, vector<16xi32>,
        %get3A_51 = arith.index_cast %mul3A_47 : i32 to index
        %get3A_52 = tpu.vector_load %arg11[%get3A_51] {strides = array<i32>} : memref<8000xf32, #tpu.memory_space<vmem>>, vector<16xf32>,
        %add3A_53 = arith.constant 0 : i32
        %add3A_54 = vector.broadcast %add3A_53 : i32 to vector<16xi32>
        %add3A_55 = arith.addi %get3A_48, %add3A_54 : vector<16xi32>
        %gather3A = tpu.vector_load_idx %arg7[%add3A_55] : memref<40000xf32, #tpu.memory_space<vmem>>[vector<16xi32>], vector<16xf32>,
        %add3A_56 = arith.constant 0 : i32
        %add3A_57 = vector.broadcast %add3A_56 : i32 to vector<16xi32>
        %add3A_58 = arith.addi %get3A_50, %add3A_57 : vector<16xi32>
        %mul3A_59 = arith.mulf %gather3A, %get3A_52 : vector<16xf32>
        tpu.vector_store_idx %arg8[%add3A_58], %mul3A_59 {add = true} : memref<40000xf32, #tpu.memory_space<vmem>>[vector<16xi32>], vector<16xf32>,
        %add3A_60 = arith.constant 10000 : i32
        %add3A_61 = vector.broadcast %add3A_60 : i32 to vector<16xi32>
        %add3A_62 = arith.addi %get3A_48, %add3A_61 : vector<16xi32>
        %gather3A_63 = tpu.vector_load_idx %arg7[%add3A_62] : memref<40000xf32, #tpu.memory_space<vmem>>[vector<16xi32>], vector<16xf32>,
        %add3A_64 = arith.constant 10000 : i32
        %add3A_65 = vector.broadcast %add3A_64 : i32 to vector<16xi32>
        %add3A_66 = arith.addi %get3A_50, %add3A_65 : vector<16xi32>
        %mul3A_67 = arith.mulf %gather3A_63, %get3A_52 : vector<16xf32>
        tpu.vector_store_idx %arg8[%add3A_66], %mul3A_67 {add = true} : memref<40000xf32, #tpu.memory_space<vmem>>[vector<16xi32>], vector<16xf32>,
        %add3A_68 = arith.constant 20000 : i32
        %add3A_69 = vector.broadcast %add3A_68 : i32 to vector<16xi32>
        %add3A_70 = arith.addi %get3A_48, %add3A_69 : vector<16xi32>
        %gather3A_71 = tpu.vector_load_idx %arg7[%add3A_70] : memref<40000xf32, #tpu.memory_space<vmem>>[vector<16xi32>], vector<16xf32>,
        %add3A_72 = arith.constant 20000 : i32
        %add3A_73 = vector.broadcast %add3A_72 : i32 to vector<16xi32>
        %add3A_74 = arith.addi %get3A_50, %add3A_73 : vector<16xi32>
        %mul3A_75 = arith.mulf %gather3A_71, %get3A_52 : vector<16xf32>
        tpu.vector_store_idx %arg8[%add3A_74], %mul3A_75 {add = true} : memref<40000xf32, #tpu.memory_space<vmem>>[vector<16xi32>], vector<16xf32>,
        %add3A_76 = arith.constant 30000 : i32
        %add3A_77 = vector.broadcast %add3A_76 : i32 to vector<16xi32>
        %add3A_78 = arith.addi %get3A_48, %add3A_77 : vector<16xi32>
        %gather3A_79 = tpu.vector_load_idx %arg7[%add3A_78] : memref<40000xf32, #tpu.memory_space<vmem>>[vector<16xi32>], vector<16xf32>,
        %add3A_80 = arith.constant 30000 : i32
        %add3A_81 = vector.broadcast %add3A_80 : i32 to vector<16xi32>
        %add3A_82 = arith.addi %get3A_50, %add3A_81 : vector<16xi32>
        %mul3A_83 = arith.mulf %gather3A_79, %get3A_52 : vector<16xf32>
        tpu.vector_store_idx %arg8[%add3A_82], %mul3A_83 {add = true} : memref<40000xf32, #tpu.memory_space<vmem>>[vector<16xi32>], vector<16xf32>,
        %mul3A_84 = arith.constant 10 : i32
        %mul3A_85 = arith.muli %scan3A_41, %mul3A_84 : i32
        %add3A_86 = arith.constant 1 : i32
        %add3A_87 = arith.addi %mul3A_85, %add3A_86 : i32
        %mul3A_88 = arith.constant 16 : i32
        %mul3A_89 = arith.muli %add3A_87, %mul3A_88 : i32
        %get3A_90 = arith.index_cast %mul3A_89 : i32 to index
        %get3A_91 = tpu.vector_load %arg9[%get3A_90] {strides = array<i32>} : memref<8000xi32, #tpu.memory_space<vmem>>, vector<16xi32>,
        %get3A_92 = arith.index_cast %mul3A_89 : i32 to index
        %get3A_93 = tpu.vector_load %arg10[%get3A_92] {strides = array<i32>} : memref<8000xi32, #tpu.memory_space<vmem>>, vector<16xi32>,
        %get3A_94 = arith.index_cast %mul3A_89 : i32 to index
        %get3A_95 = tpu.vector_load %arg11[%get3A_94] {strides = array<i32>} : memref<8000xf32, #tpu.memory_space<vmem>>, vector<16xf32>,
        %add3A_96 = arith.constant 0 : i32
        %add3A_97 = vector.broadcast %add3A_96 : i32 to vector<16xi32>
        %add3A_98 = arith.addi %get3A_91, %add3A_97 : vector<16xi32>
        %gather3A_99 = tpu.vector_load_idx %arg7[%add3A_98] : memref<40000xf32, #tpu.memory_space<vmem>>[vector<16xi32>], vector<16xf32>,
        %add3A_100 = arith.constant 0 : i32
        %add3A_101 = vector.broadcast %add3A_100 : i32 to vector<16xi32>
        %add3A_102 = arith.addi %get3A_93, %add3A_101 : vector<16xi32>
        %mul3A_103 = arith.mulf %gather3A_99, %get3A_95 : vector<16xf32>
        tpu.vector_store_idx %arg8[%add3A_102], %mul3A_103 {add = true} : memref<40000xf32, #tpu.memory_space<vmem>>[vector<16xi32>], vector<16xf32>,
        %add3A_104 = arith.constant 10000 : i32
        %add3A_105 = vector.broadcast %add3A_104 : i32 to vector<16xi32>
        %add3A_106 = arith.addi %get3A_91, %add3A_105 : vector<16xi32>
        %gather3A_107 = tpu.vector_load_idx %arg7[%add3A_106] : memref<40000xf32, #tpu.memory_space<vmem>>[vector<16xi32>], vector<16xf32>,
        %add3A_108 = arith.constant 10000 : i32
        %add3A_109 = vector.broadcast %add3A_108 : i32 to vector<16xi32>
        %add3A_110 = arith.addi %get3A_93, %add3A_109 : vector<16xi32>
        %mul3A_111 = arith.mulf %gather3A_107, %get3A_95 : vector<16xf32>
        tpu.vector_store_idx %arg8[%add3A_110], %mul3A_111 {add = true} : memref<40000xf32, #tpu.memory_space<vmem>>[vector<16xi32>], vector<16xf32>,
        %add3A_112 = arith.constant 20000 : i32
        %add3A_113 = vector.broadcast %add3A_112 : i32 to vector<16xi32>
        %add3A_114 = arith.addi %get3A_91, %add3A_113 : vector<16xi32>
        %gather3A_115 = tpu.vector_load_idx %arg7[%add3A_114] : memref<40000xf32, #tpu.memory_space<vmem>>[vector<16xi32>], vector<16xf32>,
        %add3A_116 = arith.constant 20000 : i32
        %add3A_117 = vector.broadcast %add3A_116 : i32 to vector<16xi32>
        %add3A_118 = arith.addi %get3A_93, %add3A_117 : vector<16xi32>
        %mul3A_119 = arith.mulf %gather3A_115, %get3A_95 : vector<16xf32>
        tpu.vector_store_idx %arg8[%add3A_118], %mul3A_119 {add = true} : memref<40000xf32, #tpu.memory_space<vmem>>[vector<16xi32>], vector<16xf32>,
        %add3A_120 = arith.constant 30000 : i32
        %add3A_121 = vector.broadcast %add3A_120 : i32 to vector<16xi32>
        %add3A_122 = arith.addi %get3A_91, %add3A_121 : vector<16xi32>
        %gather3A_123 = tpu.vector_load_idx %arg7[%add3A_122] : memref<40000xf32, #tpu.memory_space<vmem>>[vector<16xi32>], vector<16xf32>,
        %add3A_124 = arith.constant 30000 : i32
        %add3A_125 = vector.broadcast %add3A_124 : i32 to vector<16xi32>
        %add3A_126 = arith.addi %get3A_93, %add3A_125 : vector<16xi32>
        %mul3A_127 = arith.mulf %gather3A_123, %get3A_95 : vector<16xf32>
        tpu.vector_store_idx %arg8[%add3A_126], %mul3A_127 {add = true} : memref<40000xf32, #tpu.memory_space<vmem>>[vector<16xi32>], vector<16xf32>,
        %mul3A_128 = arith.constant 10 : i32
        %mul3A_129 = arith.muli %scan3A_41, %mul3A_128 : i32
        %add3A_130 = arith.constant 2 : i32
        %add3A_131 = arith.addi %mul3A_129, %add3A_130 : i32
        %mul3A_132 = arith.constant 16 : i32
        %mul3A_133 = arith.muli %add3A_131, %mul3A_132 : i32
        %get3A_134 = arith.index_cast %mul3A_133 : i32 to index
        %get3A_135 = tpu.vector_load %arg9[%get3A_134] {strides = array<i32>} : memref<8000xi32, #tpu.memory_space<vmem>>, vector<16xi32>,
        %get3A_136 = arith.index_cast %mul3A_133 : i32 to index
        %get3A_137 = tpu.vector_load %arg10[%get3A_136] {strides = array<i32>} : memref<8000xi32, #tpu.memory_space<vmem>>, vector<16xi32>,
        %get3A_138 = arith.index_cast %mul3A_133 : i32 to index
        %get3A_139 = tpu.vector_load %arg11[%get3A_138] {strides = array<i32>} : memref<8000xf32, #tpu.memory_space<vmem>>, vector<16xf32>,
        %add3A_140 = arith.constant 0 : i32
        %add3A_141 = vector.broadcast %add3A_140 : i32 to vector<16xi32>
        %add3A_142 = arith.addi %get3A_135, %add3A_141 : vector<16xi32>
        %gather3A_143 = tpu.vector_load_idx %arg7[%add3A_142] : memref<40000xf32, #tpu.memory_space<vmem>>[vector<16xi32>], vector<16xf32>,
        %add3A_144 = arith.constant 0 : i32
        %add3A_145 = vector.broadcast %add3A_144 : i32 to vector<16xi32>
        %add3A_146 = arith.addi %get3A_137, %add3A_145 : vector<16xi32>
        %mul3A_147 = arith.mulf %gather3A_143, %get3A_139 : vector<16xf32>
        tpu.vector_store_idx %arg8[%add3A_146], %mul3A_147 {add = true} : memref<40000xf32, #tpu.memory_space<vmem>>[vector<16xi32>], vector<16xf32>,
        %add3A_148 = arith.constant 10000 : i32
        %add3A_149 = vector.broadcast %add3A_148 : i32 to vector<16xi32>
        %add3A_150 = arith.addi %get3A_135, %add3A_149 : vector<16xi32>
        %gather3A_151 = tpu.vector_load_idx %arg7[%add3A_150] : memref<40000xf32, #tpu.memory_space<vmem>>[vector<16xi32>], vector<16xf32>,
        %add3A_152 = arith.constant 10000 : i32
        %add3A_153 = vector.broadcast %add3A_152 : i32 to vector<16xi32>
        %add3A_154 = arith.addi %get3A_137, %add3A_153 : vector<16xi32>
        %mul3A_155 = arith.mulf %gather3A_151, %get3A_139 : vector<16xf32>
        tpu.vector_store_idx %arg8[%add3A_154], %mul3A_155 {add = true} : memref<40000xf32, #tpu.memory_space<vmem>>[vector<16xi32>], vector<16xf32>,
        %add3A_156 = arith.constant 20000 : i32
        %add3A_157 = vector.broadcast %add3A_156 : i32 to vector<16xi32>
        %add3A_158 = arith.addi %get3A_135, %add3A_157 : vector<16xi32>
        %gather3A_159 = tpu.vector_load_idx %arg7[%add3A_158] : memref<40000xf32, #tpu.memory_space<vmem>>[vector<16xi32>], vector<16xf32>,
        %add3A_160 = arith.constant 20000 : i32
        %add3A_161 = vector.broadcast %add3A_160 : i32 to vector<16xi32>
        %add3A_162 = arith.addi %get3A_137, %add3A_161 : vector<16xi32>
        %mul3A_163 = arith.mulf %gather3A_159, %get3A_139 : vector<16xf32>
        tpu.vector_store_idx %arg8[%add3A_162], %mul3A_163 {add = true} : memref<40000xf32, #tpu.memory_space<vmem>>[vector<16xi32>], vector<16xf32>,
        %add3A_164 = arith.constant 30000 : i32
        %add3A_165 = vector.broadcast %add3A_164 : i32 to vector<16xi32>
        %add3A_166 = arith.addi %get3A_135, %add3A_165 : vector<16xi32>
        %gather3A_167 = tpu.vector_load_idx %arg7[%add3A_166] : memref<40000xf32, #tpu.memory_space<vmem>>[vector<16xi32>], vector<16xf32>,
        %add3A_168 = arith.constant 30000 : i32
        %add3A_169 = vector.broadcast %add3A_168 : i32 to vector<16xi32>
        %add3A_170 = arith.addi %get3A_137, %add3A_169 : vector<16xi32>
        %mul3A_171 = arith.mulf %gather3A_167, %get3A_139 : vector<16xf32>
        tpu.vector_store_idx %arg8[%add3A_170], %mul3A_171 {add = true} : memref<40000xf32, #tpu.memory_space<vmem>>[vector<16xi32>], vector<16xf32>,
        %mul3A_172 = arith.constant 10 : i32
        %mul3A_173 = arith.muli %scan3A_41, %mul3A_172 : i32
        %add3A_174 = arith.constant 3 : i32
        %add3A_175 = arith.addi %mul3A_173, %add3A_174 : i32
        %mul3A_176 = arith.constant 16 : i32
        %mul3A_177 = arith.muli %add3A_175, %mul3A_176 : i32
        %get3A_178 = arith.index_cast %mul3A_177 : i32 to index
        %get3A_179 = tpu.vector_load %arg9[%get3A_178] {strides = array<i32>} : memref<8000xi32, #tpu.memory_space<vmem>>, vector<16xi32>,
        %get3A_180 = arith.index_cast %mul3A_177 : i32 to index
        %get3A_181 = tpu.vector_load %arg10[%get3A_180] {strides = array<i32>} : memref<8000xi32, #tpu.memory_space<vmem>>, vector<16xi32>,
        %get3A_182 = arith.index_cast %mul3A_177 : i32 to index
        %get3A_183 = tpu.vector_load %arg11[%get3A_182] {strides = array<i32>} : memref<8000xf32, #tpu.memory_space<vmem>>, vector<16xf32>,
        %add3A_184 = arith.constant 0 : i32
        %add3A_185 = vector.broadcast %add3A_184 : i32 to vector<16xi32>
        %add3A_186 = arith.addi %get3A_179, %add3A_185 : vector<16xi32>
        %gather3A_187 = tpu.vector_load_idx %arg7[%add3A_186] : memref<40000xf32, #tpu.memory_space<vmem>>[vector<16xi32>], vector<16xf32>,
        %add3A_188 = arith.constant 0 : i32
        %add3A_189 = vector.broadcast %add3A_188 : i32 to vector<16xi32>
        %add3A_190 = arith.addi %get3A_181, %add3A_189 : vector<16xi32>
        %mul3A_191 = arith.mulf %gather3A_187, %get3A_183 : vector<16xf32>
        tpu.vector_store_idx %arg8[%add3A_190], %mul3A_191 {add = true} : memref<40000xf32, #tpu.memory_space<vmem>>[vector<16xi32>], vector<16xf32>,
        %add3A_192 = arith.constant 10000 : i32
        %add3A_193 = vector.broadcast %add3A_192 : i32 to vector<16xi32>
        %add3A_194 = arith.addi %get3A_179, %add3A_193 : vector<16xi32>
        %gather3A_195 = tpu.vector_load_idx %arg7[%add3A_194] : memref<40000xf32, #tpu.memory_space<vmem>>[vector<16xi32>], vector<16xf32>,
        %add3A_196 = arith.constant 10000 : i32
        %add3A_197 = vector.broadcast %add3A_196 : i32 to vector<16xi32>
        %add3A_198 = arith.addi %get3A_181, %add3A_197 : vector<16xi32>
        %mul3A_199 = arith.mulf %gather3A_195, %get3A_183 : vector<16xf32>
        tpu.vector_store_idx %arg8[%add3A_198], %mul3A_199 {add = true} : memref<40000xf32, #tpu.memory_space<vmem>>[vector<16xi32>], vector<16xf32>,
        %add3A_200 = arith.constant 20000 : i32
        %add3A_201 = vector.broadcast %add3A_200 : i32 to vector<16xi32>
        %add3A_202 = arith.addi %get3A_179, %add3A_201 : vector<16xi32>
        %gather3A_203 = tpu.vector_load_idx %arg7[%add3A_202] : memref<40000xf32, #tpu.memory_space<vmem>>[vector<16xi32>], vector<16xf32>,
        %add3A_204 = arith.constant 20000 : i32
        %add3A_205 = vector.broadcast %add3A_204 : i32 to vector<16xi32>
        %add3A_206 = arith.addi %get3A_181, %add3A_205 : vector<16xi32>
        %mul3A_207 = arith.mulf %gather3A_203, %get3A_183 : vector<16xf32>
        tpu.vector_store_idx %arg8[%add3A_206], %mul3A_207 {add = true} : memref<40000xf32, #tpu.memory_space<vmem>>[vector<16xi32>], vector<16xf32>,
        %add3A_208 = arith.constant 30000 : i32
        %add3A_209 = vector.broadcast %add3A_208 : i32 to vector<16xi32>
        %add3A_210 = arith.addi %get3A_179, %add3A_209 : vector<16xi32>
        %gather3A_211 = tpu.vector_load_idx %arg7[%add3A_210] : memref<40000xf32, #tpu.memory_space<vmem>>[vector<16xi32>], vector<16xf32>,
        %add3A_212 = arith.constant 30000 : i32
        %add3A_213 = vector.broadcast %add3A_212 : i32 to vector<16xi32>
        %add3A_214 = arith.addi %get3A_181, %add3A_213 : vector<16xi32>
        %mul3A_215 = arith.mulf %gather3A_211, %get3A_183 : vector<16xf32>
        tpu.vector_store_idx %arg8[%add3A_214], %mul3A_215 {add = true} : memref<40000xf32, #tpu.memory_space<vmem>>[vector<16xi32>], vector<16xf32>,
        %mul3A_216 = arith.constant 10 : i32
        %mul3A_217 = arith.muli %scan3A_41, %mul3A_216 : i32
        %add3A_218 = arith.constant 4 : i32
        %add3A_219 = arith.addi %mul3A_217, %add3A_218 : i32
        %mul3A_220 = arith.constant 16 : i32
        %mul3A_221 = arith.muli %add3A_219, %mul3A_220 : i32
        %get3A_222 = arith.index_cast %mul3A_221 : i32 to index
        %get3A_223 = tpu.vector_load %arg9[%get3A_222] {strides = array<i32>} : memref<8000xi32, #tpu.memory_space<vmem>>, vector<16xi32>,
        %get3A_224 = arith.index_cast %mul3A_221 : i32 to index
        %get3A_225 = tpu.vector_load %arg10[%get3A_224] {strides = array<i32>} : memref<8000xi32, #tpu.memory_space<vmem>>, vector<16xi32>,
        %get3A_226 = arith.index_cast %mul3A_221 : i32 to index
        %get3A_227 = tpu.vector_load %arg11[%get3A_226] {strides = array<i32>} : memref<8000xf32, #tpu.memory_space<vmem>>, vector<16xf32>,
        %add3A_228 = arith.constant 0 : i32
        %add3A_229 = vector.broadcast %add3A_228 : i32 to vector<16xi32>
        %add3A_230 = arith.addi %get3A_223, %add3A_229 : vector<16xi32>
        %gather3A_231 = tpu.vector_load_idx %arg7[%add3A_230] : memref<40000xf32, #tpu.memory_space<vmem>>[vector<16xi32>], vector<16xf32>,
        %add3A_232 = arith.constant 0 : i32
        %add3A_233 = vector.broadcast %add3A_232 : i32 to vector<16xi32>
        %add3A_234 = arith.addi %get3A_225, %add3A_233 : vector<16xi32>
        %mul3A_235 = arith.mulf %gather3A_231, %get3A_227 : vector<16xf32>
        tpu.vector_store_idx %arg8[%add3A_234], %mul3A_235 {add = true} : memref<40000xf32, #tpu.memory_space<vmem>>[vector<16xi32>], vector<16xf32>,
        %add3A_236 = arith.constant 10000 : i32
        %add3A_237 = vector.broadcast %add3A_236 : i32 to vector<16xi32>
        %add3A_238 = arith.addi %get3A_223, %add3A_237 : vector<16xi32>
        %gather3A_239 = tpu.vector_load_idx %arg7[%add3A_238] : memref<40000xf32, #tpu.memory_space<vmem>>[vector<16xi32>], vector<16xf32>,
        %add3A_240 = arith.constant 10000 : i32
        %add3A_241 = vector.broadcast %add3A_240 : i32 to vector<16xi32>
        %add3A_242 = arith.addi %get3A_225, %add3A_241 : vector<16xi32>
        %mul3A_243 = arith.mulf %gather3A_239, %get3A_227 : vector<16xf32>
        tpu.vector_store_idx %arg8[%add3A_242], %mul3A_243 {add = true} : memref<40000xf32, #tpu.memory_space<vmem>>[vector<16xi32>], vector<16xf32>,
        %add3A_244 = arith.constant 20000 : i32
        %add3A_245 = vector.broadcast %add3A_244 : i32 to vector<16xi32>
        %add3A_246 = arith.addi %get3A_223, %add3A_245 : vector<16xi32>
        %gather3A_247 = tpu.vector_load_idx %arg7[%add3A_246] : memref<40000xf32, #tpu.memory_space<vmem>>[vector<16xi32>], vector<16xf32>,
        %add3A_248 = arith.constant 20000 : i32
        %add3A_249 = vector.broadcast %add3A_248 : i32 to vector<16xi32>
        %add3A_250 = arith.addi %get3A_225, %add3A_249 : vector<16xi32>
        %mul3A_251 = arith.mulf %gather3A_247, %get3A_227 : vector<16xf32>
        tpu.vector_store_idx %arg8[%add3A_250], %mul3A_251 {add = true} : memref<40000xf32, #tpu.memory_space<vmem>>[vector<16xi32>], vector<16xf32>,
        %add3A_252 = arith.constant 30000 : i32
        %add3A_253 = vector.broadcast %add3A_252 : i32 to vector<16xi32>
        %add3A_254 = arith.addi %get3A_223, %add3A_253 : vector<16xi32>
        %gather3A_255 = tpu.vector_load_idx %arg7[%add3A_254] : memref<40000xf32, #tpu.memory_space<vmem>>[vector<16xi32>], vector<16xf32>,
        %add3A_256 = arith.constant 30000 : i32
        %add3A_257 = vector.broadcast %add3A_256 : i32 to vector<16xi32>
        %add3A_258 = arith.addi %get3A_225, %add3A_257 : vector<16xi32>
        %mul3A_259 = arith.mulf %gather3A_255, %get3A_227 : vector<16xf32>
        tpu.vector_store_idx %arg8[%add3A_258], %mul3A_259 {add = true} : memref<40000xf32, #tpu.memory_space<vmem>>[vector<16xi32>], vector<16xf32>,
        %mul3A_260 = arith.constant 10 : i32
        %mul3A_261 = arith.muli %scan3A_41, %mul3A_260 : i32
        %add3A_262 = arith.constant 5 : i32
        %add3A_263 = arith.addi %mul3A_261, %add3A_262 : i32
        %mul3A_264 = arith.constant 16 : i32
        %mul3A_265 = arith.muli %add3A_263, %mul3A_264 : i32
        %get3A_266 = arith.index_cast %mul3A_265 : i32 to index
        %get3A_267 = tpu.vector_load %arg9[%get3A_266] {strides = array<i32>} : memref<8000xi32, #tpu.memory_space<vmem>>, vector<16xi32>,
        %get3A_268 = arith.index_cast %mul3A_265 : i32 to index
        %get3A_269 = tpu.vector_load %arg10[%get3A_268] {strides = array<i32>} : memref<8000xi32, #tpu.memory_space<vmem>>, vector<16xi32>,
        %get3A_270 = arith.index_cast %mul3A_265 : i32 to index
        %get3A_271 = tpu.vector_load %arg11[%get3A_270] {strides = array<i32>} : memref<8000xf32, #tpu.memory_space<vmem>>, vector<16xf32>,
        %add3A_272 = arith.constant 0 : i32
        %add3A_273 = vector.broadcast %add3A_272 : i32 to vector<16xi32>
        %add3A_274 = arith.addi %get3A_267, %add3A_273 : vector<16xi32>
        %gather3A_275 = tpu.vector_load_idx %arg7[%add3A_274] : memref<40000xf32, #tpu.memory_space<vmem>>[vector<16xi32>], vector<16xf32>,
        %add3A_276 = arith.constant 0 : i32
        %add3A_277 = vector.broadcast %add3A_276 : i32 to vector<16xi32>
        %add3A_278 = arith.addi %get3A_269, %add3A_277 : vector<16xi32>
        %mul3A_279 = arith.mulf %gather3A_275, %get3A_271 : vector<16xf32>
        tpu.vector_store_idx %arg8[%add3A_278], %mul3A_279 {add = true} : memref<40000xf32, #tpu.memory_space<vmem>>[vector<16xi32>], vector<16xf32>,
        %add3A_280 = arith.constant 10000 : i32
        %add3A_281 = vector.broadcast %add3A_280 : i32 to vector<16xi32>
        %add3A_282 = arith.addi %get3A_267, %add3A_281 : vector<16xi32>
        %gather3A_283 = tpu.vector_load_idx %arg7[%add3A_282] : memref<40000xf32, #tpu.memory_space<vmem>>[vector<16xi32>], vector<16xf32>,
        %add3A_284 = arith.constant 10000 : i32
        %add3A_285 = vector.broadcast %add3A_284 : i32 to vector<16xi32>
        %add3A_286 = arith.addi %get3A_269, %add3A_285 : vector<16xi32>
        %mul3A_287 = arith.mulf %gather3A_283, %get3A_271 : vector<16xf32>
        tpu.vector_store_idx %arg8[%add3A_286], %mul3A_287 {add = true} : memref<40000xf32, #tpu.memory_space<vmem>>[vector<16xi32>], vector<16xf32>,
        %add3A_288 = arith.constant 20000 : i32
        %add3A_289 = vector.broadcast %add3A_288 : i32 to vector<16xi32>
        %add3A_290 = arith.addi %get3A_267, %add3A_289 : vector<16xi32>
        %gather3A_291 = tpu.vector_load_idx %arg7[%add3A_290] : memref<40000xf32, #tpu.memory_space<vmem>>[vector<16xi32>], vector<16xf32>,
        %add3A_292 = arith.constant 20000 : i32
        %add3A_293 = vector.broadcast %add3A_292 : i32 to vector<16xi32>
        %add3A_294 = arith.addi %get3A_269, %add3A_293 : vector<16xi32>
        %mul3A_295 = arith.mulf %gather3A_291, %get3A_271 : vector<16xf32>
        tpu.vector_store_idx %arg8[%add3A_294], %mul3A_295 {add = true} : memref<40000xf32, #tpu.memory_space<vmem>>[vector<16xi32>], vector<16xf32>,
        %add3A_296 = arith.constant 30000 : i32
        %add3A_297 = vector.broadcast %add3A_296 : i32 to vector<16xi32>
        %add3A_298 = arith.addi %get3A_267, %add3A_297 : vector<16xi32>
        %gather3A_299 = tpu.vector_load_idx %arg7[%add3A_298] : memref<40000xf32, #tpu.memory_space<vmem>>[vector<16xi32>], vector<16xf32>,
        %add3A_300 = arith.constant 30000 : i32
        %add3A_301 = vector.broadcast %add3A_300 : i32 to vector<16xi32>
        %add3A_302 = arith.addi %get3A_269, %add3A_301 : vector<16xi32>
        %mul3A_303 = arith.mulf %gather3A_299, %get3A_271 : vector<16xf32>
        tpu.vector_store_idx %arg8[%add3A_302], %mul3A_303 {add = true} : memref<40000xf32, #tpu.memory_space<vmem>>[vector<16xi32>], vector<16xf32>,
        %mul3A_304 = arith.constant 10 : i32
        %mul3A_305 = arith.muli %scan3A_41, %mul3A_304 : i32
        %add3A_306 = arith.constant 6 : i32
        %add3A_307 = arith.addi %mul3A_305, %add3A_306 : i32
        %mul3A_308 = arith.constant 16 : i32
        %mul3A_309 = arith.muli %add3A_307, %mul3A_308 : i32
        %get3A_310 = arith.index_cast %mul3A_309 : i32 to index
        %get3A_311 = tpu.vector_load %arg9[%get3A_310] {strides = array<i32>} : memref<8000xi32, #tpu.memory_space<vmem>>, vector<16xi32>,
        %get3A_312 = arith.index_cast %mul3A_309 : i32 to index
        %get3A_313 = tpu.vector_load %arg10[%get3A_312] {strides = array<i32>} : memref<8000xi32, #tpu.memory_space<vmem>>, vector<16xi32>,
        %get3A_314 = arith.index_cast %mul3A_309 : i32 to index
        %get3A_315 = tpu.vector_load %arg11[%get3A_314] {strides = array<i32>} : memref<8000xf32, #tpu.memory_space<vmem>>, vector<16xf32>,
        %add3A_316 = arith.constant 0 : i32
        %add3A_317 = vector.broadcast %add3A_316 : i32 to vector<16xi32>
        %add3A_318 = arith.addi %get3A_311, %add3A_317 : vector<16xi32>
        %gather3A_319 = tpu.vector_load_idx %arg7[%add3A_318] : memref<40000xf32, #tpu.memory_space<vmem>>[vector<16xi32>], vector<16xf32>,
        %add3A_320 = arith.constant 0 : i32
        %add3A_321 = vector.broadcast %add3A_320 : i32 to vector<16xi32>
        %add3A_322 = arith.addi %get3A_313, %add3A_321 : vector<16xi32>
        %mul3A_323 = arith.mulf %gather3A_319, %get3A_315 : vector<16xf32>
        tpu.vector_store_idx %arg8[%add3A_322], %mul3A_323 {add = true} : memref<40000xf32, #tpu.memory_space<vmem>>[vector<16xi32>], vector<16xf32>,
        %add3A_324 = arith.constant 10000 : i32
        %add3A_325 = vector.broadcast %add3A_324 : i32 to vector<16xi32>
        %add3A_326 = arith.addi %get3A_311, %add3A_325 : vector<16xi32>
        %gather3A_327 = tpu.vector_load_idx %arg7[%add3A_326] : memref<40000xf32, #tpu.memory_space<vmem>>[vector<16xi32>], vector<16xf32>,
        %add3A_328 = arith.constant 10000 : i32
        %add3A_329 = vector.broadcast %add3A_328 : i32 to vector<16xi32>
        %add3A_330 = arith.addi %get3A_313, %add3A_329 : vector<16xi32>
        %mul3A_331 = arith.mulf %gather3A_327, %get3A_315 : vector<16xf32>
        tpu.vector_store_idx %arg8[%add3A_330], %mul3A_331 {add = true} : memref<40000xf32, #tpu.memory_space<vmem>>[vector<16xi32>], vector<16xf32>,
        %add3A_332 = arith.constant 20000 : i32
        %add3A_333 = vector.broadcast %add3A_332 : i32 to vector<16xi32>
        %add3A_334 = arith.addi %get3A_311, %add3A_333 : vector<16xi32>
        %gather3A_335 = tpu.vector_load_idx %arg7[%add3A_334] : memref<40000xf32, #tpu.memory_space<vmem>>[vector<16xi32>], vector<16xf32>,
        %add3A_336 = arith.constant 20000 : i32
        %add3A_337 = vector.broadcast %add3A_336 : i32 to vector<16xi32>
        %add3A_338 = arith.addi %get3A_313, %add3A_337 : vector<16xi32>
        %mul3A_339 = arith.mulf %gather3A_335, %get3A_315 : vector<16xf32>
        tpu.vector_store_idx %arg8[%add3A_338], %mul3A_339 {add = true} : memref<40000xf32, #tpu.memory_space<vmem>>[vector<16xi32>], vector<16xf32>,
        %add3A_340 = arith.constant 30000 : i32
        %add3A_341 = vector.broadcast %add3A_340 : i32 to vector<16xi32>
        %add3A_342 = arith.addi %get3A_311, %add3A_341 : vector<16xi32>
        %gather3A_343 = tpu.vector_load_idx %arg7[%add3A_342] : memref<40000xf32, #tpu.memory_space<vmem>>[vector<16xi32>], vector<16xf32>,
        %add3A_344 = arith.constant 30000 : i32
        %add3A_345 = vector.broadcast %add3A_344 : i32 to vector<16xi32>
        %add3A_346 = arith.addi %get3A_313, %add3A_345 : vector<16xi32>
        %mul3A_347 = arith.mulf %gather3A_343, %get3A_315 : vector<16xf32>
        tpu.vector_store_idx %arg8[%add3A_346], %mul3A_347 {add = true} : memref<40000xf32, #tpu.memory_space<vmem>>[vector<16xi32>], vector<16xf32>,
        %mul3A_348 = arith.constant 10 : i32
        %mul3A_349 = arith.muli %scan3A_41, %mul3A_348 : i32
        %add3A_350 = arith.constant 7 : i32
        %add3A_351 = arith.addi %mul3A_349, %add3A_350 : i32
        %mul3A_352 = arith.constant 16 : i32
        %mul3A_353 = arith.muli %add3A_351, %mul3A_352 : i32
        %get3A_354 = arith.index_cast %mul3A_353 : i32 to index
        %get3A_355 = tpu.vector_load %arg9[%get3A_354] {strides = array<i32>} : memref<8000xi32, #tpu.memory_space<vmem>>, vector<16xi32>,
        %get3A_356 = arith.index_cast %mul3A_353 : i32 to index
        %get3A_357 = tpu.vector_load %arg10[%get3A_356] {strides = array<i32>} : memref<8000xi32, #tpu.memory_space<vmem>>, vector<16xi32>,
        %get3A_358 = arith.index_cast %mul3A_353 : i32 to index
        %get3A_359 = tpu.vector_load %arg11[%get3A_358] {strides = array<i32>} : memref<8000xf32, #tpu.memory_space<vmem>>, vector<16xf32>,
        %add3A_360 = arith.constant 0 : i32
        %add3A_361 = vector.broadcast %add3A_360 : i32 to vector<16xi32>
        %add3A_362 = arith.addi %get3A_355, %add3A_361 : vector<16xi32>
        %gather3A_363 = tpu.vector_load_idx %arg7[%add3A_362] : memref<40000xf32, #tpu.memory_space<vmem>>[vector<16xi32>], vector<16xf32>,
        %add3A_364 = arith.constant 0 : i32
        %add3A_365 = vector.broadcast %add3A_364 : i32 to vector<16xi32>
        %add3A_366 = arith.addi %get3A_357, %add3A_365 : vector<16xi32>
        %mul3A_367 = arith.mulf %gather3A_363, %get3A_359 : vector<16xf32>
        tpu.vector_store_idx %arg8[%add3A_366], %mul3A_367 {add = true} : memref<40000xf32, #tpu.memory_space<vmem>>[vector<16xi32>], vector<16xf32>,
        %add3A_368 = arith.constant 10000 : i32
        %add3A_369 = vector.broadcast %add3A_368 : i32 to vector<16xi32>
        %add3A_370 = arith.addi %get3A_355, %add3A_369 : vector<16xi32>
        %gather3A_371 = tpu.vector_load_idx %arg7[%add3A_370] : memref<40000xf32, #tpu.memory_space<vmem>>[vector<16xi32>], vector<16xf32>,
        %add3A_372 = arith.constant 10000 : i32
        %add3A_373 = vector.broadcast %add3A_372 : i32 to vector<16xi32>
        %add3A_374 = arith.addi %get3A_357, %add3A_373 : vector<16xi32>
        %mul3A_375 = arith.mulf %gather3A_371, %get3A_359 : vector<16xf32>
        tpu.vector_store_idx %arg8[%add3A_374], %mul3A_375 {add = true} : memref<40000xf32, #tpu.memory_space<vmem>>[vector<16xi32>], vector<16xf32>,
        %add3A_376 = arith.constant 20000 : i32
        %add3A_377 = vector.broadcast %add3A_376 : i32 to vector<16xi32>
        %add3A_378 = arith.addi %get3A_355, %add3A_377 : vector<16xi32>
        %gather3A_379 = tpu.vector_load_idx %arg7[%add3A_378] : memref<40000xf32, #tpu.memory_space<vmem>>[vector<16xi32>], vector<16xf32>,
        %add3A_380 = arith.constant 20000 : i32
        %add3A_381 = vector.broadcast %add3A_380 : i32 to vector<16xi32>
        %add3A_382 = arith.addi %get3A_357, %add3A_381 : vector<16xi32>
        %mul3A_383 = arith.mulf %gather3A_379, %get3A_359 : vector<16xf32>
        tpu.vector_store_idx %arg8[%add3A_382], %mul3A_383 {add = true} : memref<40000xf32, #tpu.memory_space<vmem>>[vector<16xi32>], vector<16xf32>,
        %add3A_384 = arith.constant 30000 : i32
        %add3A_385 = vector.broadcast %add3A_384 : i32 to vector<16xi32>
        %add3A_386 = arith.addi %get3A_355, %add3A_385 : vector<16xi32>
        %gather3A_387 = tpu.vector_load_idx %arg7[%add3A_386] : memref<40000xf32, #tpu.memory_space<vmem>>[vector<16xi32>], vector<16xf32>,
        %add3A_388 = arith.constant 30000 : i32
        %add3A_389 = vector.broadcast %add3A_388 : i32 to vector<16xi32>
        %add3A_390 = arith.addi %get3A_357, %add3A_389 : vector<16xi32>
        %mul3A_391 = arith.mulf %gather3A_387, %get3A_359 : vector<16xf32>
        tpu.vector_store_idx %arg8[%add3A_390], %mul3A_391 {add = true} : memref<40000xf32, #tpu.memory_space<vmem>>[vector<16xi32>], vector<16xf32>,
        %mul3A_392 = arith.constant 10 : i32
        %mul3A_393 = arith.muli %scan3A_41, %mul3A_392 : i32
        %add3A_394 = arith.constant 8 : i32
        %add3A_395 = arith.addi %mul3A_393, %add3A_394 : i32
        %mul3A_396 = arith.constant 16 : i32
        %mul3A_397 = arith.muli %add3A_395, %mul3A_396 : i32
        %get3A_398 = arith.index_cast %mul3A_397 : i32 to index
        %get3A_399 = tpu.vector_load %arg9[%get3A_398] {strides = array<i32>} : memref<8000xi32, #tpu.memory_space<vmem>>, vector<16xi32>,
        %get3A_400 = arith.index_cast %mul3A_397 : i32 to index
        %get3A_401 = tpu.vector_load %arg10[%get3A_400] {strides = array<i32>} : memref<8000xi32, #tpu.memory_space<vmem>>, vector<16xi32>,
        %get3A_402 = arith.index_cast %mul3A_397 : i32 to index
        %get3A_403 = tpu.vector_load %arg11[%get3A_402] {strides = array<i32>} : memref<8000xf32, #tpu.memory_space<vmem>>, vector<16xf32>,
        %add3A_404 = arith.constant 0 : i32
        %add3A_405 = vector.broadcast %add3A_404 : i32 to vector<16xi32>
        %add3A_406 = arith.addi %get3A_399, %add3A_405 : vector<16xi32>
        %gather3A_407 = tpu.vector_load_idx %arg7[%add3A_406] : memref<40000xf32, #tpu.memory_space<vmem>>[vector<16xi32>], vector<16xf32>,
        %add3A_408 = arith.constant 0 : i32
        %add3A_409 = vector.broadcast %add3A_408 : i32 to vector<16xi32>
        %add3A_410 = arith.addi %get3A_401, %add3A_409 : vector<16xi32>
        %mul3A_411 = arith.mulf %gather3A_407, %get3A_403 : vector<16xf32>
        tpu.vector_store_idx %arg8[%add3A_410], %mul3A_411 {add = true} : memref<40000xf32, #tpu.memory_space<vmem>>[vector<16xi32>], vector<16xf32>,
        %add3A_412 = arith.constant 10000 : i32
        %add3A_413 = vector.broadcast %add3A_412 : i32 to vector<16xi32>
        %add3A_414 = arith.addi %get3A_399, %add3A_413 : vector<16xi32>
        %gather3A_415 = tpu.vector_load_idx %arg7[%add3A_414] : memref<40000xf32, #tpu.memory_space<vmem>>[vector<16xi32>], vector<16xf32>,
        %add3A_416 = arith.constant 10000 : i32
        %add3A_417 = vector.broadcast %add3A_416 : i32 to vector<16xi32>
        %add3A_418 = arith.addi %get3A_401, %add3A_417 : vector<16xi32>
        %mul3A_419 = arith.mulf %gather3A_415, %get3A_403 : vector<16xf32>
        tpu.vector_store_idx %arg8[%add3A_418], %mul3A_419 {add = true} : memref<40000xf32, #tpu.memory_space<vmem>>[vector<16xi32>], vector<16xf32>,
        %add3A_420 = arith.constant 20000 : i32
        %add3A_421 = vector.broadcast %add3A_420 : i32 to vector<16xi32>
        %add3A_422 = arith.addi %get3A_399, %add3A_421 : vector<16xi32>
        %gather3A_423 = tpu.vector_load_idx %arg7[%add3A_422] : memref<40000xf32, #tpu.memory_space<vmem>>[vector<16xi32>], vector<16xf32>,
        %add3A_424 = arith.constant 20000 : i32
        %add3A_425 = vector.broadcast %add3A_424 : i32 to vector<16xi32>
        %add3A_426 = arith.addi %get3A_401, %add3A_425 : vector<16xi32>
        %mul3A_427 = arith.mulf %gather3A_423, %get3A_403 : vector<16xf32>
        tpu.vector_store_idx %arg8[%add3A_426], %mul3A_427 {add = true} : memref<40000xf32, #tpu.memory_space<vmem>>[vector<16xi32>], vector<16xf32>,
        %add3A_428 = arith.constant 30000 : i32
        %add3A_429 = vector.broadcast %add3A_428 : i32 to vector<16xi32>
        %add3A_430 = arith.addi %get3A_399, %add3A_429 : vector<16xi32>
        %gather3A_431 = tpu.vector_load_idx %arg7[%add3A_430] : memref<40000xf32, #tpu.memory_space<vmem>>[vector<16xi32>], vector<16xf32>,
        %add3A_432 = arith.constant 30000 : i32
        %add3A_433 = vector.broadcast %add3A_432 : i32 to vector<16xi32>
        %add3A_434 = arith.addi %get3A_401, %add3A_433 : vector<16xi32>
        %mul3A_435 = arith.mulf %gather3A_431, %get3A_403 : vector<16xf32>
        tpu.vector_store_idx %arg8[%add3A_434], %mul3A_435 {add = true} : memref<40000xf32, #tpu.memory_space<vmem>>[vector<16xi32>], vector<16xf32>,
        %mul3A_436 = arith.constant 10 : i32
        %mul3A_437 = arith.muli %scan3A_41, %mul3A_436 : i32
        %add3A_438 = arith.constant 9 : i32
        %add3A_439 = arith.addi %mul3A_437, %add3A_438 : i32
        %mul3A_440 = arith.constant 16 : i32
        %mul3A_441 = arith.muli %add3A_439, %mul3A_440 : i32
        %get3A_442 = arith.index_cast %mul3A_441 : i32 to index
        %get3A_443 = tpu.vector_load %arg9[%get3A_442] {strides = array<i32>} : memref<8000xi32, #tpu.memory_space<vmem>>, vector<16xi32>,
        %get3A_444 = arith.index_cast %mul3A_441 : i32 to index
        %get3A_445 = tpu.vector_load %arg10[%get3A_444] {strides = array<i32>} : memref<8000xi32, #tpu.memory_space<vmem>>, vector<16xi32>,
        %get3A_446 = arith.index_cast %mul3A_441 : i32 to index
        %get3A_447 = tpu.vector_load %arg11[%get3A_446] {strides = array<i32>} : memref<8000xf32, #tpu.memory_space<vmem>>, vector<16xf32>,
        %add3A_448 = arith.constant 0 : i32
        %add3A_449 = vector.broadcast %add3A_448 : i32 to vector<16xi32>
        %add3A_450 = arith.addi %get3A_443, %add3A_449 : vector<16xi32>
        %gather3A_451 = tpu.vector_load_idx %arg7[%add3A_450] : memref<40000xf32, #tpu.memory_space<vmem>>[vector<16xi32>], vector<16xf32>,
        %add3A_452 = arith.constant 0 : i32
        %add3A_453 = vector.broadcast %add3A_452 : i32 to vector<16xi32>
        %add3A_454 = arith.addi %get3A_445, %add3A_453 : vector<16xi32>
        %mul3A_455 = arith.mulf %gather3A_451, %get3A_447 : vector<16xf32>
        tpu.vector_store_idx %arg8[%add3A_454], %mul3A_455 {add = true} : memref<40000xf32, #tpu.memory_space<vmem>>[vector<16xi32>], vector<16xf32>,
        %add3A_456 = arith.constant 10000 : i32
        %add3A_457 = vector.broadcast %add3A_456 : i32 to vector<16xi32>
        %add3A_458 = arith.addi %get3A_443, %add3A_457 : vector<16xi32>
        %gather3A_459 = tpu.vector_load_idx %arg7[%add3A_458] : memref<40000xf32, #tpu.memory_space<vmem>>[vector<16xi32>], vector<16xf32>,
        %add3A_460 = arith.constant 10000 : i32
        %add3A_461 = vector.broadcast %add3A_460 : i32 to vector<16xi32>
        %add3A_462 = arith.addi %get3A_445, %add3A_461 : vector<16xi32>
        %mul3A_463 = arith.mulf %gather3A_459, %get3A_447 : vector<16xf32>
        tpu.vector_store_idx %arg8[%add3A_462], %mul3A_463 {add = true} : memref<40000xf32, #tpu.memory_space<vmem>>[vector<16xi32>], vector<16xf32>,
        %add3A_464 = arith.constant 20000 : i32
        %add3A_465 = vector.broadcast %add3A_464 : i32 to vector<16xi32>
        %add3A_466 = arith.addi %get3A_443, %add3A_465 : vector<16xi32>
        %gather3A_467 = tpu.vector_load_idx %arg7[%add3A_466] : memref<40000xf32, #tpu.memory_space<vmem>>[vector<16xi32>], vector<16xf32>,
        %add3A_468 = arith.constant 20000 : i32
        %add3A_469 = vector.broadcast %add3A_468 : i32 to vector<16xi32>
        %add3A_470 = arith.addi %get3A_445, %add3A_469 : vector<16xi32>
        %mul3A_471 = arith.mulf %gather3A_467, %get3A_447 : vector<16xf32>
        tpu.vector_store_idx %arg8[%add3A_470], %mul3A_471 {add = true} : memref<40000xf32, #tpu.memory_space<vmem>>[vector<16xi32>], vector<16xf32>,
        %add3A_472 = arith.constant 30000 : i32
        %add3A_473 = vector.broadcast %add3A_472 : i32 to vector<16xi32>
        %add3A_474 = arith.addi %get3A_443, %add3A_473 : vector<16xi32>
        %gather3A_475 = tpu.vector_load_idx %arg7[%add3A_474] : memref<40000xf32, #tpu.memory_space<vmem>>[vector<16xi32>], vector<16xf32>,
        %add3A_476 = arith.constant 30000 : i32
        %add3A_477 = vector.broadcast %add3A_476 : i32 to vector<16xi32>
        %add3A_478 = arith.addi %get3A_445, %add3A_477 : vector<16xi32>
        %mul3A_479 = arith.mulf %gather3A_475, %get3A_447 : vector<16xf32>
        tpu.vector_store_idx %arg8[%add3A_478], %mul3A_479 {add = true} : memref<40000xf32, #tpu.memory_space<vmem>>[vector<16xi32>], vector<16xf32>,
      }
      %scan3A_40 = arith.constant 50 : i32
    }
    %scan3A_23 = arith.constant 40 : i32
    %mul3A_24 = arith.constant 4 : i32
    %mul3A_25 = arith.muli %add3A, %mul3A_24 : i32
    %mul3A_26 = arith.constant 10000 : i32
    %mul3A_27 = arith.muli %mul3A_25, %mul3A_26 : i32
    "tpu.region"() ({
      %run_scoped3A = tpu.sem_alloc : memref<!tpu.dma_semaphore, #tpu.memory_space<semaphore_mem>>
      %dma_start3A = tpu.memref_slice %arg6[%mul3A_27] : memref<1280000xf32, #tpu.memory_space<hbm>> -> memref<40000xf32, #tpu.memory_space<hbm>>
      %dma_start3A_28 = tpu.memref_slice %arg6[%mul3A_27] : memref<1280000xf32, #tpu.memory_space<hbm>> -> memref<40000xf32, #tpu.memory_space<hbm>>
      tpu.enqueue_dma source(%arg8 : memref<40000xf32, #tpu.memory_space<vmem>>) target(%dma_start3A_28 : memref<40000xf32, #tpu.memory_space<hbm>>) target_semaphore(%run_scoped3A : memref<!tpu.dma_semaphore, #tpu.memory_space<semaphore_mem>>)
      %dma_wait3A = tpu.memref_slice %arg6[%mul3A_27] : memref<1280000xf32, #tpu.memory_space<hbm>> -> memref<40000xf32, #tpu.memory_space<hbm>>
      %dma_wait3A_29 = tpu.memref_slice %arg6[%mul3A_27] : memref<1280000xf32, #tpu.memory_space<hbm>> -> memref<40000xf32, #tpu.memory_space<hbm>>
      tpu.wait_dma2 semaphore(%run_scoped3A : memref<!tpu.dma_semaphore, #tpu.memory_space<semaphore_mem>>) src(%arg8 : memref<40000xf32, #tpu.memory_space<vmem>>) dst(%dma_wait3A_29 : memref<40000xf32, #tpu.memory_space<hbm>>)
      tpu.yield
    }) : () -> ()
    return
  }
}

#map = affine_map<(d0, d1) -> (0)>
#map1 = affine_map<(d0, d1) -> (0, 0)>
module attributes {stable_mosaic.version = 14 : i64} {
  func.func @body_unweighted(%arg0: i32, %arg1: i32, %arg2: memref<320000xi32, #tpu.memory_space<hbm>>, %arg3: memref<320000xi32, #tpu.memory_space<hbm>>, %arg4: memref<20000xf32, #tpu.memory_space<hbm>>, %arg5: memref<32x20480xf32, #tpu.memory_space<hbm>>, %arg6: memref<20000xf32, #tpu.memory_space<vmem>>, %arg7: memref<20480xf32, #tpu.memory_space<vmem>>, %arg8: memref<2000xi32, #tpu.memory_space<vmem>>, %arg9: memref<2000xi32, #tpu.memory_space<vmem>>, %arg10: memref<2000xf32, #tpu.memory_space<vmem>>) attributes {dimension_semantics = [#tpu.dimension_semantics<core_parallel>, #tpu.dimension_semantics<subcore_parallel>], iteration_bounds = array<i64: 2, 16>, scalar_prefetch = 0 : i64, scratch_operands = 5 : i64, tpu.core_type = #tpu.core_type<sc_vector_subcore>, window_params = [{transform_indices = #map}, {transform_indices = #map}, {transform_indices = #map}, {transform_indices = #map1}]} {
    %mul3A = arith.constant 2 : i32
    %mul3A_0 = arith.muli %arg1, %mul3A : i32
    %add3A = arith.addi %mul3A_0, %arg0 : i32
    %broadcast_in_dim3A = arith.constant 0.000000e+00 : f32
    %broadcast_in_dim3A_1 = vector.broadcast %broadcast_in_dim3A : f32 to vector<16xf32>
    %scan3A = arith.constant 0 : i32
    %scan3A_2 = arith.constant 0 : i32
    %scan3A_3 = arith.constant 160 : i32
    %scan3A_4 = arith.addi %scan3A_2, %scan3A_3 : i32
    %scan3A_5 = arith.constant 1 : i32
    scf.for %scan3A_21 = %scan3A_2 to %scan3A_4 step %scan3A_5  : i32 {
      %mul3A_22 = arith.constant 8 : i32
      %mul3A_23 = arith.muli %scan3A_21, %mul3A_22 : i32
      %add3A_24 = arith.constant 0 : i32
      %add3A_25 = arith.addi %mul3A_23, %add3A_24 : i32
      %mul3A_26 = arith.constant 16 : i32
      %mul3A_27 = arith.muli %add3A_25, %mul3A_26 : i32
      %swap3A = arith.index_cast %mul3A_27 : i32 to index
      %swap3A_28 = tpu.vector_load %arg7[%swap3A] {strides = array<i32>} : memref<20480xf32, #tpu.memory_space<vmem>>, vector<16xf32>,
      tpu.vector_store %arg7[%swap3A], %broadcast_in_dim3A_1 {strides = array<i32>} : memref<20480xf32, #tpu.memory_space<vmem>>, vector<16xf32>,
      %mul3A_29 = arith.constant 8 : i32
      %mul3A_30 = arith.muli %scan3A_21, %mul3A_29 : i32
      %add3A_31 = arith.constant 1 : i32
      %add3A_32 = arith.addi %mul3A_30, %add3A_31 : i32
      %mul3A_33 = arith.constant 16 : i32
      %mul3A_34 = arith.muli %add3A_32, %mul3A_33 : i32
      %swap3A_35 = arith.index_cast %mul3A_34 : i32 to index
      %swap3A_36 = tpu.vector_load %arg7[%swap3A_35] {strides = array<i32>} : memref<20480xf32, #tpu.memory_space<vmem>>, vector<16xf32>,
      tpu.vector_store %arg7[%swap3A_35], %broadcast_in_dim3A_1 {strides = array<i32>} : memref<20480xf32, #tpu.memory_space<vmem>>, vector<16xf32>,
      %mul3A_37 = arith.constant 8 : i32
      %mul3A_38 = arith.muli %scan3A_21, %mul3A_37 : i32
      %add3A_39 = arith.constant 2 : i32
      %add3A_40 = arith.addi %mul3A_38, %add3A_39 : i32
      %mul3A_41 = arith.constant 16 : i32
      %mul3A_42 = arith.muli %add3A_40, %mul3A_41 : i32
      %swap3A_43 = arith.index_cast %mul3A_42 : i32 to index
      %swap3A_44 = tpu.vector_load %arg7[%swap3A_43] {strides = array<i32>} : memref<20480xf32, #tpu.memory_space<vmem>>, vector<16xf32>,
      tpu.vector_store %arg7[%swap3A_43], %broadcast_in_dim3A_1 {strides = array<i32>} : memref<20480xf32, #tpu.memory_space<vmem>>, vector<16xf32>,
      %mul3A_45 = arith.constant 8 : i32
      %mul3A_46 = arith.muli %scan3A_21, %mul3A_45 : i32
      %add3A_47 = arith.constant 3 : i32
      %add3A_48 = arith.addi %mul3A_46, %add3A_47 : i32
      %mul3A_49 = arith.constant 16 : i32
      %mul3A_50 = arith.muli %add3A_48, %mul3A_49 : i32
      %swap3A_51 = arith.index_cast %mul3A_50 : i32 to index
      %swap3A_52 = tpu.vector_load %arg7[%swap3A_51] {strides = array<i32>} : memref<20480xf32, #tpu.memory_space<vmem>>, vector<16xf32>,
      tpu.vector_store %arg7[%swap3A_51], %broadcast_in_dim3A_1 {strides = array<i32>} : memref<20480xf32, #tpu.memory_space<vmem>>, vector<16xf32>,
      %mul3A_53 = arith.constant 8 : i32
      %mul3A_54 = arith.muli %scan3A_21, %mul3A_53 : i32
      %add3A_55 = arith.constant 4 : i32
      %add3A_56 = arith.addi %mul3A_54, %add3A_55 : i32
      %mul3A_57 = arith.constant 16 : i32
      %mul3A_58 = arith.muli %add3A_56, %mul3A_57 : i32
      %swap3A_59 = arith.index_cast %mul3A_58 : i32 to index
      %swap3A_60 = tpu.vector_load %arg7[%swap3A_59] {strides = array<i32>} : memref<20480xf32, #tpu.memory_space<vmem>>, vector<16xf32>,
      tpu.vector_store %arg7[%swap3A_59], %broadcast_in_dim3A_1 {strides = array<i32>} : memref<20480xf32, #tpu.memory_space<vmem>>, vector<16xf32>,
      %mul3A_61 = arith.constant 8 : i32
      %mul3A_62 = arith.muli %scan3A_21, %mul3A_61 : i32
      %add3A_63 = arith.constant 5 : i32
      %add3A_64 = arith.addi %mul3A_62, %add3A_63 : i32
      %mul3A_65 = arith.constant 16 : i32
      %mul3A_66 = arith.muli %add3A_64, %mul3A_65 : i32
      %swap3A_67 = arith.index_cast %mul3A_66 : i32 to index
      %swap3A_68 = tpu.vector_load %arg7[%swap3A_67] {strides = array<i32>} : memref<20480xf32, #tpu.memory_space<vmem>>, vector<16xf32>,
      tpu.vector_store %arg7[%swap3A_67], %broadcast_in_dim3A_1 {strides = array<i32>} : memref<20480xf32, #tpu.memory_space<vmem>>, vector<16xf32>,
      %mul3A_69 = arith.constant 8 : i32
      %mul3A_70 = arith.muli %scan3A_21, %mul3A_69 : i32
      %add3A_71 = arith.constant 6 : i32
      %add3A_72 = arith.addi %mul3A_70, %add3A_71 : i32
      %mul3A_73 = arith.constant 16 : i32
      %mul3A_74 = arith.muli %add3A_72, %mul3A_73 : i32
      %swap3A_75 = arith.index_cast %mul3A_74 : i32 to index
      %swap3A_76 = tpu.vector_load %arg7[%swap3A_75] {strides = array<i32>} : memref<20480xf32, #tpu.memory_space<vmem>>, vector<16xf32>,
      tpu.vector_store %arg7[%swap3A_75], %broadcast_in_dim3A_1 {strides = array<i32>} : memref<20480xf32, #tpu.memory_space<vmem>>, vector<16xf32>,
      %mul3A_77 = arith.constant 8 : i32
      %mul3A_78 = arith.muli %scan3A_21, %mul3A_77 : i32
      %add3A_79 = arith.constant 7 : i32
      %add3A_80 = arith.addi %mul3A_78, %add3A_79 : i32
      %mul3A_81 = arith.constant 16 : i32
      %mul3A_82 = arith.muli %add3A_80, %mul3A_81 : i32
      %swap3A_83 = arith.index_cast %mul3A_82 : i32 to index
      %swap3A_84 = tpu.vector_load %arg7[%swap3A_83] {strides = array<i32>} : memref<20480xf32, #tpu.memory_space<vmem>>, vector<16xf32>,
      tpu.vector_store %arg7[%swap3A_83], %broadcast_in_dim3A_1 {strides = array<i32>} : memref<20480xf32, #tpu.memory_space<vmem>>, vector<16xf32>,
    }
    %scan3A_6 = arith.constant 160 : i32
    "tpu.region"() ({
      %run_scoped3A = tpu.sem_alloc : memref<!tpu.dma_semaphore, #tpu.memory_space<semaphore_mem>>
      tpu.enqueue_dma source(%arg4 : memref<20000xf32, #tpu.memory_space<hbm>>) target(%arg6 : memref<20000xf32, #tpu.memory_space<vmem>>) target_semaphore(%run_scoped3A : memref<!tpu.dma_semaphore, #tpu.memory_space<semaphore_mem>>)
      tpu.wait_dma2 semaphore(%run_scoped3A : memref<!tpu.dma_semaphore, #tpu.memory_space<semaphore_mem>>) src(%arg4 : memref<20000xf32, #tpu.memory_space<hbm>>) dst(%arg6 : memref<20000xf32, #tpu.memory_space<vmem>>)
      tpu.yield
    }) : () -> ()
    %mul3A_7 = arith.constant 10000 : i32
    %mul3A_8 = arith.muli %add3A, %mul3A_7 : i32
    %scan3A_9 = arith.constant 0 : i32
    %scan3A_10 = arith.constant 0 : i32
    %scan3A_11 = arith.constant 5 : i32
    %scan3A_12 = arith.addi %scan3A_10, %scan3A_11 : i32
    %scan3A_13 = arith.constant 1 : i32
    scf.for %scan3A_21 = %scan3A_10 to %scan3A_12 step %scan3A_13  : i32 {
      %mul3A_22 = arith.constant 2000 : i32
      %mul3A_23 = arith.muli %scan3A_21, %mul3A_22 : i32
      %add3A_24 = arith.addi %mul3A_8, %mul3A_23 : i32
      "tpu.region"() ({
        %run_scoped3A = tpu.sem_alloc : memref<!tpu.dma_semaphore, #tpu.memory_space<semaphore_mem>>
        %dma_start3A = tpu.memref_slice %arg2[%add3A_24] : memref<320000xi32, #tpu.memory_space<hbm>> -> memref<2000xi32, #tpu.memory_space<hbm>>
        %dma_start3A_34 = tpu.memref_slice %arg2[%add3A_24] : memref<320000xi32, #tpu.memory_space<hbm>> -> memref<2000xi32, #tpu.memory_space<hbm>>
        tpu.enqueue_dma source(%dma_start3A_34 : memref<2000xi32, #tpu.memory_space<hbm>>) target(%arg8 : memref<2000xi32, #tpu.memory_space<vmem>>) target_semaphore(%run_scoped3A : memref<!tpu.dma_semaphore, #tpu.memory_space<semaphore_mem>>)
        %dma_wait3A = tpu.memref_slice %arg2[%add3A_24] : memref<320000xi32, #tpu.memory_space<hbm>> -> memref<2000xi32, #tpu.memory_space<hbm>>
        %dma_wait3A_35 = tpu.memref_slice %arg2[%add3A_24] : memref<320000xi32, #tpu.memory_space<hbm>> -> memref<2000xi32, #tpu.memory_space<hbm>>
        tpu.wait_dma2 semaphore(%run_scoped3A : memref<!tpu.dma_semaphore, #tpu.memory_space<semaphore_mem>>) src(%dma_wait3A_35 : memref<2000xi32, #tpu.memory_space<hbm>>) dst(%arg8 : memref<2000xi32, #tpu.memory_space<vmem>>)
        tpu.yield
      }) : () -> ()
      %mul3A_25 = arith.constant 2000 : i32
      %mul3A_26 = arith.muli %scan3A_21, %mul3A_25 : i32
      %add3A_27 = arith.addi %mul3A_8, %mul3A_26 : i32
      "tpu.region"() ({
        %run_scoped3A = tpu.sem_alloc : memref<!tpu.dma_semaphore, #tpu.memory_space<semaphore_mem>>
        %dma_start3A = tpu.memref_slice %arg3[%add3A_27] : memref<320000xi32, #tpu.memory_space<hbm>> -> memref<2000xi32, #tpu.memory_space<hbm>>
        %dma_start3A_34 = tpu.memref_slice %arg3[%add3A_27] : memref<320000xi32, #tpu.memory_space<hbm>> -> memref<2000xi32, #tpu.memory_space<hbm>>
        tpu.enqueue_dma source(%dma_start3A_34 : memref<2000xi32, #tpu.memory_space<hbm>>) target(%arg9 : memref<2000xi32, #tpu.memory_space<vmem>>) target_semaphore(%run_scoped3A : memref<!tpu.dma_semaphore, #tpu.memory_space<semaphore_mem>>)
        %dma_wait3A = tpu.memref_slice %arg3[%add3A_27] : memref<320000xi32, #tpu.memory_space<hbm>> -> memref<2000xi32, #tpu.memory_space<hbm>>
        %dma_wait3A_35 = tpu.memref_slice %arg3[%add3A_27] : memref<320000xi32, #tpu.memory_space<hbm>> -> memref<2000xi32, #tpu.memory_space<hbm>>
        tpu.wait_dma2 semaphore(%run_scoped3A : memref<!tpu.dma_semaphore, #tpu.memory_space<semaphore_mem>>) src(%dma_wait3A_35 : memref<2000xi32, #tpu.memory_space<hbm>>) dst(%arg9 : memref<2000xi32, #tpu.memory_space<vmem>>)
        tpu.yield
      }) : () -> ()
      %scan3A_28 = arith.constant 0 : i32
      %scan3A_29 = arith.constant 0 : i32
      %scan3A_30 = arith.constant 25 : i32
      %scan3A_31 = arith.addi %scan3A_29, %scan3A_30 : i32
      %scan3A_32 = arith.constant 1 : i32
      scf.for %scan3A_34 = %scan3A_29 to %scan3A_31 step %scan3A_32  : i32 {
        %mul3A_35 = arith.constant 5 : i32
        %mul3A_36 = arith.muli %scan3A_34, %mul3A_35 : i32
        %add3A_37 = arith.constant 0 : i32
        %add3A_38 = arith.addi %mul3A_36, %add3A_37 : i32
        %mul3A_39 = arith.constant 16 : i32
        %mul3A_40 = arith.muli %add3A_38, %mul3A_39 : i32
        %get3A = arith.index_cast %mul3A_40 : i32 to index
        %get3A_41 = tpu.vector_load %arg8[%get3A] {strides = array<i32>} : memref<2000xi32, #tpu.memory_space<vmem>>, vector<16xi32>,
        %mul3A_42 = arith.constant 2 : i32
        %mul3A_43 = vector.broadcast %mul3A_42 : i32 to vector<16xi32>
        %mul3A_44 = arith.muli %get3A_41, %mul3A_43 : vector<16xi32>
        %get3A_45 = arith.index_cast %mul3A_40 : i32 to index
        %get3A_46 = tpu.vector_load %arg9[%get3A_45] {strides = array<i32>} : memref<2000xi32, #tpu.memory_space<vmem>>, vector<16xi32>,
        %mul3A_47 = arith.constant 2 : i32
        %mul3A_48 = vector.broadcast %mul3A_47 : i32 to vector<16xi32>
        %mul3A_49 = arith.muli %get3A_46, %mul3A_48 : vector<16xi32>
        %add3A_50 = arith.constant 0 : i32
        %add3A_51 = vector.broadcast %add3A_50 : i32 to vector<16xi32>
        %add3A_52 = arith.addi %mul3A_44, %add3A_51 : vector<16xi32>
        %gather3A = tpu.vector_load_idx %arg6[%add3A_52] : memref<20000xf32, #tpu.memory_space<vmem>>[vector<16xi32>], vector<16xf32>,
        %add3A_53 = arith.constant 0 : i32
        %add3A_54 = vector.broadcast %add3A_53 : i32 to vector<16xi32>
        %add3A_55 = arith.addi %mul3A_49, %add3A_54 : vector<16xi32>
        tpu.vector_store_idx %arg7[%add3A_55], %gather3A {add = true} : memref<20480xf32, #tpu.memory_space<vmem>>[vector<16xi32>], vector<16xf32>,
        %add3A_56 = arith.constant 1 : i32
        %add3A_57 = vector.broadcast %add3A_56 : i32 to vector<16xi32>
        %add3A_58 = arith.addi %mul3A_44, %add3A_57 : vector<16xi32>
        %gather3A_59 = tpu.vector_load_idx %arg6[%add3A_58] : memref<20000xf32, #tpu.memory_space<vmem>>[vector<16xi32>], vector<16xf32>,
        %add3A_60 = arith.constant 1 : i32
        %add3A_61 = vector.broadcast %add3A_60 : i32 to vector<16xi32>
        %add3A_62 = arith.addi %mul3A_49, %add3A_61 : vector<16xi32>
        tpu.vector_store_idx %arg7[%add3A_62], %gather3A_59 {add = true} : memref<20480xf32, #tpu.memory_space<vmem>>[vector<16xi32>], vector<16xf32>,
        %mul3A_63 = arith.constant 5 : i32
        %mul3A_64 = arith.muli %scan3A_34, %mul3A_63 : i32
        %add3A_65 = arith.constant 1 : i32
        %add3A_66 = arith.addi %mul3A_64, %add3A_65 : i32
        %mul3A_67 = arith.constant 16 : i32
        %mul3A_68 = arith.muli %add3A_66, %mul3A_67 : i32
        %get3A_69 = arith.index_cast %mul3A_68 : i32 to index
        %get3A_70 = tpu.vector_load %arg8[%get3A_69] {strides = array<i32>} : memref<2000xi32, #tpu.memory_space<vmem>>, vector<16xi32>,
        %mul3A_71 = arith.constant 2 : i32
        %mul3A_72 = vector.broadcast %mul3A_71 : i32 to vector<16xi32>
        %mul3A_73 = arith.muli %get3A_70, %mul3A_72 : vector<16xi32>
        %get3A_74 = arith.index_cast %mul3A_68 : i32 to index
        %get3A_75 = tpu.vector_load %arg9[%get3A_74] {strides = array<i32>} : memref<2000xi32, #tpu.memory_space<vmem>>, vector<16xi32>,
        %mul3A_76 = arith.constant 2 : i32
        %mul3A_77 = vector.broadcast %mul3A_76 : i32 to vector<16xi32>
        %mul3A_78 = arith.muli %get3A_75, %mul3A_77 : vector<16xi32>
        %add3A_79 = arith.constant 0 : i32
        %add3A_80 = vector.broadcast %add3A_79 : i32 to vector<16xi32>
        %add3A_81 = arith.addi %mul3A_73, %add3A_80 : vector<16xi32>
        %gather3A_82 = tpu.vector_load_idx %arg6[%add3A_81] : memref<20000xf32, #tpu.memory_space<vmem>>[vector<16xi32>], vector<16xf32>,
        %add3A_83 = arith.constant 0 : i32
        %add3A_84 = vector.broadcast %add3A_83 : i32 to vector<16xi32>
        %add3A_85 = arith.addi %mul3A_78, %add3A_84 : vector<16xi32>
        tpu.vector_store_idx %arg7[%add3A_85], %gather3A_82 {add = true} : memref<20480xf32, #tpu.memory_space<vmem>>[vector<16xi32>], vector<16xf32>,
        %add3A_86 = arith.constant 1 : i32
        %add3A_87 = vector.broadcast %add3A_86 : i32 to vector<16xi32>
        %add3A_88 = arith.addi %mul3A_73, %add3A_87 : vector<16xi32>
        %gather3A_89 = tpu.vector_load_idx %arg6[%add3A_88] : memref<20000xf32, #tpu.memory_space<vmem>>[vector<16xi32>], vector<16xf32>,
        %add3A_90 = arith.constant 1 : i32
        %add3A_91 = vector.broadcast %add3A_90 : i32 to vector<16xi32>
        %add3A_92 = arith.addi %mul3A_78, %add3A_91 : vector<16xi32>
        tpu.vector_store_idx %arg7[%add3A_92], %gather3A_89 {add = true} : memref<20480xf32, #tpu.memory_space<vmem>>[vector<16xi32>], vector<16xf32>,
        %mul3A_93 = arith.constant 5 : i32
        %mul3A_94 = arith.muli %scan3A_34, %mul3A_93 : i32
        %add3A_95 = arith.constant 2 : i32
        %add3A_96 = arith.addi %mul3A_94, %add3A_95 : i32
        %mul3A_97 = arith.constant 16 : i32
        %mul3A_98 = arith.muli %add3A_96, %mul3A_97 : i32
        %get3A_99 = arith.index_cast %mul3A_98 : i32 to index
        %get3A_100 = tpu.vector_load %arg8[%get3A_99] {strides = array<i32>} : memref<2000xi32, #tpu.memory_space<vmem>>, vector<16xi32>,
        %mul3A_101 = arith.constant 2 : i32
        %mul3A_102 = vector.broadcast %mul3A_101 : i32 to vector<16xi32>
        %mul3A_103 = arith.muli %get3A_100, %mul3A_102 : vector<16xi32>
        %get3A_104 = arith.index_cast %mul3A_98 : i32 to index
        %get3A_105 = tpu.vector_load %arg9[%get3A_104] {strides = array<i32>} : memref<2000xi32, #tpu.memory_space<vmem>>, vector<16xi32>,
        %mul3A_106 = arith.constant 2 : i32
        %mul3A_107 = vector.broadcast %mul3A_106 : i32 to vector<16xi32>
        %mul3A_108 = arith.muli %get3A_105, %mul3A_107 : vector<16xi32>
        %add3A_109 = arith.constant 0 : i32
        %add3A_110 = vector.broadcast %add3A_109 : i32 to vector<16xi32>
        %add3A_111 = arith.addi %mul3A_103, %add3A_110 : vector<16xi32>
        %gather3A_112 = tpu.vector_load_idx %arg6[%add3A_111] : memref<20000xf32, #tpu.memory_space<vmem>>[vector<16xi32>], vector<16xf32>,
        %add3A_113 = arith.constant 0 : i32
        %add3A_114 = vector.broadcast %add3A_113 : i32 to vector<16xi32>
        %add3A_115 = arith.addi %mul3A_108, %add3A_114 : vector<16xi32>
        tpu.vector_store_idx %arg7[%add3A_115], %gather3A_112 {add = true} : memref<20480xf32, #tpu.memory_space<vmem>>[vector<16xi32>], vector<16xf32>,
        %add3A_116 = arith.constant 1 : i32
        %add3A_117 = vector.broadcast %add3A_116 : i32 to vector<16xi32>
        %add3A_118 = arith.addi %mul3A_103, %add3A_117 : vector<16xi32>
        %gather3A_119 = tpu.vector_load_idx %arg6[%add3A_118] : memref<20000xf32, #tpu.memory_space<vmem>>[vector<16xi32>], vector<16xf32>,
        %add3A_120 = arith.constant 1 : i32
        %add3A_121 = vector.broadcast %add3A_120 : i32 to vector<16xi32>
        %add3A_122 = arith.addi %mul3A_108, %add3A_121 : vector<16xi32>
        tpu.vector_store_idx %arg7[%add3A_122], %gather3A_119 {add = true} : memref<20480xf32, #tpu.memory_space<vmem>>[vector<16xi32>], vector<16xf32>,
        %mul3A_123 = arith.constant 5 : i32
        %mul3A_124 = arith.muli %scan3A_34, %mul3A_123 : i32
        %add3A_125 = arith.constant 3 : i32
        %add3A_126 = arith.addi %mul3A_124, %add3A_125 : i32
        %mul3A_127 = arith.constant 16 : i32
        %mul3A_128 = arith.muli %add3A_126, %mul3A_127 : i32
        %get3A_129 = arith.index_cast %mul3A_128 : i32 to index
        %get3A_130 = tpu.vector_load %arg8[%get3A_129] {strides = array<i32>} : memref<2000xi32, #tpu.memory_space<vmem>>, vector<16xi32>,
        %mul3A_131 = arith.constant 2 : i32
        %mul3A_132 = vector.broadcast %mul3A_131 : i32 to vector<16xi32>
        %mul3A_133 = arith.muli %get3A_130, %mul3A_132 : vector<16xi32>
        %get3A_134 = arith.index_cast %mul3A_128 : i32 to index
        %get3A_135 = tpu.vector_load %arg9[%get3A_134] {strides = array<i32>} : memref<2000xi32, #tpu.memory_space<vmem>>, vector<16xi32>,
        %mul3A_136 = arith.constant 2 : i32
        %mul3A_137 = vector.broadcast %mul3A_136 : i32 to vector<16xi32>
        %mul3A_138 = arith.muli %get3A_135, %mul3A_137 : vector<16xi32>
        %add3A_139 = arith.constant 0 : i32
        %add3A_140 = vector.broadcast %add3A_139 : i32 to vector<16xi32>
        %add3A_141 = arith.addi %mul3A_133, %add3A_140 : vector<16xi32>
        %gather3A_142 = tpu.vector_load_idx %arg6[%add3A_141] : memref<20000xf32, #tpu.memory_space<vmem>>[vector<16xi32>], vector<16xf32>,
        %add3A_143 = arith.constant 0 : i32
        %add3A_144 = vector.broadcast %add3A_143 : i32 to vector<16xi32>
        %add3A_145 = arith.addi %mul3A_138, %add3A_144 : vector<16xi32>
        tpu.vector_store_idx %arg7[%add3A_145], %gather3A_142 {add = true} : memref<20480xf32, #tpu.memory_space<vmem>>[vector<16xi32>], vector<16xf32>,
        %add3A_146 = arith.constant 1 : i32
        %add3A_147 = vector.broadcast %add3A_146 : i32 to vector<16xi32>
        %add3A_148 = arith.addi %mul3A_133, %add3A_147 : vector<16xi32>
        %gather3A_149 = tpu.vector_load_idx %arg6[%add3A_148] : memref<20000xf32, #tpu.memory_space<vmem>>[vector<16xi32>], vector<16xf32>,
        %add3A_150 = arith.constant 1 : i32
        %add3A_151 = vector.broadcast %add3A_150 : i32 to vector<16xi32>
        %add3A_152 = arith.addi %mul3A_138, %add3A_151 : vector<16xi32>
        tpu.vector_store_idx %arg7[%add3A_152], %gather3A_149 {add = true} : memref<20480xf32, #tpu.memory_space<vmem>>[vector<16xi32>], vector<16xf32>,
        %mul3A_153 = arith.constant 5 : i32
        %mul3A_154 = arith.muli %scan3A_34, %mul3A_153 : i32
        %add3A_155 = arith.constant 4 : i32
        %add3A_156 = arith.addi %mul3A_154, %add3A_155 : i32
        %mul3A_157 = arith.constant 16 : i32
        %mul3A_158 = arith.muli %add3A_156, %mul3A_157 : i32
        %get3A_159 = arith.index_cast %mul3A_158 : i32 to index
        %get3A_160 = tpu.vector_load %arg8[%get3A_159] {strides = array<i32>} : memref<2000xi32, #tpu.memory_space<vmem>>, vector<16xi32>,
        %mul3A_161 = arith.constant 2 : i32
        %mul3A_162 = vector.broadcast %mul3A_161 : i32 to vector<16xi32>
        %mul3A_163 = arith.muli %get3A_160, %mul3A_162 : vector<16xi32>
        %get3A_164 = arith.index_cast %mul3A_158 : i32 to index
        %get3A_165 = tpu.vector_load %arg9[%get3A_164] {strides = array<i32>} : memref<2000xi32, #tpu.memory_space<vmem>>, vector<16xi32>,
        %mul3A_166 = arith.constant 2 : i32
        %mul3A_167 = vector.broadcast %mul3A_166 : i32 to vector<16xi32>
        %mul3A_168 = arith.muli %get3A_165, %mul3A_167 : vector<16xi32>
        %add3A_169 = arith.constant 0 : i32
        %add3A_170 = vector.broadcast %add3A_169 : i32 to vector<16xi32>
        %add3A_171 = arith.addi %mul3A_163, %add3A_170 : vector<16xi32>
        %gather3A_172 = tpu.vector_load_idx %arg6[%add3A_171] : memref<20000xf32, #tpu.memory_space<vmem>>[vector<16xi32>], vector<16xf32>,
        %add3A_173 = arith.constant 0 : i32
        %add3A_174 = vector.broadcast %add3A_173 : i32 to vector<16xi32>
        %add3A_175 = arith.addi %mul3A_168, %add3A_174 : vector<16xi32>
        tpu.vector_store_idx %arg7[%add3A_175], %gather3A_172 {add = true} : memref<20480xf32, #tpu.memory_space<vmem>>[vector<16xi32>], vector<16xf32>,
        %add3A_176 = arith.constant 1 : i32
        %add3A_177 = vector.broadcast %add3A_176 : i32 to vector<16xi32>
        %add3A_178 = arith.addi %mul3A_163, %add3A_177 : vector<16xi32>
        %gather3A_179 = tpu.vector_load_idx %arg6[%add3A_178] : memref<20000xf32, #tpu.memory_space<vmem>>[vector<16xi32>], vector<16xf32>,
        %add3A_180 = arith.constant 1 : i32
        %add3A_181 = vector.broadcast %add3A_180 : i32 to vector<16xi32>
        %add3A_182 = arith.addi %mul3A_168, %add3A_181 : vector<16xi32>
        tpu.vector_store_idx %arg7[%add3A_182], %gather3A_179 {add = true} : memref<20480xf32, #tpu.memory_space<vmem>>[vector<16xi32>], vector<16xf32>,
      }
      %scan3A_33 = arith.constant 25 : i32
    }
    %scan3A_14 = arith.constant 5 : i32
    %scan3A_15 = arith.constant 0 : i32
    %scan3A_16 = arith.constant 0 : i32
    %scan3A_17 = arith.constant 160 : i32
    %scan3A_18 = arith.addi %scan3A_16, %scan3A_17 : i32
    %scan3A_19 = arith.constant 1 : i32
    scf.for %scan3A_21 = %scan3A_16 to %scan3A_18 step %scan3A_19  : i32 {
      %mul3A_22 = arith.constant 8 : i32
      %mul3A_23 = arith.muli %scan3A_21, %mul3A_22 : i32
      %add3A_24 = arith.constant 0 : i32
      %add3A_25 = arith.addi %mul3A_23, %add3A_24 : i32
      %mul3A_26 = arith.constant 16 : i32
      %mul3A_27 = arith.muli %add3A_25, %mul3A_26 : i32
      %swap3A = arith.index_cast %mul3A_27 : i32 to index
      %swap3A_28 = tpu.vector_load %arg7[%swap3A] {strides = array<i32>} : memref<20480xf32, #tpu.memory_space<vmem>>, vector<16xf32>,
      tpu.vector_store %arg7[%swap3A], %broadcast_in_dim3A_1 {add = true, strides = array<i32>} : memref<20480xf32, #tpu.memory_space<vmem>>, vector<16xf32>,
      %mul3A_29 = arith.constant 8 : i32
      %mul3A_30 = arith.muli %scan3A_21, %mul3A_29 : i32
      %add3A_31 = arith.constant 1 : i32
      %add3A_32 = arith.addi %mul3A_30, %add3A_31 : i32
      %mul3A_33 = arith.constant 16 : i32
      %mul3A_34 = arith.muli %add3A_32, %mul3A_33 : i32
      %swap3A_35 = arith.index_cast %mul3A_34 : i32 to index
      %swap3A_36 = tpu.vector_load %arg7[%swap3A_35] {strides = array<i32>} : memref<20480xf32, #tpu.memory_space<vmem>>, vector<16xf32>,
      tpu.vector_store %arg7[%swap3A_35], %broadcast_in_dim3A_1 {add = true, strides = array<i32>} : memref<20480xf32, #tpu.memory_space<vmem>>, vector<16xf32>,
      %mul3A_37 = arith.constant 8 : i32
      %mul3A_38 = arith.muli %scan3A_21, %mul3A_37 : i32
      %add3A_39 = arith.constant 2 : i32
      %add3A_40 = arith.addi %mul3A_38, %add3A_39 : i32
      %mul3A_41 = arith.constant 16 : i32
      %mul3A_42 = arith.muli %add3A_40, %mul3A_41 : i32
      %swap3A_43 = arith.index_cast %mul3A_42 : i32 to index
      %swap3A_44 = tpu.vector_load %arg7[%swap3A_43] {strides = array<i32>} : memref<20480xf32, #tpu.memory_space<vmem>>, vector<16xf32>,
      tpu.vector_store %arg7[%swap3A_43], %broadcast_in_dim3A_1 {add = true, strides = array<i32>} : memref<20480xf32, #tpu.memory_space<vmem>>, vector<16xf32>,
      %mul3A_45 = arith.constant 8 : i32
      %mul3A_46 = arith.muli %scan3A_21, %mul3A_45 : i32
      %add3A_47 = arith.constant 3 : i32
      %add3A_48 = arith.addi %mul3A_46, %add3A_47 : i32
      %mul3A_49 = arith.constant 16 : i32
      %mul3A_50 = arith.muli %add3A_48, %mul3A_49 : i32
      %swap3A_51 = arith.index_cast %mul3A_50 : i32 to index
      %swap3A_52 = tpu.vector_load %arg7[%swap3A_51] {strides = array<i32>} : memref<20480xf32, #tpu.memory_space<vmem>>, vector<16xf32>,
      tpu.vector_store %arg7[%swap3A_51], %broadcast_in_dim3A_1 {add = true, strides = array<i32>} : memref<20480xf32, #tpu.memory_space<vmem>>, vector<16xf32>,
      %mul3A_53 = arith.constant 8 : i32
      %mul3A_54 = arith.muli %scan3A_21, %mul3A_53 : i32
      %add3A_55 = arith.constant 4 : i32
      %add3A_56 = arith.addi %mul3A_54, %add3A_55 : i32
      %mul3A_57 = arith.constant 16 : i32
      %mul3A_58 = arith.muli %add3A_56, %mul3A_57 : i32
      %swap3A_59 = arith.index_cast %mul3A_58 : i32 to index
      %swap3A_60 = tpu.vector_load %arg7[%swap3A_59] {strides = array<i32>} : memref<20480xf32, #tpu.memory_space<vmem>>, vector<16xf32>,
      tpu.vector_store %arg7[%swap3A_59], %broadcast_in_dim3A_1 {add = true, strides = array<i32>} : memref<20480xf32, #tpu.memory_space<vmem>>, vector<16xf32>,
      %mul3A_61 = arith.constant 8 : i32
      %mul3A_62 = arith.muli %scan3A_21, %mul3A_61 : i32
      %add3A_63 = arith.constant 5 : i32
      %add3A_64 = arith.addi %mul3A_62, %add3A_63 : i32
      %mul3A_65 = arith.constant 16 : i32
      %mul3A_66 = arith.muli %add3A_64, %mul3A_65 : i32
      %swap3A_67 = arith.index_cast %mul3A_66 : i32 to index
      %swap3A_68 = tpu.vector_load %arg7[%swap3A_67] {strides = array<i32>} : memref<20480xf32, #tpu.memory_space<vmem>>, vector<16xf32>,
      tpu.vector_store %arg7[%swap3A_67], %broadcast_in_dim3A_1 {add = true, strides = array<i32>} : memref<20480xf32, #tpu.memory_space<vmem>>, vector<16xf32>,
      %mul3A_69 = arith.constant 8 : i32
      %mul3A_70 = arith.muli %scan3A_21, %mul3A_69 : i32
      %add3A_71 = arith.constant 6 : i32
      %add3A_72 = arith.addi %mul3A_70, %add3A_71 : i32
      %mul3A_73 = arith.constant 16 : i32
      %mul3A_74 = arith.muli %add3A_72, %mul3A_73 : i32
      %swap3A_75 = arith.index_cast %mul3A_74 : i32 to index
      %swap3A_76 = tpu.vector_load %arg7[%swap3A_75] {strides = array<i32>} : memref<20480xf32, #tpu.memory_space<vmem>>, vector<16xf32>,
      tpu.vector_store %arg7[%swap3A_75], %broadcast_in_dim3A_1 {add = true, strides = array<i32>} : memref<20480xf32, #tpu.memory_space<vmem>>, vector<16xf32>,
      %mul3A_77 = arith.constant 8 : i32
      %mul3A_78 = arith.muli %scan3A_21, %mul3A_77 : i32
      %add3A_79 = arith.constant 7 : i32
      %add3A_80 = arith.addi %mul3A_78, %add3A_79 : i32
      %mul3A_81 = arith.constant 16 : i32
      %mul3A_82 = arith.muli %add3A_80, %mul3A_81 : i32
      %swap3A_83 = arith.index_cast %mul3A_82 : i32 to index
      %swap3A_84 = tpu.vector_load %arg7[%swap3A_83] {strides = array<i32>} : memref<20480xf32, #tpu.memory_space<vmem>>, vector<16xf32>,
      tpu.vector_store %arg7[%swap3A_83], %broadcast_in_dim3A_1 {add = true, strides = array<i32>} : memref<20480xf32, #tpu.memory_space<vmem>>, vector<16xf32>,
    }
    %scan3A_20 = arith.constant 160 : i32
    "tpu.region"() ({
      %run_scoped3A = tpu.sem_alloc : memref<!tpu.dma_semaphore, #tpu.memory_space<semaphore_mem>>
      %dma_start3A = arith.constant 0 : i32
      %dma_start3A_21 = tpu.memref_slice %arg5[%add3A, %dma_start3A] : memref<32x20480xf32, #tpu.memory_space<hbm>> -> memref<1x20480xf32, #tpu.memory_space<hbm>>
      %dma_start3A_22 = tpu.memref_squeeze %dma_start3A_21 : memref<1x20480xf32, #tpu.memory_space<hbm>> -> memref<20480xf32, #tpu.memory_space<hbm>>
      %dma_start3A_23 = arith.constant 0 : i32
      %dma_start3A_24 = tpu.memref_slice %arg5[%add3A, %dma_start3A_23] : memref<32x20480xf32, #tpu.memory_space<hbm>> -> memref<1x20480xf32, #tpu.memory_space<hbm>>
      %dma_start3A_25 = tpu.memref_squeeze %dma_start3A_24 : memref<1x20480xf32, #tpu.memory_space<hbm>> -> memref<20480xf32, #tpu.memory_space<hbm>>
      tpu.enqueue_dma source(%arg7 : memref<20480xf32, #tpu.memory_space<vmem>>) target(%dma_start3A_25 : memref<20480xf32, #tpu.memory_space<hbm>>) target_semaphore(%run_scoped3A : memref<!tpu.dma_semaphore, #tpu.memory_space<semaphore_mem>>)
      %dma_wait3A = arith.constant 0 : i32
      %dma_wait3A_26 = tpu.memref_slice %arg5[%add3A, %dma_wait3A] : memref<32x20480xf32, #tpu.memory_space<hbm>> -> memref<1x20480xf32, #tpu.memory_space<hbm>>
      %dma_wait3A_27 = tpu.memref_squeeze %dma_wait3A_26 : memref<1x20480xf32, #tpu.memory_space<hbm>> -> memref<20480xf32, #tpu.memory_space<hbm>>
      %dma_wait3A_28 = arith.constant 0 : i32
      %dma_wait3A_29 = tpu.memref_slice %arg5[%add3A, %dma_wait3A_28] : memref<32x20480xf32, #tpu.memory_space<hbm>> -> memref<1x20480xf32, #tpu.memory_space<hbm>>
      %dma_wait3A_30 = tpu.memref_squeeze %dma_wait3A_29 : memref<1x20480xf32, #tpu.memory_space<hbm>> -> memref<20480xf32, #tpu.memory_space<hbm>>
      tpu.wait_dma2 semaphore(%run_scoped3A : memref<!tpu.dma_semaphore, #tpu.memory_space<semaphore_mem>>) src(%arg7 : memref<20480xf32, #tpu.memory_space<vmem>>) dst(%dma_wait3A_30 : memref<20480xf32, #tpu.memory_space<hbm>>)
      tpu.yield
    }) : () -> ()
    return
  }
}

</mosaic_0001>

<sc_bundles>
// kernel: kernel.10.cloned.1.call-start
scs
__scs_entry_jumppad:
0x0: {  	(pc) =	sbr.rel $0x88, $3  }
0x1: {  	(tag) =	ssettag $0x0;
	lr =	simm.s32 $0x1  }
0x2: {  	[smem:$0x3F90] =	sst lr;
	_ =	strace $0xD0000000  }
0x3: {  	_ = 	snop  }
0x4: {  	_ = 	snop  }
0x5: {  	_ = 	snop  }
0x6: {  	_ = 	snop  }
0x7: {  	_ = 	snop  }
__scs_overlays_trampoline_lowered:
0x8: {  	[smem:$0x3F9F] =	sst s0  }
0x9: {  	[smem:$0x3FA0] =	sst s1  }
0xa: {  	[smem:$0x3FA1] =	sst s2  }
0xb: {  	[smem:$0x3FA2] =	sst s3  }
0xc: {  	[smem:$0x3FA3] =	sst s4  }
0xd: {  	[smem:$0x3FA4] =	sst s5  }
0xe: {  	[smem:$0x3FA5] =	sst s6  }
0xf: {  	[smem:$0x3FA6] =	sst s7  }
0x10: {  	[smem:$0x3FA7] =	sst s8  }
0x11: {  	[smem:$0x3FA8] =	sst s9;
	s0 =	simm.s32 @!p0 $0x0  }
0x12: {  	s1 =	sld [smem:$0x3F8E];
	s0 =	simm.s32 @p0 $0x1  }
0x13: {  	[smem:$0x3FA9] =	sst s0;
	s0 =	simm.s32 @!p1 $0x0  }
0x14: {  	s2 =	sld [smem:$0x3F8D];
	s0 =	simm.s32 @p1 $0x1  }
0x15: {  	[smem:$0x3FAA] =	sst s0;
	s0 =	simm.s32 @!p2 $0x0  }
0x16: {  	s3 =	sld [smem:$0x3FDB];
	s0 =	simm.s32 @p2 $0x1  }
0x17: {  	s4 =	simm.s32 $0x1BF5;
	[smem:$0x3FAC] =	sst s0  }
0x18: {  	s0 =	sld [smem:$0x3F8F];
	_ =	swait.ge [sflag:s4], $0x0  }
0x19: {  	s7 =	sld [smem:$0x3F90]  }
0x1a: {  	s8 =	sadd.s32 $0xFFFFE003, lr  }
0x1b: {  	s9 =	sadd.s32 $0xFFFFFEF7, lr;
	s5 =	simm.s32 $0xFFFFFFFF;
	p2 =	slt.u32 s8, $0xFFFFF086  }
0x1c: {  	p1 =	slt.u32 s9, $0xF7A;
	s5 =	simm.s32 @!p2 $0x0  }
0x1d: {  	s5 =	simm.s32 @p1 $0x1;
	p0 =	seq.s32 s7, s2  }
0x1e: {  	s7 =	smul.u32 @!p0 $0xF7A, s2;
	p2 =	seq.s32 @!p0 s5, $0x0  }
0x1f: {  	s9 =	smul.u32 $0xF7A, s1;
	s8 =	simm.s32 @!p0 $0x1BF5;
	p2 =	por !p2, p0  }
0x20: {  	[sflag:s8] =	ssyncset.s32 @!p0 $0xFFFFF086;
	s6 =	sadd.s32 @!p0 s3, s7;
	s7 =	simm.s32 @!p0 $0x108  }
0x21: {  	s3 =	sadd.s32 s3, s9;
	s6 =	sadd.s32 @!p0 $0x88, s6;
	s7 =	simm.s32 @p2 $0x1082  }
0x22: {  	[simem:s7], [sflag:s8] =	dma.local @!p0 [hbm:s6], $0xF7A  }
0x23: {  	s9 =	sor.u32 $0xD0000000, s2;
	s6 =	simm.s32 $0x108;
	_ =	swait.ge @!p0 [sflag:s8], $0x0  }
0x24: {  	s3 =	sadd.s32 $0x88, s3;
	s6 =	simm.s32 @!p1 $0x1082;
	[sflag:s4] =	ssyncset.s32 $0xFFFFF086  }
0x25: {  	[simem:s6], [sflag:s4] =	dma.local [hbm:s3], $0xF7A  }
0x26: {  	[smem:$0x3F90] =	sst s1;
	(tag) =	ssettag s2;
	_ =	strace s9  }
0x27: {  	s1 =	sld [smem:$0x3FA0]  }
0x28: {  	s2 =	sld [smem:$0x3FA1]  }
0x29: {  	s4 =	sld [smem:$0x3FA3]  }
0x2a: {  	p0 =	seq.s32 s5, $0x0;
	s5 =	sld [smem:$0x3FA4]  }
0x2b: {  	s6 =	sld [smem:$0x3FA5]  }
0x2c: {  	s7 =	sld [smem:$0x3FA6]  }
0x2d: {  	s3 =	simm.s32 $0x108;
	s8 =	sld [smem:$0x3FA7]  }
0x2e: {  	s3 =	simm.s32 @!p0 $0x1082;
	s9 =	sld [smem:$0x3FA8]  }
0x2f: {  	lr =	sadd.s32 s0, s3;
	s0 =	sld [smem:$0x3F9F]  }
0x30: {  	s3 =	sld [smem:$0x3FA2]  }
0x31: {  	[smem:$0x3FAB] =	sst s10  }
0x32: {  	s10 =	sld [smem:$0x3FA9];
	_ =	sdelay $0x3  }
0x33: {  	p0 =	seq.s32 s10, $0x1;
	s10 =	sld [smem:$0x3FAB];
	_ =	sdelay $0x3  }
0x34: {  	[smem:$0x3FAB] =	sst s10  }
0x35: {  	s10 =	sld [smem:$0x3FAA];
	_ =	sdelay $0x3  }
0x36: {  	p1 =	seq.s32 s10, $0x1;
	s10 =	sld [smem:$0x3FAB];
	_ =	sdelay $0x3  }
0x37: {  	[smem:$0x3FAB] =	sst s10  }
0x38: {  	s10 =	sld [smem:$0x3FAC]  }
0x39: {  	_ = 	snop;
	(pc) =	sbr.ind lr, $3  }
0x3a: {  	_ = 	snop  }
0x3b: {  	_ = 	snop  }
0x3c: {  	p2 =	seq.s32 s10, $0x1;
	s10 =	sld [smem:$0x3FAB]  }
0x3d: {  	_ =	shalt  }
0x3e: {  	_ =	shalt  }
0x3f: {  	_ =	shalt  }
0x40: {  	_ =	shalt  }
0x41: {  	_ =	shalt  }
0x42: {  	_ =	shalt  }
0x43: {  	_ =	shalt  }
0x44: {  	_ =	shalt  }
0x45: {  	_ =	shalt  }
0x46: {  	_ =	shalt  }
0x47: {  	_ =	shalt  }
0x48: {  	_ =	shalt  }
0x49: {  	_ =	shalt  }
0x4a: {  	_ =	shalt  }
0x4b: {  	_ =	shalt  }
0x4c: {  	_ =	shalt  }
0x4d: {  	_ =	shalt  }
0x4e: {  	_ =	shalt  }
0x4f: {  	_ =	shalt  }
0x50: {  	_ =	shalt  }
0x51: {  	_ =	shalt  }
0x52: {  	_ =	shalt  }
0x53: {  	_ =	shalt  }
0x54: {  	_ =	shalt  }
0x55: {  	_ =	shalt  }
0x56: {  	_ =	shalt  }
0x57: {  	_ =	shalt  }
0x58: {  	_ =	shalt  }
0x59: {  	_ =	shalt  }
0x5a: {  	_ =	shalt  }
0x5b: {  	_ =	shalt  }
0x5c: {  	_ =	shalt  }
0x5d: {  	_ =	shalt  }
0x5e: {  	_ =	shalt  }
0x5f: {  	_ =	shalt  }
0x60: {  	_ =	shalt  }
0x61: {  	_ =	shalt  }
0x62: {  	_ =	shalt  }
0x63: {  	_ =	shalt  }
0x64: {  	_ =	shalt  }
0x65: {  	_ =	shalt  }
0x66: {  	_ =	shalt  }
0x67: {  	_ =	shalt  }
0x68: {  	_ =	shalt  }
0x69: {  	_ =	shalt  }
0x6a: {  	_ =	shalt  }
0x6b: {  	_ =	shalt  }
0x6c: {  	_ =	shalt  }
0x6d: {  	_ =	shalt  }
0x6e: {  	_ =	shalt  }
0x6f: {  	_ =	shalt  }
0x70: {  	_ =	shalt  }
0x71: {  	_ =	shalt  }
0x72: {  	_ =	shalt  }
0x73: {  	_ =	shalt  }
0x74: {  	_ =	shalt  }
0x75: {  	_ =	shalt  }
0x76: {  	_ =	shalt  }
0x77: {  	_ =	shalt  }
0x78: {  	_ =	shalt  }
0x79: {  	_ =	shalt  }
0x7a: {  	_ =	shalt  }
0x7b: {  	_ =	shalt  }
0x7c: {  	_ =	shalt  }
0x7d: {  	_ =	shalt  }
0x7e: {  	_ =	shalt  }
0x7f: {  	_ =	shalt  }
0x80: {  	_ =	shalt  }
0x81: {  	_ =	shalt  }
0x82: {  	_ =	shalt  }
0x83: {  	_ =	shalt  }
0x84: {  	_ =	shalt  }
0x85: {  	_ =	shalt  }
0x86: {  	_ =	shalt  }
0x87: {  	_ =	shalt  }
.Lfunc_end0:
.L_simem_size_0:
called_computation.1_lowered:
.L_overlay_start_0:
0x88: {  	s2 =	sld [smem:$0x3FD9]  }
0x89: {  	s3 =	sld [smem:$0x3FFE];
	_ =	sdelay $0x1  }
0x8a: {  	s1 =	srdreg.scid  }
0x8b: {  	s0 =	sand.u32 $0x1, s1  }
0x8c: {  	s17 =	sshll.u32 s0, $0xA;
	s2 =	sadd.s32 s3, s2  }
0x8d: {  	s2 =	sadd.s32 s2, s17  }
0x8e: {  	[smem:$0x3FB7] =	sst s2  }
0x8f: {  	_ = 	snop  }
0x90: {  	s2 =	sld [smem:$0x3FC7];
	(tm) =	ssettm $0x1  }
0x91: {  	s18 =	sld [smem:$0x3FFB];
	_ =	sdelay $0x3  }
0x92: {  	_ =	strace s18  }
0x93: {  	s3 =	sld [smem:$0x3FFC];
	_ =	sdelay $0x3  }
0x94: {  	_ =	strace s3  }
0x95: {  	s3 =	sld [smem:$0x3FFD];
	_ =	sdelay $0x3  }
0x96: {  	_ =	strace s3  }
0x97: {  	_ =	strace $0x8FFFFFFF  }
0x98: {  	s19 =	sld [smem:$0x3FDB];
	_ =	sdelay $0x1  }
0x99: {  	s4 =	simm.s32 $_scs_section_size  }
0x9a: {  	s5 =	simm.s32 $_size__tile_overlayer_lowered;
	s6 =	simm.s32 $_tile_overlayer_lowered  }
0x9b: {  	s22 =	simm.s32 $0x1BFF;
	s21 =	sshll.u32 s6, $0x1;
	s3 =	sadd.s32 s4, s19  }
0x9c: {  	s7 =	simm.s32 $0x0;
	s20 =	sshll.u32 s5, $0x1;
	s5 =	sadd.s32 s21, s3  }
0x9d: {  	[timem:s7], [sflag:s22] =	dma.local [hbm:s5], s20  }
0x9e: {  	_ =	swait.ge [sflag:s22], s20  }
0x9f: {  	s4 =	ssub.s32 $0x0, s20;
	[sflag:s22] =	ssyncset.done $0x0  }
0xa0: {  	[sflag:s22] =	ssyncadd.s32 s4;
	_ =	sdelay $0x1  }
0xa1: {  	s23 =	simm.s32 $0x1B8B  }
0xa2: {  	_ =	swait.ge [sflag:s23], $0x1  }
0xa3: {  	[sflag:s23] =	ssyncset.done $0x0  }
0xa4: {  	s25 =	simm.s32 $0x1B8E;
	s24 =	sld [smem:$0x3FFE];
	[sflag:s23] =	ssyncadd.s32 $0xFFFFFFFF  }
0xa5: {  	s26 =	simm.s32 $execute0_lowered;
	[smem:$0x3FD2] =	sst s25  }
0xa6: {  	s5 =	sshll.u32 s26, $0x1;
	_ =	strace $0x80000049;
	[dreg:$0x1] =	wrdreg $0xFFFFFFFF  }
0xa7: {  	s28 =	simm.s32 $_size_execute0_lowered;
	s3 =	sadd.s32 s3, s5;
	[dreg:$0x0] =	wrdreg $0x0  }
0xa8: {  	s5 =	sshll.u32 s28, $0x1;
	[dreg:$0x2] =	wrdreg s3  }
0xa9: {  	[dreg:$0x3] =	wrdreg s5  }
0xaa: {  	[dreg:$0x4] =	wrdreg $0xC0  }
0xab: {  	_ =	task [dreg:s7], $0x5FFFF  }
0xac: {  	[dreg:$0x1] =	wrdreg $0xFFFFFFFF  }
0xad: {  	[dreg:$0x0] =	wrdreg $0x60  }
0xae: {  	[dreg:$0x2] =	wrdreg s24  }
0xaf: {  	[dreg:$0x3] =	wrdreg s2  }
0xb0: {  	[dreg:$0x4] =	wrdreg $0x9  }
0xb1: {  	_ =	task.clear_ibuf [dreg:s7], $0x5FFFF;
	_ =	strace $0x90000049  }
0xb2: {  	s29 =	simm.s32 $0x9;
	_ =	strace $0x8000004B  }
0xb3: {  	_ =	swait.ge [sflag:s29], $0x1  }
0xb4: {  	[sflag:s29] =	ssyncadd.s32 $0xFFFFFFFF  }
0xb5: {  	_ =	strace $0x9000004B  }
0xb6: {  	_ =	sfence  }
0xb7: {  	s30 =	sld [smem:$0x0];
	_ =	sdelay $0x2  }
0xb8: {  	s31 =	sshll.u32 s1, $0xD;
	s1 =	sshrl.u32 s1, $0x2  }
0xb9: {  	s3 =	sand.u32 $0x4000, s31;
	s1 =	sadd.s32 s1, s30  }
0xba: {  	s0 =	sor.u32 s3, s0;
	s1 =	sshll.u32 s1, $0x11  }
0xbb: {  	s0 =	sor.u32 s1, s0  }
0xbc: {  	s0 =	sadd.s32 $0x8F2B, s0  }
0xbd: {  	[sflag:s0] =	ssyncadd.remote.s32 $0x1  }
0xbe: {  	_ =	sfence.sel $0xFFFF  }
0xbf: {  	[dreg:$0x0] =	wrdreg $0xFFFFFFFF;
	(pc) =	sbr.abs _section_cstart, $3  }
0xc0: {  	[dreg:$0x1] =	wrdreg $0xFFFFFFFF  }
0xc1: {  	_ =	task.clear_ibuf [dreg:s7], $0x2FFFF;
	_ =	strace $0x9FFFFFFF  }
0xc2: {  	(tm) =	ssettm $0x7FFFFFFF  }
0xc3: {  	_ =	shalt  }
tec
execute0_lowered:
.L_overlay_start_1:
0x0: {  	(tag) =	ssettag $0x1  }
0x1: {  	s2 =	rddreg [dreg:$0x0];
	s1 =	srdreg.scid  }
0x2: {  	s0 =	stileid.u32;
	s3 =	rddreg [dreg:$0x1];
	s4 =	simm.s32 $0x0  }
0x3: {  	s10 =	simm.s32 $0x13900;
	s11 =	simm.s32 $0x15880;
	s12 =	simm.s32 $0x17800  }
0x4: {  	s13 =	simm.s32 $0x9C80;
	s5 =	sand.u32 $0x1, s1;
	s6 =	sshll.u32 s0, $0x1  }
0x5: {  	s14 =	simm.s32 $0x0;
	s6 =	sor.u32 s5, s6;
	s7 =	ssub.s32 $0x2, s5  }
0x6: {  	[smem:$0x7FF] =	sst s4;
	s6 =	smul.u32 $0x1388, s6;
	s8 =	sshrl.u32 s7, $0x1  }
0x7: {  	s1 =	rddreg [dreg:$0x2];
	_ =	strace $0x8000004A;
	s8 =	ssub.s32 s7, s8  }
0x8: {  	s5 =	sadd.s32 $0x9E00, s2;
	s9 =	sadd.s32 s6, s2;
	s8 =	smax.u32 s8, $0x1  }
0x9: {  	v0 =	vimm.f32 $0.0e+00;
	s6 =	sadd.s32 $0x13C00, s9;
	s7 =	sadd.s32 $0x3AE00, s9;
	s9 =	simm.s32 $0x1  }
.LBB2_1:
0xa: {  	s15 =	simm.s32 $0x0;
	s16 =	simm.s32 $0x200  }
.LBB2_2:
0xb: {  	p0 =	sne.s32 s16, $0x26E00;
	[tilespmem:s15+$0x9CF0] =	vst v0  }
0xc: {  	[tilespmem:s15+$0x9C80] =	vst v0  }
0xd: {  	[tilespmem:s15+$0x9C90] =	vst v0  }
.Ltmp0:
0xe: {  	[tilespmem:s15+$0x9CA0] =	vst v0;
	(pc) =	sbr.rel @p0 .LBB2_2-.Ltmp0, $4  }
0xf: {  	[tilespmem:s15+$0x9CB0] =	vst v0  }
0x10: {  	[tilespmem:s15+$0x9CC0] =	vst v0  }
0x11: {  	[tilespmem:s15+$0x9CD0] =	vst v0  }
0x12: {  	[tilespmem:s15+$0x9CE0] =	vst v0;
	s15 =	sshra.s32 s16, $0x2;
	s16 =	sadd.s32 $0x200, s16  }
0x13: {  	[tilespmem:s15+$0x9CF0] =	vst v0  }
0x14: {  	[tilespmem:s15+$0x9C80] =	vst v0  }
0x15: {  	[tilespmem:s15+$0x9C90] =	vst v0  }
0x16: {  	[tilespmem:s15+$0x9CA0] =	vst v0  }
0x17: {  	[tilespmem:s15+$0x9CB0] =	vst v0  }
0x18: {  	[tilespmem:s15+$0x9CC0] =	vst v0  }
0x19: {  	[tilespmem:s15+$0x9CD0] =	vst v0  }
0x1a: {  	[tilespmem:s15+$0x9CE0] =	vst v0  }
0x1b: {  	[tilespmem:$0x13880] =	vst v0  }
0x1c: {  	[tilespmem:$0x13890] =	vst v0  }
0x1d: {  	[tilespmem:$0x138A0] =	vst v0  }
0x1e: {  	s15 =	simm.s32 $0x0;
	[tilespmem:$0x138B0] =	vst v0  }
0x1f: {  	[tilespmem:s15], [sflag:$0x1] =	stream.linear.gather [hbm4b:s6+s15], $0x9C40, $0x38;
	[tilespmem:$0x19780] =	vst v63  }
0x20: {  	_ =	swait.ge [sflag:s9], $0x9C40  }
0x21: {  	[sflag:s9] =	ssyncset.done $0x0  }
0x22: {  	s16 =	simm.s32 $0x0;
	[sflag:s9] =	ssyncadd.s32 $0xFFFF63C0  }
.LBB2_4:
0x23: {  	s17 =	smul.u32 $0x3E8, s16;
	_ =	sdelay $0x1  }
0x24: {  	s18 =	sadd.s32 s5, s17  }
0x25: {  	[tilespmem:s10], [sflag:$0x1] =	stream.linear.gather [hbm4b:s18+s15], $0x1F40, $0x38;
	[tilespmem:$0x19780] =	vst v63  }
0x26: {  	_ =	swait.ge [sflag:s9], $0x1F40  }
0x27: {  	[sflag:s9] =	ssyncset.done $0x0  }
0x28: {  	s31 =	sadd.s32 s2, s17;
	[sflag:s9] =	ssyncadd.s32 $0xFFFFE0C0  }
0x29: {  	[tilespmem:s11], [sflag:$0x1] =	stream.linear.gather [hbm4b:s31+s15], $0x1F40, $0x38;
	[tilespmem:$0x19780] =	vst v63  }
0x2a: {  	_ =	swait.ge [sflag:s9], $0x1F40  }
0x2b: {  	[sflag:s9] =	ssyncset.done $0x0  }
0x2c: {  	s17 =	sadd.s32 s3, s17;
	[sflag:s9] =	ssyncadd.s32 $0xFFFFE0C0  }
0x2d: {  	[tilespmem:s12], [sflag:$0x1] =	stream.linear.gather [hbm4b:s17+s15], $0x1F40, $0x38;
	[tilespmem:$0x19780] =	vst v63  }
0x2e: {  	_ =	swait.ge [sflag:s9], $0x1F40  }
0x2f: {  	s19 =	simm.s32 $0x17850;
	s20 =	simm.s32 $0x0;
	[sflag:s9] =	ssyncset.done $0x0  }
0x30: {  	s18 =	simm.s32 $0x158D0;
	s17 =	simm.s32 $0x13950;
	[sflag:s9] =	ssyncadd.s32 $0xFFFFE0C0  }
.LBB2_5:
0x31: {  	v1 =	vld [tilespmem:s17+$0xFFFFFFB0];
	_ =	sdelay $0x5  }
0x32: {  	v2 =	vld [tilespmem:s18+$0xFFFFFFB0]  }
0x33: {  	v3 =	vld [tilespmem:s19+$0xFFFFFFB0]  }
0x34: {  	v4 =	vld.idx.msk [tilespmem:v1+s4+$0x0], $0xffff;
	_ =	sdelay $0x2  }
0x35: {  	v5 =	vadd.s32 $0x2710, v1;
	_ =	sdelay $0x1  }
0x36: {  	v4 =	vmul.f32 v4, v3;
	_ =	sdelay $0x1  }
0x37: {  	[tilespmem:v2+s13+$0x0] =	vst.idx.add.f32.msk $0xffff, v4  }
0x38: {  	v4 =	vld.idx.msk [tilespmem:v5+s4+$0x0], $0xffff;
	_ =	sdelay $0x1  }
0x39: {  	v26 =	vadd.s32 $0x2710, v2  }
0x3a: {  	v6 =	vadd.s32 $0x4E20, v1;
	_ =	sdelay $0x1  }
0x3b: {  	v4 =	vmul.f32 v4, v3;
	_ =	sdelay $0x1  }
0x3c: {  	[tilespmem:v26+s13+$0x0] =	vst.idx.add.f32.msk $0xffff, v4  }
0x3d: {  	v4 =	vld.idx.msk [tilespmem:v6+s4+$0x0], $0xffff;
	_ =	sdelay $0x1  }
0x3e: {  	v27 =	vadd.s32 $0x4E20, v2  }
0x3f: {  	v1 =	vadd.s32 $0x7530, v1;
	_ =	sdelay $0x1  }
0x40: {  	v4 =	vmul.f32 v4, v3;
	_ =	sdelay $0x1  }
0x41: {  	[tilespmem:v27+s13+$0x0] =	vst.idx.add.f32.msk $0xffff, v4  }
0x42: {  	v1 =	vld.idx.msk [tilespmem:v1+s4+$0x0], $0xffff;
	_ =	sdelay $0x1  }
0x43: {  	v2 =	vadd.s32 $0x7530, v2;
	_ =	sdelay $0x2  }
0x44: {  	v1 =	vmul.f32 v1, v3;
	_ =	sdelay $0x1  }
0x45: {  	[tilespmem:v2+s13+$0x0] =	vst.idx.add.f32.msk $0xffff, v1  }
0x46: {  	v1 =	vld [tilespmem:s17+$0xFFFFFFC0];
	_ =	sdelay $0x5  }
0x47: {  	v2 =	vld [tilespmem:s18+$0xFFFFFFC0]  }
0x48: {  	v3 =	vld [tilespmem:s19+$0xFFFFFFC0]  }
0x49: {  	v4 =	vld.idx.msk [tilespmem:v1+s4+$0x0], $0xffff;
	_ =	sdelay $0x2  }
0x4a: {  	v28 =	vadd.s32 $0x2710, v1;
	_ =	sdelay $0x1  }
0x4b: {  	v4 =	vmul.f32 v4, v3;
	_ =	sdelay $0x1  }
0x4c: {  	[tilespmem:v2+s13+$0x0] =	vst.idx.add.f32.msk $0xffff, v4  }
0x4d: {  	v4 =	vld.idx.msk [tilespmem:v28+s4+$0x0], $0xffff;
	_ =	sdelay $0x1  }
0x4e: {  	v29 =	vadd.s32 $0x2710, v2  }
0x4f: {  	v30 =	vadd.s32 $0x4E20, v1;
	_ =	sdelay $0x1  }
0x50: {  	v4 =	vmul.f32 v4, v3;
	_ =	sdelay $0x1  }
0x51: {  	[tilespmem:v29+s13+$0x0] =	vst.idx.add.f32.msk $0xffff, v4  }
0x52: {  	v4 =	vld.idx.msk [tilespmem:v30+s4+$0x0], $0xffff;
	_ =	sdelay $0x1  }
0x53: {  	v31 =	vadd.s32 $0x4E20, v2  }
0x54: {  	v1 =	vadd.s32 $0x7530, v1;
	_ =	sdelay $0x1  }
0x55: {  	v4 =	vmul.f32 v4, v3;
	_ =	sdelay $0x1  }
0x56: {  	[tilespmem:v31+s13+$0x0] =	vst.idx.add.f32.msk $0xffff, v4  }
0x57: {  	v1 =	vld.idx.msk [tilespmem:v1+s4+$0x0], $0xffff;
	_ =	sdelay $0x1  }
0x58: {  	v2 =	vadd.s32 $0x7530, v2;
	_ =	sdelay $0x2  }
0x59: {  	v1 =	vmul.f32 v1, v3;
	_ =	sdelay $0x1  }
0x5a: {  	[tilespmem:v2+s13+$0x0] =	vst.idx.add.f32.msk $0xffff, v1  }
0x5b: {  	v1 =	vld [tilespmem:s17+$0xFFFFFFD0];
	_ =	sdelay $0x5  }
0x5c: {  	v2 =	vld [tilespmem:s18+$0xFFFFFFD0]  }
0x5d: {  	v3 =	vld [tilespmem:s19+$0xFFFFFFD0]  }
0x5e: {  	v4 =	vld.idx.msk [tilespmem:v1+s4+$0x0], $0xffff;
	_ =	sdelay $0x2  }
0x5f: {  	v32 =	vadd.s32 $0x2710, v1;
	_ =	sdelay $0x1  }
0x60: {  	v4 =	vmul.f32 v4, v3;
	_ =	sdelay $0x1  }
0x61: {  	[tilespmem:v2+s13+$0x0] =	vst.idx.add.f32.msk $0xffff, v4  }
0x62: {  	v4 =	vld.idx.msk [tilespmem:v32+s4+$0x0], $0xffff;
	_ =	sdelay $0x1  }
0x63: {  	v33 =	vadd.s32 $0x2710, v2  }
0x64: {  	v34 =	vadd.s32 $0x4E20, v1;
	_ =	sdelay $0x1  }
0x65: {  	v4 =	vmul.f32 v4, v3;
	_ =	sdelay $0x1  }
0x66: {  	[tilespmem:v33+s13+$0x0] =	vst.idx.add.f32.msk $0xffff, v4  }
0x67: {  	v4 =	vld.idx.msk [tilespmem:v34+s4+$0x0], $0xffff;
	_ =	sdelay $0x1  }
0x68: {  	v35 =	vadd.s32 $0x4E20, v2  }
0x69: {  	v1 =	vadd.s32 $0x7530, v1;
	_ =	sdelay $0x1  }
0x6a: {  	v4 =	vmul.f32 v4, v3;
	_ =	sdelay $0x1  }
0x6b: {  	[tilespmem:v35+s13+$0x0] =	vst.idx.add.f32.msk $0xffff, v4  }
0x6c: {  	v1 =	vld.idx.msk [tilespmem:v1+s4+$0x0], $0xffff;
	_ =	sdelay $0x1  }
0x6d: {  	v2 =	vadd.s32 $0x7530, v2;
	_ =	sdelay $0x2  }
0x6e: {  	v1 =	vmul.f32 v1, v3;
	_ =	sdelay $0x1  }
0x6f: {  	[tilespmem:v2+s13+$0x0] =	vst.idx.add.f32.msk $0xffff, v1  }
0x70: {  	v1 =	vld [tilespmem:s17+$0xFFFFFFE0];
	_ =	sdelay $0x5  }
0x71: {  	v2 =	vld [tilespmem:s18+$0xFFFFFFE0]  }
0x72: {  	v3 =	vld [tilespmem:s19+$0xFFFFFFE0]  }
0x73: {  	v4 =	vld.idx.msk [tilespmem:v1+s4+$0x0], $0xffff;
	_ =	sdelay $0x2  }
0x74: {  	v36 =	vadd.s32 $0x2710, v1;
	_ =	sdelay $0x1  }
0x75: {  	v4 =	vmul.f32 v4, v3;
	_ =	sdelay $0x1  }
0x76: {  	[tilespmem:v2+s13+$0x0] =	vst.idx.add.f32.msk $0xffff, v4  }
0x77: {  	v4 =	vld.idx.msk [tilespmem:v36+s4+$0x0], $0xffff;
	_ =	sdelay $0x1  }
0x78: {  	v37 =	vadd.s32 $0x2710, v2  }
0x79: {  	v38 =	vadd.s32 $0x4E20, v1;
	_ =	sdelay $0x1  }
0x7a: {  	v4 =	vmul.f32 v4, v3;
	_ =	sdelay $0x1  }
0x7b: {  	[tilespmem:v37+s13+$0x0] =	vst.idx.add.f32.msk $0xffff, v4  }
0x7c: {  	v4 =	vld.idx.msk [tilespmem:v38+s4+$0x0], $0xffff;
	_ =	sdelay $0x1  }
0x7d: {  	v39 =	vadd.s32 $0x4E20, v2  }
0x7e: {  	v1 =	vadd.s32 $0x7530, v1;
	_ =	sdelay $0x1  }
0x7f: {  	v4 =	vmul.f32 v4, v3;
	_ =	sdelay $0x1  }
0x80: {  	[tilespmem:v39+s13+$0x0] =	vst.idx.add.f32.msk $0xffff, v4  }
0x81: {  	v1 =	vld.idx.msk [tilespmem:v1+s4+$0x0], $0xffff;
	_ =	sdelay $0x1  }
0x82: {  	v2 =	vadd.s32 $0x7530, v2;
	_ =	sdelay $0x2  }
0x83: {  	v1 =	vmul.f32 v1, v3;
	_ =	sdelay $0x1  }
0x84: {  	[tilespmem:v2+s13+$0x0] =	vst.idx.add.f32.msk $0xffff, v1  }
0x85: {  	v1 =	vld [tilespmem:s17+$0xFFFFFFF0];
	_ =	sdelay $0x5  }
0x86: {  	v2 =	vld [tilespmem:s18+$0xFFFFFFF0]  }
0x87: {  	v3 =	vld [tilespmem:s19+$0xFFFFFFF0]  }
0x88: {  	v4 =	vld.idx.msk [tilespmem:v1+s4+$0x0], $0xffff;
	_ =	sdelay $0x2  }
0x89: {  	v40 =	vadd.s32 $0x2710, v1;
	_ =	sdelay $0x1  }
0x8a: {  	v4 =	vmul.f32 v4, v3;
	_ =	sdelay $0x1  }
0x8b: {  	[tilespmem:v2+s13+$0x0] =	vst.idx.add.f32.msk $0xffff, v4  }
0x8c: {  	v4 =	vld.idx.msk [tilespmem:v40+s4+$0x0], $0xffff;
	_ =	sdelay $0x1  }
0x8d: {  	v41 =	vadd.s32 $0x2710, v2  }
0x8e: {  	v42 =	vadd.s32 $0x4E20, v1;
	_ =	sdelay $0x1  }
0x8f: {  	v4 =	vmul.f32 v4, v3;
	_ =	sdelay $0x1  }
0x90: {  	[tilespmem:v41+s13+$0x0] =	vst.idx.add.f32.msk $0xffff, v4  }
0x91: {  	v4 =	vld.idx.msk [tilespmem:v42+s4+$0x0], $0xffff;
	_ =	sdelay $0x1  }
0x92: {  	v43 =	vadd.s32 $0x4E20, v2  }
0x93: {  	v1 =	vadd.s32 $0x7530, v1;
	_ =	sdelay $0x1  }
0x94: {  	v4 =	vmul.f32 v4, v3;
	_ =	sdelay $0x1  }
0x95: {  	[tilespmem:v43+s13+$0x0] =	vst.idx.add.f32.msk $0xffff, v4  }
0x96: {  	v1 =	vld.idx.msk [tilespmem:v1+s4+$0x0], $0xffff;
	_ =	sdelay $0x1  }
0x97: {  	v2 =	vadd.s32 $0x7530, v2;
	_ =	sdelay $0x2  }
0x98: {  	v1 =	vmul.f32 v1, v3;
	_ =	sdelay $0x1  }
0x99: {  	[tilespmem:v2+s13+$0x0] =	vst.idx.add.f32.msk $0xffff, v1  }
0x9a: {  	v1 =	vld [tilespmem:s17+$0x0];
	_ =	sdelay $0x5  }
0x9b: {  	v2 =	vld [tilespmem:s18+$0x0]  }
0x9c: {  	v3 =	vld [tilespmem:s19+$0x0]  }
0x9d: {  	v4 =	vld.idx.msk [tilespmem:v1+s4+$0x0], $0xffff;
	_ =	sdelay $0x2  }
0x9e: {  	v44 =	vadd.s32 $0x2710, v1;
	_ =	sdelay $0x1  }
0x9f: {  	v4 =	vmul.f32 v4, v3;
	_ =	sdelay $0x1  }
0xa0: {  	[tilespmem:v2+s13+$0x0] =	vst.idx.add.f32.msk $0xffff, v4  }
0xa1: {  	v4 =	vld.idx.msk [tilespmem:v44+s4+$0x0], $0xffff;
	_ =	sdelay $0x1  }
0xa2: {  	v45 =	vadd.s32 $0x2710, v2  }
0xa3: {  	v46 =	vadd.s32 $0x4E20, v1;
	_ =	sdelay $0x1  }
0xa4: {  	v4 =	vmul.f32 v4, v3;
	_ =	sdelay $0x1  }
0xa5: {  	[tilespmem:v45+s13+$0x0] =	vst.idx.add.f32.msk $0xffff, v4  }
0xa6: {  	v4 =	vld.idx.msk [tilespmem:v46+s4+$0x0], $0xffff;
	_ =	sdelay $0x1  }
0xa7: {  	v47 =	vadd.s32 $0x4E20, v2  }
0xa8: {  	v1 =	vadd.s32 $0x7530, v1;
	_ =	sdelay $0x1  }
0xa9: {  	v4 =	vmul.f32 v4, v3;
	_ =	sdelay $0x1  }
0xaa: {  	[tilespmem:v47+s13+$0x0] =	vst.idx.add.f32.msk $0xffff, v4  }
0xab: {  	v1 =	vld.idx.msk [tilespmem:v1+s4+$0x0], $0xffff;
	_ =	sdelay $0x1  }
0xac: {  	v2 =	vadd.s32 $0x7530, v2;
	_ =	sdelay $0x2  }
0xad: {  	v1 =	vmul.f32 v1, v3;
	_ =	sdelay $0x1  }
0xae: {  	[tilespmem:v2+s13+$0x0] =	vst.idx.add.f32.msk $0xffff, v1  }
0xaf: {  	v1 =	vld [tilespmem:s17+$0x10];
	_ =	sdelay $0x5  }
0xb0: {  	v2 =	vld [tilespmem:s18+$0x10]  }
0xb1: {  	v3 =	vld [tilespmem:s19+$0x10]  }
0xb2: {  	v4 =	vld.idx.msk [tilespmem:v1+s4+$0x0], $0xffff;
	_ =	sdelay $0x2  }
0xb3: {  	v48 =	vadd.s32 $0x2710, v1;
	_ =	sdelay $0x1  }
0xb4: {  	v4 =	vmul.f32 v4, v3;
	_ =	sdelay $0x1  }
0xb5: {  	[tilespmem:v2+s13+$0x0] =	vst.idx.add.f32.msk $0xffff, v4  }
0xb6: {  	v4 =	vld.idx.msk [tilespmem:v48+s4+$0x0], $0xffff;
	_ =	sdelay $0x1  }
0xb7: {  	v49 =	vadd.s32 $0x2710, v2  }
0xb8: {  	v50 =	vadd.s32 $0x4E20, v1;
	_ =	sdelay $0x1  }
0xb9: {  	v4 =	vmul.f32 v4, v3;
	_ =	sdelay $0x1  }
0xba: {  	[tilespmem:v49+s13+$0x0] =	vst.idx.add.f32.msk $0xffff, v4  }
0xbb: {  	v4 =	vld.idx.msk [tilespmem:v50+s4+$0x0], $0xffff;
	_ =	sdelay $0x1  }
0xbc: {  	v51 =	vadd.s32 $0x4E20, v2  }
0xbd: {  	v1 =	vadd.s32 $0x7530, v1;
	_ =	sdelay $0x1  }
0xbe: {  	v4 =	vmul.f32 v4, v3;
	_ =	sdelay $0x1  }
0xbf: {  	[tilespmem:v51+s13+$0x0] =	vst.idx.add.f32.msk $0xffff, v4  }
0xc0: {  	v1 =	vld.idx.msk [tilespmem:v1+s4+$0x0], $0xffff;
	_ =	sdelay $0x1  }
0xc1: {  	v2 =	vadd.s32 $0x7530, v2;
	_ =	sdelay $0x2  }
0xc2: {  	v1 =	vmul.f32 v1, v3;
	_ =	sdelay $0x1  }
0xc3: {  	[tilespmem:v2+s13+$0x0] =	vst.idx.add.f32.msk $0xffff, v1  }
0xc4: {  	v1 =	vld [tilespmem:s17+$0x20];
	_ =	sdelay $0x5  }
0xc5: {  	v2 =	vld [tilespmem:s18+$0x20]  }
0xc6: {  	v3 =	vld [tilespmem:s19+$0x20]  }
0xc7: {  	v4 =	vld.idx.msk [tilespmem:v1+s4+$0x0], $0xffff;
	_ =	sdelay $0x2  }
0xc8: {  	v52 =	vadd.s32 $0x2710, v1;
	_ =	sdelay $0x1  }
0xc9: {  	v4 =	vmul.f32 v4, v3;
	_ =	sdelay $0x1  }
0xca: {  	[tilespmem:v2+s13+$0x0] =	vst.idx.add.f32.msk $0xffff, v4  }
0xcb: {  	v4 =	vld.idx.msk [tilespmem:v52+s4+$0x0], $0xffff;
	_ =	sdelay $0x1  }
0xcc: {  	v53 =	vadd.s32 $0x2710, v2  }
0xcd: {  	v54 =	vadd.s32 $0x4E20, v1;
	_ =	sdelay $0x1  }
0xce: {  	v4 =	vmul.f32 v4, v3;
	_ =	sdelay $0x1  }
0xcf: {  	[tilespmem:v53+s13+$0x0] =	vst.idx.add.f32.msk $0xffff, v4  }
0xd0: {  	v4 =	vld.idx.msk [tilespmem:v54+s4+$0x0], $0xffff;
	_ =	sdelay $0x1  }
0xd1: {  	v55 =	vadd.s32 $0x4E20, v2  }
0xd2: {  	v1 =	vadd.s32 $0x7530, v1;
	_ =	sdelay $0x1  }
0xd3: {  	v4 =	vmul.f32 v4, v3;
	_ =	sdelay $0x1  }
0xd4: {  	[tilespmem:v55+s13+$0x0] =	vst.idx.add.f32.msk $0xffff, v4  }
0xd5: {  	v1 =	vld.idx.msk [tilespmem:v1+s4+$0x0], $0xffff;
	_ =	sdelay $0x1  }
0xd6: {  	v2 =	vadd.s32 $0x7530, v2;
	_ =	sdelay $0x2  }
0xd7: {  	v1 =	vmul.f32 v1, v3;
	_ =	sdelay $0x1  }
0xd8: {  	s21 =	sand.u32 $0x3FE0, s20;
	[tilespmem:v2+s13+$0x0] =	vst.idx.add.f32.msk $0xffff, v1  }
0xd9: {  	v1 =	vld [tilespmem:s21+$0x13980];
	_ =	sdelay $0x5  }
0xda: {  	v2 =	vld [tilespmem:s21+$0x15900]  }
0xdb: {  	v3 =	vld [tilespmem:s21+$0x17880]  }
0xdc: {  	v4 =	vld.idx.msk [tilespmem:v1+s4+$0x0], $0xffff;
	_ =	sdelay $0x2  }
0xdd: {  	v56 =	vadd.s32 $0x2710, v1;
	_ =	sdelay $0x1  }
0xde: {  	v4 =	vmul.f32 v4, v3;
	_ =	sdelay $0x1  }
0xdf: {  	[tilespmem:v2+s13+$0x0] =	vst.idx.add.f32.msk $0xffff, v4  }
0xe0: {  	v4 =	vld.idx.msk [tilespmem:v56+s4+$0x0], $0xffff;
	_ =	sdelay $0x1  }
0xe1: {  	v57 =	vadd.s32 $0x2710, v2  }
0xe2: {  	v58 =	vadd.s32 $0x4E20, v1;
	_ =	sdelay $0x1  }
0xe3: {  	v4 =	vmul.f32 v4, v3;
	_ =	sdelay $0x1  }
0xe4: {  	[tilespmem:v57+s13+$0x0] =	vst.idx.add.f32.msk $0xffff, v4  }
0xe5: {  	v4 =	vld.idx.msk [tilespmem:v58+s4+$0x0], $0xffff;
	_ =	sdelay $0x1  }
0xe6: {  	v59 =	vadd.s32 $0x4E20, v2  }
0xe7: {  	v1 =	vadd.s32 $0x7530, v1;
	_ =	sdelay $0x1  }
0xe8: {  	v4 =	vmul.f32 v4, v3;
	_ =	sdelay $0x1  }
0xe9: {  	[tilespmem:v59+s13+$0x0] =	vst.idx.add.f32.msk $0xffff, v4  }
0xea: {  	v1 =	vld.idx.msk [tilespmem:v1+s4+$0x0], $0xffff;
	_ =	sdelay $0x1  }
0xeb: {  	v2 =	vadd.s32 $0x7530, v2;
	_ =	sdelay $0x2  }
0xec: {  	v1 =	vmul.f32 v1, v3;
	_ =	sdelay $0x1  }
0xed: {  	[tilespmem:v2+s13+$0x0] =	vst.idx.add.f32.msk $0xffff, v1  }
0xee: {  	v1 =	vld [tilespmem:s17+$0x40];
	_ =	sdelay $0x5  }
0xef: {  	v2 =	vld [tilespmem:s18+$0x40]  }
0xf0: {  	v3 =	vld [tilespmem:s19+$0x40]  }
0xf1: {  	v4 =	vld.idx.msk [tilespmem:v1+s4+$0x0], $0xffff;
	_ =	sdelay $0x2  }
0xf2: {  	v60 =	vadd.s32 $0x2710, v1;
	_ =	sdelay $0x1  }
0xf3: {  	v4 =	vmul.f32 v4, v3;
	_ =	sdelay $0x1  }
0xf4: {  	[tilespmem:v2+s13+$0x0] =	vst.idx.add.f32.msk $0xffff, v4  }
0xf5: {  	v4 =	vld.idx.msk [tilespmem:v60+s4+$0x0], $0xffff;
	_ =	sdelay $0x1  }
0xf6: {  	v61 =	vadd.s32 $0x2710, v2  }
0xf7: {  	v62 =	vadd.s32 $0x4E20, v1;
	_ =	sdelay $0x1  }
0xf8: {  	v4 =	vmul.f32 v4, v3;
	_ =	sdelay $0x1  }
0xf9: {  	[tilespmem:v61+s13+$0x0] =	vst.idx.add.f32.msk $0xffff, v4  }
0xfa: {  	v4 =	vld.idx.msk [tilespmem:v62+s4+$0x0], $0xffff;
	_ =	sdelay $0x1  }
0xfb: {  	v63 =	vadd.s32 $0x4E20, v2  }
0xfc: {  	v1 =	vadd.s32 $0x7530, v1;
	_ =	sdelay $0x1  }
0xfd: {  	v4 =	vmul.f32 v4, v3;
	_ =	sdelay $0x1  }
0xfe: {  	[tilespmem:v63+s13+$0x0] =	vst.idx.add.f32.msk $0xffff, v4  }
0xff: {  	v1 =	vld.idx.msk [tilespmem:v1+s4+$0x0], $0xffff;
	_ =	sdelay $0x1  }
0x100: {  	p0 =	sne.s32 s20, $0x1EA0;
	v2 =	vadd.s32 $0x7530, v2  }
.Ltmp1:
0x101: {  	_ = 	snop;
	(pc) =	sbr.rel @p0 .LBB2_5-.Ltmp1, $4  }
0x102: {  	_ = 	snop  }
0x103: {  	v1 =	vmul.f32 v1, v3  }
0x104: {  	s20 =	sadd.s32 $0xA0, s20  }
0x105: {  	s17 =	sadd.s32 $0xA0, s17;
	s18 =	sadd.s32 $0xA0, s18;
	s19 =	sadd.s32 $0xA0, s19;
	[tilespmem:v2+s13+$0x0] =	vst.idx.add.f32.msk $0xffff, v1  }
0x106: {  	s16 =	sadd.s32 $0x1, s16  }
0x107: {  	p0 =	sne.s32 s16, $0x28  }
.Ltmp2:
0x108: {  	_ = 	snop;
	(pc) =	sbr.rel @p0 .LBB2_4-.Ltmp2, $1  }
0x109: {  	_ =	sdelay $0x3  }
0x10a: {  	s14 =	sadd.s32 $0x1, s14  }
0x10b: {  	p0 =	sne.s32 s14, s8  }
.Ltmp3:
0x10c: {  	_ = 	snop;
	(pc) =	sbr.rel @p0 .LBB2_1-.Ltmp3, $4  }
0x10d: {  	[hbm4b:s7+s4] =	stream.linear.scatter [tilespmem:s13], [sflag:$0x1], $0x9C40, $0x38;
	[tilespmem:$0x19780] =	vst v63  }
0x10e: {  	_ =	swait.ge [sflag:s9], $0x9C40  }
0x10f: {  	[sflag:s9] =	ssyncset.done $0x0  }
0x110: {  	[sflag:s9] =	ssyncadd.s32 $0xFFFF63C0  }
0x111: {  	_ =	sfence.sel $0x180000  }
0x112: {  	[bflag:$0x0] =	sbarrier.arrive $0xFFFF  }
0x113: {  	p0 =	sne.s32 s0, $0x0;
	_ =	strace $0x9000004A  }
0x114: {  	s0 =	sadd.s32 @!p0 $0x100000, s1;
	[bflag:$0x2] =	sbarrier.arrive $0xFFFF  }
0x115: {  	[sflag:s0] =	ssyncadd.tile.s32 @!p0 $0x1;
	_ =	shalt  }
.Lfunc_end2:
_tile_overlayer_lowered:
.L_overlay_start_2:
0x116: {  	(tag) =	ssettag $0x2  }
0x117: {  	s0 =	rddreg [dreg:$0x0];
	s2 =	stileid.u32  }
0x118: {  	s1 =	rddreg [dreg:$0x1];
	p0 =	sne.s32 s2, $0x0  }
0x119: {  	s3 =	rddreg [dreg:$0x2];
	[bflag:$0x3] =	sbarrier.arrive $0xFFFF;
	s2 =	simm.s32 @!p0 $0x1C01  }
0x11a: {  	[timem:s3], [sflag:s2] =	dma.local @!p0 [hbm:s0], s1  }
0x11b: {  	s0 =	simm.s32 @!p0 $0x1  }
0x11c: {  	_ =	swait.ge @!p0 [sflag:s0], s1  }
0x11d: {  	s1 =	ssub.s32 @!p0 $0x0, s1;
	[sflag:s0] =	ssyncset.done @!p0 $0x0  }
0x11e: {  	[sflag:s0] =	ssyncadd.s32 @!p0 s1  }
0x11f: {  	[bflag:$0x3] =	sbarrier.arrive $0xFFFF  }
0x120: {  	_ =	shalt  }

// kernel: kernel.13.cloned.1.call-start
scs
__scs_entry_jumppad:
0x0: {  	(pc) =	sbr.rel $0x88, $3  }
0x1: {  	(tag) =	ssettag $0x0;
	lr =	simm.s32 $0x1  }
0x2: {  	[smem:$0x3F90] =	sst lr;
	_ =	strace $0xD0000000  }
0x3: {  	_ = 	snop  }
0x4: {  	_ = 	snop  }
0x5: {  	_ = 	snop  }
0x6: {  	_ = 	snop  }
0x7: {  	_ = 	snop  }
__scs_overlays_trampoline_lowered:
0x8: {  	[smem:$0x3F9F] =	sst s0  }
0x9: {  	[smem:$0x3FA0] =	sst s1  }
0xa: {  	[smem:$0x3FA1] =	sst s2  }
0xb: {  	[smem:$0x3FA2] =	sst s3  }
0xc: {  	[smem:$0x3FA3] =	sst s4  }
0xd: {  	[smem:$0x3FA4] =	sst s5  }
0xe: {  	[smem:$0x3FA5] =	sst s6  }
0xf: {  	[smem:$0x3FA6] =	sst s7  }
0x10: {  	[smem:$0x3FA7] =	sst s8  }
0x11: {  	[smem:$0x3FA8] =	sst s9;
	s0 =	simm.s32 @!p0 $0x0  }
0x12: {  	s1 =	sld [smem:$0x3F8E];
	s0 =	simm.s32 @p0 $0x1  }
0x13: {  	[smem:$0x3FA9] =	sst s0;
	s0 =	simm.s32 @!p1 $0x0  }
0x14: {  	s2 =	sld [smem:$0x3F8D];
	s0 =	simm.s32 @p1 $0x1  }
0x15: {  	[smem:$0x3FAA] =	sst s0;
	s0 =	simm.s32 @!p2 $0x0  }
0x16: {  	s3 =	sld [smem:$0x3FDB];
	s0 =	simm.s32 @p2 $0x1  }
0x17: {  	s4 =	simm.s32 $0x1BF5;
	[smem:$0x3FAC] =	sst s0  }
0x18: {  	s0 =	sld [smem:$0x3F8F];
	_ =	swait.ge [sflag:s4], $0x0  }
0x19: {  	s7 =	sld [smem:$0x3F90]  }
0x1a: {  	s8 =	sadd.s32 $0xFFFFE003, lr  }
0x1b: {  	s9 =	sadd.s32 $0xFFFFFEF7, lr;
	s5 =	simm.s32 $0xFFFFFFFF;
	p2 =	slt.u32 s8, $0xFFFFF086  }
0x1c: {  	p1 =	slt.u32 s9, $0xF7A;
	s5 =	simm.s32 @!p2 $0x0  }
0x1d: {  	s5 =	simm.s32 @p1 $0x1;
	p0 =	seq.s32 s7, s2  }
0x1e: {  	s7 =	smul.u32 @!p0 $0xF7A, s2;
	p2 =	seq.s32 @!p0 s5, $0x0  }
0x1f: {  	s9 =	smul.u32 $0xF7A, s1;
	s8 =	simm.s32 @!p0 $0x1BF5;
	p2 =	por !p2, p0  }
0x20: {  	[sflag:s8] =	ssyncset.s32 @!p0 $0xFFFFF086;
	s6 =	sadd.s32 @!p0 s3, s7;
	s7 =	simm.s32 @!p0 $0x108  }
0x21: {  	s3 =	sadd.s32 s3, s9;
	s6 =	sadd.s32 @!p0 $0x88, s6;
	s7 =	simm.s32 @p2 $0x1082  }
0x22: {  	[simem:s7], [sflag:s8] =	dma.local @!p0 [hbm:s6], $0xF7A  }
0x23: {  	s9 =	sor.u32 $0xD0000000, s2;
	s6 =	simm.s32 $0x108;
	_ =	swait.ge @!p0 [sflag:s8], $0x0  }
0x24: {  	s3 =	sadd.s32 $0x88, s3;
	s6 =	simm.s32 @!p1 $0x1082;
	[sflag:s4] =	ssyncset.s32 $0xFFFFF086  }
0x25: {  	[simem:s6], [sflag:s4] =	dma.local [hbm:s3], $0xF7A  }
0x26: {  	[smem:$0x3F90] =	sst s1;
	(tag) =	ssettag s2;
	_ =	strace s9  }
0x27: {  	s1 =	sld [smem:$0x3FA0]  }
0x28: {  	s2 =	sld [smem:$0x3FA1]  }
0x29: {  	s4 =	sld [smem:$0x3FA3]  }
0x2a: {  	p0 =	seq.s32 s5, $0x0;
	s5 =	sld [smem:$0x3FA4]  }
0x2b: {  	s6 =	sld [smem:$0x3FA5]  }
0x2c: {  	s7 =	sld [smem:$0x3FA6]  }
0x2d: {  	s3 =	simm.s32 $0x108;
	s8 =	sld [smem:$0x3FA7]  }
0x2e: {  	s3 =	simm.s32 @!p0 $0x1082;
	s9 =	sld [smem:$0x3FA8]  }
0x2f: {  	lr =	sadd.s32 s0, s3;
	s0 =	sld [smem:$0x3F9F]  }
0x30: {  	s3 =	sld [smem:$0x3FA2]  }
0x31: {  	[smem:$0x3FAB] =	sst s10  }
0x32: {  	s10 =	sld [smem:$0x3FA9];
	_ =	sdelay $0x3  }
0x33: {  	p0 =	seq.s32 s10, $0x1;
	s10 =	sld [smem:$0x3FAB];
	_ =	sdelay $0x3  }
0x34: {  	[smem:$0x3FAB] =	sst s10  }
0x35: {  	s10 =	sld [smem:$0x3FAA];
	_ =	sdelay $0x3  }
0x36: {  	p1 =	seq.s32 s10, $0x1;
	s10 =	sld [smem:$0x3FAB];
	_ =	sdelay $0x3  }
0x37: {  	[smem:$0x3FAB] =	sst s10  }
0x38: {  	s10 =	sld [smem:$0x3FAC]  }
0x39: {  	_ = 	snop;
	(pc) =	sbr.ind lr, $3  }
0x3a: {  	_ = 	snop  }
0x3b: {  	_ = 	snop  }
0x3c: {  	p2 =	seq.s32 s10, $0x1;
	s10 =	sld [smem:$0x3FAB]  }
0x3d: {  	_ =	shalt  }
0x3e: {  	_ =	shalt  }
0x3f: {  	_ =	shalt  }
0x40: {  	_ =	shalt  }
0x41: {  	_ =	shalt  }
0x42: {  	_ =	shalt  }
0x43: {  	_ =	shalt  }
0x44: {  	_ =	shalt  }
0x45: {  	_ =	shalt  }
0x46: {  	_ =	shalt  }
0x47: {  	_ =	shalt  }
0x48: {  	_ =	shalt  }
0x49: {  	_ =	shalt  }
0x4a: {  	_ =	shalt  }
0x4b: {  	_ =	shalt  }
0x4c: {  	_ =	shalt  }
0x4d: {  	_ =	shalt  }
0x4e: {  	_ =	shalt  }
0x4f: {  	_ =	shalt  }
0x50: {  	_ =	shalt  }
0x51: {  	_ =	shalt  }
0x52: {  	_ =	shalt  }
0x53: {  	_ =	shalt  }
0x54: {  	_ =	shalt  }
0x55: {  	_ =	shalt  }
0x56: {  	_ =	shalt  }
0x57: {  	_ =	shalt  }
0x58: {  	_ =	shalt  }
0x59: {  	_ =	shalt  }
0x5a: {  	_ =	shalt  }
0x5b: {  	_ =	shalt  }
0x5c: {  	_ =	shalt  }
0x5d: {  	_ =	shalt  }
0x5e: {  	_ =	shalt  }
0x5f: {  	_ =	shalt  }
0x60: {  	_ =	shalt  }
0x61: {  	_ =	shalt  }
0x62: {  	_ =	shalt  }
0x63: {  	_ =	shalt  }
0x64: {  	_ =	shalt  }
0x65: {  	_ =	shalt  }
0x66: {  	_ =	shalt  }
0x67: {  	_ =	shalt  }
0x68: {  	_ =	shalt  }
0x69: {  	_ =	shalt  }
0x6a: {  	_ =	shalt  }
0x6b: {  	_ =	shalt  }
0x6c: {  	_ =	shalt  }
0x6d: {  	_ =	shalt  }
0x6e: {  	_ =	shalt  }
0x6f: {  	_ =	shalt  }
0x70: {  	_ =	shalt  }
0x71: {  	_ =	shalt  }
0x72: {  	_ =	shalt  }
0x73: {  	_ =	shalt  }
0x74: {  	_ =	shalt  }
0x75: {  	_ =	shalt  }
0x76: {  	_ =	shalt  }
0x77: {  	_ =	shalt  }
0x78: {  	_ =	shalt  }
0x79: {  	_ =	shalt  }
0x7a: {  	_ =	shalt  }
0x7b: {  	_ =	shalt  }
0x7c: {  	_ =	shalt  }
0x7d: {  	_ =	shalt  }
0x7e: {  	_ =	shalt  }
0x7f: {  	_ =	shalt  }
0x80: {  	_ =	shalt  }
0x81: {  	_ =	shalt  }
0x82: {  	_ =	shalt  }
0x83: {  	_ =	shalt  }
0x84: {  	_ =	shalt  }
0x85: {  	_ =	shalt  }
0x86: {  	_ =	shalt  }
0x87: {  	_ =	shalt  }
.Lfunc_end0:
.L_simem_size_0:
called_computation.2_lowered:
.L_overlay_start_0:
0x88: {  	s2 =	sld [smem:$0x3FD9]  }
0x89: {  	s3 =	sld [smem:$0x3FFE];
	_ =	sdelay $0x1  }
0x8a: {  	s1 =	srdreg.scid  }
0x8b: {  	s0 =	sand.u32 $0x1, s1  }
0x8c: {  	s16 =	sshll.u32 s0, $0xA;
	s2 =	sadd.s32 s3, s2  }
0x8d: {  	s2 =	sadd.s32 s2, s16  }
0x8e: {  	[smem:$0x3FB7] =	sst s2  }
0x8f: {  	_ = 	snop  }
0x90: {  	(tm) =	ssettm $0x1  }
0x91: {  	s17 =	sld [smem:$0x3FFB];
	_ =	sdelay $0x3  }
0x92: {  	_ =	strace s17  }
0x93: {  	s2 =	sld [smem:$0x3FFC];
	_ =	sdelay $0x3  }
0x94: {  	_ =	strace s2  }
0x95: {  	s2 =	sld [smem:$0x3FFD];
	_ =	sdelay $0x3  }
0x96: {  	_ =	strace s2  }
0x97: {  	_ =	strace $0x8FFFFFFF  }
0x98: {  	s18 =	sld [smem:$0x3FDB];
	_ =	sdelay $0x1  }
0x99: {  	s19 =	simm.s32 $_scs_section_size  }
0x9a: {  	s4 =	simm.s32 $_size__tile_overlayer_lowered;
	s5 =	simm.s32 $_tile_overlayer_lowered  }
0x9b: {  	s22 =	simm.s32 $0x1BFF;
	s21 =	sshll.u32 s5, $0x1;
	s2 =	sadd.s32 s19, s18  }
0x9c: {  	s6 =	simm.s32 $0x0;
	s20 =	sshll.u32 s4, $0x1;
	s4 =	sadd.s32 s21, s2  }
0x9d: {  	[timem:s6], [sflag:s22] =	dma.local [hbm:s4], s20  }
0x9e: {  	_ =	swait.ge [sflag:s22], s20  }
0x9f: {  	s3 =	ssub.s32 $0x0, s20;
	[sflag:s22] =	ssyncset.done $0x0  }
0xa0: {  	[sflag:s22] =	ssyncadd.s32 s3;
	_ =	sdelay $0x1  }
0xa1: {  	s23 =	simm.s32 $0x1B8B  }
0xa2: {  	_ =	swait.ge [sflag:s23], $0x1  }
0xa3: {  	[sflag:s23] =	ssyncset.done $0x0  }
0xa4: {  	s25 =	simm.s32 $0x1B8E;
	s24 =	sld [smem:$0x3FFE];
	[sflag:s23] =	ssyncadd.s32 $0xFFFFFFFF  }
0xa5: {  	s26 =	simm.s32 $execute0_lowered;
	[smem:$0x3FD2] =	sst s25  }
0xa6: {  	s4 =	sshll.u32 s26, $0x1;
	_ =	strace $0x8000004C;
	[dreg:$0x1] =	wrdreg $0xFFFFFFFF  }
0xa7: {  	s28 =	simm.s32 $_size_execute0_lowered;
	s2 =	sadd.s32 s2, s4;
	[dreg:$0x0] =	wrdreg $0x0  }
0xa8: {  	s4 =	sshll.u32 s28, $0x1;
	[dreg:$0x2] =	wrdreg s2  }
0xa9: {  	[dreg:$0x3] =	wrdreg s4  }
0xaa: {  	[dreg:$0x4] =	wrdreg $0xC0  }
0xab: {  	_ =	task [dreg:s6], $0x5FFFF  }
0xac: {  	[dreg:$0x1] =	wrdreg $0xFFFFFFFF  }
0xad: {  	[dreg:$0x0] =	wrdreg $0x60  }
0xae: {  	[dreg:$0x2] =	wrdreg s24  }
0xaf: {  	[dreg:$0x3] =	wrdreg $0x9  }
0xb0: {  	_ =	task.clear_ibuf [dreg:s6], $0x4FFFF;
	_ =	strace $0x9000004C  }
0xb1: {  	s29 =	simm.s32 $0x9;
	_ =	strace $0x8000004E  }
0xb2: {  	_ =	swait.ge [sflag:s29], $0x1  }
0xb3: {  	[sflag:s29] =	ssyncadd.s32 $0xFFFFFFFF  }
0xb4: {  	_ =	strace $0x9000004E  }
0xb5: {  	_ =	sfence  }
0xb6: {  	s30 =	sld [smem:$0x0];
	_ =	sdelay $0x2  }
0xb7: {  	s31 =	sshll.u32 s1, $0xD;
	s1 =	sshrl.u32 s1, $0x2  }
0xb8: {  	s3 =	sand.u32 $0x4000, s31;
	s1 =	sadd.s32 s1, s30  }
0xb9: {  	s0 =	sor.u32 s3, s0;
	s1 =	sshll.u32 s1, $0x11  }
0xba: {  	s0 =	sor.u32 s1, s0  }
0xbb: {  	s0 =	sadd.s32 $0x8F2B, s0  }
0xbc: {  	[sflag:s0] =	ssyncadd.remote.s32 $0x1  }
0xbd: {  	_ =	sfence.sel $0xFFFF  }
0xbe: {  	[dreg:$0x0] =	wrdreg $0xFFFFFFFF;
	(pc) =	sbr.abs _section_cstart, $3  }
0xbf: {  	[dreg:$0x1] =	wrdreg $0xFFFFFFFF  }
0xc0: {  	_ =	task.clear_ibuf [dreg:s6], $0x2FFFF;
	_ =	strace $0x9FFFFFFF  }
0xc1: {  	(tm) =	ssettm $0x7FFFFFFF  }
tec
execute0_lowered:
.L_overlay_start_1:
0x0: {  	(tag) =	ssettag $0x1  }
0x1: {  	s2 =	rddreg [dreg:$0x0];
	s3 =	srdreg.scid  }
0x2: {  	s1 =	stileid.u32;
	s0 =	rddreg [dreg:$0x1];
	s10 =	simm.s32 $0x13C80  }
0x3: {  	s11 =	simm.s32 $0x14480;
	s12 =	simm.s32 $0x9C80;
	s13 =	simm.s32 $0x80  }
0x4: {  	s14 =	simm.s32 $0x400;
	s5 =	sand.u32 $0x1, s3;
	s4 =	sshll.u32 s1, $0x1  }
0x5: {  	s15 =	simm.s32 $0x0;
	s29 =	sshrl.u32 s1, $0x2;
	s6 =	sor.u32 s5, s4  }
0x6: {  	s3 =	simm.s32 $0x0;
	s7 =	smul.u32 $0x50000, s29;
	s30 =	sshll.u32 s6, $0x7  }
0x7: {  	[smem:$0x7FF] =	sst s3;
	s4 =	sadd.s32 $0x9E00, s2;
	s8 =	sand.u32 $0x380, s30  }
0x8: {  	s31 =	ssub.s32 $0x2, s5;
	s5 =	sadd.s32 $0x13C00, s2;
	s7 =	sor.u32 s7, s8  }
0x9: {  	_ =	strace $0x8000004D;
	s9 =	sshrl.u32 s31, $0x1;
	s7 =	sshrl.u32 s7, $0x3  }
0xa: {  	s6 =	smul.u32 $0x2710, s6;
	s8 =	ssub.s32 s31, s9;
	s7 =	sadd.s32 s7, s2  }
0xb: {  	v0 =	vimm.f32 $0.0e+00;
	s9 =	simm.s32 $0x1;
	s8 =	smax.u32 s8, $0x1;
	s7 =	sadd.s32 $0x15000, s7  }
.LBB2_1:
0xc: {  	s16 =	simm.s32 $0x0;
	s17 =	simm.s32 $0x200  }
.LBB2_2:
0xd: {  	p0 =	sne.s32 s17, $0x27E00;
	[tilespmem:s16+$0x9CF0] =	vst v0  }
0xe: {  	[tilespmem:s16+$0x9C80] =	vst v0  }
0xf: {  	[tilespmem:s16+$0x9C90] =	vst v0  }
.Ltmp0:
0x10: {  	[tilespmem:s16+$0x9CA0] =	vst v0;
	(pc) =	sbr.rel @p0 .LBB2_2-.Ltmp0, $4  }
0x11: {  	[tilespmem:s16+$0x9CB0] =	vst v0  }
0x12: {  	[tilespmem:s16+$0x9CC0] =	vst v0  }
0x13: {  	[tilespmem:s16+$0x9CD0] =	vst v0  }
0x14: {  	[tilespmem:s16+$0x9CE0] =	vst v0;
	s16 =	sshra.s32 s17, $0x2;
	s17 =	sadd.s32 $0x200, s17  }
0x15: {  	[tilespmem:s16+$0x9CF0] =	vst v0  }
0x16: {  	[tilespmem:s16+$0x9C80] =	vst v0  }
0x17: {  	[tilespmem:s16+$0x9C90] =	vst v0  }
0x18: {  	[tilespmem:s16+$0x9CA0] =	vst v0  }
0x19: {  	[tilespmem:s16+$0x9CB0] =	vst v0  }
0x1a: {  	[tilespmem:s16+$0x9CC0] =	vst v0  }
0x1b: {  	[tilespmem:s16+$0x9CD0] =	vst v0  }
0x1c: {  	[tilespmem:s16+$0x9CE0] =	vst v0;
	s16 =	simm.s32 $0x0  }
0x1d: {  	[tilespmem:s16], [sflag:$0x1] =	stream.linear.gather [hbm4b:s5+s16], $0x9C80, $0x38;
	[tilespmem:$0x14C80] =	vst v63  }
0x1e: {  	_ =	swait.ge [sflag:s9], $0x9C80  }
0x1f: {  	[sflag:s9] =	ssyncset.done $0x0  }
0x20: {  	s17 =	simm.s32 $0x0;
	[sflag:s9] =	ssyncadd.s32 $0xFFFF6380  }
.LBB2_4:
0x21: {  	s18 =	smul.u32 $0x7D0, s17;
	_ =	sdelay $0x1  }
0x22: {  	s18 =	sadd.s32 s6, s18  }
0x23: {  	s18 =	sshrl.u32 s18, $0x3  }
0x24: {  	s19 =	sadd.s32 s4, s18  }
0x25: {  	[tilespmem:s10], [sflag:$0x1] =	stream.linear.gather [hbm4b:s19+s16], $0x7D0, $0x38;
	[tilespmem:$0x14C80] =	vst v63  }
0x26: {  	_ =	swait.ge [sflag:s9], $0x7D0  }
0x27: {  	[sflag:s9] =	ssyncset.done $0x0  }
0x28: {  	s18 =	sadd.s32 s2, s18;
	[sflag:s9] =	ssyncadd.s32 $0xFFFFF830  }
0x29: {  	[tilespmem:s11], [sflag:$0x1] =	stream.linear.gather [hbm4b:s18+s16], $0x7D0, $0x38;
	[tilespmem:$0x14C80] =	vst v63  }
0x2a: {  	_ =	swait.ge [sflag:s9], $0x7D0  }
0x2b: {  	[sflag:s9] =	ssyncset.done $0x0  }
0x2c: {  	s18 =	simm.s32 $0x0;
	[sflag:s9] =	ssyncadd.s32 $0xFFFFF830  }
.LBB2_5:
0x2d: {  	s19 =	sshra.s32 s18, $0x2  }
0x2e: {  	v1 =	vld [tilespmem:s19+$0x13C80];
	_ =	sdelay $0x4  }
0x2f: {  	v2 =	vld [tilespmem:s19+$0x14480];
	v1 =	vshll.u32 v1, $0x2;
	_ =	sdelay $0x4  }
0x30: {  	v2 =	vshll.u32 v2, $0x2;
	v3 =	vld.idx.msk [tilespmem:v1+s3+$0x0], $0xffff  }
0x31: {  	v4 =	vor.u32 $0x1, v1;
	_ =	sdelay $0x3  }
0x32: {  	[tilespmem:v2+s12+$0x0] =	vst.idx.add.f32.msk $0xffff, v3  }
0x33: {  	v46 =	vor.u32 $0x1, v2;
	v3 =	vld.idx.msk [tilespmem:v4+s3+$0x0], $0xffff  }
0x34: {  	v5 =	vor.u32 $0x2, v1;
	_ =	sdelay $0x3  }
0x35: {  	[tilespmem:v46+s12+$0x0] =	vst.idx.add.f32.msk $0xffff, v3  }
0x36: {  	v47 =	vor.u32 $0x2, v2;
	v3 =	vld.idx.msk [tilespmem:v5+s3+$0x0], $0xffff  }
0x37: {  	v1 =	vor.u32 $0x3, v1;
	_ =	sdelay $0x3  }
0x38: {  	[tilespmem:v47+s12+$0x0] =	vst.idx.add.f32.msk $0xffff, v3  }
0x39: {  	v2 =	vor.u32 $0x3, v2;
	v1 =	vld.idx.msk [tilespmem:v1+s3+$0x0], $0xffff;
	_ =	sdelay $0x4  }
0x3a: {  	[tilespmem:v2+s12+$0x0] =	vst.idx.add.f32.msk $0xffff, v1  }
0x3b: {  	v1 =	vld [tilespmem:s19+$0x13C90];
	_ =	sdelay $0x4  }
0x3c: {  	v2 =	vld [tilespmem:s19+$0x14490];
	v1 =	vshll.u32 v1, $0x2;
	_ =	sdelay $0x4  }
0x3d: {  	v2 =	vshll.u32 v2, $0x2;
	v3 =	vld.idx.msk [tilespmem:v1+s3+$0x0], $0xffff  }
0x3e: {  	v48 =	vor.u32 $0x1, v1;
	_ =	sdelay $0x3  }
0x3f: {  	[tilespmem:v2+s12+$0x0] =	vst.idx.add.f32.msk $0xffff, v3  }
0x40: {  	v49 =	vor.u32 $0x1, v2;
	v3 =	vld.idx.msk [tilespmem:v48+s3+$0x0], $0xffff  }
0x41: {  	v50 =	vor.u32 $0x2, v1;
	_ =	sdelay $0x3  }
0x42: {  	[tilespmem:v49+s12+$0x0] =	vst.idx.add.f32.msk $0xffff, v3  }
0x43: {  	v51 =	vor.u32 $0x2, v2;
	v3 =	vld.idx.msk [tilespmem:v50+s3+$0x0], $0xffff  }
0x44: {  	v1 =	vor.u32 $0x3, v1;
	_ =	sdelay $0x3  }
0x45: {  	[tilespmem:v51+s12+$0x0] =	vst.idx.add.f32.msk $0xffff, v3  }
0x46: {  	v2 =	vor.u32 $0x3, v2;
	v1 =	vld.idx.msk [tilespmem:v1+s3+$0x0], $0xffff;
	_ =	sdelay $0x4  }
0x47: {  	[tilespmem:v2+s12+$0x0] =	vst.idx.add.f32.msk $0xffff, v1  }
0x48: {  	v1 =	vld [tilespmem:s19+$0x13CA0];
	_ =	sdelay $0x4  }
0x49: {  	v2 =	vld [tilespmem:s19+$0x144A0];
	v1 =	vshll.u32 v1, $0x2;
	_ =	sdelay $0x4  }
0x4a: {  	v2 =	vshll.u32 v2, $0x2;
	v3 =	vld.idx.msk [tilespmem:v1+s3+$0x0], $0xffff  }
0x4b: {  	v52 =	vor.u32 $0x1, v1;
	_ =	sdelay $0x3  }
0x4c: {  	[tilespmem:v2+s12+$0x0] =	vst.idx.add.f32.msk $0xffff, v3  }
0x4d: {  	v53 =	vor.u32 $0x1, v2;
	v3 =	vld.idx.msk [tilespmem:v52+s3+$0x0], $0xffff  }
0x4e: {  	v54 =	vor.u32 $0x2, v1;
	_ =	sdelay $0x3  }
0x4f: {  	[tilespmem:v53+s12+$0x0] =	vst.idx.add.f32.msk $0xffff, v3  }
0x50: {  	v55 =	vor.u32 $0x2, v2;
	v3 =	vld.idx.msk [tilespmem:v54+s3+$0x0], $0xffff  }
0x51: {  	v1 =	vor.u32 $0x3, v1;
	_ =	sdelay $0x3  }
0x52: {  	[tilespmem:v55+s12+$0x0] =	vst.idx.add.f32.msk $0xffff, v3  }
0x53: {  	v2 =	vor.u32 $0x3, v2;
	v1 =	vld.idx.msk [tilespmem:v1+s3+$0x0], $0xffff;
	_ =	sdelay $0x4  }
0x54: {  	[tilespmem:v2+s12+$0x0] =	vst.idx.add.f32.msk $0xffff, v1  }
0x55: {  	v1 =	vld [tilespmem:s19+$0x13CB0];
	_ =	sdelay $0x4  }
0x56: {  	v2 =	vld [tilespmem:s19+$0x144B0];
	v1 =	vshll.u32 v1, $0x2;
	_ =	sdelay $0x4  }
0x57: {  	v2 =	vshll.u32 v2, $0x2;
	v3 =	vld.idx.msk [tilespmem:v1+s3+$0x0], $0xffff  }
0x58: {  	v56 =	vor.u32 $0x1, v1;
	_ =	sdelay $0x3  }
0x59: {  	[tilespmem:v2+s12+$0x0] =	vst.idx.add.f32.msk $0xffff, v3  }
0x5a: {  	v57 =	vor.u32 $0x1, v2;
	v3 =	vld.idx.msk [tilespmem:v56+s3+$0x0], $0xffff  }
0x5b: {  	v58 =	vor.u32 $0x2, v1;
	_ =	sdelay $0x3  }
0x5c: {  	[tilespmem:v57+s12+$0x0] =	vst.idx.add.f32.msk $0xffff, v3  }
0x5d: {  	v59 =	vor.u32 $0x2, v2;
	v3 =	vld.idx.msk [tilespmem:v58+s3+$0x0], $0xffff  }
0x5e: {  	v1 =	vor.u32 $0x3, v1;
	_ =	sdelay $0x3  }
0x5f: {  	[tilespmem:v59+s12+$0x0] =	vst.idx.add.f32.msk $0xffff, v3  }
0x60: {  	v2 =	vor.u32 $0x3, v2;
	v1 =	vld.idx.msk [tilespmem:v1+s3+$0x0], $0xffff;
	_ =	sdelay $0x4  }
0x61: {  	[tilespmem:v2+s12+$0x0] =	vst.idx.add.f32.msk $0xffff, v1  }
0x62: {  	v1 =	vld [tilespmem:s19+$0x13CC0];
	_ =	sdelay $0x4  }
0x63: {  	v2 =	vld [tilespmem:s19+$0x144C0];
	v1 =	vshll.u32 v1, $0x2;
	_ =	sdelay $0x4  }
0x64: {  	v2 =	vshll.u32 v2, $0x2;
	v3 =	vld.idx.msk [tilespmem:v1+s3+$0x0], $0xffff  }
0x65: {  	v60 =	vor.u32 $0x1, v1;
	_ =	sdelay $0x3  }
0x66: {  	[tilespmem:v2+s12+$0x0] =	vst.idx.add.f32.msk $0xffff, v3  }
0x67: {  	v61 =	vor.u32 $0x1, v2;
	v3 =	vld.idx.msk [tilespmem:v60+s3+$0x0], $0xffff  }
0x68: {  	v62 =	vor.u32 $0x2, v1;
	_ =	sdelay $0x3  }
0x69: {  	[tilespmem:v61+s12+$0x0] =	vst.idx.add.f32.msk $0xffff, v3  }
0x6a: {  	v63 =	vor.u32 $0x2, v2;
	v3 =	vld.idx.msk [tilespmem:v62+s3+$0x0], $0xffff  }
0x6b: {  	v1 =	vor.u32 $0x3, v1;
	_ =	sdelay $0x3  }
0x6c: {  	[tilespmem:v63+s12+$0x0] =	vst.idx.add.f32.msk $0xffff, v3  }
0x6d: {  	p0 =	sne.s32 s18, $0x1E00;
	v2 =	vor.u32 $0x3, v2;
	v1 =	vld.idx.msk [tilespmem:v1+s3+$0x0], $0xffff  }
.Ltmp1:
0x6e: {  	_ = 	snop;
	(pc) =	sbr.rel @p0 .LBB2_5-.Ltmp1, $2  }
0x6f: {  	_ =	sdelay $0x2  }
0x70: {  	s18 =	sadd.s32 $0x140, s18;
	[tilespmem:v2+s12+$0x0] =	vst.idx.add.f32.msk $0xffff, v1  }
0x71: {  	s17 =	sadd.s32 $0x1, s17  }
0x72: {  	p0 =	sne.s32 s17, $0x5  }
.Ltmp2:
0x73: {  	_ = 	snop;
	(pc) =	sbr.rel @p0 .LBB2_4-.Ltmp2, $1  }
0x74: {  	_ =	sdelay $0x3  }
0x75: {  	s16 =	simm.s32 $0x0;
	s17 =	simm.s32 $0x200  }
.LBB2_8:
0x76: {  	p0 =	sne.s32 s17, $0x27E00;
	[tilespmem:s16+$0x9CF0] =	vst.add.f32.msk $0xffff, v0  }
0x77: {  	[tilespmem:s16+$0x9C80] =	vst.add.f32.msk $0xffff, v0  }
0x78: {  	[tilespmem:s16+$0x9C90] =	vst.add.f32.msk $0xffff, v0  }
.Ltmp3:
0x79: {  	[tilespmem:s16+$0x9CA0] =	vst.add.f32.msk $0xffff, v0;
	(pc) =	sbr.rel @p0 .LBB2_8-.Ltmp3, $4  }
0x7a: {  	[tilespmem:s16+$0x9CB0] =	vst.add.f32.msk $0xffff, v0  }
0x7b: {  	[tilespmem:s16+$0x9CC0] =	vst.add.f32.msk $0xffff, v0  }
0x7c: {  	[tilespmem:s16+$0x9CD0] =	vst.add.f32.msk $0xffff, v0  }
0x7d: {  	[tilespmem:s16+$0x9CE0] =	vst.add.f32.msk $0xffff, v0;
	s16 =	sshra.s32 s17, $0x2;
	s17 =	sadd.s32 $0x200, s17  }
0x7e: {  	[tilespmem:s16+$0x9CF0] =	vst.add.f32.msk $0xffff, v0  }
0x7f: {  	[tilespmem:s16+$0x9C80] =	vst.add.f32.msk $0xffff, v0  }
0x80: {  	[tilespmem:s16+$0x9C90] =	vst.add.f32.msk $0xffff, v0  }
0x81: {  	[tilespmem:s16+$0x9CA0] =	vst.add.f32.msk $0xffff, v0  }
0x82: {  	[tilespmem:s16+$0x9CB0] =	vst.add.f32.msk $0xffff, v0  }
0x83: {  	[tilespmem:s16+$0x9CC0] =	vst.add.f32.msk $0xffff, v0;
	s15 =	sadd.s32 $0x1, s15  }
0x84: {  	[tilespmem:s16+$0x9CD0] =	vst.add.f32.msk $0xffff, v0;
	p0 =	sne.s32 s15, s8  }
.Ltmp4:
0x85: {  	[tilespmem:s16+$0x9CE0] =	vst.add.f32.msk $0xffff, v0;
	(pc) =	sbr.rel @p0 .LBB2_1-.Ltmp4, $4  }
0x86: {  	[hbm4b:s7+s13] =	stream.strided.scatter [tilespmem:s12], [sflag:$0x1], $0xA000, s14, s13, $0x38;
	[tilespmem:$0x14C80] =	vst v63  }
0x87: {  	_ =	swait.ge [sflag:s9], $0xA000  }
0x88: {  	[sflag:s9] =	ssyncset.done $0x0  }
0x89: {  	[sflag:s9] =	ssyncadd.s32 $0xFFFF6000  }
0x8a: {  	_ =	sfence.sel $0x180000  }
0x8b: {  	[bflag:$0x0] =	sbarrier.arrive $0xFFFF  }
0x8c: {  	p0 =	sne.s32 s1, $0x0;
	_ =	strace $0x9000004D  }
0x8d: {  	s0 =	sadd.s32 @!p0 $0x100000, s0;
	[bflag:$0x2] =	sbarrier.arrive $0xFFFF  }
0x8e: {  	[sflag:s0] =	ssyncadd.tile.s32 @!p0 $0x1;
	_ =	shalt  }
.Lfunc_end2:
_tile_overlayer_lowered:
.L_overlay_start_2:
0x8f: {  	(tag) =	ssettag $0x2  }
0x90: {  	s0 =	rddreg [dreg:$0x0];
	s2 =	stileid.u32  }
0x91: {  	s1 =	rddreg [dreg:$0x1];
	p0 =	sne.s32 s2, $0x0  }
0x92: {  	s3 =	rddreg [dreg:$0x2];
	[bflag:$0x3] =	sbarrier.arrive $0xFFFF;
	s2 =	simm.s32 @!p0 $0x1C01  }
0x93: {  	[timem:s3], [sflag:s2] =	dma.local @!p0 [hbm:s0], s1  }
0x94: {  	s0 =	simm.s32 @!p0 $0x1  }
0x95: {  	_ =	swait.ge @!p0 [sflag:s0], s1  }
0x96: {  	s1 =	ssub.s32 @!p0 $0x0, s1;
	[sflag:s0] =	ssyncset.done @!p0 $0x0  }
0x97: {  	[sflag:s0] =	ssyncadd.s32 @!p0 s1  }
0x98: {  	[bflag:$0x3] =	sbarrier.arrive $0xFFFF  }
0x99: {  	_ =	shalt  }

// kernel: kernel.16.cloned.1.call-start
scs
__scs_entry_jumppad:
0x0: {  	(pc) =	sbr.rel $0x88, $3  }
0x1: {  	(tag) =	ssettag $0x0;
	lr =	simm.s32 $0x1  }
0x2: {  	[smem:$0x3F90] =	sst lr;
	_ =	strace $0xD0000000  }
0x3: {  	_ = 	snop  }
0x4: {  	_ = 	snop  }
0x5: {  	_ = 	snop  }
0x6: {  	_ = 	snop  }
0x7: {  	_ = 	snop  }
__scs_overlays_trampoline_lowered:
0x8: {  	[smem:$0x3F9F] =	sst s0  }
0x9: {  	[smem:$0x3FA0] =	sst s1  }
0xa: {  	[smem:$0x3FA1] =	sst s2  }
0xb: {  	[smem:$0x3FA2] =	sst s3  }
0xc: {  	[smem:$0x3FA3] =	sst s4  }
0xd: {  	[smem:$0x3FA4] =	sst s5  }
0xe: {  	[smem:$0x3FA5] =	sst s6  }
0xf: {  	[smem:$0x3FA6] =	sst s7  }
0x10: {  	[smem:$0x3FA7] =	sst s8  }
0x11: {  	[smem:$0x3FA8] =	sst s9;
	s0 =	simm.s32 @!p0 $0x0  }
0x12: {  	s1 =	sld [smem:$0x3F8E];
	s0 =	simm.s32 @p0 $0x1  }
0x13: {  	[smem:$0x3FA9] =	sst s0;
	s0 =	simm.s32 @!p1 $0x0  }
0x14: {  	s2 =	sld [smem:$0x3F8D];
	s0 =	simm.s32 @p1 $0x1  }
0x15: {  	[smem:$0x3FAA] =	sst s0;
	s0 =	simm.s32 @!p2 $0x0  }
0x16: {  	s3 =	sld [smem:$0x3FDB];
	s0 =	simm.s32 @p2 $0x1  }
0x17: {  	s4 =	simm.s32 $0x1BF5;
	[smem:$0x3FAC] =	sst s0  }
0x18: {  	s0 =	sld [smem:$0x3F8F];
	_ =	swait.ge [sflag:s4], $0x0  }
0x19: {  	s7 =	sld [smem:$0x3F90]  }
0x1a: {  	s8 =	sadd.s32 $0xFFFFE003, lr  }
0x1b: {  	s9 =	sadd.s32 $0xFFFFFEF7, lr;
	s5 =	simm.s32 $0xFFFFFFFF;
	p2 =	slt.u32 s8, $0xFFFFF086  }
0x1c: {  	p1 =	slt.u32 s9, $0xF7A;
	s5 =	simm.s32 @!p2 $0x0  }
0x1d: {  	s5 =	simm.s32 @p1 $0x1;
	p0 =	seq.s32 s7, s2  }
0x1e: {  	s7 =	smul.u32 @!p0 $0xF7A, s2;
	p2 =	seq.s32 @!p0 s5, $0x0  }
0x1f: {  	s9 =	smul.u32 $0xF7A, s1;
	s8 =	simm.s32 @!p0 $0x1BF5;
	p2 =	por !p2, p0  }
0x20: {  	[sflag:s8] =	ssyncset.s32 @!p0 $0xFFFFF086;
	s6 =	sadd.s32 @!p0 s3, s7;
	s7 =	simm.s32 @!p0 $0x108  }
0x21: {  	s3 =	sadd.s32 s3, s9;
	s6 =	sadd.s32 @!p0 $0x88, s6;
	s7 =	simm.s32 @p2 $0x1082  }
0x22: {  	[simem:s7], [sflag:s8] =	dma.local @!p0 [hbm:s6], $0xF7A  }
0x23: {  	s9 =	sor.u32 $0xD0000000, s2;
	s6 =	simm.s32 $0x108;
	_ =	swait.ge @!p0 [sflag:s8], $0x0  }
0x24: {  	s3 =	sadd.s32 $0x88, s3;
	s6 =	simm.s32 @!p1 $0x1082;
	[sflag:s4] =	ssyncset.s32 $0xFFFFF086  }
0x25: {  	[simem:s6], [sflag:s4] =	dma.local [hbm:s3], $0xF7A  }
0x26: {  	[smem:$0x3F90] =	sst s1;
	(tag) =	ssettag s2;
	_ =	strace s9  }
0x27: {  	s1 =	sld [smem:$0x3FA0]  }
0x28: {  	s2 =	sld [smem:$0x3FA1]  }
0x29: {  	s4 =	sld [smem:$0x3FA3]  }
0x2a: {  	p0 =	seq.s32 s5, $0x0;
	s5 =	sld [smem:$0x3FA4]  }
0x2b: {  	s6 =	sld [smem:$0x3FA5]  }
0x2c: {  	s7 =	sld [smem:$0x3FA6]  }
0x2d: {  	s3 =	simm.s32 $0x108;
	s8 =	sld [smem:$0x3FA7]  }
0x2e: {  	s3 =	simm.s32 @!p0 $0x1082;
	s9 =	sld [smem:$0x3FA8]  }
0x2f: {  	lr =	sadd.s32 s0, s3;
	s0 =	sld [smem:$0x3F9F]  }
0x30: {  	s3 =	sld [smem:$0x3FA2]  }
0x31: {  	[smem:$0x3FAB] =	sst s10  }
0x32: {  	s10 =	sld [smem:$0x3FA9];
	_ =	sdelay $0x3  }
0x33: {  	p0 =	seq.s32 s10, $0x1;
	s10 =	sld [smem:$0x3FAB];
	_ =	sdelay $0x3  }
0x34: {  	[smem:$0x3FAB] =	sst s10  }
0x35: {  	s10 =	sld [smem:$0x3FAA];
	_ =	sdelay $0x3  }
0x36: {  	p1 =	seq.s32 s10, $0x1;
	s10 =	sld [smem:$0x3FAB];
	_ =	sdelay $0x3  }
0x37: {  	[smem:$0x3FAB] =	sst s10  }
0x38: {  	s10 =	sld [smem:$0x3FAC]  }
0x39: {  	_ = 	snop;
	(pc) =	sbr.ind lr, $3  }
0x3a: {  	_ = 	snop  }
0x3b: {  	_ = 	snop  }
0x3c: {  	p2 =	seq.s32 s10, $0x1;
	s10 =	sld [smem:$0x3FAB]  }
0x3d: {  	_ =	shalt  }
0x3e: {  	_ =	shalt  }
0x3f: {  	_ =	shalt  }
0x40: {  	_ =	shalt  }
0x41: {  	_ =	shalt  }
0x42: {  	_ =	shalt  }
0x43: {  	_ =	shalt  }
0x44: {  	_ =	shalt  }
0x45: {  	_ =	shalt  }
0x46: {  	_ =	shalt  }
0x47: {  	_ =	shalt  }
0x48: {  	_ =	shalt  }
0x49: {  	_ =	shalt  }
0x4a: {  	_ =	shalt  }
0x4b: {  	_ =	shalt  }
0x4c: {  	_ =	shalt  }
0x4d: {  	_ =	shalt  }
0x4e: {  	_ =	shalt  }
0x4f: {  	_ =	shalt  }
0x50: {  	_ =	shalt  }
0x51: {  	_ =	shalt  }
0x52: {  	_ =	shalt  }
0x53: {  	_ =	shalt  }
0x54: {  	_ =	shalt  }
0x55: {  	_ =	shalt  }
0x56: {  	_ =	shalt  }
0x57: {  	_ =	shalt  }
0x58: {  	_ =	shalt  }
0x59: {  	_ =	shalt  }
0x5a: {  	_ =	shalt  }
0x5b: {  	_ =	shalt  }
0x5c: {  	_ =	shalt  }
0x5d: {  	_ =	shalt  }
0x5e: {  	_ =	shalt  }
0x5f: {  	_ =	shalt  }
0x60: {  	_ =	shalt  }
0x61: {  	_ =	shalt  }
0x62: {  	_ =	shalt  }
0x63: {  	_ =	shalt  }
0x64: {  	_ =	shalt  }
0x65: {  	_ =	shalt  }
0x66: {  	_ =	shalt  }
0x67: {  	_ =	shalt  }
0x68: {  	_ =	shalt  }
0x69: {  	_ =	shalt  }
0x6a: {  	_ =	shalt  }
0x6b: {  	_ =	shalt  }
0x6c: {  	_ =	shalt  }
0x6d: {  	_ =	shalt  }
0x6e: {  	_ =	shalt  }
0x6f: {  	_ =	shalt  }
0x70: {  	_ =	shalt  }
0x71: {  	_ =	shalt  }
0x72: {  	_ =	shalt  }
0x73: {  	_ =	shalt  }
0x74: {  	_ =	shalt  }
0x75: {  	_ =	shalt  }
0x76: {  	_ =	shalt  }
0x77: {  	_ =	shalt  }
0x78: {  	_ =	shalt  }
0x79: {  	_ =	shalt  }
0x7a: {  	_ =	shalt  }
0x7b: {  	_ =	shalt  }
0x7c: {  	_ =	shalt  }
0x7d: {  	_ =	shalt  }
0x7e: {  	_ =	shalt  }
0x7f: {  	_ =	shalt  }
0x80: {  	_ =	shalt  }
0x81: {  	_ =	shalt  }
0x82: {  	_ =	shalt  }
0x83: {  	_ =	shalt  }
0x84: {  	_ =	shalt  }
0x85: {  	_ =	shalt  }
0x86: {  	_ =	shalt  }
0x87: {  	_ =	shalt  }
.Lfunc_end0:
.L_simem_size_0:
called_computation.3_lowered:
.L_overlay_start_0:
0x88: {  	s2 =	sld [smem:$0x3FD9]  }
0x89: {  	s3 =	sld [smem:$0x3FFE];
	_ =	sdelay $0x1  }
0x8a: {  	s1 =	srdreg.scid  }
0x8b: {  	s0 =	sand.u32 $0x1, s1  }
0x8c: {  	s16 =	sshll.u32 s0, $0xA;
	s2 =	sadd.s32 s3, s2  }
0x8d: {  	s2 =	sadd.s32 s2, s16  }
0x8e: {  	[smem:$0x3FB7] =	sst s2  }
0x8f: {  	_ = 	snop  }
0x90: {  	(tm) =	ssettm $0x1  }
0x91: {  	s17 =	sld [smem:$0x3FFB];
	_ =	sdelay $0x3  }
0x92: {  	_ =	strace s17  }
0x93: {  	s2 =	sld [smem:$0x3FFC];
	_ =	sdelay $0x3  }
0x94: {  	_ =	strace s2  }
0x95: {  	s2 =	sld [smem:$0x3FFD];
	_ =	sdelay $0x3  }
0x96: {  	_ =	strace s2  }
0x97: {  	_ =	strace $0x8FFFFFFF  }
0x98: {  	s18 =	sld [smem:$0x3FDB];
	_ =	sdelay $0x1  }
0x99: {  	s19 =	simm.s32 $_scs_section_size  }
0x9a: {  	s4 =	simm.s32 $_size__tile_overlayer_lowered;
	s5 =	simm.s32 $_tile_overlayer_lowered  }
0x9b: {  	s22 =	simm.s32 $0x1BFF;
	s21 =	sshll.u32 s5, $0x1;
	s2 =	sadd.s32 s19, s18  }
0x9c: {  	s6 =	simm.s32 $0x0;
	s20 =	sshll.u32 s4, $0x1;
	s4 =	sadd.s32 s21, s2  }
0x9d: {  	[timem:s6], [sflag:s22] =	dma.local [hbm:s4], s20  }
0x9e: {  	_ =	swait.ge [sflag:s22], s20  }
0x9f: {  	s3 =	ssub.s32 $0x0, s20;
	[sflag:s22] =	ssyncset.done $0x0  }
0xa0: {  	[sflag:s22] =	ssyncadd.s32 s3;
	_ =	sdelay $0x1  }
0xa1: {  	s23 =	simm.s32 $0x1B8B  }
0xa2: {  	_ =	swait.ge [sflag:s23], $0x1  }
0xa3: {  	[sflag:s23] =	ssyncset.done $0x0  }
0xa4: {  	s25 =	simm.s32 $0x1B8E;
	s24 =	sld [smem:$0x3FFE];
	[sflag:s23] =	ssyncadd.s32 $0xFFFFFFFF  }
0xa5: {  	s26 =	simm.s32 $execute0_lowered;
	[smem:$0x3FD2] =	sst s25  }
0xa6: {  	s4 =	sshll.u32 s26, $0x1;
	_ =	strace $0x8000004F;
	[dreg:$0x1] =	wrdreg $0xFFFFFFFF  }
0xa7: {  	s28 =	simm.s32 $_size_execute0_lowered;
	s2 =	sadd.s32 s2, s4;
	[dreg:$0x0] =	wrdreg $0x0  }
0xa8: {  	s4 =	sshll.u32 s28, $0x1;
	[dreg:$0x2] =	wrdreg s2  }
0xa9: {  	[dreg:$0x3] =	wrdreg s4  }
0xaa: {  	[dreg:$0x4] =	wrdreg $0xC0  }
0xab: {  	_ =	task [dreg:s6], $0x5FFFF  }
0xac: {  	[dreg:$0x1] =	wrdreg $0xFFFFFFFF  }
0xad: {  	[dreg:$0x0] =	wrdreg $0x60  }
0xae: {  	[dreg:$0x2] =	wrdreg s24  }
0xaf: {  	[dreg:$0x3] =	wrdreg $0x9  }
0xb0: {  	_ =	task.clear_ibuf [dreg:s6], $0x4FFFF;
	_ =	strace $0x9000004F  }
0xb1: {  	s29 =	simm.s32 $0x9;
	_ =	strace $0x80000051  }
0xb2: {  	_ =	swait.ge [sflag:s29], $0x1  }
0xb3: {  	[sflag:s29] =	ssyncadd.s32 $0xFFFFFFFF  }
0xb4: {  	_ =	strace $0x90000051  }
0xb5: {  	_ =	sfence  }
0xb6: {  	s30 =	sld [smem:$0x0];
	_ =	sdelay $0x2  }
0xb7: {  	s31 =	sshll.u32 s1, $0xD;
	s1 =	sshrl.u32 s1, $0x2  }
0xb8: {  	s3 =	sand.u32 $0x4000, s31;
	s1 =	sadd.s32 s1, s30  }
0xb9: {  	s0 =	sor.u32 s3, s0;
	s1 =	sshll.u32 s1, $0x11  }
0xba: {  	s0 =	sor.u32 s1, s0  }
0xbb: {  	s0 =	sadd.s32 $0x8F2B, s0  }
0xbc: {  	[sflag:s0] =	ssyncadd.remote.s32 $0x1  }
0xbd: {  	_ =	sfence.sel $0xFFFF  }
0xbe: {  	[dreg:$0x0] =	wrdreg $0xFFFFFFFF;
	(pc) =	sbr.abs _section_cstart, $3  }
0xbf: {  	[dreg:$0x1] =	wrdreg $0xFFFFFFFF  }
0xc0: {  	_ =	task.clear_ibuf [dreg:s6], $0x2FFFF;
	_ =	strace $0x9FFFFFFF  }
0xc1: {  	(tm) =	ssettm $0x7FFFFFFF  }
tec
execute0_lowered:
.L_overlay_start_1:
0x0: {  	(tag) =	ssettag $0x1  }
0x1: {  	s2 =	rddreg [dreg:$0x0];
	s3 =	srdreg.scid  }
0x2: {  	s1 =	stileid.u32;
	s0 =	rddreg [dreg:$0x1];
	s10 =	simm.s32 $0x13C80  }
0x3: {  	s11 =	simm.s32 $0x14480;
	s12 =	simm.s32 $0x9C80;
	s13 =	simm.s32 $0x80  }
0x4: {  	s14 =	simm.s32 $0x400;
	s5 =	sand.u32 $0x1, s3;
	s4 =	sshll.u32 s1, $0x1  }
0x5: {  	s15 =	simm.s32 $0x0;
	s29 =	sshrl.u32 s1, $0x2;
	s6 =	sor.u32 s5, s4  }
0x6: {  	s3 =	simm.s32 $0x0;
	s7 =	smul.u32 $0x50000, s29;
	s30 =	sshll.u32 s6, $0x7  }
0x7: {  	[smem:$0x7FF] =	sst s3;
	s4 =	sadd.s32 $0x9E00, s2;
	s8 =	sand.u32 $0x380, s30  }
0x8: {  	s31 =	ssub.s32 $0x2, s5;
	s5 =	sadd.s32 $0x13C00, s2;
	s7 =	sor.u32 s7, s8  }
0x9: {  	_ =	strace $0x80000050;
	s9 =	sshrl.u32 s31, $0x1;
	s7 =	sshrl.u32 s7, $0x3  }
0xa: {  	s6 =	smul.u32 $0x2710, s6;
	s8 =	ssub.s32 s31, s9;
	s7 =	sadd.s32 s7, s2  }
0xb: {  	v0 =	vimm.f32 $0.0e+00;
	s9 =	simm.s32 $0x1;
	s8 =	smax.u32 s8, $0x1;
	s7 =	sadd.s32 $0x15000, s7  }
.LBB2_1:
0xc: {  	s16 =	simm.s32 $0x0;
	s17 =	simm.s32 $0x200  }
.LBB2_2:
0xd: {  	p0 =	sne.s32 s17, $0x27E00;
	[tilespmem:s16+$0x9CF0] =	vst v0  }
0xe: {  	[tilespmem:s16+$0x9C80] =	vst v0  }
0xf: {  	[tilespmem:s16+$0x9C90] =	vst v0  }
.Ltmp0:
0x10: {  	[tilespmem:s16+$0x9CA0] =	vst v0;
	(pc) =	sbr.rel @p0 .LBB2_2-.Ltmp0, $4  }
0x11: {  	[tilespmem:s16+$0x9CB0] =	vst v0  }
0x12: {  	[tilespmem:s16+$0x9CC0] =	vst v0  }
0x13: {  	[tilespmem:s16+$0x9CD0] =	vst v0  }
0x14: {  	[tilespmem:s16+$0x9CE0] =	vst v0;
	s16 =	sshra.s32 s17, $0x2;
	s17 =	sadd.s32 $0x200, s17  }
0x15: {  	[tilespmem:s16+$0x9CF0] =	vst v0  }
0x16: {  	[tilespmem:s16+$0x9C80] =	vst v0  }
0x17: {  	[tilespmem:s16+$0x9C90] =	vst v0  }
0x18: {  	[tilespmem:s16+$0x9CA0] =	vst v0  }
0x19: {  	[tilespmem:s16+$0x9CB0] =	vst v0  }
0x1a: {  	[tilespmem:s16+$0x9CC0] =	vst v0  }
0x1b: {  	[tilespmem:s16+$0x9CD0] =	vst v0  }
0x1c: {  	[tilespmem:s16+$0x9CE0] =	vst v0;
	s16 =	simm.s32 $0x0  }
0x1d: {  	[tilespmem:s16], [sflag:$0x1] =	stream.linear.gather [hbm4b:s5+s16], $0x9C80, $0x38;
	[tilespmem:$0x14C80] =	vst v63  }
0x1e: {  	_ =	swait.ge [sflag:s9], $0x9C80  }
0x1f: {  	[sflag:s9] =	ssyncset.done $0x0  }
0x20: {  	s17 =	simm.s32 $0x0;
	[sflag:s9] =	ssyncadd.s32 $0xFFFF6380  }
.LBB2_4:
0x21: {  	s18 =	smul.u32 $0x7D0, s17;
	_ =	sdelay $0x1  }
0x22: {  	s18 =	sadd.s32 s6, s18  }
0x23: {  	s18 =	sshrl.u32 s18, $0x3  }
0x24: {  	s19 =	sadd.s32 s4, s18  }
0x25: {  	[tilespmem:s10], [sflag:$0x1] =	stream.linear.gather [hbm4b:s19+s16], $0x7D0, $0x38;
	[tilespmem:$0x14C80] =	vst v63  }
0x26: {  	_ =	swait.ge [sflag:s9], $0x7D0  }
0x27: {  	[sflag:s9] =	ssyncset.done $0x0  }
0x28: {  	s18 =	sadd.s32 s2, s18;
	[sflag:s9] =	ssyncadd.s32 $0xFFFFF830  }
0x29: {  	[tilespmem:s11], [sflag:$0x1] =	stream.linear.gather [hbm4b:s18+s16], $0x7D0, $0x38;
	[tilespmem:$0x14C80] =	vst v63  }
0x2a: {  	_ =	swait.ge [sflag:s9], $0x7D0  }
0x2b: {  	[sflag:s9] =	ssyncset.done $0x0  }
0x2c: {  	s18 =	simm.s32 $0x0;
	[sflag:s9] =	ssyncadd.s32 $0xFFFFF830  }
.LBB2_5:
0x2d: {  	s19 =	sshra.s32 s18, $0x2  }
0x2e: {  	v1 =	vld [tilespmem:s19+$0x13C80];
	_ =	sdelay $0x4  }
0x2f: {  	v2 =	vld [tilespmem:s19+$0x14480];
	v1 =	vshll.u32 v1, $0x2;
	_ =	sdelay $0x4  }
0x30: {  	v2 =	vshll.u32 v2, $0x2;
	v3 =	vld.idx.msk [tilespmem:v1+s3+$0x0], $0xffff  }
0x31: {  	v4 =	vor.u32 $0x1, v1;
	_ =	sdelay $0x3  }
0x32: {  	[tilespmem:v2+s12+$0x0] =	vst.idx.add.f32.msk $0xffff, v3  }
0x33: {  	v46 =	vor.u32 $0x1, v2;
	v3 =	vld.idx.msk [tilespmem:v4+s3+$0x0], $0xffff  }
0x34: {  	v5 =	vor.u32 $0x2, v1;
	_ =	sdelay $0x3  }
0x35: {  	[tilespmem:v46+s12+$0x0] =	vst.idx.add.f32.msk $0xffff, v3  }
0x36: {  	v47 =	vor.u32 $0x2, v2;
	v3 =	vld.idx.msk [tilespmem:v5+s3+$0x0], $0xffff  }
0x37: {  	v1 =	vor.u32 $0x3, v1;
	_ =	sdelay $0x3  }
0x38: {  	[tilespmem:v47+s12+$0x0] =	vst.idx.add.f32.msk $0xffff, v3  }
0x39: {  	v2 =	vor.u32 $0x3, v2;
	v1 =	vld.idx.msk [tilespmem:v1+s3+$0x0], $0xffff;
	_ =	sdelay $0x4  }
0x3a: {  	[tilespmem:v2+s12+$0x0] =	vst.idx.add.f32.msk $0xffff, v1  }
0x3b: {  	v1 =	vld [tilespmem:s19+$0x13C90];
	_ =	sdelay $0x4  }
0x3c: {  	v2 =	vld [tilespmem:s19+$0x14490];
	v1 =	vshll.u32 v1, $0x2;
	_ =	sdelay $0x4  }
0x3d: {  	v2 =	vshll.u32 v2, $0x2;
	v3 =	vld.idx.msk [tilespmem:v1+s3+$0x0], $0xffff  }
0x3e: {  	v48 =	vor.u32 $0x1, v1;
	_ =	sdelay $0x3  }
0x3f: {  	[tilespmem:v2+s12+$0x0] =	vst.idx.add.f32.msk $0xffff, v3  }
0x40: {  	v49 =	vor.u32 $0x1, v2;
	v3 =	vld.idx.msk [tilespmem:v48+s3+$0x0], $0xffff  }
0x41: {  	v50 =	vor.u32 $0x2, v1;
	_ =	sdelay $0x3  }
0x42: {  	[tilespmem:v49+s12+$0x0] =	vst.idx.add.f32.msk $0xffff, v3  }
0x43: {  	v51 =	vor.u32 $0x2, v2;
	v3 =	vld.idx.msk [tilespmem:v50+s3+$0x0], $0xffff  }
0x44: {  	v1 =	vor.u32 $0x3, v1;
	_ =	sdelay $0x3  }
0x45: {  	[tilespmem:v51+s12+$0x0] =	vst.idx.add.f32.msk $0xffff, v3  }
0x46: {  	v2 =	vor.u32 $0x3, v2;
	v1 =	vld.idx.msk [tilespmem:v1+s3+$0x0], $0xffff;
	_ =	sdelay $0x4  }
0x47: {  	[tilespmem:v2+s12+$0x0] =	vst.idx.add.f32.msk $0xffff, v1  }
0x48: {  	v1 =	vld [tilespmem:s19+$0x13CA0];
	_ =	sdelay $0x4  }
0x49: {  	v2 =	vld [tilespmem:s19+$0x144A0];
	v1 =	vshll.u32 v1, $0x2;
	_ =	sdelay $0x4  }
0x4a: {  	v2 =	vshll.u32 v2, $0x2;
	v3 =	vld.idx.msk [tilespmem:v1+s3+$0x0], $0xffff  }
0x4b: {  	v52 =	vor.u32 $0x1, v1;
	_ =	sdelay $0x3  }
0x4c: {  	[tilespmem:v2+s12+$0x0] =	vst.idx.add.f32.msk $0xffff, v3  }
0x4d: {  	v53 =	vor.u32 $0x1, v2;
	v3 =	vld.idx.msk [tilespmem:v52+s3+$0x0], $0xffff  }
0x4e: {  	v54 =	vor.u32 $0x2, v1;
	_ =	sdelay $0x3  }
0x4f: {  	[tilespmem:v53+s12+$0x0] =	vst.idx.add.f32.msk $0xffff, v3  }
0x50: {  	v55 =	vor.u32 $0x2, v2;
	v3 =	vld.idx.msk [tilespmem:v54+s3+$0x0], $0xffff  }
0x51: {  	v1 =	vor.u32 $0x3, v1;
	_ =	sdelay $0x3  }
0x52: {  	[tilespmem:v55+s12+$0x0] =	vst.idx.add.f32.msk $0xffff, v3  }
0x53: {  	v2 =	vor.u32 $0x3, v2;
	v1 =	vld.idx.msk [tilespmem:v1+s3+$0x0], $0xffff;
	_ =	sdelay $0x4  }
0x54: {  	[tilespmem:v2+s12+$0x0] =	vst.idx.add.f32.msk $0xffff, v1  }
0x55: {  	v1 =	vld [tilespmem:s19+$0x13CB0];
	_ =	sdelay $0x4  }
0x56: {  	v2 =	vld [tilespmem:s19+$0x144B0];
	v1 =	vshll.u32 v1, $0x2;
	_ =	sdelay $0x4  }
0x57: {  	v2 =	vshll.u32 v2, $0x2;
	v3 =	vld.idx.msk [tilespmem:v1+s3+$0x0], $0xffff  }
0x58: {  	v56 =	vor.u32 $0x1, v1;
	_ =	sdelay $0x3  }
0x59: {  	[tilespmem:v2+s12+$0x0] =	vst.idx.add.f32.msk $0xffff, v3  }
0x5a: {  	v57 =	vor.u32 $0x1, v2;
	v3 =	vld.idx.msk [tilespmem:v56+s3+$0x0], $0xffff  }
0x5b: {  	v58 =	vor.u32 $0x2, v1;
	_ =	sdelay $0x3  }
0x5c: {  	[tilespmem:v57+s12+$0x0] =	vst.idx.add.f32.msk $0xffff, v3  }
0x5d: {  	v59 =	vor.u32 $0x2, v2;
	v3 =	vld.idx.msk [tilespmem:v58+s3+$0x0], $0xffff  }
0x5e: {  	v1 =	vor.u32 $0x3, v1;
	_ =	sdelay $0x3  }
0x5f: {  	[tilespmem:v59+s12+$0x0] =	vst.idx.add.f32.msk $0xffff, v3  }
0x60: {  	v2 =	vor.u32 $0x3, v2;
	v1 =	vld.idx.msk [tilespmem:v1+s3+$0x0], $0xffff;
	_ =	sdelay $0x4  }
0x61: {  	[tilespmem:v2+s12+$0x0] =	vst.idx.add.f32.msk $0xffff, v1  }
0x62: {  	v1 =	vld [tilespmem:s19+$0x13CC0];
	_ =	sdelay $0x4  }
0x63: {  	v2 =	vld [tilespmem:s19+$0x144C0];
	v1 =	vshll.u32 v1, $0x2;
	_ =	sdelay $0x4  }
0x64: {  	v2 =	vshll.u32 v2, $0x2;
	v3 =	vld.idx.msk [tilespmem:v1+s3+$0x0], $0xffff  }
0x65: {  	v60 =	vor.u32 $0x1, v1;
	_ =	sdelay $0x3  }
0x66: {  	[tilespmem:v2+s12+$0x0] =	vst.idx.add.f32.msk $0xffff, v3  }
0x67: {  	v61 =	vor.u32 $0x1, v2;
	v3 =	vld.idx.msk [tilespmem:v60+s3+$0x0], $0xffff  }
0x68: {  	v62 =	vor.u32 $0x2, v1;
	_ =	sdelay $0x3  }
0x69: {  	[tilespmem:v61+s12+$0x0] =	vst.idx.add.f32.msk $0xffff, v3  }
0x6a: {  	v63 =	vor.u32 $0x2, v2;
	v3 =	vld.idx.msk [tilespmem:v62+s3+$0x0], $0xffff  }
0x6b: {  	v1 =	vor.u32 $0x3, v1;
	_ =	sdelay $0x3  }
0x6c: {  	[tilespmem:v63+s12+$0x0] =	vst.idx.add.f32.msk $0xffff, v3  }
0x6d: {  	p0 =	sne.s32 s18, $0x1E00;
	v2 =	vor.u32 $0x3, v2;
	v1 =	vld.idx.msk [tilespmem:v1+s3+$0x0], $0xffff  }
.Ltmp1:
0x6e: {  	_ = 	snop;
	(pc) =	sbr.rel @p0 .LBB2_5-.Ltmp1, $2  }
0x6f: {  	_ =	sdelay $0x2  }
0x70: {  	s18 =	sadd.s32 $0x140, s18;
	[tilespmem:v2+s12+$0x0] =	vst.idx.add.f32.msk $0xffff, v1  }
0x71: {  	s17 =	sadd.s32 $0x1, s17  }
0x72: {  	p0 =	sne.s32 s17, $0x5  }
.Ltmp2:
0x73: {  	_ = 	snop;
	(pc) =	sbr.rel @p0 .LBB2_4-.Ltmp2, $1  }
0x74: {  	_ =	sdelay $0x3  }
0x75: {  	s16 =	simm.s32 $0x0;
	s17 =	simm.s32 $0x200  }
.LBB2_8:
0x76: {  	p0 =	sne.s32 s17, $0x27E00;
	[tilespmem:s16+$0x9CF0] =	vst.add.f32.msk $0xffff, v0  }
0x77: {  	[tilespmem:s16+$0x9C80] =	vst.add.f32.msk $0xffff, v0  }
0x78: {  	[tilespmem:s16+$0x9C90] =	vst.add.f32.msk $0xffff, v0  }
.Ltmp3:
0x79: {  	[tilespmem:s16+$0x9CA0] =	vst.add.f32.msk $0xffff, v0;
	(pc) =	sbr.rel @p0 .LBB2_8-.Ltmp3, $4  }
0x7a: {  	[tilespmem:s16+$0x9CB0] =	vst.add.f32.msk $0xffff, v0  }
0x7b: {  	[tilespmem:s16+$0x9CC0] =	vst.add.f32.msk $0xffff, v0  }
0x7c: {  	[tilespmem:s16+$0x9CD0] =	vst.add.f32.msk $0xffff, v0  }
0x7d: {  	[tilespmem:s16+$0x9CE0] =	vst.add.f32.msk $0xffff, v0;
	s16 =	sshra.s32 s17, $0x2;
	s17 =	sadd.s32 $0x200, s17  }
0x7e: {  	[tilespmem:s16+$0x9CF0] =	vst.add.f32.msk $0xffff, v0  }
0x7f: {  	[tilespmem:s16+$0x9C80] =	vst.add.f32.msk $0xffff, v0  }
0x80: {  	[tilespmem:s16+$0x9C90] =	vst.add.f32.msk $0xffff, v0  }
0x81: {  	[tilespmem:s16+$0x9CA0] =	vst.add.f32.msk $0xffff, v0  }
0x82: {  	[tilespmem:s16+$0x9CB0] =	vst.add.f32.msk $0xffff, v0  }
0x83: {  	[tilespmem:s16+$0x9CC0] =	vst.add.f32.msk $0xffff, v0;
	s15 =	sadd.s32 $0x1, s15  }
0x84: {  	[tilespmem:s16+$0x9CD0] =	vst.add.f32.msk $0xffff, v0;
	p0 =	sne.s32 s15, s8  }
.Ltmp4:
0x85: {  	[tilespmem:s16+$0x9CE0] =	vst.add.f32.msk $0xffff, v0;
	(pc) =	sbr.rel @p0 .LBB2_1-.Ltmp4, $4  }
0x86: {  	[hbm4b:s7+s13] =	stream.strided.scatter [tilespmem:s12], [sflag:$0x1], $0xA000, s14, s13, $0x38;
	[tilespmem:$0x14C80] =	vst v63  }
0x87: {  	_ =	swait.ge [sflag:s9], $0xA000  }
0x88: {  	[sflag:s9] =	ssyncset.done $0x0  }
0x89: {  	[sflag:s9] =	ssyncadd.s32 $0xFFFF6000  }
0x8a: {  	_ =	sfence.sel $0x180000  }
0x8b: {  	[bflag:$0x0] =	sbarrier.arrive $0xFFFF  }
0x8c: {  	p0 =	sne.s32 s1, $0x0;
	_ =	strace $0x90000050  }
0x8d: {  	s0 =	sadd.s32 @!p0 $0x100000, s0;
	[bflag:$0x2] =	sbarrier.arrive $0xFFFF  }
0x8e: {  	[sflag:s0] =	ssyncadd.tile.s32 @!p0 $0x1;
	_ =	shalt  }
.Lfunc_end2:
_tile_overlayer_lowered:
.L_overlay_start_2:
0x8f: {  	(tag) =	ssettag $0x2  }
0x90: {  	s0 =	rddreg [dreg:$0x0];
	s2 =	stileid.u32  }
0x91: {  	s1 =	rddreg [dreg:$0x1];
	p0 =	sne.s32 s2, $0x0  }
0x92: {  	s3 =	rddreg [dreg:$0x2];
	[bflag:$0x3] =	sbarrier.arrive $0xFFFF;
	s2 =	simm.s32 @!p0 $0x1C01  }
0x93: {  	[timem:s3], [sflag:s2] =	dma.local @!p0 [hbm:s0], s1  }
0x94: {  	s0 =	simm.s32 @!p0 $0x1  }
0x95: {  	_ =	swait.ge @!p0 [sflag:s0], s1  }
0x96: {  	s1 =	ssub.s32 @!p0 $0x0, s1;
	[sflag:s0] =	ssyncset.done @!p0 $0x0  }
0x97: {  	[sflag:s0] =	ssyncadd.s32 @!p0 s1  }
0x98: {  	[bflag:$0x3] =	sbarrier.arrive $0xFFFF  }
0x99: {  	_ =	shalt  }

// kernel: kernel.19.cloned.1.call-start
scs
__scs_entry_jumppad:
0x0: {  	(pc) =	sbr.rel $0x88, $3  }
0x1: {  	(tag) =	ssettag $0x0;
	lr =	simm.s32 $0x1  }
0x2: {  	[smem:$0x3F90] =	sst lr;
	_ =	strace $0xD0000000  }
0x3: {  	_ = 	snop  }
0x4: {  	_ = 	snop  }
0x5: {  	_ = 	snop  }
0x6: {  	_ = 	snop  }
0x7: {  	_ = 	snop  }
__scs_overlays_trampoline_lowered:
0x8: {  	[smem:$0x3F9F] =	sst s0  }
0x9: {  	[smem:$0x3FA0] =	sst s1  }
0xa: {  	[smem:$0x3FA1] =	sst s2  }
0xb: {  	[smem:$0x3FA2] =	sst s3  }
0xc: {  	[smem:$0x3FA3] =	sst s4  }
0xd: {  	[smem:$0x3FA4] =	sst s5  }
0xe: {  	[smem:$0x3FA5] =	sst s6  }
0xf: {  	[smem:$0x3FA6] =	sst s7  }
0x10: {  	[smem:$0x3FA7] =	sst s8  }
0x11: {  	[smem:$0x3FA8] =	sst s9;
	s0 =	simm.s32 @!p0 $0x0  }
0x12: {  	s1 =	sld [smem:$0x3F8E];
	s0 =	simm.s32 @p0 $0x1  }
0x13: {  	[smem:$0x3FA9] =	sst s0;
	s0 =	simm.s32 @!p1 $0x0  }
0x14: {  	s2 =	sld [smem:$0x3F8D];
	s0 =	simm.s32 @p1 $0x1  }
0x15: {  	[smem:$0x3FAA] =	sst s0;
	s0 =	simm.s32 @!p2 $0x0  }
0x16: {  	s3 =	sld [smem:$0x3FDB];
	s0 =	simm.s32 @p2 $0x1  }
0x17: {  	s4 =	simm.s32 $0x1BF5;
	[smem:$0x3FAC] =	sst s0  }
0x18: {  	s0 =	sld [smem:$0x3F8F];
	_ =	swait.ge [sflag:s4], $0x0  }
0x19: {  	s7 =	sld [smem:$0x3F90]  }
0x1a: {  	s8 =	sadd.s32 $0xFFFFE003, lr  }
0x1b: {  	s9 =	sadd.s32 $0xFFFFFEF7, lr;
	s5 =	simm.s32 $0xFFFFFFFF;
	p2 =	slt.u32 s8, $0xFFFFF086  }
0x1c: {  	p1 =	slt.u32 s9, $0xF7A;
	s5 =	simm.s32 @!p2 $0x0  }
0x1d: {  	s5 =	simm.s32 @p1 $0x1;
	p0 =	seq.s32 s7, s2  }
0x1e: {  	s7 =	smul.u32 @!p0 $0xF7A, s2;
	p2 =	seq.s32 @!p0 s5, $0x0  }
0x1f: {  	s9 =	smul.u32 $0xF7A, s1;
	s8 =	simm.s32 @!p0 $0x1BF5;
	p2 =	por !p2, p0  }
0x20: {  	[sflag:s8] =	ssyncset.s32 @!p0 $0xFFFFF086;
	s6 =	sadd.s32 @!p0 s3, s7;
	s7 =	simm.s32 @!p0 $0x108  }
0x21: {  	s3 =	sadd.s32 s3, s9;
	s6 =	sadd.s32 @!p0 $0x88, s6;
	s7 =	simm.s32 @p2 $0x1082  }
0x22: {  	[simem:s7], [sflag:s8] =	dma.local @!p0 [hbm:s6], $0xF7A  }
0x23: {  	s9 =	sor.u32 $0xD0000000, s2;
	s6 =	simm.s32 $0x108;
	_ =	swait.ge @!p0 [sflag:s8], $0x0  }
0x24: {  	s3 =	sadd.s32 $0x88, s3;
	s6 =	simm.s32 @!p1 $0x1082;
	[sflag:s4] =	ssyncset.s32 $0xFFFFF086  }
0x25: {  	[simem:s6], [sflag:s4] =	dma.local [hbm:s3], $0xF7A  }
0x26: {  	[smem:$0x3F90] =	sst s1;
	(tag) =	ssettag s2;
	_ =	strace s9  }
0x27: {  	s1 =	sld [smem:$0x3FA0]  }
0x28: {  	s2 =	sld [smem:$0x3FA1]  }
0x29: {  	s4 =	sld [smem:$0x3FA3]  }
0x2a: {  	p0 =	seq.s32 s5, $0x0;
	s5 =	sld [smem:$0x3FA4]  }
0x2b: {  	s6 =	sld [smem:$0x3FA5]  }
0x2c: {  	s7 =	sld [smem:$0x3FA6]  }
0x2d: {  	s3 =	simm.s32 $0x108;
	s8 =	sld [smem:$0x3FA7]  }
0x2e: {  	s3 =	simm.s32 @!p0 $0x1082;
	s9 =	sld [smem:$0x3FA8]  }
0x2f: {  	lr =	sadd.s32 s0, s3;
	s0 =	sld [smem:$0x3F9F]  }
0x30: {  	s3 =	sld [smem:$0x3FA2]  }
0x31: {  	[smem:$0x3FAB] =	sst s10  }
0x32: {  	s10 =	sld [smem:$0x3FA9];
	_ =	sdelay $0x3  }
0x33: {  	p0 =	seq.s32 s10, $0x1;
	s10 =	sld [smem:$0x3FAB];
	_ =	sdelay $0x3  }
0x34: {  	[smem:$0x3FAB] =	sst s10  }
0x35: {  	s10 =	sld [smem:$0x3FAA];
	_ =	sdelay $0x3  }
0x36: {  	p1 =	seq.s32 s10, $0x1;
	s10 =	sld [smem:$0x3FAB];
	_ =	sdelay $0x3  }
0x37: {  	[smem:$0x3FAB] =	sst s10  }
0x38: {  	s10 =	sld [smem:$0x3FAC]  }
0x39: {  	_ = 	snop;
	(pc) =	sbr.ind lr, $3  }
0x3a: {  	_ = 	snop  }
0x3b: {  	_ = 	snop  }
0x3c: {  	p2 =	seq.s32 s10, $0x1;
	s10 =	sld [smem:$0x3FAB]  }
0x3d: {  	_ =	shalt  }
0x3e: {  	_ =	shalt  }
0x3f: {  	_ =	shalt  }
0x40: {  	_ =	shalt  }
0x41: {  	_ =	shalt  }
0x42: {  	_ =	shalt  }
0x43: {  	_ =	shalt  }
0x44: {  	_ =	shalt  }
0x45: {  	_ =	shalt  }
0x46: {  	_ =	shalt  }
0x47: {  	_ =	shalt  }
0x48: {  	_ =	shalt  }
0x49: {  	_ =	shalt  }
0x4a: {  	_ =	shalt  }
0x4b: {  	_ =	shalt  }
0x4c: {  	_ =	shalt  }
0x4d: {  	_ =	shalt  }
0x4e: {  	_ =	shalt  }
0x4f: {  	_ =	shalt  }
0x50: {  	_ =	shalt  }
0x51: {  	_ =	shalt  }
0x52: {  	_ =	shalt  }
0x53: {  	_ =	shalt  }
0x54: {  	_ =	shalt  }
0x55: {  	_ =	shalt  }
0x56: {  	_ =	shalt  }
0x57: {  	_ =	shalt  }
0x58: {  	_ =	shalt  }
0x59: {  	_ =	shalt  }
0x5a: {  	_ =	shalt  }
0x5b: {  	_ =	shalt  }
0x5c: {  	_ =	shalt  }
0x5d: {  	_ =	shalt  }
0x5e: {  	_ =	shalt  }
0x5f: {  	_ =	shalt  }
0x60: {  	_ =	shalt  }
0x61: {  	_ =	shalt  }
0x62: {  	_ =	shalt  }
0x63: {  	_ =	shalt  }
0x64: {  	_ =	shalt  }
0x65: {  	_ =	shalt  }
0x66: {  	_ =	shalt  }
0x67: {  	_ =	shalt  }
0x68: {  	_ =	shalt  }
0x69: {  	_ =	shalt  }
0x6a: {  	_ =	shalt  }
0x6b: {  	_ =	shalt  }
0x6c: {  	_ =	shalt  }
0x6d: {  	_ =	shalt  }
0x6e: {  	_ =	shalt  }
0x6f: {  	_ =	shalt  }
0x70: {  	_ =	shalt  }
0x71: {  	_ =	shalt  }
0x72: {  	_ =	shalt  }
0x73: {  	_ =	shalt  }
0x74: {  	_ =	shalt  }
0x75: {  	_ =	shalt  }
0x76: {  	_ =	shalt  }
0x77: {  	_ =	shalt  }
0x78: {  	_ =	shalt  }
0x79: {  	_ =	shalt  }
0x7a: {  	_ =	shalt  }
0x7b: {  	_ =	shalt  }
0x7c: {  	_ =	shalt  }
0x7d: {  	_ =	shalt  }
0x7e: {  	_ =	shalt  }
0x7f: {  	_ =	shalt  }
0x80: {  	_ =	shalt  }
0x81: {  	_ =	shalt  }
0x82: {  	_ =	shalt  }
0x83: {  	_ =	shalt  }
0x84: {  	_ =	shalt  }
0x85: {  	_ =	shalt  }
0x86: {  	_ =	shalt  }
0x87: {  	_ =	shalt  }
.Lfunc_end0:
.L_simem_size_0:
called_computation.4_lowered:
.L_overlay_start_0:
0x88: {  	s2 =	sld [smem:$0x3FD9]  }
0x89: {  	s3 =	sld [smem:$0x3FFE];
	_ =	sdelay $0x1  }
0x8a: {  	s1 =	srdreg.scid  }
0x8b: {  	s0 =	sand.u32 $0x1, s1  }
0x8c: {  	s16 =	sshll.u32 s0, $0xA;
	s2 =	sadd.s32 s3, s2  }
0x8d: {  	s2 =	sadd.s32 s2, s16  }
0x8e: {  	[smem:$0x3FB7] =	sst s2  }
0x8f: {  	_ = 	snop  }
0x90: {  	(tm) =	ssettm $0x1  }
0x91: {  	s17 =	sld [smem:$0x3FFB];
	_ =	sdelay $0x3  }
0x92: {  	_ =	strace s17  }
0x93: {  	s2 =	sld [smem:$0x3FFC];
	_ =	sdelay $0x3  }
0x94: {  	_ =	strace s2  }
0x95: {  	s2 =	sld [smem:$0x3FFD];
	_ =	sdelay $0x3  }
0x96: {  	_ =	strace s2  }
0x97: {  	_ =	strace $0x8FFFFFFF  }
0x98: {  	s18 =	sld [smem:$0x3FDB];
	_ =	sdelay $0x1  }
0x99: {  	s19 =	simm.s32 $_scs_section_size  }
0x9a: {  	s4 =	simm.s32 $_size__tile_overlayer_lowered;
	s5 =	simm.s32 $_tile_overlayer_lowered  }
0x9b: {  	s22 =	simm.s32 $0x1BFF;
	s21 =	sshll.u32 s5, $0x1;
	s2 =	sadd.s32 s19, s18  }
0x9c: {  	s6 =	simm.s32 $0x0;
	s20 =	sshll.u32 s4, $0x1;
	s4 =	sadd.s32 s21, s2  }
0x9d: {  	[timem:s6], [sflag:s22] =	dma.local [hbm:s4], s20  }
0x9e: {  	_ =	swait.ge [sflag:s22], s20  }
0x9f: {  	s3 =	ssub.s32 $0x0, s20;
	[sflag:s22] =	ssyncset.done $0x0  }
0xa0: {  	[sflag:s22] =	ssyncadd.s32 s3;
	_ =	sdelay $0x1  }
0xa1: {  	s23 =	simm.s32 $0x1B8B  }
0xa2: {  	_ =	swait.ge [sflag:s23], $0x1  }
0xa3: {  	[sflag:s23] =	ssyncset.done $0x0  }
0xa4: {  	s25 =	simm.s32 $0x1B8E;
	s24 =	sld [smem:$0x3FFE];
	[sflag:s23] =	ssyncadd.s32 $0xFFFFFFFF  }
0xa5: {  	s26 =	simm.s32 $execute0_lowered;
	[smem:$0x3FD2] =	sst s25  }
0xa6: {  	s4 =	sshll.u32 s26, $0x1;
	_ =	strace $0x80000052;
	[dreg:$0x1] =	wrdreg $0xFFFFFFFF  }
0xa7: {  	s28 =	simm.s32 $_size_execute0_lowered;
	s2 =	sadd.s32 s2, s4;
	[dreg:$0x0] =	wrdreg $0x0  }
0xa8: {  	s4 =	sshll.u32 s28, $0x1;
	[dreg:$0x2] =	wrdreg s2  }
0xa9: {  	[dreg:$0x3] =	wrdreg s4  }
0xaa: {  	[dreg:$0x4] =	wrdreg $0xC0  }
0xab: {  	_ =	task [dreg:s6], $0x5FFFF  }
0xac: {  	[dreg:$0x1] =	wrdreg $0xFFFFFFFF  }
0xad: {  	[dreg:$0x0] =	wrdreg $0x60  }
0xae: {  	[dreg:$0x2] =	wrdreg s24  }
0xaf: {  	[dreg:$0x3] =	wrdreg $0x9  }
0xb0: {  	_ =	task.clear_ibuf [dreg:s6], $0x4FFFF;
	_ =	strace $0x90000052  }
0xb1: {  	s29 =	simm.s32 $0x9;
	_ =	strace $0x80000054  }
0xb2: {  	_ =	swait.ge [sflag:s29], $0x1  }
0xb3: {  	[sflag:s29] =	ssyncadd.s32 $0xFFFFFFFF  }
0xb4: {  	_ =	strace $0x90000054  }
0xb5: {  	_ =	sfence  }
0xb6: {  	s30 =	sld [smem:$0x0];
	_ =	sdelay $0x2  }
0xb7: {  	s31 =	sshll.u32 s1, $0xD;
	s1 =	sshrl.u32 s1, $0x2  }
0xb8: {  	s3 =	sand.u32 $0x4000, s31;
	s1 =	sadd.s32 s1, s30  }
0xb9: {  	s0 =	sor.u32 s3, s0;
	s1 =	sshll.u32 s1, $0x11  }
0xba: {  	s0 =	sor.u32 s1, s0  }
0xbb: {  	s0 =	sadd.s32 $0x8F2B, s0  }
0xbc: {  	[sflag:s0] =	ssyncadd.remote.s32 $0x1  }
0xbd: {  	_ =	sfence.sel $0xFFFF  }
0xbe: {  	[dreg:$0x0] =	wrdreg $0xFFFFFFFF;
	(pc) =	sbr.abs _section_cstart, $3  }
0xbf: {  	[dreg:$0x1] =	wrdreg $0xFFFFFFFF  }
0xc0: {  	_ =	task.clear_ibuf [dreg:s6], $0x2FFFF;
	_ =	strace $0x9FFFFFFF  }
0xc1: {  	(tm) =	ssettm $0x7FFFFFFF  }
tec
execute0_lowered:
.L_overlay_start_1:
0x0: {  	(tag) =	ssettag $0x1  }
0x1: {  	s2 =	rddreg [dreg:$0x0];
	s3 =	srdreg.scid  }
0x2: {  	s1 =	stileid.u32;
	s0 =	rddreg [dreg:$0x1];
	s10 =	simm.s32 $0x9E80  }
0x3: {  	s11 =	simm.s32 $0xA680;
	s12 =	simm.s32 $0x4E80;
	s13 =	simm.s32 $0x80  }
0x4: {  	s14 =	simm.s32 $0x400;
	s5 =	sand.u32 $0x1, s3;
	s4 =	sshll.u32 s1, $0x1  }
0x5: {  	s15 =	simm.s32 $0x0;
	s29 =	sshrl.u32 s1, $0x2;
	s6 =	sor.u32 s5, s4  }
0x6: {  	s3 =	simm.s32 $0x0;
	s7 =	smul.u32 $0x28000, s29;
	s30 =	sshll.u32 s6, $0x7  }
0x7: {  	[smem:$0x7FF] =	sst s3;
	s4 =	sadd.s32 $0x9E00, s2;
	s8 =	sand.u32 $0x380, s30  }
0x8: {  	s31 =	ssub.s32 $0x2, s5;
	s5 =	sadd.s32 $0x13C00, s2;
	s7 =	sor.u32 s7, s8  }
0x9: {  	_ =	strace $0x80000053;
	s9 =	sshrl.u32 s31, $0x1;
	s7 =	sshrl.u32 s7, $0x3  }
0xa: {  	s6 =	smul.u32 $0x2710, s6;
	s8 =	ssub.s32 s31, s9;
	s7 =	sadd.s32 s7, s2  }
0xb: {  	v0 =	vimm.f32 $0.0e+00;
	s9 =	simm.s32 $0x1;
	s8 =	smax.u32 s8, $0x1;
	s7 =	sadd.s32 $0x14600, s7  }
.LBB2_1:
0xc: {  	s16 =	simm.s32 $0x0;
	s17 =	simm.s32 $0x200  }
.LBB2_2:
0xd: {  	p0 =	sne.s32 s17, $0x13E00;
	[tilespmem:s16+$0x4EF0] =	vst v0  }
0xe: {  	[tilespmem:s16+$0x4E80] =	vst v0  }
0xf: {  	[tilespmem:s16+$0x4E90] =	vst v0  }
.Ltmp0:
0x10: {  	[tilespmem:s16+$0x4EA0] =	vst v0;
	(pc) =	sbr.rel @p0 .LBB2_2-.Ltmp0, $4  }
0x11: {  	[tilespmem:s16+$0x4EB0] =	vst v0  }
0x12: {  	[tilespmem:s16+$0x4EC0] =	vst v0  }
0x13: {  	[tilespmem:s16+$0x4ED0] =	vst v0  }
0x14: {  	[tilespmem:s16+$0x4EE0] =	vst v0;
	s16 =	sshra.s32 s17, $0x2;
	s17 =	sadd.s32 $0x200, s17  }
0x15: {  	[tilespmem:s16+$0x4EF0] =	vst v0  }
0x16: {  	[tilespmem:s16+$0x4E80] =	vst v0  }
0x17: {  	[tilespmem:s16+$0x4E90] =	vst v0  }
0x18: {  	[tilespmem:s16+$0x4EA0] =	vst v0  }
0x19: {  	[tilespmem:s16+$0x4EB0] =	vst v0  }
0x1a: {  	[tilespmem:s16+$0x4EC0] =	vst v0  }
0x1b: {  	[tilespmem:s16+$0x4ED0] =	vst v0  }
0x1c: {  	[tilespmem:s16+$0x4EE0] =	vst v0;
	s16 =	simm.s32 $0x0  }
0x1d: {  	[tilespmem:s16], [sflag:$0x1] =	stream.linear.gather [hbm4b:s5+s16], $0x4E80, $0x38;
	[tilespmem:$0xAE80] =	vst v63  }
0x1e: {  	_ =	swait.ge [sflag:s9], $0x4E80  }
0x1f: {  	[sflag:s9] =	ssyncset.done $0x0  }
0x20: {  	s17 =	simm.s32 $0x0;
	[sflag:s9] =	ssyncadd.s32 $0xFFFFB180  }
.LBB2_4:
0x21: {  	s18 =	smul.u32 $0x7D0, s17;
	_ =	sdelay $0x1  }
0x22: {  	s18 =	sadd.s32 s6, s18  }
0x23: {  	s18 =	sshrl.u32 s18, $0x3  }
0x24: {  	s19 =	sadd.s32 s4, s18  }
0x25: {  	[tilespmem:s10], [sflag:$0x1] =	stream.linear.gather [hbm4b:s19+s16], $0x7D0, $0x38;
	[tilespmem:$0xAE80] =	vst v63  }
0x26: {  	_ =	swait.ge [sflag:s9], $0x7D0  }
0x27: {  	[sflag:s9] =	ssyncset.done $0x0  }
0x28: {  	s18 =	sadd.s32 s2, s18;
	[sflag:s9] =	ssyncadd.s32 $0xFFFFF830  }
0x29: {  	[tilespmem:s11], [sflag:$0x1] =	stream.linear.gather [hbm4b:s18+s16], $0x7D0, $0x38;
	[tilespmem:$0xAE80] =	vst v63  }
0x2a: {  	_ =	swait.ge [sflag:s9], $0x7D0  }
0x2b: {  	[sflag:s9] =	ssyncset.done $0x0  }
0x2c: {  	s18 =	simm.s32 $0x0;
	[sflag:s9] =	ssyncadd.s32 $0xFFFFF830  }
.LBB2_5:
0x2d: {  	s19 =	sshra.s32 s18, $0x2  }
0x2e: {  	v1 =	vld [tilespmem:s19+$0x9E80];
	_ =	sdelay $0x4  }
0x2f: {  	v2 =	vld [tilespmem:s19+$0xA680];
	v1 =	vshll.u32 v1, $0x1;
	_ =	sdelay $0x4  }
0x30: {  	v2 =	vshll.u32 v2, $0x1;
	v3 =	vld.idx.msk [tilespmem:v1+s3+$0x0], $0xffff  }
0x31: {  	v1 =	vor.u32 $0x1, v1;
	_ =	sdelay $0x3  }
0x32: {  	[tilespmem:v2+s12+$0x0] =	vst.idx.add.f32.msk $0xffff, v3  }
0x33: {  	v2 =	vor.u32 $0x1, v2;
	v1 =	vld.idx.msk [tilespmem:v1+s3+$0x0], $0xffff;
	_ =	sdelay $0x4  }
0x34: {  	[tilespmem:v2+s12+$0x0] =	vst.idx.add.f32.msk $0xffff, v1  }
0x35: {  	v1 =	vld [tilespmem:s19+$0x9E90];
	_ =	sdelay $0x4  }
0x36: {  	v2 =	vld [tilespmem:s19+$0xA690];
	v1 =	vshll.u32 v1, $0x1;
	_ =	sdelay $0x4  }
0x37: {  	v2 =	vshll.u32 v2, $0x1;
	v3 =	vld.idx.msk [tilespmem:v1+s3+$0x0], $0xffff  }
0x38: {  	v1 =	vor.u32 $0x1, v1;
	_ =	sdelay $0x3  }
0x39: {  	[tilespmem:v2+s12+$0x0] =	vst.idx.add.f32.msk $0xffff, v3  }
0x3a: {  	v2 =	vor.u32 $0x1, v2;
	v1 =	vld.idx.msk [tilespmem:v1+s3+$0x0], $0xffff;
	_ =	sdelay $0x4  }
0x3b: {  	[tilespmem:v2+s12+$0x0] =	vst.idx.add.f32.msk $0xffff, v1  }
0x3c: {  	v1 =	vld [tilespmem:s19+$0x9EA0];
	_ =	sdelay $0x4  }
0x3d: {  	v2 =	vld [tilespmem:s19+$0xA6A0];
	v1 =	vshll.u32 v1, $0x1;
	_ =	sdelay $0x4  }
0x3e: {  	v2 =	vshll.u32 v2, $0x1;
	v3 =	vld.idx.msk [tilespmem:v1+s3+$0x0], $0xffff  }
0x3f: {  	v1 =	vor.u32 $0x1, v1;
	_ =	sdelay $0x3  }
0x40: {  	[tilespmem:v2+s12+$0x0] =	vst.idx.add.f32.msk $0xffff, v3  }
0x41: {  	v2 =	vor.u32 $0x1, v2;
	v1 =	vld.idx.msk [tilespmem:v1+s3+$0x0], $0xffff;
	_ =	sdelay $0x4  }
0x42: {  	[tilespmem:v2+s12+$0x0] =	vst.idx.add.f32.msk $0xffff, v1  }
0x43: {  	v1 =	vld [tilespmem:s19+$0x9EB0];
	_ =	sdelay $0x4  }
0x44: {  	v2 =	vld [tilespmem:s19+$0xA6B0];
	v1 =	vshll.u32 v1, $0x1;
	_ =	sdelay $0x4  }
0x45: {  	v2 =	vshll.u32 v2, $0x1;
	v3 =	vld.idx.msk [tilespmem:v1+s3+$0x0], $0xffff  }
0x46: {  	v1 =	vor.u32 $0x1, v1;
	_ =	sdelay $0x3  }
0x47: {  	[tilespmem:v2+s12+$0x0] =	vst.idx.add.f32.msk $0xffff, v3  }
0x48: {  	v2 =	vor.u32 $0x1, v2;
	v1 =	vld.idx.msk [tilespmem:v1+s3+$0x0], $0xffff;
	_ =	sdelay $0x4  }
0x49: {  	[tilespmem:v2+s12+$0x0] =	vst.idx.add.f32.msk $0xffff, v1  }
0x4a: {  	v1 =	vld [tilespmem:s19+$0x9EC0];
	_ =	sdelay $0x4  }
0x4b: {  	v2 =	vld [tilespmem:s19+$0xA6C0];
	v1 =	vshll.u32 v1, $0x1;
	_ =	sdelay $0x4  }
0x4c: {  	v2 =	vshll.u32 v2, $0x1;
	v3 =	vld.idx.msk [tilespmem:v1+s3+$0x0], $0xffff  }
0x4d: {  	v1 =	vor.u32 $0x1, v1;
	_ =	sdelay $0x3  }
0x4e: {  	[tilespmem:v2+s12+$0x0] =	vst.idx.add.f32.msk $0xffff, v3  }
0x4f: {  	p0 =	sne.s32 s18, $0x1E00;
	v2 =	vor.u32 $0x1, v2;
	v1 =	vld.idx.msk [tilespmem:v1+s3+$0x0], $0xffff  }
.Ltmp1:
0x50: {  	_ = 	snop;
	(pc) =	sbr.rel @p0 .LBB2_5-.Ltmp1, $2  }
0x51: {  	_ =	sdelay $0x2  }
0x52: {  	s18 =	sadd.s32 $0x140, s18;
	[tilespmem:v2+s12+$0x0] =	vst.idx.add.f32.msk $0xffff, v1  }
0x53: {  	s17 =	sadd.s32 $0x1, s17  }
0x54: {  	p0 =	sne.s32 s17, $0x5  }
.Ltmp2:
0x55: {  	_ = 	snop;
	(pc) =	sbr.rel @p0 .LBB2_4-.Ltmp2, $1  }
0x56: {  	_ =	sdelay $0x3  }
0x57: {  	s16 =	simm.s32 $0x0;
	s17 =	simm.s32 $0x200  }
.LBB2_8:
0x58: {  	p0 =	sne.s32 s17, $0x13E00;
	[tilespmem:s16+$0x4EF0] =	vst.add.f32.msk $0xffff, v0  }
0x59: {  	[tilespmem:s16+$0x4E80] =	vst.add.f32.msk $0xffff, v0  }
0x5a: {  	[tilespmem:s16+$0x4E90] =	vst.add.f32.msk $0xffff, v0  }
.Ltmp3:
0x5b: {  	[tilespmem:s16+$0x4EA0] =	vst.add.f32.msk $0xffff, v0;
	(pc) =	sbr.rel @p0 .LBB2_8-.Ltmp3, $4  }
0x5c: {  	[tilespmem:s16+$0x4EB0] =	vst.add.f32.msk $0xffff, v0  }
0x5d: {  	[tilespmem:s16+$0x4EC0] =	vst.add.f32.msk $0xffff, v0  }
0x5e: {  	[tilespmem:s16+$0x4ED0] =	vst.add.f32.msk $0xffff, v0  }
0x5f: {  	[tilespmem:s16+$0x4EE0] =	vst.add.f32.msk $0xffff, v0;
	s16 =	sshra.s32 s17, $0x2;
	s17 =	sadd.s32 $0x200, s17  }
0x60: {  	[tilespmem:s16+$0x4EF0] =	vst.add.f32.msk $0xffff, v0  }
0x61: {  	[tilespmem:s16+$0x4E80] =	vst.add.f32.msk $0xffff, v0  }
0x62: {  	[tilespmem:s16+$0x4E90] =	vst.add.f32.msk $0xffff, v0  }
0x63: {  	[tilespmem:s16+$0x4EA0] =	vst.add.f32.msk $0xffff, v0  }
0x64: {  	[tilespmem:s16+$0x4EB0] =	vst.add.f32.msk $0xffff, v0  }
0x65: {  	[tilespmem:s16+$0x4EC0] =	vst.add.f32.msk $0xffff, v0;
	s15 =	sadd.s32 $0x1, s15  }
0x66: {  	[tilespmem:s16+$0x4ED0] =	vst.add.f32.msk $0xffff, v0;
	p0 =	sne.s32 s15, s8  }
.Ltmp4:
0x67: {  	[tilespmem:s16+$0x4EE0] =	vst.add.f32.msk $0xffff, v0;
	(pc) =	sbr.rel @p0 .LBB2_1-.Ltmp4, $4  }
0x68: {  	[hbm4b:s7+s13] =	stream.strided.scatter [tilespmem:s12], [sflag:$0x1], $0x5000, s14, s13, $0x38;
	[tilespmem:$0xAE80] =	vst v63  }
0x69: {  	_ =	swait.ge [sflag:s9], $0x5000  }
0x6a: {  	[sflag:s9] =	ssyncset.done $0x0  }
0x6b: {  	[sflag:s9] =	ssyncadd.s32 $0xFFFFB000  }
0x6c: {  	_ =	sfence.sel $0x180000  }
0x6d: {  	[bflag:$0x0] =	sbarrier.arrive $0xFFFF  }
0x6e: {  	p0 =	sne.s32 s1, $0x0;
	_ =	strace $0x90000053  }
0x6f: {  	s0 =	sadd.s32 @!p0 $0x100000, s0;
	[bflag:$0x2] =	sbarrier.arrive $0xFFFF  }
0x70: {  	[sflag:s0] =	ssyncadd.tile.s32 @!p0 $0x1;
	_ =	shalt  }
.Lfunc_end2:
_tile_overlayer_lowered:
.L_overlay_start_2:
0x71: {  	(tag) =	ssettag $0x2  }
0x72: {  	s0 =	rddreg [dreg:$0x0];
	s2 =	stileid.u32  }
0x73: {  	s1 =	rddreg [dreg:$0x1];
	p0 =	sne.s32 s2, $0x0  }
0x74: {  	s3 =	rddreg [dreg:$0x2];
	[bflag:$0x3] =	sbarrier.arrive $0xFFFF;
	s2 =	simm.s32 @!p0 $0x1C01  }
0x75: {  	[timem:s3], [sflag:s2] =	dma.local @!p0 [hbm:s0], s1  }
0x76: {  	s0 =	simm.s32 @!p0 $0x1  }
0x77: {  	_ =	swait.ge @!p0 [sflag:s0], s1  }
0x78: {  	s1 =	ssub.s32 @!p0 $0x0, s1;
	[sflag:s0] =	ssyncset.done @!p0 $0x0  }
0x79: {  	[sflag:s0] =	ssyncadd.s32 @!p0 s1  }
0x7a: {  	[bflag:$0x3] =	sbarrier.arrive $0xFFFF  }
0x7b: {  	_ =	shalt  }

// kernel: kernel.7.cloned.1.call-start
scs
__scs_entry_jumppad:
0x0: {  	(pc) =	sbr.rel $0x88, $3  }
0x1: {  	(tag) =	ssettag $0x0;
	lr =	simm.s32 $0x1  }
0x2: {  	[smem:$0x3F90] =	sst lr;
	_ =	strace $0xD0000000  }
0x3: {  	_ = 	snop  }
0x4: {  	_ = 	snop  }
0x5: {  	_ = 	snop  }
0x6: {  	_ = 	snop  }
0x7: {  	_ = 	snop  }
__scs_overlays_trampoline_lowered:
0x8: {  	[smem:$0x3F9F] =	sst s0  }
0x9: {  	[smem:$0x3FA0] =	sst s1  }
0xa: {  	[smem:$0x3FA1] =	sst s2  }
0xb: {  	[smem:$0x3FA2] =	sst s3  }
0xc: {  	[smem:$0x3FA3] =	sst s4  }
0xd: {  	[smem:$0x3FA4] =	sst s5  }
0xe: {  	[smem:$0x3FA5] =	sst s6  }
0xf: {  	[smem:$0x3FA6] =	sst s7  }
0x10: {  	[smem:$0x3FA7] =	sst s8  }
0x11: {  	[smem:$0x3FA8] =	sst s9;
	s0 =	simm.s32 @!p0 $0x0  }
0x12: {  	s1 =	sld [smem:$0x3F8E];
	s0 =	simm.s32 @p0 $0x1  }
0x13: {  	[smem:$0x3FA9] =	sst s0;
	s0 =	simm.s32 @!p1 $0x0  }
0x14: {  	s2 =	sld [smem:$0x3F8D];
	s0 =	simm.s32 @p1 $0x1  }
0x15: {  	[smem:$0x3FAA] =	sst s0;
	s0 =	simm.s32 @!p2 $0x0  }
0x16: {  	s3 =	sld [smem:$0x3FDB];
	s0 =	simm.s32 @p2 $0x1  }
0x17: {  	s4 =	simm.s32 $0x1BF5;
	[smem:$0x3FAC] =	sst s0  }
0x18: {  	s0 =	sld [smem:$0x3F8F];
	_ =	swait.ge [sflag:s4], $0x0  }
0x19: {  	s7 =	sld [smem:$0x3F90]  }
0x1a: {  	s8 =	sadd.s32 $0xFFFFE003, lr  }
0x1b: {  	s9 =	sadd.s32 $0xFFFFFEF7, lr;
	s5 =	simm.s32 $0xFFFFFFFF;
	p2 =	slt.u32 s8, $0xFFFFF086  }
0x1c: {  	p1 =	slt.u32 s9, $0xF7A;
	s5 =	simm.s32 @!p2 $0x0  }
0x1d: {  	s5 =	simm.s32 @p1 $0x1;
	p0 =	seq.s32 s7, s2  }
0x1e: {  	s7 =	smul.u32 @!p0 $0xF7A, s2;
	p2 =	seq.s32 @!p0 s5, $0x0  }
0x1f: {  	s9 =	smul.u32 $0xF7A, s1;
	s8 =	simm.s32 @!p0 $0x1BF5;
	p2 =	por !p2, p0  }
0x20: {  	[sflag:s8] =	ssyncset.s32 @!p0 $0xFFFFF086;
	s6 =	sadd.s32 @!p0 s3, s7;
	s7 =	simm.s32 @!p0 $0x108  }
0x21: {  	s3 =	sadd.s32 s3, s9;
	s6 =	sadd.s32 @!p0 $0x88, s6;
	s7 =	simm.s32 @p2 $0x1082  }
0x22: {  	[simem:s7], [sflag:s8] =	dma.local @!p0 [hbm:s6], $0xF7A  }
0x23: {  	s9 =	sor.u32 $0xD0000000, s2;
	s6 =	simm.s32 $0x108;
	_ =	swait.ge @!p0 [sflag:s8], $0x0  }
0x24: {  	s3 =	sadd.s32 $0x88, s3;
	s6 =	simm.s32 @!p1 $0x1082;
	[sflag:s4] =	ssyncset.s32 $0xFFFFF086  }
0x25: {  	[simem:s6], [sflag:s4] =	dma.local [hbm:s3], $0xF7A  }
0x26: {  	[smem:$0x3F90] =	sst s1;
	(tag) =	ssettag s2;
	_ =	strace s9  }
0x27: {  	s1 =	sld [smem:$0x3FA0]  }
0x28: {  	s2 =	sld [smem:$0x3FA1]  }
0x29: {  	s4 =	sld [smem:$0x3FA3]  }
0x2a: {  	p0 =	seq.s32 s5, $0x0;
	s5 =	sld [smem:$0x3FA4]  }
0x2b: {  	s6 =	sld [smem:$0x3FA5]  }
0x2c: {  	s7 =	sld [smem:$0x3FA6]  }
0x2d: {  	s3 =	simm.s32 $0x108;
	s8 =	sld [smem:$0x3FA7]  }
0x2e: {  	s3 =	simm.s32 @!p0 $0x1082;
	s9 =	sld [smem:$0x3FA8]  }
0x2f: {  	lr =	sadd.s32 s0, s3;
	s0 =	sld [smem:$0x3F9F]  }
0x30: {  	s3 =	sld [smem:$0x3FA2]  }
0x31: {  	[smem:$0x3FAB] =	sst s10  }
0x32: {  	s10 =	sld [smem:$0x3FA9];
	_ =	sdelay $0x3  }
0x33: {  	p0 =	seq.s32 s10, $0x1;
	s10 =	sld [smem:$0x3FAB];
	_ =	sdelay $0x3  }
0x34: {  	[smem:$0x3FAB] =	sst s10  }
0x35: {  	s10 =	sld [smem:$0x3FAA];
	_ =	sdelay $0x3  }
0x36: {  	p1 =	seq.s32 s10, $0x1;
	s10 =	sld [smem:$0x3FAB];
	_ =	sdelay $0x3  }
0x37: {  	[smem:$0x3FAB] =	sst s10  }
0x38: {  	s10 =	sld [smem:$0x3FAC]  }
0x39: {  	_ = 	snop;
	(pc) =	sbr.ind lr, $3  }
0x3a: {  	_ = 	snop  }
0x3b: {  	_ = 	snop  }
0x3c: {  	p2 =	seq.s32 s10, $0x1;
	s10 =	sld [smem:$0x3FAB]  }
0x3d: {  	_ =	shalt  }
0x3e: {  	_ =	shalt  }
0x3f: {  	_ =	shalt  }
0x40: {  	_ =	shalt  }
0x41: {  	_ =	shalt  }
0x42: {  	_ =	shalt  }
0x43: {  	_ =	shalt  }
0x44: {  	_ =	shalt  }
0x45: {  	_ =	shalt  }
0x46: {  	_ =	shalt  }
0x47: {  	_ =	shalt  }
0x48: {  	_ =	shalt  }
0x49: {  	_ =	shalt  }
0x4a: {  	_ =	shalt  }
0x4b: {  	_ =	shalt  }
0x4c: {  	_ =	shalt  }
0x4d: {  	_ =	shalt  }
0x4e: {  	_ =	shalt  }
0x4f: {  	_ =	shalt  }
0x50: {  	_ =	shalt  }
0x51: {  	_ =	shalt  }
0x52: {  	_ =	shalt  }
0x53: {  	_ =	shalt  }
0x54: {  	_ =	shalt  }
0x55: {  	_ =	shalt  }
0x56: {  	_ =	shalt  }
0x57: {  	_ =	shalt  }
0x58: {  	_ =	shalt  }
0x59: {  	_ =	shalt  }
0x5a: {  	_ =	shalt  }
0x5b: {  	_ =	shalt  }
0x5c: {  	_ =	shalt  }
0x5d: {  	_ =	shalt  }
0x5e: {  	_ =	shalt  }
0x5f: {  	_ =	shalt  }
0x60: {  	_ =	shalt  }
0x61: {  	_ =	shalt  }
0x62: {  	_ =	shalt  }
0x63: {  	_ =	shalt  }
0x64: {  	_ =	shalt  }
0x65: {  	_ =	shalt  }
0x66: {  	_ =	shalt  }
0x67: {  	_ =	shalt  }
0x68: {  	_ =	shalt  }
0x69: {  	_ =	shalt  }
0x6a: {  	_ =	shalt  }
0x6b: {  	_ =	shalt  }
0x6c: {  	_ =	shalt  }
0x6d: {  	_ =	shalt  }
0x6e: {  	_ =	shalt  }
0x6f: {  	_ =	shalt  }
0x70: {  	_ =	shalt  }
0x71: {  	_ =	shalt  }
0x72: {  	_ =	shalt  }
0x73: {  	_ =	shalt  }
0x74: {  	_ =	shalt  }
0x75: {  	_ =	shalt  }
0x76: {  	_ =	shalt  }
0x77: {  	_ =	shalt  }
0x78: {  	_ =	shalt  }
0x79: {  	_ =	shalt  }
0x7a: {  	_ =	shalt  }
0x7b: {  	_ =	shalt  }
0x7c: {  	_ =	shalt  }
0x7d: {  	_ =	shalt  }
0x7e: {  	_ =	shalt  }
0x7f: {  	_ =	shalt  }
0x80: {  	_ =	shalt  }
0x81: {  	_ =	shalt  }
0x82: {  	_ =	shalt  }
0x83: {  	_ =	shalt  }
0x84: {  	_ =	shalt  }
0x85: {  	_ =	shalt  }
0x86: {  	_ =	shalt  }
0x87: {  	_ =	shalt  }
.Lfunc_end0:
.L_simem_size_0:
called_computation_lowered:
.L_overlay_start_0:
0x88: {  	s2 =	sld [smem:$0x3FD9]  }
0x89: {  	s3 =	sld [smem:$0x3FFE];
	_ =	sdelay $0x1  }
0x8a: {  	s1 =	srdreg.scid  }
0x8b: {  	s0 =	sand.u32 $0x1, s1  }
0x8c: {  	s17 =	sshll.u32 s0, $0xA;
	s2 =	sadd.s32 s3, s2  }
0x8d: {  	s2 =	sadd.s32 s2, s17  }
0x8e: {  	[smem:$0x3FB7] =	sst s2  }
0x8f: {  	_ = 	snop  }
0x90: {  	s2 =	sld [smem:$0x3FC7];
	(tm) =	ssettm $0x1  }
0x91: {  	s18 =	sld [smem:$0x3FFB];
	_ =	sdelay $0x3  }
0x92: {  	_ =	strace s18  }
0x93: {  	s3 =	sld [smem:$0x3FFC];
	_ =	sdelay $0x3  }
0x94: {  	_ =	strace s3  }
0x95: {  	s3 =	sld [smem:$0x3FFD];
	_ =	sdelay $0x3  }
0x96: {  	_ =	strace s3  }
0x97: {  	_ =	strace $0x8FFFFFFF  }
0x98: {  	s19 =	sld [smem:$0x3FDB];
	_ =	sdelay $0x1  }
0x99: {  	s4 =	simm.s32 $_scs_section_size  }
0x9a: {  	s5 =	simm.s32 $_size__tile_overlayer_lowered;
	s6 =	simm.s32 $_tile_overlayer_lowered  }
0x9b: {  	s22 =	simm.s32 $0x1BFF;
	s21 =	sshll.u32 s6, $0x1;
	s3 =	sadd.s32 s4, s19  }
0x9c: {  	s7 =	simm.s32 $0x0;
	s20 =	sshll.u32 s5, $0x1;
	s5 =	sadd.s32 s21, s3  }
0x9d: {  	[timem:s7], [sflag:s22] =	dma.local [hbm:s5], s20  }
0x9e: {  	_ =	swait.ge [sflag:s22], s20  }
0x9f: {  	s4 =	ssub.s32 $0x0, s20;
	[sflag:s22] =	ssyncset.done $0x0  }
0xa0: {  	[sflag:s22] =	ssyncadd.s32 s4;
	_ =	sdelay $0x1  }
0xa1: {  	s23 =	simm.s32 $0x1B8B  }
0xa2: {  	_ =	swait.ge [sflag:s23], $0x1  }
0xa3: {  	[sflag:s23] =	ssyncset.done $0x0  }
0xa4: {  	s25 =	simm.s32 $0x1B8E;
	s24 =	sld [smem:$0x3FFE];
	[sflag:s23] =	ssyncadd.s32 $0xFFFFFFFF  }
0xa5: {  	s26 =	simm.s32 $execute0_lowered;
	[smem:$0x3FD2] =	sst s25  }
0xa6: {  	s5 =	sshll.u32 s26, $0x1;
	_ =	strace $0x80000046;
	[dreg:$0x1] =	wrdreg $0xFFFFFFFF  }
0xa7: {  	s28 =	simm.s32 $_size_execute0_lowered;
	s3 =	sadd.s32 s3, s5;
	[dreg:$0x0] =	wrdreg $0x0  }
0xa8: {  	s5 =	sshll.u32 s28, $0x1;
	[dreg:$0x2] =	wrdreg s3  }
0xa9: {  	[dreg:$0x3] =	wrdreg s5  }
0xaa: {  	[dreg:$0x4] =	wrdreg $0xC0  }
0xab: {  	_ =	task [dreg:s7], $0x5FFFF  }
0xac: {  	[dreg:$0x1] =	wrdreg $0xFFFFFFFF  }
0xad: {  	[dreg:$0x0] =	wrdreg $0x60  }
0xae: {  	[dreg:$0x2] =	wrdreg s24  }
0xaf: {  	[dreg:$0x3] =	wrdreg s2  }
0xb0: {  	[dreg:$0x4] =	wrdreg $0x8A800  }
0xb1: {  	[dreg:$0x5] =	wrdreg $0xB2800  }
0xb2: {  	[dreg:$0x6] =	wrdreg $0x9  }
0xb3: {  	_ =	task.clear_ibuf [dreg:s7], $0x7FFFF;
	_ =	strace $0x90000046  }
0xb4: {  	s29 =	simm.s32 $0x9;
	_ =	strace $0x80000048  }
0xb5: {  	_ =	swait.ge [sflag:s29], $0x1  }
0xb6: {  	[sflag:s29] =	ssyncadd.s32 $0xFFFFFFFF  }
0xb7: {  	_ =	strace $0x90000048  }
0xb8: {  	_ =	sfence  }
0xb9: {  	s30 =	sld [smem:$0x0];
	_ =	sdelay $0x2  }
0xba: {  	s31 =	sshll.u32 s1, $0xD;
	s1 =	sshrl.u32 s1, $0x2  }
0xbb: {  	s3 =	sand.u32 $0x4000, s31;
	s1 =	sadd.s32 s1, s30  }
0xbc: {  	s0 =	sor.u32 s3, s0;
	s1 =	sshll.u32 s1, $0x11  }
0xbd: {  	s0 =	sor.u32 s1, s0  }
0xbe: {  	s0 =	sadd.s32 $0x8F2B, s0  }
0xbf: {  	[sflag:s0] =	ssyncadd.remote.s32 $0x1  }
0xc0: {  	_ =	sfence.sel $0xFFFF  }
0xc1: {  	[dreg:$0x0] =	wrdreg $0xFFFFFFFF;
	(pc) =	sbr.abs _section_cstart, $3  }
0xc2: {  	[dreg:$0x1] =	wrdreg $0xFFFFFFFF  }
0xc3: {  	_ =	task.clear_ibuf [dreg:s7], $0x2FFFF;
	_ =	strace $0x9FFFFFFF  }
0xc4: {  	(tm) =	ssettm $0x7FFFFFFF  }
0xc5: {  	_ =	shalt  }
tec
execute0_lowered:
.L_overlay_start_1:
0x0: {  	(tag) =	ssettag $0x1  }
0x1: {  	s1 =	rddreg [dreg:$0x0]  }
0x2: {  	s2 =	rddreg [dreg:$0x1];
	s3 =	srdreg.scid  }
0x3: {  	s0 =	stileid.u32;
	s8 =	rddreg [dreg:$0x2]  }
0x4: {  	s10 =	rddreg [dreg:$0x3];
	s4 =	simm.s32 $0x0;
	s14 =	simm.s32 $0x1  }
0x5: {  	s15 =	simm.s32 $0x5800;
	s16 =	simm.s32 $0x2800;
	s17 =	simm.s32 $0x80  }
0x6: {  	s18 =	simm.s32 $0x400;
	s19 =	simm.s32 $0x1400;
	s20 =	simm.s32 $0x14000  }
0x7: {  	s21 =	simm.s32 $0x6000;
	s22 =	simm.s32 $0x100;
	s23 =	simm.s32 $0x8800  }
0x8: {  	s24 =	simm.s32 $0x0;
	s5 =	sand.u32 $0x1, s3;
	s3 =	rddreg [dreg:$0x4]  }
0x9: {  	s6 =	smul.u32 $0x500, s0;
	[smem:$0x7FF] =	sst s4;
	s29 =	sshrl.u32 s0, $0x3  }
0xa: {  	s9 =	sshll.u32 s0, $0x7;
	s13 =	sshll.u32 s0, $0x1;
	s7 =	sshll.u32 s5, $0x7  }
0xb: {  	s31 =	smul.u32 $0x1400, s0;
	_ =	strace $0x80000047;
	s6 =	sor.u32 s7, s6  }
0xc: {  	s30 =	ssub.s32 $0x2, s5;
	s9 =	sand.u32 $0x380, s9;
	s6 =	sshrl.u32 s6, $0x3  }
0xd: {  	s12 =	sshrl.u32 s30, $0x1;
	s11 =	sadd.s32 s6, s1;
	s6 =	smul.u32 $0x14000, s29  }
0xe: {  	s5 =	sor.u32 s5, s13;
	s13 =	simm.s32 $0x5000;
	s12 =	ssub.s32 s30, s12  }
0xf: {  	s5 =	smul.u32 $0x2710, s5;
	s12 =	smax.u32 s12, $0x1;
	s9 =	sor.u32 s9, s6  }
0x10: {  	s6 =	sadd.s32 s9, s8;
	s7 =	sadd.s32 s9, s10;
	s8 =	sadd.s32 s31, s8  }
0x11: {  	v0 =	vimm.f32 $0.0e+00;
	v1 =	vimm.f32 $1.000000000e+00;
	s9 =	sadd.s32 $0x13C00, s11;
	s10 =	sadd.s32 s31, s10;
	s11 =	sadd.s32 $0x14600, s11  }
.LBB2_1:
0x12: {  	s25 =	simm.s32 $0x0;
	s26 =	simm.s32 $0x200  }
.LBB2_2:
0x13: {  	p0 =	sne.s32 s26, $0x9E00;
	[tilespmem:s25+$0x2870] =	vst v0  }
0x14: {  	[tilespmem:s25+$0x0] =	vst v0  }
0x15: {  	[tilespmem:s25+$0x2800] =	vst v0  }
0x16: {  	[tilespmem:s25+$0x10] =	vst v0  }
0x17: {  	[tilespmem:s25+$0x2810] =	vst v0  }
0x18: {  	[tilespmem:s25+$0x20] =	vst v0  }
0x19: {  	[tilespmem:s25+$0x2820] =	vst v0  }
0x1a: {  	[tilespmem:s25+$0x30] =	vst v0  }
0x1b: {  	[tilespmem:s25+$0x2830] =	vst v0  }
0x1c: {  	[tilespmem:s25+$0x40] =	vst v0  }
0x1d: {  	[tilespmem:s25+$0x2840] =	vst v0  }
.Ltmp0:
0x1e: {  	[tilespmem:s25+$0x50] =	vst v0;
	(pc) =	sbr.rel @p0 .LBB2_2-.Ltmp0, $4  }
0x1f: {  	[tilespmem:s25+$0x2850] =	vst v0  }
0x20: {  	[tilespmem:s25+$0x60] =	vst v0  }
0x21: {  	[tilespmem:s25+$0x2860] =	vst v0  }
0x22: {  	[tilespmem:s25+$0x70] =	vst v0;
	s25 =	sshra.s32 s26, $0x2;
	s26 =	sadd.s32 $0x200, s26  }
0x23: {  	[tilespmem:s25+$0x2870] =	vst v0  }
0x24: {  	[tilespmem:s25+$0x0] =	vst v0  }
0x25: {  	[tilespmem:s25+$0x2800] =	vst v0  }
0x26: {  	[tilespmem:s25+$0x10] =	vst v0  }
0x27: {  	[tilespmem:s25+$0x2810] =	vst v0  }
0x28: {  	[tilespmem:s25+$0x20] =	vst v0  }
0x29: {  	[tilespmem:s25+$0x2820] =	vst v0  }
0x2a: {  	[tilespmem:s25+$0x30] =	vst v0  }
0x2b: {  	[tilespmem:s25+$0x2830] =	vst v0  }
0x2c: {  	[tilespmem:s25+$0x40] =	vst v0  }
0x2d: {  	[tilespmem:s25+$0x2840] =	vst v0  }
0x2e: {  	[tilespmem:s25+$0x50] =	vst v0  }
0x2f: {  	[tilespmem:s25+$0x2850] =	vst v0  }
0x30: {  	[tilespmem:s25+$0x60] =	vst v0  }
0x31: {  	[tilespmem:s25+$0x2860] =	vst v0  }
0x32: {  	s26 =	simm.s32 $0x0;
	[tilespmem:s25+$0x70] =	vst v0;
	s25 =	simm.s32 $0x0  }
.LBB2_4:
0x33: {  	s28 =	smul.u32 $0x7D0, s25;
	_ =	sdelay $0x1  }
0x34: {  	s28 =	sadd.s32 s5, s28  }
0x35: {  	s28 =	sshrl.u32 s28, $0x3  }
0x36: {  	s29 =	sadd.s32 s1, s28  }
0x37: {  	[tilespmem:s13], [sflag:$0x1] =	stream.linear.gather [hbm4b:s29+s26], $0x7D0, $0x38;
	[tilespmem:$0xDA80] =	vst v63  }
0x38: {  	_ =	swait.ge [sflag:s14], $0x7D0  }
0x39: {  	[sflag:s14] =	ssyncset.done $0x0  }
0x3a: {  	s28 =	sadd.s32 s2, s28;
	[sflag:s14] =	ssyncadd.s32 $0xFFFFF830  }
0x3b: {  	[tilespmem:s15], [sflag:$0x1] =	stream.linear.gather [hbm4b:s28+s26], $0x7D0, $0x38;
	[tilespmem:$0xDA80] =	vst v63  }
0x3c: {  	_ =	swait.ge [sflag:s14], $0x7D0  }
0x3d: {  	[sflag:s14] =	ssyncset.done $0x0  }
0x3e: {  	s28 =	simm.s32 $0x0;
	[sflag:s14] =	ssyncadd.s32 $0xFFFFF830  }
.LBB2_5:
0x3f: {  	s29 =	sshra.s32 s28, $0x2  }
0x40: {  	v2 =	vld [tilespmem:s29+$0x5000];
	_ =	sdelay $0x2  }
0x41: {  	v3 =	vld [tilespmem:s29+$0x5800];
	_ =	sdelay $0x4  }
0x42: {  	[tilespmem:v2+s4+$0x0] =	vst.idx.add.f32.msk $0xffff, v3  }
0x43: {  	[tilespmem:v2+s16+$0x0] =	vst.idx.add.f32.msk $0xffff, v1  }
0x44: {  	v2 =	vld [tilespmem:s29+$0x5010];
	_ =	sdelay $0x2  }
0x45: {  	v3 =	vld [tilespmem:s29+$0x5810];
	_ =	sdelay $0x4  }
0x46: {  	[tilespmem:v2+s4+$0x0] =	vst.idx.add.f32.msk $0xffff, v3  }
0x47: {  	[tilespmem:v2+s16+$0x0] =	vst.idx.add.f32.msk $0xffff, v1  }
0x48: {  	v2 =	vld [tilespmem:s29+$0x5020];
	_ =	sdelay $0x2  }
0x49: {  	v3 =	vld [tilespmem:s29+$0x5820];
	_ =	sdelay $0x4  }
0x4a: {  	[tilespmem:v2+s4+$0x0] =	vst.idx.add.f32.msk $0xffff, v3  }
0x4b: {  	[tilespmem:v2+s16+$0x0] =	vst.idx.add.f32.msk $0xffff, v1  }
0x4c: {  	v2 =	vld [tilespmem:s29+$0x5030];
	_ =	sdelay $0x2  }
0x4d: {  	v3 =	vld [tilespmem:s29+$0x5830];
	_ =	sdelay $0x4  }
0x4e: {  	[tilespmem:v2+s4+$0x0] =	vst.idx.add.f32.msk $0xffff, v3  }
0x4f: {  	[tilespmem:v2+s16+$0x0] =	vst.idx.add.f32.msk $0xffff, v1  }
0x50: {  	v2 =	vld [tilespmem:s29+$0x5040];
	_ =	sdelay $0x2  }
0x51: {  	v3 =	vld [tilespmem:s29+$0x5840]  }
0x52: {  	p0 =	sne.s32 s28, $0x1E00  }
.Ltmp1:
0x53: {  	_ = 	snop;
	(pc) =	sbr.rel @p0 .LBB2_5-.Ltmp1, $3  }
0x54: {  	_ =	sdelay $0x1  }
0x55: {  	[tilespmem:v2+s4+$0x0] =	vst.idx.add.f32.msk $0xffff, v3  }
0x56: {  	s28 =	sadd.s32 $0x140, s28;
	[tilespmem:v2+s16+$0x0] =	vst.idx.add.f32.msk $0xffff, v1  }
0x57: {  	s25 =	sadd.s32 $0x1, s25  }
0x58: {  	p0 =	sne.s32 s25, $0x5  }
.Ltmp2:
0x59: {  	_ = 	snop;
	(pc) =	sbr.rel @p0 .LBB2_4-.Ltmp2, $1  }
0x5a: {  	_ =	sdelay $0x3  }
0x5b: {  	s25 =	simm.s32 $0x0  }
0x5c: {  	[spmem:s6] =	stream.strided.scatter [tilespmem:s25], [sflag:$0x1], $0x2800, s18, s17, $0x38;
	[tilespmem:$0xDA80] =	vst v63  }
0x5d: {  	_ =	swait.ge [sflag:s14], $0x2800  }
0x5e: {  	[sflag:s14] =	ssyncset.done $0x0  }
0x5f: {  	[sflag:s14] =	ssyncadd.s32 $0xFFFFD800  }
0x60: {  	[spmem:s7] =	stream.strided.scatter [tilespmem:s16], [sflag:$0x1], $0x2800, s18, s17, $0x38;
	[tilespmem:$0xDA80] =	vst v63  }
0x61: {  	_ =	swait.ge [sflag:s14], $0x2800  }
0x62: {  	[sflag:s14] =	ssyncset.done $0x0  }
0x63: {  	[sflag:s14] =	ssyncadd.s32 $0xFFFFD800  }
0x64: {  	[bflag:$0x0] =	sbarrier.arrive $0xFFFF  }
0x65: {  	[tilespmem:s21], [sflag:$0x1] =	stream.strided.gather [spmem:s8], $0x2800, s20, s19, $0x38;
	[tilespmem:$0xDA80] =	vst v63  }
0x66: {  	_ =	swait.ge [sflag:s14], $0x2800  }
0x67: {  	s26 =	sand.u32 $0x70, s25;
	s25 =	sand.u32 $0x1C00, s25;
	[sflag:s14] =	ssyncset.done $0x0  }
0x68: {  	s25 =	sor.u32 s26, s25;
	[sflag:s14] =	ssyncadd.s32 $0xFFFFD800  }
0x69: {  	v2 =	vld [tilespmem:s25+$0x6000];
	_ =	sdelay $0x1  }
0x6a: {  	v3 =	vld [tilespmem:s25+$0x6080];
	_ =	sdelay $0x1  }
0x6b: {  	v4 =	vld [tilespmem:s25+$0x6100]  }
0x6c: {  	v2 =	vadd.f32 $0.0e+00, v2  }
0x6d: {  	v5 =	vld [tilespmem:s25+$0x6180]  }
0x6e: {  	v2 =	vadd.f32 v3, v2  }
0x6f: {  	v3 =	vld [tilespmem:s25+$0x6200]  }
0x70: {  	v2 =	vadd.f32 v4, v2  }
0x71: {  	v56 =	vld [tilespmem:s25+$0x6280]  }
0x72: {  	v2 =	vadd.f32 v5, v2  }
0x73: {  	v57 =	vld [tilespmem:s25+$0x6300]  }
0x74: {  	v2 =	vadd.f32 v3, v2  }
0x75: {  	v3 =	vld [tilespmem:s25+$0x6380]  }
0x76: {  	v2 =	vadd.f32 v56, v2  }
0x77: {  	v58 =	vld [tilespmem:s25+$0x7400]  }
0x78: {  	v2 =	vadd.f32 v57, v2  }
0x79: {  	v59 =	vld [tilespmem:s25+$0x7480]  }
0x7a: {  	v2 =	vadd.f32 v3, v2  }
0x7b: {  	v3 =	vld [tilespmem:s25+$0x7500]  }
0x7c: {  	v2 =	vadd.f32 v58, v2  }
0x7d: {  	v60 =	vld [tilespmem:s25+$0x7580]  }
0x7e: {  	v2 =	vadd.f32 v59, v2  }
0x7f: {  	v61 =	vld [tilespmem:s25+$0x7600]  }
0x80: {  	v2 =	vadd.f32 v3, v2  }
0x81: {  	v3 =	vld [tilespmem:s25+$0x7680]  }
0x82: {  	v2 =	vadd.f32 v60, v2  }
0x83: {  	v62 =	vld [tilespmem:s25+$0x7700]  }
0x84: {  	v2 =	vadd.f32 v61, v2  }
0x85: {  	v63 =	vld [tilespmem:s25+$0x7780]  }
0x86: {  	v2 =	vadd.f32 v3, v2;
	_ =	sdelay $0x1  }
0x87: {  	v2 =	vadd.f32 v62, v2  }
0x88: {  	s28 =	simm.s32 $0x10  }
0x89: {  	s29 =	sand.u32 $0x70, s28;
	s26 =	simm.s32 $0x80;
	v2 =	vadd.f32 v63, v2  }
0x8a: {  	s28 =	simm.s32 $0x20;
	s30 =	sand.u32 $0x1C00, s26;
	s25 =	simm.s32 $0x8800  }
.LBB2_8:
0x8b: {  	p0 =	sne.s32 s28, $0x270;
	s29 =	sor.u32 s29, s30;
	[tilespmem:s25+$0x0] =	vst v2  }
0x8c: {  	v2 =	vld [tilespmem:s29+$0x6000];
	_ =	sdelay $0x1  }
0x8d: {  	v3 =	vld [tilespmem:s29+$0x6080];
	_ =	sdelay $0x1  }
0x8e: {  	v4 =	vld [tilespmem:s29+$0x6100]  }
0x8f: {  	v2 =	vadd.f32 $0.0e+00, v2  }
0x90: {  	v5 =	vld [tilespmem:s29+$0x6180]  }
0x91: {  	v2 =	vadd.f32 v3, v2  }
0x92: {  	v3 =	vld [tilespmem:s29+$0x6200]  }
0x93: {  	v2 =	vadd.f32 v4, v2  }
0x94: {  	v4 =	vld [tilespmem:s29+$0x6280]  }
0x95: {  	v2 =	vadd.f32 v5, v2  }
0x96: {  	v5 =	vld [tilespmem:s29+$0x6300]  }
0x97: {  	v2 =	vadd.f32 v3, v2  }
0x98: {  	v3 =	vld [tilespmem:s29+$0x6380]  }
0x99: {  	v2 =	vadd.f32 v4, v2  }
0x9a: {  	v4 =	vld [tilespmem:s29+$0x7400]  }
0x9b: {  	v2 =	vadd.f32 v5, v2  }
0x9c: {  	v5 =	vld [tilespmem:s29+$0x7480]  }
0x9d: {  	v2 =	vadd.f32 v3, v2  }
0x9e: {  	v3 =	vld [tilespmem:s29+$0x7500]  }
0x9f: {  	v2 =	vadd.f32 v4, v2  }
0xa0: {  	v4 =	vld [tilespmem:s29+$0x7580]  }
0xa1: {  	v2 =	vadd.f32 v5, v2  }
0xa2: {  	v5 =	vld [tilespmem:s29+$0x7600]  }
0xa3: {  	v2 =	vadd.f32 v3, v2  }
0xa4: {  	v3 =	vld [tilespmem:s29+$0x7680]  }
0xa5: {  	v2 =	vadd.f32 v4, v2  }
0xa6: {  	v4 =	vld [tilespmem:s29+$0x7700]  }
0xa7: {  	v2 =	vadd.f32 v5, v2  }
0xa8: {  	v5 =	vld [tilespmem:s29+$0x7780]  }
0xa9: {  	v2 =	vadd.f32 v3, v2  }
.Ltmp3:
0xaa: {  	(pc) =	sbr.rel @p0 .LBB2_8-.Ltmp3, $3  }
0xab: {  	v2 =	vadd.f32 v4, v2;
	_ =	sdelay $0x1  }
0xac: {  	s26 =	sadd.s32 $0x80, s26;
	s25 =	sadd.s32 $0x10, s25;
	v2 =	vadd.f32 v5, v2  }
0xad: {  	s30 =	sand.u32 $0x1C00, s26;
	s29 =	sand.u32 $0x70, s28;
	s28 =	sadd.s32 $0x10, s28  }
0xae: {  	s26 =	sor.u32 s29, s30;
	[tilespmem:s25+$0x0] =	vst v2  }
0xaf: {  	v2 =	vld [tilespmem:s26+$0x6000];
	_ =	sdelay $0x1  }
0xb0: {  	v3 =	vld [tilespmem:s26+$0x6080];
	_ =	sdelay $0x1  }
0xb1: {  	v4 =	vld [tilespmem:s26+$0x6100]  }
0xb2: {  	v2 =	vadd.f32 $0.0e+00, v2  }
0xb3: {  	v5 =	vld [tilespmem:s26+$0x6180]  }
0xb4: {  	v2 =	vadd.f32 v3, v2  }
0xb5: {  	v3 =	vld [tilespmem:s26+$0x6200]  }
0xb6: {  	v2 =	vadd.f32 v4, v2  }
0xb7: {  	v46 =	vld [tilespmem:s26+$0x6280]  }
0xb8: {  	v2 =	vadd.f32 v5, v2  }
0xb9: {  	v47 =	vld [tilespmem:s26+$0x6300]  }
0xba: {  	v2 =	vadd.f32 v3, v2  }
0xbb: {  	v3 =	vld [tilespmem:s26+$0x6380]  }
0xbc: {  	v2 =	vadd.f32 v46, v2  }
0xbd: {  	v48 =	vld [tilespmem:s26+$0x7400]  }
0xbe: {  	v2 =	vadd.f32 v47, v2  }
0xbf: {  	v49 =	vld [tilespmem:s26+$0x7480]  }
0xc0: {  	v2 =	vadd.f32 v3, v2  }
0xc1: {  	v3 =	vld [tilespmem:s26+$0x7500]  }
0xc2: {  	v2 =	vadd.f32 v48, v2  }
0xc3: {  	v50 =	vld [tilespmem:s26+$0x7580]  }
0xc4: {  	v2 =	vadd.f32 v49, v2  }
0xc5: {  	v51 =	vld [tilespmem:s26+$0x7600]  }
0xc6: {  	v2 =	vadd.f32 v3, v2  }
0xc7: {  	v3 =	vld [tilespmem:s26+$0x7680]  }
0xc8: {  	v2 =	vadd.f32 v50, v2  }
0xc9: {  	v52 =	vld [tilespmem:s26+$0x7700]  }
0xca: {  	v2 =	vadd.f32 v51, v2  }
0xcb: {  	v53 =	vld [tilespmem:s26+$0x7780]  }
0xcc: {  	v2 =	vadd.f32 v3, v2;
	_ =	sdelay $0x1  }
0xcd: {  	v2 =	vadd.f32 v52, v2;
	_ =	sdelay $0x1  }
0xce: {  	v2 =	vadd.f32 v53, v2  }
0xcf: {  	s26 =	sadd.s32 $0x10, s25  }
0xd0: {  	s25 =	simm.s32 $0x8800;
	[tilespmem:s26+$0x0] =	vst v2  }
0xd1: {  	[hbm4b:s9+s17] =	stream.strided.scatter [tilespmem:s25], [sflag:$0x1], $0x280, s22, s17, $0x38;
	[tilespmem:$0xDA80] =	vst v63  }
0xd2: {  	_ =	swait.ge [sflag:s14], $0x280  }
0xd3: {  	[sflag:s14] =	ssyncset.done $0x0  }
0xd4: {  	[sflag:s14] =	ssyncadd.s32 $0xFFFFFD80  }
0xd5: {  	[tilespmem:s21], [sflag:$0x1] =	stream.strided.gather [spmem:s10], $0x2800, s20, s19, $0x38;
	[tilespmem:$0xDA80] =	vst v63  }
0xd6: {  	s31 =	simm.s32 $0x0;
	_ =	swait.ge [sflag:s14], $0x2800  }
0xd7: {  	s28 =	sand.u32 $0x70, s31;
	s26 =	sand.u32 $0x1C00, s31;
	[sflag:s14] =	ssyncset.done $0x0  }
0xd8: {  	s26 =	sor.u32 s28, s26;
	[sflag:s14] =	ssyncadd.s32 $0xFFFFD800  }
0xd9: {  	v2 =	vld [tilespmem:s26+$0x6000];
	_ =	sdelay $0x1  }
0xda: {  	v3 =	vld [tilespmem:s26+$0x6080];
	_ =	sdelay $0x1  }
0xdb: {  	v54 =	vld [tilespmem:s26+$0x6100]  }
0xdc: {  	v2 =	vadd.f32 $0.0e+00, v2  }
0xdd: {  	v55 =	vld [tilespmem:s26+$0x6180]  }
0xde: {  	v2 =	vadd.f32 v3, v2  }
0xdf: {  	v3 =	vld [tilespmem:s26+$0x6200]  }
0xe0: {  	v2 =	vadd.f32 v54, v2  }
0xe1: {  	v56 =	vld [tilespmem:s26+$0x6280]  }
0xe2: {  	v2 =	vadd.f32 v55, v2  }
0xe3: {  	v57 =	vld [tilespmem:s26+$0x6300]  }
0xe4: {  	v2 =	vadd.f32 v3, v2  }
0xe5: {  	v3 =	vld [tilespmem:s26+$0x6380]  }
0xe6: {  	v2 =	vadd.f32 v56, v2  }
0xe7: {  	v58 =	vld [tilespmem:s26+$0x7400]  }
0xe8: {  	v2 =	vadd.f32 v57, v2  }
0xe9: {  	v59 =	vld [tilespmem:s26+$0x7480]  }
0xea: {  	v2 =	vadd.f32 v3, v2  }
0xeb: {  	v3 =	vld [tilespmem:s26+$0x7500]  }
0xec: {  	v2 =	vadd.f32 v58, v2  }
0xed: {  	v60 =	vld [tilespmem:s26+$0x7580]  }
0xee: {  	v2 =	vadd.f32 v59, v2  }
0xef: {  	v61 =	vld [tilespmem:s26+$0x7600]  }
0xf0: {  	v2 =	vadd.f32 v3, v2  }
0xf1: {  	v3 =	vld [tilespmem:s26+$0x7680]  }
0xf2: {  	v2 =	vadd.f32 v60, v2  }
0xf3: {  	v62 =	vld [tilespmem:s26+$0x7700]  }
0xf4: {  	v2 =	vadd.f32 v61, v2  }
0xf5: {  	v63 =	vld [tilespmem:s26+$0x7780]  }
0xf6: {  	v2 =	vadd.f32 v3, v2;
	_ =	sdelay $0x1  }
0xf7: {  	v2 =	vadd.f32 v62, v2;
	_ =	sdelay $0x1  }
0xf8: {  	s28 =	simm.s32 $0x10;
	s26 =	simm.s32 $0x80;
	v2 =	vadd.f32 v63, v2  }
0xf9: {  	s29 =	sand.u32 $0x70, s28;
	s28 =	simm.s32 $0x20;
	s30 =	sand.u32 $0x1C00, s26  }
.LBB2_10:
0xfa: {  	p0 =	sne.s32 s28, $0x270;
	s29 =	sor.u32 s29, s30;
	[tilespmem:s25+$0x0] =	vst v2  }
0xfb: {  	v2 =	vld [tilespmem:s29+$0x6000];
	_ =	sdelay $0x1  }
0xfc: {  	v3 =	vld [tilespmem:s29+$0x6080];
	_ =	sdelay $0x1  }
0xfd: {  	v4 =	vld [tilespmem:s29+$0x6100]  }
0xfe: {  	v2 =	vadd.f32 $0.0e+00, v2  }
0xff: {  	v5 =	vld [tilespmem:s29+$0x6180]  }
0x100: {  	v2 =	vadd.f32 v3, v2  }
0x101: {  	v3 =	vld [tilespmem:s29+$0x6200]  }
0x102: {  	v2 =	vadd.f32 v4, v2  }
0x103: {  	v4 =	vld [tilespmem:s29+$0x6280]  }
0x104: {  	v2 =	vadd.f32 v5, v2  }
0x105: {  	v5 =	vld [tilespmem:s29+$0x6300]  }
0x106: {  	v2 =	vadd.f32 v3, v2  }
0x107: {  	v3 =	vld [tilespmem:s29+$0x6380]  }
0x108: {  	v2 =	vadd.f32 v4, v2  }
0x109: {  	v4 =	vld [tilespmem:s29+$0x7400]  }
0x10a: {  	v2 =	vadd.f32 v5, v2  }
0x10b: {  	v5 =	vld [tilespmem:s29+$0x7480]  }
0x10c: {  	v2 =	vadd.f32 v3, v2  }
0x10d: {  	v3 =	vld [tilespmem:s29+$0x7500]  }
0x10e: {  	v2 =	vadd.f32 v4, v2  }
0x10f: {  	v4 =	vld [tilespmem:s29+$0x7580]  }
0x110: {  	v2 =	vadd.f32 v5, v2  }
0x111: {  	v5 =	vld [tilespmem:s29+$0x7600]  }
0x112: {  	v2 =	vadd.f32 v3, v2  }
0x113: {  	v3 =	vld [tilespmem:s29+$0x7680]  }
0x114: {  	v2 =	vadd.f32 v4, v2  }
0x115: {  	v4 =	vld [tilespmem:s29+$0x7700]  }
0x116: {  	v2 =	vadd.f32 v5, v2  }
0x117: {  	v5 =	vld [tilespmem:s29+$0x7780]  }
0x118: {  	v2 =	vadd.f32 v3, v2  }
.Ltmp4:
0x119: {  	(pc) =	sbr.rel @p0 .LBB2_10-.Ltmp4, $3  }
0x11a: {  	v2 =	vadd.f32 v4, v2;
	_ =	sdelay $0x1  }
0x11b: {  	s26 =	sadd.s32 $0x80, s26;
	s25 =	sadd.s32 $0x10, s25;
	v2 =	vadd.f32 v5, v2  }
0x11c: {  	s30 =	sand.u32 $0x1C00, s26;
	s29 =	sand.u32 $0x70, s28;
	s28 =	sadd.s32 $0x10, s28  }
0x11d: {  	s26 =	sor.u32 s29, s30;
	[tilespmem:s25+$0x0] =	vst v2  }
0x11e: {  	v2 =	vld [tilespmem:s26+$0x6000];
	_ =	sdelay $0x1  }
0x11f: {  	v3 =	vld [tilespmem:s26+$0x6080];
	_ =	sdelay $0x1  }
0x120: {  	v4 =	vld [tilespmem:s26+$0x6100]  }
0x121: {  	v2 =	vadd.f32 $0.0e+00, v2  }
0x122: {  	v5 =	vld [tilespmem:s26+$0x6180]  }
0x123: {  	v2 =	vadd.f32 v3, v2  }
0x124: {  	v3 =	vld [tilespmem:s26+$0x6200]  }
0x125: {  	v2 =	vadd.f32 v4, v2  }
0x126: {  	v56 =	vld [tilespmem:s26+$0x6280]  }
0x127: {  	v2 =	vadd.f32 v5, v2  }
0x128: {  	v57 =	vld [tilespmem:s26+$0x6300]  }
0x129: {  	v2 =	vadd.f32 v3, v2  }
0x12a: {  	v3 =	vld [tilespmem:s26+$0x6380]  }
0x12b: {  	v2 =	vadd.f32 v56, v2  }
0x12c: {  	v58 =	vld [tilespmem:s26+$0x7400]  }
0x12d: {  	v2 =	vadd.f32 v57, v2  }
0x12e: {  	v59 =	vld [tilespmem:s26+$0x7480]  }
0x12f: {  	v2 =	vadd.f32 v3, v2  }
0x130: {  	v3 =	vld [tilespmem:s26+$0x7500]  }
0x131: {  	v2 =	vadd.f32 v58, v2  }
0x132: {  	v60 =	vld [tilespmem:s26+$0x7580]  }
0x133: {  	v2 =	vadd.f32 v59, v2  }
0x134: {  	v61 =	vld [tilespmem:s26+$0x7600]  }
0x135: {  	v2 =	vadd.f32 v3, v2  }
0x136: {  	v3 =	vld [tilespmem:s26+$0x7680]  }
0x137: {  	v2 =	vadd.f32 v60, v2  }
0x138: {  	v62 =	vld [tilespmem:s26+$0x7700]  }
0x139: {  	v2 =	vadd.f32 v61, v2  }
0x13a: {  	v63 =	vld [tilespmem:s26+$0x7780]  }
0x13b: {  	v2 =	vadd.f32 v3, v2;
	_ =	sdelay $0x1  }
0x13c: {  	v2 =	vadd.f32 v62, v2;
	_ =	sdelay $0x1  }
0x13d: {  	s24 =	sadd.s32 $0x1, s24;
	v2 =	vadd.f32 v63, v2  }
0x13e: {  	s31 =	sadd.s32 $0x10, s25;
	p0 =	sne.s32 s24, s12  }
.Ltmp5:
0x13f: {  	[tilespmem:s31+$0x0] =	vst v2;
	(pc) =	sbr.rel @p0 .LBB2_1-.Ltmp5, $4  }
0x140: {  	[hbm4b:s11+s17] =	stream.strided.scatter [tilespmem:s23], [sflag:$0x1], $0x280, s22, s17, $0x38;
	[tilespmem:$0xDA80] =	vst v63  }
0x141: {  	_ =	swait.ge [sflag:s14], $0x280  }
0x142: {  	[sflag:s14] =	ssyncset.done $0x0  }
0x143: {  	[sflag:s14] =	ssyncadd.s32 $0xFFFFFD80  }
0x144: {  	_ =	sfence.sel $0x180000  }
0x145: {  	[bflag:$0x0] =	sbarrier.arrive $0xFFFF  }
0x146: {  	p0 =	sne.s32 s0, $0x0;
	_ =	strace $0x90000047  }
0x147: {  	s0 =	sadd.s32 @!p0 $0x100000, s3;
	[bflag:$0x2] =	sbarrier.arrive $0xFFFF  }
0x148: {  	[sflag:s0] =	ssyncadd.tile.s32 @!p0 $0x1;
	_ =	shalt  }
.Lfunc_end2:
_tile_overlayer_lowered:
.L_overlay_start_2:
0x149: {  	(tag) =	ssettag $0x2  }
0x14a: {  	s0 =	rddreg [dreg:$0x0];
	s2 =	stileid.u32  }
0x14b: {  	s1 =	rddreg [dreg:$0x1];
	p0 =	sne.s32 s2, $0x0  }
0x14c: {  	s3 =	rddreg [dreg:$0x2];
	[bflag:$0x3] =	sbarrier.arrive $0xFFFF;
	s2 =	simm.s32 @!p0 $0x1C01  }
0x14d: {  	[timem:s3], [sflag:s2] =	dma.local @!p0 [hbm:s0], s1  }
0x14e: {  	s0 =	simm.s32 @!p0 $0x1  }
0x14f: {  	_ =	swait.ge @!p0 [sflag:s0], s1  }
0x150: {  	s1 =	ssub.s32 @!p0 $0x0, s1;
	[sflag:s0] =	ssyncset.done @!p0 $0x0  }
0x151: {  	[sflag:s0] =	ssyncadd.s32 @!p0 s1  }
0x152: {  	[bflag:$0x3] =	sbarrier.arrive $0xFFFF  }
0x153: {  	_ =	shalt  }

</sc_bundles>
